<compile_context>
chip_gen: v7x
topology: tpu7x:2x2x1
jax: 0.10.2.dev20260603
libtpu: 0.0.44.dev20260713+nightly
codegen_flags: <defaults>
</compile_context>

<pallas_src>
import functools

import jax
import jax.numpy as jnp
from jax import lax
from jax.experimental import pallas as pl
from jax.experimental.pallas import tpu as pltpu
from jax.experimental.pallas import tpu_sc as plsc

EMB = 128
D0, D1, D2 = 6, 7, 3
NROWS = D0 * D1 * D2
CHUNK = 128
NBUF = 3
UNROLL = 2 * NBUF
NW = 32


def _encoder_call(E):
    nchunks = E // CHUNK
    full_rounds = nchunks // NW
    tail = nchunks - full_rounds * NW
    assert full_rounds % UNROLL == 0, full_rounds
    mesh = plsc.VectorSubcoreMesh(core_axis_name="c", subcore_axis_name="s")

    @functools.partial(
        pl.kernel,
        out_type=jax.ShapeDtypeStruct((E, EMB), jnp.float32),
        mesh=mesh,
        scratch_types=[
            pltpu.VMEM((D0, EMB), jnp.float32),
            pltpu.VMEM((D1, EMB), jnp.float32),
            pltpu.VMEM((D2, EMB), jnp.float32),
            pltpu.VMEM((NROWS, EMB), jnp.float32),
            pltpu.VMEM_SHARED((NROWS, EMB), jnp.float32),
            pltpu.VMEM((2, 3, CHUNK), jnp.int32),
            pltpu.VMEM((NBUF, CHUNK), jnp.int32),
        ] + [pltpu.VMEM((CHUNK, EMB), jnp.float32)] * NBUF + [
            pltpu.SemaphoreType.DMA,
        ] + [pltpu.SemaphoreType.DMA] * (2 * NBUF),
    )
    def k(af, w0, w1, w2, out, w0_v, w1_v, w2_v, t_v, t_sh,
          i3, cb, *rows_and_sems):
        rows = rows_and_sems[:NBUF]
        isem = rows_and_sems[NBUF]
        gsems = rows_and_sems[NBUF + 1:NBUF + 1 + NBUF]
        wsems = rows_and_sems[NBUF + 1 + NBUF:]
        cid = lax.axis_index("c")
        sid = lax.axis_index("s")
        wid = sid * 2 + cid

        def fetch_idx(b, t):
            pltpu.async_copy(af.at[t], i3.at[b], isem)

        def wait_idx(b):
            pltpu.make_async_copy(af.at[0], i3.at[b], isem).wait()

        def compute(b, s):
            for i in range(CHUNK // 16):
                o = i * 16
                v0 = jnp.minimum(i3[b, 0, pl.ds(o, 16)], D0 - 1)
                v1 = jnp.minimum(i3[b, 1, pl.ds(o, 16)], D1 - 1)
                v2 = jnp.minimum(i3[b, 2, pl.ds(o, 16)], D2 - 1)
                cb[s, pl.ds(o, 16)] = v0 * (D1 * D2) + v1 * D2 + v2

        def gather_start(s):
            pltpu.async_copy(t_sh.at[cb.at[s]], rows[s], gsems[s])

        def gather_wait(s):
            pltpu.make_async_copy(
                t_sh.at[cb.at[s]], rows[s], gsems[s]).wait()

        def write(s, t):
            pltpu.async_copy(
                rows[s], out.at[pl.ds(t * CHUNK, CHUNK)], wsems[s])

        def wait_write(s):
            pltpu.make_async_copy(
                rows[s], out.at[pl.ds(0, CHUNK)], wsems[s]).wait()

        fetch_idx(0, wid)

        @pl.when(sid == 0)
        def _build_table():
            pltpu.sync_copy(w0, w0_v)
            pltpu.sync_copy(w1, w1_v)
            pltpu.sync_copy(w2, w2_v)

            def row(r, carry):
                r0 = r // (D1 * D2)
                rem_ = r % (D1 * D2)
                r1 = rem_ // D2
                r2 = rem_ % D2

                def seg(si, c2):
                    o = si * 16
                    t_v[r, pl.ds(o, 16)] = (
                        w0_v[r0, pl.ds(o, 16)]
                        + w1_v[r1, pl.ds(o, 16)]
                        + w2_v[r2, pl.ds(o, 16)]
                    )
                    return c2

                lax.fori_loop(0, EMB // 16, seg, None)
                return carry

            lax.fori_loop(0, NROWS, row, None)
            pltpu.sync_copy(t_v, t_sh)

        plsc.subcore_barrier()

        def do_group(gg, carry):
            for u in range(UNROLL):
                j = gg * UNROLL + u
                b = u % 2
                s = u % NBUF
                t = j * NW + wid
                wait_idx(b)
                compute(b, s)

                @pl.when(j < full_rounds - 1)
                def _prefetch():
                    fetch_idx(1 - b, (j + 1) * NW + wid)

                if u >= NBUF:
                    wait_write(s)
                else:
                    @pl.when(gg >= 1)
                    def _recycle():
                        wait_write(s)

                gather_start(s)

                sp = (u - 1) % NBUF
                if u >= 1:
                    gather_wait(sp)
                    write(sp, t - NW)
                else:
                    @pl.when(gg >= 1)
                    def _flush_prev():
                        gather_wait(sp)
                        write(sp, t - NW)
            return carry

        lax.fori_loop(0, full_rounds // UNROLL, do_group, None)

        sl = (full_rounds - 1) % NBUF
        gather_wait(sl)
        write(sl, (full_rounds - 1) * NW + wid)
        for s in range(NBUF):
            wait_write(s)

        if tail:
            @pl.when(wid < tail)
            def _tail():
                t = full_rounds * NW + wid
                fetch_idx(0, t)
                wait_idx(0)
                compute(0, 0)
                gather_start(0)
                gather_wait(0)
                write(0, t)
                wait_write(0)

    return k


def kernel(edge_attr, W0, W1, W2):
    E = edge_attr.shape[0]
    idx = edge_attr.astype(jnp.int32)
    af = jnp.transpose(idx.reshape(E // CHUNK, CHUNK, 3), (0, 2, 1))
    return _encoder_call(E)(af, W0, W1, W2)

# --- scband reference (transcript-rebuilt; emitter-appended) ---
"""Pipeline reference for scband-tox-bond-encoder-50869592655560 (READ-ONLY COPY).

The authoritative reference and input builder live on the scoring server;
editing this copy changes nothing except your own understanding.
"""

import jax, jax.numpy as jnp
import numpy as np

EMB_DIM = 128
BOND_DIMS = [5, 6, 2]  # OGB get_bond_feature_dims()

def _xavier_uniform(key, shape):
    fan_in, fan_out = shape[0], shape[1]
    a = float(np.sqrt(6.0 / (fan_in + fan_out)))
    return jax.random.uniform(key, shape, dtype=jnp.float32, minval=-a, maxval=a)

def setup_inputs(seed: int = 0) -> dict:
    key = jax.random.key(seed)
    k_idx, k0, k1, k2 = jax.random.split(key, 4)
    E = 320000
    edge_attr = jax.random.randint(k_idx, (E, 3), 0, 3, dtype=jnp.int64)
    W0 = _xavier_uniform(k0, (BOND_DIMS[0] + 1, EMB_DIM))
    W1 = _xavier_uniform(k1, (BOND_DIMS[1] + 1, EMB_DIM))
    W2 = _xavier_uniform(k2, (BOND_DIMS[2] + 1, EMB_DIM))
    return {"edge_attr": edge_attr, "W0": W0, "W1": W1, "W2": W2}

def reference(edge_attr, W0, W1, W2):
    # bond_embedding = sum_i emb_i(edge_attr[:, i])
    tables = [W0, W1, W2]
    bond_embedding = jnp.zeros((edge_attr.shape[0], EMB_DIM), dtype=jnp.float32)
    for i in range(edge_attr.shape[1]):
        bond_embedding = bond_embedding + jnp.take(tables[i], edge_attr[:, i], axis=0)
    return bond_embedding

if __name__ == "__main__":
    import jax
    _d = setup_inputs()
    print(jax.jit(kernel)(*tuple(_d.values())))

</pallas_src>

<mosaic_0001>
#map = affine_map<(d0, d1) -> (0, 0, 0)>
#map1 = affine_map<(d0, d1) -> (0, 0)>
module attributes {stable_mosaic.version = 14 : i64} {
  func.func @k(%arg0: i32, %arg1: i32, %arg2: memref<2500x3x128xi32, #tpu.memory_space<hbm>>, %arg3: memref<6x128xf32, #tpu.memory_space<hbm>>, %arg4: memref<7x128xf32, #tpu.memory_space<hbm>>, %arg5: memref<3x128xf32, #tpu.memory_space<hbm>>, %arg6: memref<320000x128xf32, #tpu.memory_space<hbm>>, %arg7: memref<6x128xf32, #tpu.memory_space<vmem>>, %arg8: memref<7x128xf32, #tpu.memory_space<vmem>>, %arg9: memref<3x128xf32, #tpu.memory_space<vmem>>, %arg10: memref<126x128xf32, #tpu.memory_space<vmem>>, %arg11: memref<126x128xf32, #tpu.memory_space<vmem_shared>>, %arg12: memref<2x3x128xi32, #tpu.memory_space<vmem>>, %arg13: memref<3x128xi32, #tpu.memory_space<vmem>>, %arg14: memref<128x128xf32, #tpu.memory_space<vmem>>, %arg15: memref<128x128xf32, #tpu.memory_space<vmem>>, %arg16: memref<128x128xf32, #tpu.memory_space<vmem>>, %arg17: memref<!tpu.dma_semaphore, #tpu.memory_space<semaphore_mem>>, %arg18: memref<!tpu.dma_semaphore, #tpu.memory_space<semaphore_mem>>, %arg19: memref<!tpu.dma_semaphore, #tpu.memory_space<semaphore_mem>>, %arg20: memref<!tpu.dma_semaphore, #tpu.memory_space<semaphore_mem>>, %arg21: memref<!tpu.dma_semaphore, #tpu.memory_space<semaphore_mem>>, %arg22: memref<!tpu.dma_semaphore, #tpu.memory_space<semaphore_mem>>, %arg23: memref<!tpu.dma_semaphore, #tpu.memory_space<semaphore_mem>>) attributes {dimension_semantics = [#tpu.dimension_semantics<core_parallel>, #tpu.dimension_semantics<subcore_parallel>], iteration_bounds = array<i64: 2, 16>, scalar_prefetch = 0 : i64, scratch_operands = 17 : i64, tpu.core_type = #tpu.core_type<sc_vector_subcore>, window_params = [{transform_indices = #map}, {transform_indices = #map1}, {transform_indices = #map1}, {transform_indices = #map1}, {transform_indices = #map1}]} {
    %mul3A = arith.constant 2 : i32
    %mul3A_0 = arith.muli %arg1, %mul3A : i32
    %add3A = arith.addi %mul3A_0, %arg0 : i32
    %dma_start3A = arith.constant 0 : i32
    %dma_start3A_1 = arith.constant 0 : i32
    %dma_start3A_2 = arith.constant 0 : i32
    %dma_start3A_3 = tpu.memref_slice %arg12[%dma_start3A, %dma_start3A_1, %dma_start3A_2] : memref<2x3x128xi32, #tpu.memory_space<vmem>> -> memref<1x3x128xi32, #tpu.memory_space<vmem>>
    %dma_start3A_4 = tpu.memref_squeeze %dma_start3A_3 : memref<1x3x128xi32, #tpu.memory_space<vmem>> -> memref<3x128xi32, #tpu.memory_space<vmem>>
    %dma_start3A_5 = arith.constant 0 : i32
    %dma_start3A_6 = arith.constant 0 : i32
    %dma_start3A_7 = tpu.memref_slice %arg2[%add3A, %dma_start3A_5, %dma_start3A_6] : memref<2500x3x128xi32, #tpu.memory_space<hbm>> -> memref<1x3x128xi32, #tpu.memory_space<hbm>>
    %dma_start3A_8 = tpu.memref_squeeze %dma_start3A_7 : memref<1x3x128xi32, #tpu.memory_space<hbm>> -> memref<3x128xi32, #tpu.memory_space<hbm>>
    %dma_start3A_9 = arith.constant 0 : i32
    %dma_start3A_10 = arith.constant 0 : i32
    %dma_start3A_11 = tpu.memref_slice %arg12[%dma_start3A, %dma_start3A_9, %dma_start3A_10] : memref<2x3x128xi32, #tpu.memory_space<vmem>> -> memref<1x3x128xi32, #tpu.memory_space<vmem>>
    %dma_start3A_12 = tpu.memref_squeeze %dma_start3A_11 : memref<1x3x128xi32, #tpu.memory_space<vmem>> -> memref<3x128xi32, #tpu.memory_space<vmem>>
    %dma_start3A_13 = arith.constant 0 : i32
    %dma_start3A_14 = arith.constant 0 : i32
    %dma_start3A_15 = tpu.memref_slice %arg2[%add3A, %dma_start3A_13, %dma_start3A_14] : memref<2500x3x128xi32, #tpu.memory_space<hbm>> -> memref<1x3x128xi32, #tpu.memory_space<hbm>>
    %dma_start3A_16 = tpu.memref_squeeze %dma_start3A_15 : memref<1x3x128xi32, #tpu.memory_space<hbm>> -> memref<3x128xi32, #tpu.memory_space<hbm>>
    tpu.enqueue_dma source(%dma_start3A_16 : memref<3x128xi32, #tpu.memory_space<hbm>>) target(%dma_start3A_12 : memref<3x128xi32, #tpu.memory_space<vmem>>) target_semaphore(%arg17 : memref<!tpu.dma_semaphore, #tpu.memory_space<semaphore_mem>>)
    %eq3A = arith.constant 0 : i32
    %eq3A_17 = arith.cmpi eq, %arg1, %eq3A : i32
    %convert_element_type3A = arith.extui %eq3A_17 : i1 to i32
    %cond3A = arith.constant 0 : i32
    %cond3A_18 = arith.cmpi ne, %convert_element_type3A, %cond3A : i32
    scf.if %cond3A_18 {
      "tpu.region"() ({
        %run_scoped3A = tpu.sem_alloc : memref<!tpu.dma_semaphore, #tpu.memory_space<semaphore_mem>>
        tpu.enqueue_dma source(%arg3 : memref<6x128xf32, #tpu.memory_space<hbm>>) target(%arg7 : memref<6x128xf32, #tpu.memory_space<vmem>>) target_semaphore(%run_scoped3A : memref<!tpu.dma_semaphore, #tpu.memory_space<semaphore_mem>>)
        tpu.wait_dma2 semaphore(%run_scoped3A : memref<!tpu.dma_semaphore, #tpu.memory_space<semaphore_mem>>) src(%arg3 : memref<6x128xf32, #tpu.memory_space<hbm>>) dst(%arg7 : memref<6x128xf32, #tpu.memory_space<vmem>>)
        tpu.yield
      }) : () -> ()
      "tpu.region"() ({
        %run_scoped3A = tpu.sem_alloc : memref<!tpu.dma_semaphore, #tpu.memory_space<semaphore_mem>>
        tpu.enqueue_dma source(%arg4 : memref<7x128xf32, #tpu.memory_space<hbm>>) target(%arg8 : memref<7x128xf32, #tpu.memory_space<vmem>>) target_semaphore(%run_scoped3A : memref<!tpu.dma_semaphore, #tpu.memory_space<semaphore_mem>>)
        tpu.wait_dma2 semaphore(%run_scoped3A : memref<!tpu.dma_semaphore, #tpu.memory_space<semaphore_mem>>) src(%arg4 : memref<7x128xf32, #tpu.memory_space<hbm>>) dst(%arg8 : memref<7x128xf32, #tpu.memory_space<vmem>>)
        tpu.yield
      }) : () -> ()
      "tpu.region"() ({
        %run_scoped3A = tpu.sem_alloc : memref<!tpu.dma_semaphore, #tpu.memory_space<semaphore_mem>>
        tpu.enqueue_dma source(%arg5 : memref<3x128xf32, #tpu.memory_space<hbm>>) target(%arg9 : memref<3x128xf32, #tpu.memory_space<vmem>>) target_semaphore(%run_scoped3A : memref<!tpu.dma_semaphore, #tpu.memory_space<semaphore_mem>>)
        tpu.wait_dma2 semaphore(%run_scoped3A : memref<!tpu.dma_semaphore, #tpu.memory_space<semaphore_mem>>) src(%arg5 : memref<3x128xf32, #tpu.memory_space<hbm>>) dst(%arg9 : memref<3x128xf32, #tpu.memory_space<vmem>>)
        tpu.yield
      }) : () -> ()
      %scan3A_59 = arith.constant 0 : i32
      %scan3A_60 = arith.constant 126 : i32
      %scan3A_61 = arith.addi %scan3A_59, %scan3A_60 : i32
      %scan3A_62 = arith.constant 1 : i32
      scf.for %scan3A_64 = %scan3A_59 to %scan3A_61 step %scan3A_62  : i32 {
        %jit3A = arith.constant 21 : i32
        %div3A = arith.divsi %scan3A_64, %jit3A : i32
        %sign3A = arith.constant 0 : i32
        %sign3A_65 = arith.cmpi sgt, %scan3A_64, %sign3A : i32
        %sign3A_66 = arith.extui %sign3A_65 : i1 to i32
        %sign3A_67 = arith.constant 0 : i32
        %sign3A_68 = arith.cmpi slt, %scan3A_64, %sign3A_67 : i32
        %sign3A_69 = arith.extui %sign3A_68 : i1 to i32
        %sign3A_70 = arith.subi %sign3A_66, %sign3A_69 : i32
        %sign3A_71 = arith.constant 0 : i32
        %sign3A_72 = arith.cmpi sgt, %jit3A, %sign3A_71 : i32
        %sign3A_73 = arith.extui %sign3A_72 : i1 to i32
        %sign3A_74 = arith.constant 0 : i32
        %sign3A_75 = arith.cmpi slt, %jit3A, %sign3A_74 : i32
        %sign3A_76 = arith.extui %sign3A_75 : i1 to i32
        %sign3A_77 = arith.subi %sign3A_73, %sign3A_76 : i32
        %ne3A = arith.cmpi ne, %sign3A_70, %sign3A_77 : i32
        %rem3A = arith.remsi %scan3A_64, %jit3A : i32
        %ne3A_78 = arith.constant 0 : i32
        %ne3A_79 = arith.cmpi ne, %rem3A, %ne3A_78 : i32
        %and3A = arith.andi %ne3A, %ne3A_79 : i1
        %sub3A = arith.constant 1 : i32
        %sub3A_80 = arith.subi %div3A, %sub3A : i32
        %select_n3A = arith.select %and3A, %sub3A_80, %div3A : i32
        %jit3A_81 = arith.constant 21 : i32
        %eq3A_82 = arith.constant 0 : i32
        %eq3A_83 = arith.cmpi eq, %jit3A_81, %eq3A_82 : i32
        %jit3A_84 = arith.constant 1 : i32
        %select_n3A_85 = arith.select %eq3A_83, %jit3A_84, %jit3A_81 : i32
        %rem3A_86 = arith.remsi %scan3A_64, %select_n3A_85 : i32
        %ne3A_87 = arith.constant 0 : i32
        %ne3A_88 = arith.cmpi ne, %rem3A_86, %ne3A_87 : i32
        %lt3A_89 = arith.constant 0 : i32
        %lt3A_90 = arith.cmpi slt, %rem3A_86, %lt3A_89 : i32
        %lt3A_91 = arith.constant 0 : i32
        %lt3A_92 = arith.cmpi slt, %select_n3A_85, %lt3A_91 : i32
        %ne3A_93 = arith.xori %lt3A_90, %lt3A_92 : i1
        %and3A_94 = arith.andi %ne3A_93, %ne3A_88 : i1
        %add3A_95 = arith.addi %rem3A_86, %select_n3A_85 : i32
        %select_n3A_96 = arith.select %and3A_94, %add3A_95, %rem3A_86 : i32
        %jit3A_97 = arith.constant 3 : i32
        %div3A_98 = arith.divsi %select_n3A_96, %jit3A_97 : i32
        %sign3A_99 = arith.constant 0 : i32
        %sign3A_100 = arith.cmpi sgt, %select_n3A_96, %sign3A_99 : i32
        %sign3A_101 = arith.extui %sign3A_100 : i1 to i32
        %sign3A_102 = arith.constant 0 : i32
        %sign3A_103 = arith.cmpi slt, %select_n3A_96, %sign3A_102 : i32
        %sign3A_104 = arith.extui %sign3A_103 : i1 to i32
        %sign3A_105 = arith.subi %sign3A_101, %sign3A_104 : i32
        %sign3A_106 = arith.constant 0 : i32
        %sign3A_107 = arith.cmpi sgt, %jit3A_97, %sign3A_106 : i32
        %sign3A_108 = arith.extui %sign3A_107 : i1 to i32
        %sign3A_109 = arith.constant 0 : i32
        %sign3A_110 = arith.cmpi slt, %jit3A_97, %sign3A_109 : i32
        %sign3A_111 = arith.extui %sign3A_110 : i1 to i32
        %sign3A_112 = arith.subi %sign3A_108, %sign3A_111 : i32
        %ne3A_113 = arith.cmpi ne, %sign3A_105, %sign3A_112 : i32
        %rem3A_114 = arith.remsi %select_n3A_96, %jit3A_97 : i32
        %ne3A_115 = arith.constant 0 : i32
        %ne3A_116 = arith.cmpi ne, %rem3A_114, %ne3A_115 : i32
        %and3A_117 = arith.andi %ne3A_113, %ne3A_116 : i1
        %sub3A_118 = arith.constant 1 : i32
        %sub3A_119 = arith.subi %div3A_98, %sub3A_118 : i32
        %select_n3A_120 = arith.select %and3A_117, %sub3A_119, %div3A_98 : i32
        %jit3A_121 = arith.constant 3 : i32
        %eq3A_122 = arith.constant 0 : i32
        %eq3A_123 = arith.cmpi eq, %jit3A_121, %eq3A_122 : i32
        %jit3A_124 = arith.constant 1 : i32
        %select_n3A_125 = arith.select %eq3A_123, %jit3A_124, %jit3A_121 : i32
        %rem3A_126 = arith.remsi %select_n3A_96, %select_n3A_125 : i32
        %ne3A_127 = arith.constant 0 : i32
        %ne3A_128 = arith.cmpi ne, %rem3A_126, %ne3A_127 : i32
        %lt3A_129 = arith.constant 0 : i32
        %lt3A_130 = arith.cmpi slt, %rem3A_126, %lt3A_129 : i32
        %lt3A_131 = arith.constant 0 : i32
        %lt3A_132 = arith.cmpi slt, %select_n3A_125, %lt3A_131 : i32
        %ne3A_133 = arith.xori %lt3A_130, %lt3A_132 : i1
        %and3A_134 = arith.andi %ne3A_133, %ne3A_128 : i1
        %add3A_135 = arith.addi %rem3A_126, %select_n3A_125 : i32
        %select_n3A_136 = arith.select %and3A_134, %add3A_135, %rem3A_126 : i32
        %scan3A_137 = arith.constant 0 : i32
        %scan3A_138 = arith.constant 8 : i32
        %scan3A_139 = arith.addi %scan3A_137, %scan3A_138 : i32
        %scan3A_140 = arith.constant 1 : i32
        scf.for %scan3A_142 = %scan3A_137 to %scan3A_139 step %scan3A_140  : i32 {
          %mul3A_143 = arith.constant 16 : i32
          %mul3A_144 = arith.muli %scan3A_142, %mul3A_143 : i32
          %get3A = arith.index_cast %select_n3A : i32 to index
          %get3A_145 = arith.index_cast %mul3A_144 : i32 to index
          %get3A_146 = tpu.vector_load %arg7[%get3A, %get3A_145] {strides = array<i32>} : memref<6x128xf32, #tpu.memory_space<vmem>>, vector<1x16xf32>,
          %get3A_147 = vector.shape_cast %get3A_146 : vector<1x16xf32> to vector<16xf32>
          %get3A_148 = arith.index_cast %select_n3A_120 : i32 to index
          %get3A_149 = arith.index_cast %mul3A_144 : i32 to index
          %get3A_150 = tpu.vector_load %arg8[%get3A_148, %get3A_149] {strides = array<i32>} : memref<7x128xf32, #tpu.memory_space<vmem>>, vector<1x16xf32>,
          %get3A_151 = vector.shape_cast %get3A_150 : vector<1x16xf32> to vector<16xf32>
          %add3A_152 = arith.addf %get3A_147, %get3A_151 : vector<16xf32>
          %get3A_153 = arith.index_cast %select_n3A_136 : i32 to index
          %get3A_154 = arith.index_cast %mul3A_144 : i32 to index
          %get3A_155 = tpu.vector_load %arg9[%get3A_153, %get3A_154] {strides = array<i32>} : memref<3x128xf32, #tpu.memory_space<vmem>>, vector<1x16xf32>,
          %get3A_156 = vector.shape_cast %get3A_155 : vector<1x16xf32> to vector<16xf32>
          %add3A_157 = arith.addf %add3A_152, %get3A_156 : vector<16xf32>
          %swap3A = arith.index_cast %scan3A_64 : i32 to index
          %swap3A_158 = arith.index_cast %mul3A_144 : i32 to index
          %swap3A_159 = tpu.vector_load %arg10[%swap3A, %swap3A_158] {strides = array<i32>} : memref<126x128xf32, #tpu.memory_space<vmem>>, vector<1x16xf32>,
          %swap3A_160 = vector.shape_cast %swap3A_159 : vector<1x16xf32> to vector<16xf32>
          %swap3A_161 = vector.shape_cast %add3A_157 : vector<16xf32> to vector<1x16xf32>
          tpu.vector_store %arg10[%swap3A, %swap3A_158], %swap3A_161 {strides = array<i32>} : memref<126x128xf32, #tpu.memory_space<vmem>>, vector<1x16xf32>,
        }
        %scan3A_141 = arith.constant 8 : i32
      }
      %scan3A_63 = arith.constant 126 : i32
      "tpu.region"() ({
        %run_scoped3A = tpu.sem_alloc : memref<!tpu.dma_semaphore, #tpu.memory_space<semaphore_mem>>
        tpu.enqueue_dma source(%arg10 : memref<126x128xf32, #tpu.memory_space<vmem>>) target(%arg11 : memref<126x128xf32, #tpu.memory_space<vmem_shared>>) target_semaphore(%run_scoped3A : memref<!tpu.dma_semaphore, #tpu.memory_space<semaphore_mem>>)
        tpu.wait_dma2 semaphore(%run_scoped3A : memref<!tpu.dma_semaphore, #tpu.memory_space<semaphore_mem>>) src(%arg10 : memref<126x128xf32, #tpu.memory_space<vmem>>) dst(%arg11 : memref<126x128xf32, #tpu.memory_space<vmem_shared>>)
        tpu.yield
      }) : () -> ()
    } else {
    }
    %barrier3A = arith.constant 0 : index
    tpu.barrier barrier_id(%barrier3A)
    %scan3A = arith.constant 0 : i32
    %scan3A_19 = arith.constant 13 : i32
    %scan3A_20 = arith.addi %scan3A, %scan3A_19 : i32
    %scan3A_21 = arith.constant 1 : i32
    scf.for %scan3A_59 = %scan3A to %scan3A_20 step %scan3A_21  : i32 {
      %mul3A_60 = arith.constant 6 : i32
      %mul3A_61 = arith.muli %scan3A_59, %mul3A_60 : i32
      %add3A_62 = arith.constant 0 : i32
      %add3A_63 = arith.addi %mul3A_61, %add3A_62 : i32
      %mul3A_64 = arith.constant 32 : i32
      %mul3A_65 = arith.muli %add3A_63, %mul3A_64 : i32
      %add3A_66 = arith.addi %mul3A_65, %add3A : i32
      %dma_wait3A_67 = arith.constant 0 : i32
      %dma_wait3A_68 = arith.constant 0 : i32
      %dma_wait3A_69 = arith.constant 0 : i32
      %dma_wait3A_70 = arith.constant 0 : i32
      %dma_wait3A_71 = tpu.memref_slice %arg12[%dma_wait3A_68, %dma_wait3A_69, %dma_wait3A_70] : memref<2x3x128xi32, #tpu.memory_space<vmem>> -> memref<1x3x128xi32, #tpu.memory_space<vmem>>
      %dma_wait3A_72 = tpu.memref_squeeze %dma_wait3A_71 : memref<1x3x128xi32, #tpu.memory_space<vmem>> -> memref<3x128xi32, #tpu.memory_space<vmem>>
      %dma_wait3A_73 = arith.constant 0 : i32
      %dma_wait3A_74 = arith.constant 0 : i32
      %dma_wait3A_75 = tpu.memref_slice %arg2[%dma_wait3A_67, %dma_wait3A_73, %dma_wait3A_74] : memref<2500x3x128xi32, #tpu.memory_space<hbm>> -> memref<1x3x128xi32, #tpu.memory_space<hbm>>
      %dma_wait3A_76 = tpu.memref_squeeze %dma_wait3A_75 : memref<1x3x128xi32, #tpu.memory_space<hbm>> -> memref<3x128xi32, #tpu.memory_space<hbm>>
      %dma_wait3A_77 = arith.constant 0 : i32
      %dma_wait3A_78 = arith.constant 0 : i32
      %dma_wait3A_79 = tpu.memref_slice %arg12[%dma_wait3A_68, %dma_wait3A_77, %dma_wait3A_78] : memref<2x3x128xi32, #tpu.memory_space<vmem>> -> memref<1x3x128xi32, #tpu.memory_space<vmem>>
      %dma_wait3A_80 = tpu.memref_squeeze %dma_wait3A_79 : memref<1x3x128xi32, #tpu.memory_space<vmem>> -> memref<3x128xi32, #tpu.memory_space<vmem>>
      %dma_wait3A_81 = arith.constant 0 : i32
      %dma_wait3A_82 = arith.constant 0 : i32
      %dma_wait3A_83 = tpu.memref_slice %arg2[%dma_wait3A_67, %dma_wait3A_81, %dma_wait3A_82] : memref<2500x3x128xi32, #tpu.memory_space<hbm>> -> memref<1x3x128xi32, #tpu.memory_space<hbm>>
      %dma_wait3A_84 = tpu.memref_squeeze %dma_wait3A_83 : memref<1x3x128xi32, #tpu.memory_space<hbm>> -> memref<3x128xi32, #tpu.memory_space<hbm>>
      tpu.wait_dma2 semaphore(%arg17 : memref<!tpu.dma_semaphore, #tpu.memory_space<semaphore_mem>>) src(%dma_wait3A_84 : memref<3x128xi32, #tpu.memory_space<hbm>>) dst(%dma_wait3A_80 : memref<3x128xi32, #tpu.memory_space<vmem>>)
      %get3A = arith.constant 0 : i32
      %get3A_85 = arith.constant 0 : i32
      %get3A_86 = arith.index_cast %get3A : i32 to index
      %get3A_87 = arith.index_cast %get3A_85 : i32 to index
      %get3A_88 = arith.constant 0 : index
      %get3A_89 = tpu.vector_load %arg12[%get3A_86, %get3A_87, %get3A_88] {strides = array<i32>} : memref<2x3x128xi32, #tpu.memory_space<vmem>>, vector<1x1x16xi32>,
      %get3A_90 = vector.shape_cast %get3A_89 : vector<1x1x16xi32> to vector<16xi32>
      %min3A = arith.constant 5 : i32
      %min3A_91 = vector.broadcast %min3A : i32 to vector<16xi32>
      %min3A_92 = arith.minsi %get3A_90, %min3A_91 : vector<16xi32>
      %get3A_93 = arith.constant 0 : i32
      %get3A_94 = arith.constant 1 : i32
      %get3A_95 = arith.index_cast %get3A_93 : i32 to index
      %get3A_96 = arith.index_cast %get3A_94 : i32 to index
      %get3A_97 = arith.constant 0 : index
      %get3A_98 = tpu.vector_load %arg12[%get3A_95, %get3A_96, %get3A_97] {strides = array<i32>} : memref<2x3x128xi32, #tpu.memory_space<vmem>>, vector<1x1x16xi32>,
      %get3A_99 = vector.shape_cast %get3A_98 : vector<1x1x16xi32> to vector<16xi32>
      %min3A_100 = arith.constant 6 : i32
      %min3A_101 = vector.broadcast %min3A_100 : i32 to vector<16xi32>
      %min3A_102 = arith.minsi %get3A_99, %min3A_101 : vector<16xi32>
      %get3A_103 = arith.constant 0 : i32
      %get3A_104 = arith.constant 2 : i32
      %get3A_105 = arith.index_cast %get3A_103 : i32 to index
      %get3A_106 = arith.index_cast %get3A_104 : i32 to index
      %get3A_107 = arith.constant 0 : index
      %get3A_108 = tpu.vector_load %arg12[%get3A_105, %get3A_106, %get3A_107] {strides = array<i32>} : memref<2x3x128xi32, #tpu.memory_space<vmem>>, vector<1x1x16xi32>,
      %get3A_109 = vector.shape_cast %get3A_108 : vector<1x1x16xi32> to vector<16xi32>
      %min3A_110 = arith.constant 2 : i32
      %min3A_111 = vector.broadcast %min3A_110 : i32 to vector<16xi32>
      %min3A_112 = arith.minsi %get3A_109, %min3A_111 : vector<16xi32>
      %mul3A_113 = arith.constant 21 : i32
      %mul3A_114 = vector.broadcast %mul3A_113 : i32 to vector<16xi32>
      %mul3A_115 = arith.muli %min3A_92, %mul3A_114 : vector<16xi32>
      %mul3A_116 = arith.constant 3 : i32
      %mul3A_117 = vector.broadcast %mul3A_116 : i32 to vector<16xi32>
      %mul3A_118 = arith.muli %min3A_102, %mul3A_117 : vector<16xi32>
      %add3A_119 = arith.addi %mul3A_115, %mul3A_118 : vector<16xi32>
      %add3A_120 = arith.addi %add3A_119, %min3A_112 : vector<16xi32>
      %swap3A = arith.constant 0 : i32
      %swap3A_121 = arith.index_cast %swap3A : i32 to index
      %swap3A_122 = arith.constant 0 : index
      %swap3A_123 = tpu.vector_load %arg13[%swap3A_121, %swap3A_122] {strides = array<i32>} : memref<3x128xi32, #tpu.memory_space<vmem>>, vector<1x16xi32>,
      %swap3A_124 = vector.shape_cast %swap3A_123 : vector<1x16xi32> to vector<16xi32>
      %swap3A_125 = vector.shape_cast %add3A_120 : vector<16xi32> to vector<1x16xi32>
      tpu.vector_store %arg13[%swap3A_121, %swap3A_122], %swap3A_125 {strides = array<i32>} : memref<3x128xi32, #tpu.memory_space<vmem>>, vector<1x16xi32>,
      %get3A_126 = arith.constant 0 : i32
      %get3A_127 = arith.constant 0 : i32
      %get3A_128 = arith.index_cast %get3A_126 : i32 to index
      %get3A_129 = arith.index_cast %get3A_127 : i32 to index
      %get3A_130 = arith.constant 16 : index
      %get3A_131 = tpu.vector_load %arg12[%get3A_128, %get3A_129, %get3A_130] {strides = array<i32>} : memref<2x3x128xi32, #tpu.memory_space<vmem>>, vector<1x1x16xi32>,
      %get3A_132 = vector.shape_cast %get3A_131 : vector<1x1x16xi32> to vector<16xi32>
      %min3A_133 = arith.constant 5 : i32
      %min3A_134 = vector.broadcast %min3A_133 : i32 to vector<16xi32>
      %min3A_135 = arith.minsi %get3A_132, %min3A_134 : vector<16xi32>
      %get3A_136 = arith.constant 0 : i32
      %get3A_137 = arith.constant 1 : i32
      %get3A_138 = arith.index_cast %get3A_136 : i32 to index
      %get3A_139 = arith.index_cast %get3A_137 : i32 to index
      %get3A_140 = arith.constant 16 : index
      %get3A_141 = tpu.vector_load %arg12[%get3A_138, %get3A_139, %get3A_140] {strides = array<i32>} : memref<2x3x128xi32, #tpu.memory_space<vmem>>, vector<1x1x16xi32>,
      %get3A_142 = vector.shape_cast %get3A_141 : vector<1x1x16xi32> to vector<16xi32>
      %min3A_143 = arith.constant 6 : i32
      %min3A_144 = vector.broadcast %min3A_143 : i32 to vector<16xi32>
      %min3A_145 = arith.minsi %get3A_142, %min3A_144 : vector<16xi32>
      %get3A_146 = arith.constant 0 : i32
      %get3A_147 = arith.constant 2 : i32
      %get3A_148 = arith.index_cast %get3A_146 : i32 to index
      %get3A_149 = arith.index_cast %get3A_147 : i32 to index
      %get3A_150 = arith.constant 16 : index
      %get3A_151 = tpu.vector_load %arg12[%get3A_148, %get3A_149, %get3A_150] {strides = array<i32>} : memref<2x3x128xi32, #tpu.memory_space<vmem>>, vector<1x1x16xi32>,
      %get3A_152 = vector.shape_cast %get3A_151 : vector<1x1x16xi32> to vector<16xi32>
      %min3A_153 = arith.constant 2 : i32
      %min3A_154 = vector.broadcast %min3A_153 : i32 to vector<16xi32>
      %min3A_155 = arith.minsi %get3A_152, %min3A_154 : vector<16xi32>
      %mul3A_156 = arith.constant 21 : i32
      %mul3A_157 = vector.broadcast %mul3A_156 : i32 to vector<16xi32>
      %mul3A_158 = arith.muli %min3A_135, %mul3A_157 : vector<16xi32>
      %mul3A_159 = arith.constant 3 : i32
      %mul3A_160 = vector.broadcast %mul3A_159 : i32 to vector<16xi32>
      %mul3A_161 = arith.muli %min3A_145, %mul3A_160 : vector<16xi32>
      %add3A_162 = arith.addi %mul3A_158, %mul3A_161 : vector<16xi32>
      %add3A_163 = arith.addi %add3A_162, %min3A_155 : vector<16xi32>
      %swap3A_164 = arith.constant 0 : i32
      %swap3A_165 = arith.index_cast %swap3A_164 : i32 to index
      %swap3A_166 = arith.constant 16 : index
      %swap3A_167 = tpu.vector_load %arg13[%swap3A_165, %swap3A_166] {strides = array<i32>} : memref<3x128xi32, #tpu.memory_space<vmem>>, vector<1x16xi32>,
      %swap3A_168 = vector.shape_cast %swap3A_167 : vector<1x16xi32> to vector<16xi32>
      %swap3A_169 = vector.shape_cast %add3A_163 : vector<16xi32> to vector<1x16xi32>
      tpu.vector_store %arg13[%swap3A_165, %swap3A_166], %swap3A_169 {strides = array<i32>} : memref<3x128xi32, #tpu.memory_space<vmem>>, vector<1x16xi32>,
      %get3A_170 = arith.constant 0 : i32
      %get3A_171 = arith.constant 0 : i32
      %get3A_172 = arith.index_cast %get3A_170 : i32 to index
      %get3A_173 = arith.index_cast %get3A_171 : i32 to index
      %get3A_174 = arith.constant 32 : index
      %get3A_175 = tpu.vector_load %arg12[%get3A_172, %get3A_173, %get3A_174] {strides = array<i32>} : memref<2x3x128xi32, #tpu.memory_space<vmem>>, vector<1x1x16xi32>,
      %get3A_176 = vector.shape_cast %get3A_175 : vector<1x1x16xi32> to vector<16xi32>
      %min3A_177 = arith.constant 5 : i32
      %min3A_178 = vector.broadcast %min3A_177 : i32 to vector<16xi32>
      %min3A_179 = arith.minsi %get3A_176, %min3A_178 : vector<16xi32>
      %get3A_180 = arith.constant 0 : i32
      %get3A_181 = arith.constant 1 : i32
      %get3A_182 = arith.index_cast %get3A_180 : i32 to index
      %get3A_183 = arith.index_cast %get3A_181 : i32 to index
      %get3A_184 = arith.constant 32 : index
      %get3A_185 = tpu.vector_load %arg12[%get3A_182, %get3A_183, %get3A_184] {strides = array<i32>} : memref<2x3x128xi32, #tpu.memory_space<vmem>>, vector<1x1x16xi32>,
      %get3A_186 = vector.shape_cast %get3A_185 : vector<1x1x16xi32> to vector<16xi32>
      %min3A_187 = arith.constant 6 : i32
      %min3A_188 = vector.broadcast %min3A_187 : i32 to vector<16xi32>
      %min3A_189 = arith.minsi %get3A_186, %min3A_188 : vector<16xi32>
      %get3A_190 = arith.constant 0 : i32
      %get3A_191 = arith.constant 2 : i32
      %get3A_192 = arith.index_cast %get3A_190 : i32 to index
      %get3A_193 = arith.index_cast %get3A_191 : i32 to index
      %get3A_194 = arith.constant 32 : index
      %get3A_195 = tpu.vector_load %arg12[%get3A_192, %get3A_193, %get3A_194] {strides = array<i32>} : memref<2x3x128xi32, #tpu.memory_space<vmem>>, vector<1x1x16xi32>,
      %get3A_196 = vector.shape_cast %get3A_195 : vector<1x1x16xi32> to vector<16xi32>
      %min3A_197 = arith.constant 2 : i32
      %min3A_198 = vector.broadcast %min3A_197 : i32 to vector<16xi32>
      %min3A_199 = arith.minsi %get3A_196, %min3A_198 : vector<16xi32>
      %mul3A_200 = arith.constant 21 : i32
      %mul3A_201 = vector.broadcast %mul3A_200 : i32 to vector<16xi32>
      %mul3A_202 = arith.muli %min3A_179, %mul3A_201 : vector<16xi32>
      %mul3A_203 = arith.constant 3 : i32
      %mul3A_204 = vector.broadcast %mul3A_203 : i32 to vector<16xi32>
      %mul3A_205 = arith.muli %min3A_189, %mul3A_204 : vector<16xi32>
      %add3A_206 = arith.addi %mul3A_202, %mul3A_205 : vector<16xi32>
      %add3A_207 = arith.addi %add3A_206, %min3A_199 : vector<16xi32>
      %swap3A_208 = arith.constant 0 : i32
      %swap3A_209 = arith.index_cast %swap3A_208 : i32 to index
      %swap3A_210 = arith.constant 32 : index
      %swap3A_211 = tpu.vector_load %arg13[%swap3A_209, %swap3A_210] {strides = array<i32>} : memref<3x128xi32, #tpu.memory_space<vmem>>, vector<1x16xi32>,
      %swap3A_212 = vector.shape_cast %swap3A_211 : vector<1x16xi32> to vector<16xi32>
      %swap3A_213 = vector.shape_cast %add3A_207 : vector<16xi32> to vector<1x16xi32>
      tpu.vector_store %arg13[%swap3A_209, %swap3A_210], %swap3A_213 {strides = array<i32>} : memref<3x128xi32, #tpu.memory_space<vmem>>, vector<1x16xi32>,
      %get3A_214 = arith.constant 0 : i32
      %get3A_215 = arith.constant 0 : i32
      %get3A_216 = arith.index_cast %get3A_214 : i32 to index
      %get3A_217 = arith.index_cast %get3A_215 : i32 to index
      %get3A_218 = arith.constant 48 : index
      %get3A_219 = tpu.vector_load %arg12[%get3A_216, %get3A_217, %get3A_218] {strides = array<i32>} : memref<2x3x128xi32, #tpu.memory_space<vmem>>, vector<1x1x16xi32>,
      %get3A_220 = vector.shape_cast %get3A_219 : vector<1x1x16xi32> to vector<16xi32>
      %min3A_221 = arith.constant 5 : i32
      %min3A_222 = vector.broadcast %min3A_221 : i32 to vector<16xi32>
      %min3A_223 = arith.minsi %get3A_220, %min3A_222 : vector<16xi32>
      %get3A_224 = arith.constant 0 : i32
      %get3A_225 = arith.constant 1 : i32
      %get3A_226 = arith.index_cast %get3A_224 : i32 to index
      %get3A_227 = arith.index_cast %get3A_225 : i32 to index
      %get3A_228 = arith.constant 48 : index
      %get3A_229 = tpu.vector_load %arg12[%get3A_226, %get3A_227, %get3A_228] {strides = array<i32>} : memref<2x3x128xi32, #tpu.memory_space<vmem>>, vector<1x1x16xi32>,
      %get3A_230 = vector.shape_cast %get3A_229 : vector<1x1x16xi32> to vector<16xi32>
      %min3A_231 = arith.constant 6 : i32
      %min3A_232 = vector.broadcast %min3A_231 : i32 to vector<16xi32>
      %min3A_233 = arith.minsi %get3A_230, %min3A_232 : vector<16xi32>
      %get3A_234 = arith.constant 0 : i32
      %get3A_235 = arith.constant 2 : i32
      %get3A_236 = arith.index_cast %get3A_234 : i32 to index
      %get3A_237 = arith.index_cast %get3A_235 : i32 to index
      %get3A_238 = arith.constant 48 : index
      %get3A_239 = tpu.vector_load %arg12[%get3A_236, %get3A_237, %get3A_238] {strides = array<i32>} : memref<2x3x128xi32, #tpu.memory_space<vmem>>, vector<1x1x16xi32>,
      %get3A_240 = vector.shape_cast %get3A_239 : vector<1x1x16xi32> to vector<16xi32>
      %min3A_241 = arith.constant 2 : i32
      %min3A_242 = vector.broadcast %min3A_241 : i32 to vector<16xi32>
      %min3A_243 = arith.minsi %get3A_240, %min3A_242 : vector<16xi32>
      %mul3A_244 = arith.constant 21 : i32
      %mul3A_245 = vector.broadcast %mul3A_244 : i32 to vector<16xi32>
      %mul3A_246 = arith.muli %min3A_223, %mul3A_245 : vector<16xi32>
      %mul3A_247 = arith.constant 3 : i32
      %mul3A_248 = vector.broadcast %mul3A_247 : i32 to vector<16xi32>
      %mul3A_249 = arith.muli %min3A_233, %mul3A_248 : vector<16xi32>
      %add3A_250 = arith.addi %mul3A_246, %mul3A_249 : vector<16xi32>
      %add3A_251 = arith.addi %add3A_250, %min3A_243 : vector<16xi32>
      %swap3A_252 = arith.constant 0 : i32
      %swap3A_253 = arith.index_cast %swap3A_252 : i32 to index
      %swap3A_254 = arith.constant 48 : index
      %swap3A_255 = tpu.vector_load %arg13[%swap3A_253, %swap3A_254] {strides = array<i32>} : memref<3x128xi32, #tpu.memory_space<vmem>>, vector<1x16xi32>,
      %swap3A_256 = vector.shape_cast %swap3A_255 : vector<1x16xi32> to vector<16xi32>
      %swap3A_257 = vector.shape_cast %add3A_251 : vector<16xi32> to vector<1x16xi32>
      tpu.vector_store %arg13[%swap3A_253, %swap3A_254], %swap3A_257 {strides = array<i32>} : memref<3x128xi32, #tpu.memory_space<vmem>>, vector<1x16xi32>,
      %get3A_258 = arith.constant 0 : i32
      %get3A_259 = arith.constant 0 : i32
      %get3A_260 = arith.index_cast %get3A_258 : i32 to index
      %get3A_261 = arith.index_cast %get3A_259 : i32 to index
      %get3A_262 = arith.constant 64 : index
      %get3A_263 = tpu.vector_load %arg12[%get3A_260, %get3A_261, %get3A_262] {strides = array<i32>} : memref<2x3x128xi32, #tpu.memory_space<vmem>>, vector<1x1x16xi32>,
      %get3A_264 = vector.shape_cast %get3A_263 : vector<1x1x16xi32> to vector<16xi32>
      %min3A_265 = arith.constant 5 : i32
      %min3A_266 = vector.broadcast %min3A_265 : i32 to vector<16xi32>
      %min3A_267 = arith.minsi %get3A_264, %min3A_266 : vector<16xi32>
      %get3A_268 = arith.constant 0 : i32
      %get3A_269 = arith.constant 1 : i32
      %get3A_270 = arith.index_cast %get3A_268 : i32 to index
      %get3A_271 = arith.index_cast %get3A_269 : i32 to index
      %get3A_272 = arith.constant 64 : index
      %get3A_273 = tpu.vector_load %arg12[%get3A_270, %get3A_271, %get3A_272] {strides = array<i32>} : memref<2x3x128xi32, #tpu.memory_space<vmem>>, vector<1x1x16xi32>,
      %get3A_274 = vector.shape_cast %get3A_273 : vector<1x1x16xi32> to vector<16xi32>
      %min3A_275 = arith.constant 6 : i32
      %min3A_276 = vector.broadcast %min3A_275 : i32 to vector<16xi32>
      %min3A_277 = arith.minsi %get3A_274, %min3A_276 : vector<16xi32>
      %get3A_278 = arith.constant 0 : i32
      %get3A_279 = arith.constant 2 : i32
      %get3A_280 = arith.index_cast %get3A_278 : i32 to index
      %get3A_281 = arith.index_cast %get3A_279 : i32 to index
      %get3A_282 = arith.constant 64 : index
      %get3A_283 = tpu.vector_load %arg12[%get3A_280, %get3A_281, %get3A_282] {strides = array<i32>} : memref<2x3x128xi32, #tpu.memory_space<vmem>>, vector<1x1x16xi32>,
      %get3A_284 = vector.shape_cast %get3A_283 : vector<1x1x16xi32> to vector<16xi32>
      %min3A_285 = arith.constant 2 : i32
      %min3A_286 = vector.broadcast %min3A_285 : i32 to vector<16xi32>
      %min3A_287 = arith.minsi %get3A_284, %min3A_286 : vector<16xi32>
      %mul3A_288 = arith.constant 21 : i32
      %mul3A_289 = vector.broadcast %mul3A_288 : i32 to vector<16xi32>
      %mul3A_290 = arith.muli %min3A_267, %mul3A_289 : vector<16xi32>
      %mul3A_291 = arith.constant 3 : i32
      %mul3A_292 = vector.broadcast %mul3A_291 : i32 to vector<16xi32>
      %mul3A_293 = arith.muli %min3A_277, %mul3A_292 : vector<16xi32>
      %add3A_294 = arith.addi %mul3A_290, %mul3A_293 : vector<16xi32>
      %add3A_295 = arith.addi %add3A_294, %min3A_287 : vector<16xi32>
      %swap3A_296 = arith.constant 0 : i32
      %swap3A_297 = arith.index_cast %swap3A_296 : i32 to index
      %swap3A_298 = arith.constant 64 : index
      %swap3A_299 = tpu.vector_load %arg13[%swap3A_297, %swap3A_298] {strides = array<i32>} : memref<3x128xi32, #tpu.memory_space<vmem>>, vector<1x16xi32>,
      %swap3A_300 = vector.shape_cast %swap3A_299 : vector<1x16xi32> to vector<16xi32>
      %swap3A_301 = vector.shape_cast %add3A_295 : vector<16xi32> to vector<1x16xi32>
      tpu.vector_store %arg13[%swap3A_297, %swap3A_298], %swap3A_301 {strides = array<i32>} : memref<3x128xi32, #tpu.memory_space<vmem>>, vector<1x16xi32>,
      %get3A_302 = arith.constant 0 : i32
      %get3A_303 = arith.constant 0 : i32
      %get3A_304 = arith.index_cast %get3A_302 : i32 to index
      %get3A_305 = arith.index_cast %get3A_303 : i32 to index
      %get3A_306 = arith.constant 80 : index
      %get3A_307 = tpu.vector_load %arg12[%get3A_304, %get3A_305, %get3A_306] {strides = array<i32>} : memref<2x3x128xi32, #tpu.memory_space<vmem>>, vector<1x1x16xi32>,
      %get3A_308 = vector.shape_cast %get3A_307 : vector<1x1x16xi32> to vector<16xi32>
      %min3A_309 = arith.constant 5 : i32
      %min3A_310 = vector.broadcast %min3A_309 : i32 to vector<16xi32>
      %min3A_311 = arith.minsi %get3A_308, %min3A_310 : vector<16xi32>
      %get3A_312 = arith.constant 0 : i32
      %get3A_313 = arith.constant 1 : i32
      %get3A_314 = arith.index_cast %get3A_312 : i32 to index
      %get3A_315 = arith.index_cast %get3A_313 : i32 to index
      %get3A_316 = arith.constant 80 : index
      %get3A_317 = tpu.vector_load %arg12[%get3A_314, %get3A_315, %get3A_316] {strides = array<i32>} : memref<2x3x128xi32, #tpu.memory_space<vmem>>, vector<1x1x16xi32>,
      %get3A_318 = vector.shape_cast %get3A_317 : vector<1x1x16xi32> to vector<16xi32>
      %min3A_319 = arith.constant 6 : i32
      %min3A_320 = vector.broadcast %min3A_319 : i32 to vector<16xi32>
      %min3A_321 = arith.minsi %get3A_318, %min3A_320 : vector<16xi32>
      %get3A_322 = arith.constant 0 : i32
      %get3A_323 = arith.constant 2 : i32
      %get3A_324 = arith.index_cast %get3A_322 : i32 to index
      %get3A_325 = arith.index_cast %get3A_323 : i32 to index
      %get3A_326 = arith.constant 80 : index
      %get3A_327 = tpu.vector_load %arg12[%get3A_324, %get3A_325, %get3A_326] {strides = array<i32>} : memref<2x3x128xi32, #tpu.memory_space<vmem>>, vector<1x1x16xi32>,
      %get3A_328 = vector.shape_cast %get3A_327 : vector<1x1x16xi32> to vector<16xi32>
      %min3A_329 = arith.constant 2 : i32
      %min3A_330 = vector.broadcast %min3A_329 : i32 to vector<16xi32>
      %min3A_331 = arith.minsi %get3A_328, %min3A_330 : vector<16xi32>
      %mul3A_332 = arith.constant 21 : i32
      %mul3A_333 = vector.broadcast %mul3A_332 : i32 to vector<16xi32>
      %mul3A_334 = arith.muli %min3A_311, %mul3A_333 : vector<16xi32>
      %mul3A_335 = arith.constant 3 : i32
      %mul3A_336 = vector.broadcast %mul3A_335 : i32 to vector<16xi32>
      %mul3A_337 = arith.muli %min3A_321, %mul3A_336 : vector<16xi32>
      %add3A_338 = arith.addi %mul3A_334, %mul3A_337 : vector<16xi32>
      %add3A_339 = arith.addi %add3A_338, %min3A_331 : vector<16xi32>
      %swap3A_340 = arith.constant 0 : i32
      %swap3A_341 = arith.index_cast %swap3A_340 : i32 to index
      %swap3A_342 = arith.constant 80 : index
      %swap3A_343 = tpu.vector_load %arg13[%swap3A_341, %swap3A_342] {strides = array<i32>} : memref<3x128xi32, #tpu.memory_space<vmem>>, vector<1x16xi32>,
      %swap3A_344 = vector.shape_cast %swap3A_343 : vector<1x16xi32> to vector<16xi32>
      %swap3A_345 = vector.shape_cast %add3A_339 : vector<16xi32> to vector<1x16xi32>
      tpu.vector_store %arg13[%swap3A_341, %swap3A_342], %swap3A_345 {strides = array<i32>} : memref<3x128xi32, #tpu.memory_space<vmem>>, vector<1x16xi32>,
      %get3A_346 = arith.constant 0 : i32
      %get3A_347 = arith.constant 0 : i32
      %get3A_348 = arith.index_cast %get3A_346 : i32 to index
      %get3A_349 = arith.index_cast %get3A_347 : i32 to index
      %get3A_350 = arith.constant 96 : index
      %get3A_351 = tpu.vector_load %arg12[%get3A_348, %get3A_349, %get3A_350] {strides = array<i32>} : memref<2x3x128xi32, #tpu.memory_space<vmem>>, vector<1x1x16xi32>,
      %get3A_352 = vector.shape_cast %get3A_351 : vector<1x1x16xi32> to vector<16xi32>
      %min3A_353 = arith.constant 5 : i32
      %min3A_354 = vector.broadcast %min3A_353 : i32 to vector<16xi32>
      %min3A_355 = arith.minsi %get3A_352, %min3A_354 : vector<16xi32>
      %get3A_356 = arith.constant 0 : i32
      %get3A_357 = arith.constant 1 : i32
      %get3A_358 = arith.index_cast %get3A_356 : i32 to index
      %get3A_359 = arith.index_cast %get3A_357 : i32 to index
      %get3A_360 = arith.constant 96 : index
      %get3A_361 = tpu.vector_load %arg12[%get3A_358, %get3A_359, %get3A_360] {strides = array<i32>} : memref<2x3x128xi32, #tpu.memory_space<vmem>>, vector<1x1x16xi32>,
      %get3A_362 = vector.shape_cast %get3A_361 : vector<1x1x16xi32> to vector<16xi32>
      %min3A_363 = arith.constant 6 : i32
      %min3A_364 = vector.broadcast %min3A_363 : i32 to vector<16xi32>
      %min3A_365 = arith.minsi %get3A_362, %min3A_364 : vector<16xi32>
      %get3A_366 = arith.constant 0 : i32
      %get3A_367 = arith.constant 2 : i32
      %get3A_368 = arith.index_cast %get3A_366 : i32 to index
      %get3A_369 = arith.index_cast %get3A_367 : i32 to index
      %get3A_370 = arith.constant 96 : index
      %get3A_371 = tpu.vector_load %arg12[%get3A_368, %get3A_369, %get3A_370] {strides = array<i32>} : memref<2x3x128xi32, #tpu.memory_space<vmem>>, vector<1x1x16xi32>,
      %get3A_372 = vector.shape_cast %get3A_371 : vector<1x1x16xi32> to vector<16xi32>
      %min3A_373 = arith.constant 2 : i32
      %min3A_374 = vector.broadcast %min3A_373 : i32 to vector<16xi32>
      %min3A_375 = arith.minsi %get3A_372, %min3A_374 : vector<16xi32>
      %mul3A_376 = arith.constant 21 : i32
      %mul3A_377 = vector.broadcast %mul3A_376 : i32 to vector<16xi32>
      %mul3A_378 = arith.muli %min3A_355, %mul3A_377 : vector<16xi32>
      %mul3A_379 = arith.constant 3 : i32
      %mul3A_380 = vector.broadcast %mul3A_379 : i32 to vector<16xi32>
      %mul3A_381 = arith.muli %min3A_365, %mul3A_380 : vector<16xi32>
      %add3A_382 = arith.addi %mul3A_378, %mul3A_381 : vector<16xi32>
      %add3A_383 = arith.addi %add3A_382, %min3A_375 : vector<16xi32>
      %swap3A_384 = arith.constant 0 : i32
      %swap3A_385 = arith.index_cast %swap3A_384 : i32 to index
      %swap3A_386 = arith.constant 96 : index
      %swap3A_387 = tpu.vector_load %arg13[%swap3A_385, %swap3A_386] {strides = array<i32>} : memref<3x128xi32, #tpu.memory_space<vmem>>, vector<1x16xi32>,
      %swap3A_388 = vector.shape_cast %swap3A_387 : vector<1x16xi32> to vector<16xi32>
      %swap3A_389 = vector.shape_cast %add3A_383 : vector<16xi32> to vector<1x16xi32>
      tpu.vector_store %arg13[%swap3A_385, %swap3A_386], %swap3A_389 {strides = array<i32>} : memref<3x128xi32, #tpu.memory_space<vmem>>, vector<1x16xi32>,
      %get3A_390 = arith.constant 0 : i32
      %get3A_391 = arith.constant 0 : i32
      %get3A_392 = arith.index_cast %get3A_390 : i32 to index
      %get3A_393 = arith.index_cast %get3A_391 : i32 to index
      %get3A_394 = arith.constant 112 : index
      %get3A_395 = tpu.vector_load %arg12[%get3A_392, %get3A_393, %get3A_394] {strides = array<i32>} : memref<2x3x128xi32, #tpu.memory_space<vmem>>, vector<1x1x16xi32>,
      %get3A_396 = vector.shape_cast %get3A_395 : vector<1x1x16xi32> to vector<16xi32>
      %min3A_397 = arith.constant 5 : i32
      %min3A_398 = vector.broadcast %min3A_397 : i32 to vector<16xi32>
      %min3A_399 = arith.minsi %get3A_396, %min3A_398 : vector<16xi32>
      %get3A_400 = arith.constant 0 : i32
      %get3A_401 = arith.constant 1 : i32
      %get3A_402 = arith.index_cast %get3A_400 : i32 to index
      %get3A_403 = arith.index_cast %get3A_401 : i32 to index
      %get3A_404 = arith.constant 112 : index
      %get3A_405 = tpu.vector_load %arg12[%get3A_402, %get3A_403, %get3A_404] {strides = array<i32>} : memref<2x3x128xi32, #tpu.memory_space<vmem>>, vector<1x1x16xi32>,
      %get3A_406 = vector.shape_cast %get3A_405 : vector<1x1x16xi32> to vector<16xi32>
      %min3A_407 = arith.constant 6 : i32
      %min3A_408 = vector.broadcast %min3A_407 : i32 to vector<16xi32>
      %min3A_409 = arith.minsi %get3A_406, %min3A_408 : vector<16xi32>
      %get3A_410 = arith.constant 0 : i32
      %get3A_411 = arith.constant 2 : i32
      %get3A_412 = arith.index_cast %get3A_410 : i32 to index
      %get3A_413 = arith.index_cast %get3A_411 : i32 to index
      %get3A_414 = arith.constant 112 : index
      %get3A_415 = tpu.vector_load %arg12[%get3A_412, %get3A_413, %get3A_414] {strides = array<i32>} : memref<2x3x128xi32, #tpu.memory_space<vmem>>, vector<1x1x16xi32>,
      %get3A_416 = vector.shape_cast %get3A_415 : vector<1x1x16xi32> to vector<16xi32>
      %min3A_417 = arith.constant 2 : i32
      %min3A_418 = vector.broadcast %min3A_417 : i32 to vector<16xi32>
      %min3A_419 = arith.minsi %get3A_416, %min3A_418 : vector<16xi32>
      %mul3A_420 = arith.constant 21 : i32
      %mul3A_421 = vector.broadcast %mul3A_420 : i32 to vector<16xi32>
      %mul3A_422 = arith.muli %min3A_399, %mul3A_421 : vector<16xi32>
      %mul3A_423 = arith.constant 3 : i32
      %mul3A_424 = vector.broadcast %mul3A_423 : i32 to vector<16xi32>
      %mul3A_425 = arith.muli %min3A_409, %mul3A_424 : vector<16xi32>
      %add3A_426 = arith.addi %mul3A_422, %mul3A_425 : vector<16xi32>
      %add3A_427 = arith.addi %add3A_426, %min3A_419 : vector<16xi32>
      %swap3A_428 = arith.constant 0 : i32
      %swap3A_429 = arith.index_cast %swap3A_428 : i32 to index
      %swap3A_430 = arith.constant 112 : index
      %swap3A_431 = tpu.vector_load %arg13[%swap3A_429, %swap3A_430] {strides = array<i32>} : memref<3x128xi32, #tpu.memory_space<vmem>>, vector<1x16xi32>,
      %swap3A_432 = vector.shape_cast %swap3A_431 : vector<1x16xi32> to vector<16xi32>
      %swap3A_433 = vector.shape_cast %add3A_427 : vector<16xi32> to vector<1x16xi32>
      tpu.vector_store %arg13[%swap3A_429, %swap3A_430], %swap3A_433 {strides = array<i32>} : memref<3x128xi32, #tpu.memory_space<vmem>>, vector<1x16xi32>,
      %lt3A_434 = arith.constant 77 : i32
      %lt3A_435 = arith.cmpi slt, %add3A_63, %lt3A_434 : i32
      %convert_element_type3A_436 = arith.extui %lt3A_435 : i1 to i32
      %cond3A_437 = arith.constant 0 : i32
      %cond3A_438 = arith.cmpi ne, %convert_element_type3A_436, %cond3A_437 : i32
      scf.if %cond3A_438 {
        %add3A_2502 = arith.constant 1 : i32
        %add3A_2503 = arith.addi %add3A_63, %add3A_2502 : i32
        %mul3A_2504 = arith.constant 32 : i32
        %mul3A_2505 = arith.muli %add3A_2503, %mul3A_2504 : i32
        %add3A_2506 = arith.addi %mul3A_2505, %add3A : i32
        %dma_start3A_2507 = arith.constant 1 : i32
        %dma_start3A_2508 = arith.constant 0 : i32
        %dma_start3A_2509 = arith.constant 0 : i32
        %dma_start3A_2510 = tpu.memref_slice %arg12[%dma_start3A_2507, %dma_start3A_2508, %dma_start3A_2509] : memref<2x3x128xi32, #tpu.memory_space<vmem>> -> memref<1x3x128xi32, #tpu.memory_space<vmem>>
        %dma_start3A_2511 = tpu.memref_squeeze %dma_start3A_2510 : memref<1x3x128xi32, #tpu.memory_space<vmem>> -> memref<3x128xi32, #tpu.memory_space<vmem>>
        %dma_start3A_2512 = arith.constant 0 : i32
        %dma_start3A_2513 = arith.constant 0 : i32
        %dma_start3A_2514 = tpu.memref_slice %arg2[%add3A_2506, %dma_start3A_2512, %dma_start3A_2513] : memref<2500x3x128xi32, #tpu.memory_space<hbm>> -> memref<1x3x128xi32, #tpu.memory_space<hbm>>
        %dma_start3A_2515 = tpu.memref_squeeze %dma_start3A_2514 : memref<1x3x128xi32, #tpu.memory_space<hbm>> -> memref<3x128xi32, #tpu.memory_space<hbm>>
        %dma_start3A_2516 = arith.constant 0 : i32
        %dma_start3A_2517 = arith.constant 0 : i32
        %dma_start3A_2518 = tpu.memref_slice %arg12[%dma_start3A_2507, %dma_start3A_2516, %dma_start3A_2517] : memref<2x3x128xi32, #tpu.memory_space<vmem>> -> memref<1x3x128xi32, #tpu.memory_space<vmem>>
        %dma_start3A_2519 = tpu.memref_squeeze %dma_start3A_2518 : memref<1x3x128xi32, #tpu.memory_space<vmem>> -> memref<3x128xi32, #tpu.memory_space<vmem>>
        %dma_start3A_2520 = arith.constant 0 : i32
        %dma_start3A_2521 = arith.constant 0 : i32
        %dma_start3A_2522 = tpu.memref_slice %arg2[%add3A_2506, %dma_start3A_2520, %dma_start3A_2521] : memref<2500x3x128xi32, #tpu.memory_space<hbm>> -> memref<1x3x128xi32, #tpu.memory_space<hbm>>
        %dma_start3A_2523 = tpu.memref_squeeze %dma_start3A_2522 : memref<1x3x128xi32, #tpu.memory_space<hbm>> -> memref<3x128xi32, #tpu.memory_space<hbm>>
        tpu.enqueue_dma source(%dma_start3A_2523 : memref<3x128xi32, #tpu.memory_space<hbm>>) target(%dma_start3A_2519 : memref<3x128xi32, #tpu.memory_space<vmem>>) target_semaphore(%arg17 : memref<!tpu.dma_semaphore, #tpu.memory_space<semaphore_mem>>)
      } else {
      }
      %ge3A = arith.constant 1 : i32
      %ge3A_439 = arith.cmpi sge, %scan3A_59, %ge3A : i32
      %convert_element_type3A_440 = arith.extui %ge3A_439 : i1 to i32
      %cond3A_441 = arith.constant 0 : i32
      %cond3A_442 = arith.cmpi ne, %convert_element_type3A_440, %cond3A_441 : i32
      scf.if %cond3A_442 {
        %dma_wait3A_2502 = arith.constant 0 : i32
        %dma_wait3A_2503 = arith.constant 0 : i32
        %dma_wait3A_2504 = tpu.memref_slice %arg6[%dma_wait3A_2502, %dma_wait3A_2503] : memref<320000x128xf32, #tpu.memory_space<hbm>> -> memref<128x128xf32, #tpu.memory_space<hbm>>
        %dma_wait3A_2505 = arith.constant 0 : i32
        %dma_wait3A_2506 = arith.constant 0 : i32
        %dma_wait3A_2507 = tpu.memref_slice %arg6[%dma_wait3A_2505, %dma_wait3A_2506] : memref<320000x128xf32, #tpu.memory_space<hbm>> -> memref<128x128xf32, #tpu.memory_space<hbm>>
        tpu.wait_dma2 semaphore(%arg21 : memref<!tpu.dma_semaphore, #tpu.memory_space<semaphore_mem>>) src(%arg14 : memref<128x128xf32, #tpu.memory_space<vmem>>) dst(%dma_wait3A_2507 : memref<128x128xf32, #tpu.memory_space<hbm>>)
      } else {
      }
      %dma_start3A_443 = arith.constant 0 : i32
      %dma_start3A_444 = arith.constant 0 : i32
      %dma_start3A_445 = tpu.memref_slice %arg13[%dma_start3A_443, %dma_start3A_444] : memref<3x128xi32, #tpu.memory_space<vmem>> -> memref<1x128xi32, #tpu.memory_space<vmem>>
      %dma_start3A_446 = tpu.memref_squeeze %dma_start3A_445 : memref<1x128xi32, #tpu.memory_space<vmem>> -> memref<128xi32, #tpu.memory_space<vmem>>
      %dma_start3A_447 = arith.constant 0 : i32
      %dma_start3A_448 = arith.constant 0 : i32
      %dma_start3A_449 = tpu.memref_slice %arg11[%dma_start3A_447, %dma_start3A_448] : memref<126x128xf32, #tpu.memory_space<vmem_shared>> -> memref<126x128xf32, #tpu.memory_space<vmem_shared>>
      tpu.enqueue_indirect_dma source(%dma_start3A_449 : memref<126x128xf32, #tpu.memory_space<vmem_shared>>) target(%arg14 : memref<128x128xf32, #tpu.memory_space<vmem>>) offsets(%dma_start3A_446 : memref<128xi32, #tpu.memory_space<vmem>>) semaphore(%arg18 : memref<!tpu.dma_semaphore, #tpu.memory_space<semaphore_mem>>)
      %ge3A_450 = arith.constant 1 : i32
      %ge3A_451 = arith.cmpi sge, %scan3A_59, %ge3A_450 : i32
      %convert_element_type3A_452 = arith.extui %ge3A_451 : i1 to i32
      %cond3A_453 = arith.constant 0 : i32
      %cond3A_454 = arith.cmpi ne, %convert_element_type3A_452, %cond3A_453 : i32
      scf.if %cond3A_454 {
        %dma_wait3A_2502 = arith.constant 2 : i32
        %dma_wait3A_2503 = arith.constant 0 : i32
        %dma_wait3A_2504 = tpu.memref_slice %arg13[%dma_wait3A_2502, %dma_wait3A_2503] : memref<3x128xi32, #tpu.memory_space<vmem>> -> memref<1x128xi32, #tpu.memory_space<vmem>>
        %dma_wait3A_2505 = tpu.memref_squeeze %dma_wait3A_2504 : memref<1x128xi32, #tpu.memory_space<vmem>> -> memref<128xi32, #tpu.memory_space<vmem>>
        %dma_wait3A_2506 = arith.constant 0 : i32
        %dma_wait3A_2507 = arith.constant 0 : i32
        %dma_wait3A_2508 = tpu.memref_slice %arg11[%dma_wait3A_2506, %dma_wait3A_2507] : memref<126x128xf32, #tpu.memory_space<vmem_shared>> -> memref<126x128xf32, #tpu.memory_space<vmem_shared>>
        tpu.wait_indirect_dma semaphore(%arg20 : memref<!tpu.dma_semaphore, #tpu.memory_space<semaphore_mem>>) src(%dma_wait3A_2508 : memref<126x128xf32, #tpu.memory_space<vmem_shared>>) dst(%arg16 : memref<128x128xf32, #tpu.memory_space<vmem>>)
        %sub3A_2509 = arith.constant 32 : i32
        %sub3A_2510 = arith.subi %add3A_66, %sub3A_2509 : i32
        %mul3A_2511 = arith.constant 128 : i32
        %mul3A_2512 = arith.muli %sub3A_2510, %mul3A_2511 : i32
        %dma_start3A_2513 = arith.constant 0 : i32
        %dma_start3A_2514 = tpu.memref_slice %arg6[%mul3A_2512, %dma_start3A_2513] : memref<320000x128xf32, #tpu.memory_space<hbm>> -> memref<128x128xf32, #tpu.memory_space<hbm>>
        %dma_start3A_2515 = arith.constant 0 : i32
        %dma_start3A_2516 = tpu.memref_slice %arg6[%mul3A_2512, %dma_start3A_2515] : memref<320000x128xf32, #tpu.memory_space<hbm>> -> memref<128x128xf32, #tpu.memory_space<hbm>>
        tpu.enqueue_dma source(%arg16 : memref<128x128xf32, #tpu.memory_space<vmem>>) target(%dma_start3A_2516 : memref<128x128xf32, #tpu.memory_space<hbm>>) target_semaphore(%arg23 : memref<!tpu.dma_semaphore, #tpu.memory_space<semaphore_mem>>)
      } else {
      }
      %mul3A_455 = arith.constant 6 : i32
      %mul3A_456 = arith.muli %scan3A_59, %mul3A_455 : i32
      %add3A_457 = arith.constant 1 : i32
      %add3A_458 = arith.addi %mul3A_456, %add3A_457 : i32
      %mul3A_459 = arith.constant 32 : i32
      %mul3A_460 = arith.muli %add3A_458, %mul3A_459 : i32
      %add3A_461 = arith.addi %mul3A_460, %add3A : i32
      %dma_wait3A_462 = arith.constant 0 : i32
      %dma_wait3A_463 = arith.constant 1 : i32
      %dma_wait3A_464 = arith.constant 0 : i32
      %dma_wait3A_465 = arith.constant 0 : i32
      %dma_wait3A_466 = tpu.memref_slice %arg12[%dma_wait3A_463, %dma_wait3A_464, %dma_wait3A_465] : memref<2x3x128xi32, #tpu.memory_space<vmem>> -> memref<1x3x128xi32, #tpu.memory_space<vmem>>
      %dma_wait3A_467 = tpu.memref_squeeze %dma_wait3A_466 : memref<1x3x128xi32, #tpu.memory_space<vmem>> -> memref<3x128xi32, #tpu.memory_space<vmem>>
      %dma_wait3A_468 = arith.constant 0 : i32
      %dma_wait3A_469 = arith.constant 0 : i32
      %dma_wait3A_470 = tpu.memref_slice %arg2[%dma_wait3A_462, %dma_wait3A_468, %dma_wait3A_469] : memref<2500x3x128xi32, #tpu.memory_space<hbm>> -> memref<1x3x128xi32, #tpu.memory_space<hbm>>
      %dma_wait3A_471 = tpu.memref_squeeze %dma_wait3A_470 : memref<1x3x128xi32, #tpu.memory_space<hbm>> -> memref<3x128xi32, #tpu.memory_space<hbm>>
      %dma_wait3A_472 = arith.constant 0 : i32
      %dma_wait3A_473 = arith.constant 0 : i32
      %dma_wait3A_474 = tpu.memref_slice %arg12[%dma_wait3A_463, %dma_wait3A_472, %dma_wait3A_473] : memref<2x3x128xi32, #tpu.memory_space<vmem>> -> memref<1x3x128xi32, #tpu.memory_space<vmem>>
      %dma_wait3A_475 = tpu.memref_squeeze %dma_wait3A_474 : memref<1x3x128xi32, #tpu.memory_space<vmem>> -> memref<3x128xi32, #tpu.memory_space<vmem>>
      %dma_wait3A_476 = arith.constant 0 : i32
      %dma_wait3A_477 = arith.constant 0 : i32
      %dma_wait3A_478 = tpu.memref_slice %arg2[%dma_wait3A_462, %dma_wait3A_476, %dma_wait3A_477] : memref<2500x3x128xi32, #tpu.memory_space<hbm>> -> memref<1x3x128xi32, #tpu.memory_space<hbm>>
      %dma_wait3A_479 = tpu.memref_squeeze %dma_wait3A_478 : memref<1x3x128xi32, #tpu.memory_space<hbm>> -> memref<3x128xi32, #tpu.memory_space<hbm>>
      tpu.wait_dma2 semaphore(%arg17 : memref<!tpu.dma_semaphore, #tpu.memory_space<semaphore_mem>>) src(%dma_wait3A_479 : memref<3x128xi32, #tpu.memory_space<hbm>>) dst(%dma_wait3A_475 : memref<3x128xi32, #tpu.memory_space<vmem>>)
      %get3A_480 = arith.constant 1 : i32
      %get3A_481 = arith.constant 0 : i32
      %get3A_482 = arith.index_cast %get3A_480 : i32 to index
      %get3A_483 = arith.index_cast %get3A_481 : i32 to index
      %get3A_484 = arith.constant 0 : index
      %get3A_485 = tpu.vector_load %arg12[%get3A_482, %get3A_483, %get3A_484] {strides = array<i32>} : memref<2x3x128xi32, #tpu.memory_space<vmem>>, vector<1x1x16xi32>,
      %get3A_486 = vector.shape_cast %get3A_485 : vector<1x1x16xi32> to vector<16xi32>
      %min3A_487 = arith.constant 5 : i32
      %min3A_488 = vector.broadcast %min3A_487 : i32 to vector<16xi32>
      %min3A_489 = arith.minsi %get3A_486, %min3A_488 : vector<16xi32>
      %get3A_490 = arith.constant 1 : i32
      %get3A_491 = arith.constant 1 : i32
      %get3A_492 = arith.index_cast %get3A_490 : i32 to index
      %get3A_493 = arith.index_cast %get3A_491 : i32 to index
      %get3A_494 = arith.constant 0 : index
      %get3A_495 = tpu.vector_load %arg12[%get3A_492, %get3A_493, %get3A_494] {strides = array<i32>} : memref<2x3x128xi32, #tpu.memory_space<vmem>>, vector<1x1x16xi32>,
      %get3A_496 = vector.shape_cast %get3A_495 : vector<1x1x16xi32> to vector<16xi32>
      %min3A_497 = arith.constant 6 : i32
      %min3A_498 = vector.broadcast %min3A_497 : i32 to vector<16xi32>
      %min3A_499 = arith.minsi %get3A_496, %min3A_498 : vector<16xi32>
      %get3A_500 = arith.constant 1 : i32
      %get3A_501 = arith.constant 2 : i32
      %get3A_502 = arith.index_cast %get3A_500 : i32 to index
      %get3A_503 = arith.index_cast %get3A_501 : i32 to index
      %get3A_504 = arith.constant 0 : index
      %get3A_505 = tpu.vector_load %arg12[%get3A_502, %get3A_503, %get3A_504] {strides = array<i32>} : memref<2x3x128xi32, #tpu.memory_space<vmem>>, vector<1x1x16xi32>,
      %get3A_506 = vector.shape_cast %get3A_505 : vector<1x1x16xi32> to vector<16xi32>
      %min3A_507 = arith.constant 2 : i32
      %min3A_508 = vector.broadcast %min3A_507 : i32 to vector<16xi32>
      %min3A_509 = arith.minsi %get3A_506, %min3A_508 : vector<16xi32>
      %mul3A_510 = arith.constant 21 : i32
      %mul3A_511 = vector.broadcast %mul3A_510 : i32 to vector<16xi32>
      %mul3A_512 = arith.muli %min3A_489, %mul3A_511 : vector<16xi32>
      %mul3A_513 = arith.constant 3 : i32
      %mul3A_514 = vector.broadcast %mul3A_513 : i32 to vector<16xi32>
      %mul3A_515 = arith.muli %min3A_499, %mul3A_514 : vector<16xi32>
      %add3A_516 = arith.addi %mul3A_512, %mul3A_515 : vector<16xi32>
      %add3A_517 = arith.addi %add3A_516, %min3A_509 : vector<16xi32>
      %swap3A_518 = arith.constant 1 : i32
      %swap3A_519 = arith.index_cast %swap3A_518 : i32 to index
      %swap3A_520 = arith.constant 0 : index
      %swap3A_521 = tpu.vector_load %arg13[%swap3A_519, %swap3A_520] {strides = array<i32>} : memref<3x128xi32, #tpu.memory_space<vmem>>, vector<1x16xi32>,
      %swap3A_522 = vector.shape_cast %swap3A_521 : vector<1x16xi32> to vector<16xi32>
      %swap3A_523 = vector.shape_cast %add3A_517 : vector<16xi32> to vector<1x16xi32>
      tpu.vector_store %arg13[%swap3A_519, %swap3A_520], %swap3A_523 {strides = array<i32>} : memref<3x128xi32, #tpu.memory_space<vmem>>, vector<1x16xi32>,
      %get3A_524 = arith.constant 1 : i32
      %get3A_525 = arith.constant 0 : i32
      %get3A_526 = arith.index_cast %get3A_524 : i32 to index
      %get3A_527 = arith.index_cast %get3A_525 : i32 to index
      %get3A_528 = arith.constant 16 : index
      %get3A_529 = tpu.vector_load %arg12[%get3A_526, %get3A_527, %get3A_528] {strides = array<i32>} : memref<2x3x128xi32, #tpu.memory_space<vmem>>, vector<1x1x16xi32>,
      %get3A_530 = vector.shape_cast %get3A_529 : vector<1x1x16xi32> to vector<16xi32>
      %min3A_531 = arith.constant 5 : i32
      %min3A_532 = vector.broadcast %min3A_531 : i32 to vector<16xi32>
      %min3A_533 = arith.minsi %get3A_530, %min3A_532 : vector<16xi32>
      %get3A_534 = arith.constant 1 : i32
      %get3A_535 = arith.constant 1 : i32
      %get3A_536 = arith.index_cast %get3A_534 : i32 to index
      %get3A_537 = arith.index_cast %get3A_535 : i32 to index
      %get3A_538 = arith.constant 16 : index
      %get3A_539 = tpu.vector_load %arg12[%get3A_536, %get3A_537, %get3A_538] {strides = array<i32>} : memref<2x3x128xi32, #tpu.memory_space<vmem>>, vector<1x1x16xi32>,
      %get3A_540 = vector.shape_cast %get3A_539 : vector<1x1x16xi32> to vector<16xi32>
      %min3A_541 = arith.constant 6 : i32
      %min3A_542 = vector.broadcast %min3A_541 : i32 to vector<16xi32>
      %min3A_543 = arith.minsi %get3A_540, %min3A_542 : vector<16xi32>
      %get3A_544 = arith.constant 1 : i32
      %get3A_545 = arith.constant 2 : i32
      %get3A_546 = arith.index_cast %get3A_544 : i32 to index
      %get3A_547 = arith.index_cast %get3A_545 : i32 to index
      %get3A_548 = arith.constant 16 : index
      %get3A_549 = tpu.vector_load %arg12[%get3A_546, %get3A_547, %get3A_548] {strides = array<i32>} : memref<2x3x128xi32, #tpu.memory_space<vmem>>, vector<1x1x16xi32>,
      %get3A_550 = vector.shape_cast %get3A_549 : vector<1x1x16xi32> to vector<16xi32>
      %min3A_551 = arith.constant 2 : i32
      %min3A_552 = vector.broadcast %min3A_551 : i32 to vector<16xi32>
      %min3A_553 = arith.minsi %get3A_550, %min3A_552 : vector<16xi32>
      %mul3A_554 = arith.constant 21 : i32
      %mul3A_555 = vector.broadcast %mul3A_554 : i32 to vector<16xi32>
      %mul3A_556 = arith.muli %min3A_533, %mul3A_555 : vector<16xi32>
      %mul3A_557 = arith.constant 3 : i32
      %mul3A_558 = vector.broadcast %mul3A_557 : i32 to vector<16xi32>
      %mul3A_559 = arith.muli %min3A_543, %mul3A_558 : vector<16xi32>
      %add3A_560 = arith.addi %mul3A_556, %mul3A_559 : vector<16xi32>
      %add3A_561 = arith.addi %add3A_560, %min3A_553 : vector<16xi32>
      %swap3A_562 = arith.constant 1 : i32
      %swap3A_563 = arith.index_cast %swap3A_562 : i32 to index
      %swap3A_564 = arith.constant 16 : index
      %swap3A_565 = tpu.vector_load %arg13[%swap3A_563, %swap3A_564] {strides = array<i32>} : memref<3x128xi32, #tpu.memory_space<vmem>>, vector<1x16xi32>,
      %swap3A_566 = vector.shape_cast %swap3A_565 : vector<1x16xi32> to vector<16xi32>
      %swap3A_567 = vector.shape_cast %add3A_561 : vector<16xi32> to vector<1x16xi32>
      tpu.vector_store %arg13[%swap3A_563, %swap3A_564], %swap3A_567 {strides = array<i32>} : memref<3x128xi32, #tpu.memory_space<vmem>>, vector<1x16xi32>,
      %get3A_568 = arith.constant 1 : i32
      %get3A_569 = arith.constant 0 : i32
      %get3A_570 = arith.index_cast %get3A_568 : i32 to index
      %get3A_571 = arith.index_cast %get3A_569 : i32 to index
      %get3A_572 = arith.constant 32 : index
      %get3A_573 = tpu.vector_load %arg12[%get3A_570, %get3A_571, %get3A_572] {strides = array<i32>} : memref<2x3x128xi32, #tpu.memory_space<vmem>>, vector<1x1x16xi32>,
      %get3A_574 = vector.shape_cast %get3A_573 : vector<1x1x16xi32> to vector<16xi32>
      %min3A_575 = arith.constant 5 : i32
      %min3A_576 = vector.broadcast %min3A_575 : i32 to vector<16xi32>
      %min3A_577 = arith.minsi %get3A_574, %min3A_576 : vector<16xi32>
      %get3A_578 = arith.constant 1 : i32
      %get3A_579 = arith.constant 1 : i32
      %get3A_580 = arith.index_cast %get3A_578 : i32 to index
      %get3A_581 = arith.index_cast %get3A_579 : i32 to index
      %get3A_582 = arith.constant 32 : index
      %get3A_583 = tpu.vector_load %arg12[%get3A_580, %get3A_581, %get3A_582] {strides = array<i32>} : memref<2x3x128xi32, #tpu.memory_space<vmem>>, vector<1x1x16xi32>,
      %get3A_584 = vector.shape_cast %get3A_583 : vector<1x1x16xi32> to vector<16xi32>
      %min3A_585 = arith.constant 6 : i32
      %min3A_586 = vector.broadcast %min3A_585 : i32 to vector<16xi32>
      %min3A_587 = arith.minsi %get3A_584, %min3A_586 : vector<16xi32>
      %get3A_588 = arith.constant 1 : i32
      %get3A_589 = arith.constant 2 : i32
      %get3A_590 = arith.index_cast %get3A_588 : i32 to index
      %get3A_591 = arith.index_cast %get3A_589 : i32 to index
      %get3A_592 = arith.constant 32 : index
      %get3A_593 = tpu.vector_load %arg12[%get3A_590, %get3A_591, %get3A_592] {strides = array<i32>} : memref<2x3x128xi32, #tpu.memory_space<vmem>>, vector<1x1x16xi32>,
      %get3A_594 = vector.shape_cast %get3A_593 : vector<1x1x16xi32> to vector<16xi32>
      %min3A_595 = arith.constant 2 : i32
      %min3A_596 = vector.broadcast %min3A_595 : i32 to vector<16xi32>
      %min3A_597 = arith.minsi %get3A_594, %min3A_596 : vector<16xi32>
      %mul3A_598 = arith.constant 21 : i32
      %mul3A_599 = vector.broadcast %mul3A_598 : i32 to vector<16xi32>
      %mul3A_600 = arith.muli %min3A_577, %mul3A_599 : vector<16xi32>
      %mul3A_601 = arith.constant 3 : i32
      %mul3A_602 = vector.broadcast %mul3A_601 : i32 to vector<16xi32>
      %mul3A_603 = arith.muli %min3A_587, %mul3A_602 : vector<16xi32>
      %add3A_604 = arith.addi %mul3A_600, %mul3A_603 : vector<16xi32>
      %add3A_605 = arith.addi %add3A_604, %min3A_597 : vector<16xi32>
      %swap3A_606 = arith.constant 1 : i32
      %swap3A_607 = arith.index_cast %swap3A_606 : i32 to index
      %swap3A_608 = arith.constant 32 : index
      %swap3A_609 = tpu.vector_load %arg13[%swap3A_607, %swap3A_608] {strides = array<i32>} : memref<3x128xi32, #tpu.memory_space<vmem>>, vector<1x16xi32>,
      %swap3A_610 = vector.shape_cast %swap3A_609 : vector<1x16xi32> to vector<16xi32>
      %swap3A_611 = vector.shape_cast %add3A_605 : vector<16xi32> to vector<1x16xi32>
      tpu.vector_store %arg13[%swap3A_607, %swap3A_608], %swap3A_611 {strides = array<i32>} : memref<3x128xi32, #tpu.memory_space<vmem>>, vector<1x16xi32>,
      %get3A_612 = arith.constant 1 : i32
      %get3A_613 = arith.constant 0 : i32
      %get3A_614 = arith.index_cast %get3A_612 : i32 to index
      %get3A_615 = arith.index_cast %get3A_613 : i32 to index
      %get3A_616 = arith.constant 48 : index
      %get3A_617 = tpu.vector_load %arg12[%get3A_614, %get3A_615, %get3A_616] {strides = array<i32>} : memref<2x3x128xi32, #tpu.memory_space<vmem>>, vector<1x1x16xi32>,
      %get3A_618 = vector.shape_cast %get3A_617 : vector<1x1x16xi32> to vector<16xi32>
      %min3A_619 = arith.constant 5 : i32
      %min3A_620 = vector.broadcast %min3A_619 : i32 to vector<16xi32>
      %min3A_621 = arith.minsi %get3A_618, %min3A_620 : vector<16xi32>
      %get3A_622 = arith.constant 1 : i32
      %get3A_623 = arith.constant 1 : i32
      %get3A_624 = arith.index_cast %get3A_622 : i32 to index
      %get3A_625 = arith.index_cast %get3A_623 : i32 to index
      %get3A_626 = arith.constant 48 : index
      %get3A_627 = tpu.vector_load %arg12[%get3A_624, %get3A_625, %get3A_626] {strides = array<i32>} : memref<2x3x128xi32, #tpu.memory_space<vmem>>, vector<1x1x16xi32>,
      %get3A_628 = vector.shape_cast %get3A_627 : vector<1x1x16xi32> to vector<16xi32>
      %min3A_629 = arith.constant 6 : i32
      %min3A_630 = vector.broadcast %min3A_629 : i32 to vector<16xi32>
      %min3A_631 = arith.minsi %get3A_628, %min3A_630 : vector<16xi32>
      %get3A_632 = arith.constant 1 : i32
      %get3A_633 = arith.constant 2 : i32
      %get3A_634 = arith.index_cast %get3A_632 : i32 to index
      %get3A_635 = arith.index_cast %get3A_633 : i32 to index
      %get3A_636 = arith.constant 48 : index
      %get3A_637 = tpu.vector_load %arg12[%get3A_634, %get3A_635, %get3A_636] {strides = array<i32>} : memref<2x3x128xi32, #tpu.memory_space<vmem>>, vector<1x1x16xi32>,
      %get3A_638 = vector.shape_cast %get3A_637 : vector<1x1x16xi32> to vector<16xi32>
      %min3A_639 = arith.constant 2 : i32
      %min3A_640 = vector.broadcast %min3A_639 : i32 to vector<16xi32>
      %min3A_641 = arith.minsi %get3A_638, %min3A_640 : vector<16xi32>
      %mul3A_642 = arith.constant 21 : i32
      %mul3A_643 = vector.broadcast %mul3A_642 : i32 to vector<16xi32>
      %mul3A_644 = arith.muli %min3A_621, %mul3A_643 : vector<16xi32>
      %mul3A_645 = arith.constant 3 : i32
      %mul3A_646 = vector.broadcast %mul3A_645 : i32 to vector<16xi32>
      %mul3A_647 = arith.muli %min3A_631, %mul3A_646 : vector<16xi32>
      %add3A_648 = arith.addi %mul3A_644, %mul3A_647 : vector<16xi32>
      %add3A_649 = arith.addi %add3A_648, %min3A_641 : vector<16xi32>
      %swap3A_650 = arith.constant 1 : i32
      %swap3A_651 = arith.index_cast %swap3A_650 : i32 to index
      %swap3A_652 = arith.constant 48 : index
      %swap3A_653 = tpu.vector_load %arg13[%swap3A_651, %swap3A_652] {strides = array<i32>} : memref<3x128xi32, #tpu.memory_space<vmem>>, vector<1x16xi32>,
      %swap3A_654 = vector.shape_cast %swap3A_653 : vector<1x16xi32> to vector<16xi32>
      %swap3A_655 = vector.shape_cast %add3A_649 : vector<16xi32> to vector<1x16xi32>
      tpu.vector_store %arg13[%swap3A_651, %swap3A_652], %swap3A_655 {strides = array<i32>} : memref<3x128xi32, #tpu.memory_space<vmem>>, vector<1x16xi32>,
      %get3A_656 = arith.constant 1 : i32
      %get3A_657 = arith.constant 0 : i32
      %get3A_658 = arith.index_cast %get3A_656 : i32 to index
      %get3A_659 = arith.index_cast %get3A_657 : i32 to index
      %get3A_660 = arith.constant 64 : index
      %get3A_661 = tpu.vector_load %arg12[%get3A_658, %get3A_659, %get3A_660] {strides = array<i32>} : memref<2x3x128xi32, #tpu.memory_space<vmem>>, vector<1x1x16xi32>,
      %get3A_662 = vector.shape_cast %get3A_661 : vector<1x1x16xi32> to vector<16xi32>
      %min3A_663 = arith.constant 5 : i32
      %min3A_664 = vector.broadcast %min3A_663 : i32 to vector<16xi32>
      %min3A_665 = arith.minsi %get3A_662, %min3A_664 : vector<16xi32>
      %get3A_666 = arith.constant 1 : i32
      %get3A_667 = arith.constant 1 : i32
      %get3A_668 = arith.index_cast %get3A_666 : i32 to index
      %get3A_669 = arith.index_cast %get3A_667 : i32 to index
      %get3A_670 = arith.constant 64 : index
      %get3A_671 = tpu.vector_load %arg12[%get3A_668, %get3A_669, %get3A_670] {strides = array<i32>} : memref<2x3x128xi32, #tpu.memory_space<vmem>>, vector<1x1x16xi32>,
      %get3A_672 = vector.shape_cast %get3A_671 : vector<1x1x16xi32> to vector<16xi32>
      %min3A_673 = arith.constant 6 : i32
      %min3A_674 = vector.broadcast %min3A_673 : i32 to vector<16xi32>
      %min3A_675 = arith.minsi %get3A_672, %min3A_674 : vector<16xi32>
      %get3A_676 = arith.constant 1 : i32
      %get3A_677 = arith.constant 2 : i32
      %get3A_678 = arith.index_cast %get3A_676 : i32 to index
      %get3A_679 = arith.index_cast %get3A_677 : i32 to index
      %get3A_680 = arith.constant 64 : index
      %get3A_681 = tpu.vector_load %arg12[%get3A_678, %get3A_679, %get3A_680] {strides = array<i32>} : memref<2x3x128xi32, #tpu.memory_space<vmem>>, vector<1x1x16xi32>,
      %get3A_682 = vector.shape_cast %get3A_681 : vector<1x1x16xi32> to vector<16xi32>
      %min3A_683 = arith.constant 2 : i32
      %min3A_684 = vector.broadcast %min3A_683 : i32 to vector<16xi32>
      %min3A_685 = arith.minsi %get3A_682, %min3A_684 : vector<16xi32>
      %mul3A_686 = arith.constant 21 : i32
      %mul3A_687 = vector.broadcast %mul3A_686 : i32 to vector<16xi32>
      %mul3A_688 = arith.muli %min3A_665, %mul3A_687 : vector<16xi32>
      %mul3A_689 = arith.constant 3 : i32
      %mul3A_690 = vector.broadcast %mul3A_689 : i32 to vector<16xi32>
      %mul3A_691 = arith.muli %min3A_675, %mul3A_690 : vector<16xi32>
      %add3A_692 = arith.addi %mul3A_688, %mul3A_691 : vector<16xi32>
      %add3A_693 = arith.addi %add3A_692, %min3A_685 : vector<16xi32>
      %swap3A_694 = arith.constant 1 : i32
      %swap3A_695 = arith.index_cast %swap3A_694 : i32 to index
      %swap3A_696 = arith.constant 64 : index
      %swap3A_697 = tpu.vector_load %arg13[%swap3A_695, %swap3A_696] {strides = array<i32>} : memref<3x128xi32, #tpu.memory_space<vmem>>, vector<1x16xi32>,
      %swap3A_698 = vector.shape_cast %swap3A_697 : vector<1x16xi32> to vector<16xi32>
      %swap3A_699 = vector.shape_cast %add3A_693 : vector<16xi32> to vector<1x16xi32>
      tpu.vector_store %arg13[%swap3A_695, %swap3A_696], %swap3A_699 {strides = array<i32>} : memref<3x128xi32, #tpu.memory_space<vmem>>, vector<1x16xi32>,
      %get3A_700 = arith.constant 1 : i32
      %get3A_701 = arith.constant 0 : i32
      %get3A_702 = arith.index_cast %get3A_700 : i32 to index
      %get3A_703 = arith.index_cast %get3A_701 : i32 to index
      %get3A_704 = arith.constant 80 : index
      %get3A_705 = tpu.vector_load %arg12[%get3A_702, %get3A_703, %get3A_704] {strides = array<i32>} : memref<2x3x128xi32, #tpu.memory_space<vmem>>, vector<1x1x16xi32>,
      %get3A_706 = vector.shape_cast %get3A_705 : vector<1x1x16xi32> to vector<16xi32>
      %min3A_707 = arith.constant 5 : i32
      %min3A_708 = vector.broadcast %min3A_707 : i32 to vector<16xi32>
      %min3A_709 = arith.minsi %get3A_706, %min3A_708 : vector<16xi32>
      %get3A_710 = arith.constant 1 : i32
      %get3A_711 = arith.constant 1 : i32
      %get3A_712 = arith.index_cast %get3A_710 : i32 to index
      %get3A_713 = arith.index_cast %get3A_711 : i32 to index
      %get3A_714 = arith.constant 80 : index
      %get3A_715 = tpu.vector_load %arg12[%get3A_712, %get3A_713, %get3A_714] {strides = array<i32>} : memref<2x3x128xi32, #tpu.memory_space<vmem>>, vector<1x1x16xi32>,
      %get3A_716 = vector.shape_cast %get3A_715 : vector<1x1x16xi32> to vector<16xi32>
      %min3A_717 = arith.constant 6 : i32
      %min3A_718 = vector.broadcast %min3A_717 : i32 to vector<16xi32>
      %min3A_719 = arith.minsi %get3A_716, %min3A_718 : vector<16xi32>
      %get3A_720 = arith.constant 1 : i32
      %get3A_721 = arith.constant 2 : i32
      %get3A_722 = arith.index_cast %get3A_720 : i32 to index
      %get3A_723 = arith.index_cast %get3A_721 : i32 to index
      %get3A_724 = arith.constant 80 : index
      %get3A_725 = tpu.vector_load %arg12[%get3A_722, %get3A_723, %get3A_724] {strides = array<i32>} : memref<2x3x128xi32, #tpu.memory_space<vmem>>, vector<1x1x16xi32>,
      %get3A_726 = vector.shape_cast %get3A_725 : vector<1x1x16xi32> to vector<16xi32>
      %min3A_727 = arith.constant 2 : i32
      %min3A_728 = vector.broadcast %min3A_727 : i32 to vector<16xi32>
      %min3A_729 = arith.minsi %get3A_726, %min3A_728 : vector<16xi32>
      %mul3A_730 = arith.constant 21 : i32
      %mul3A_731 = vector.broadcast %mul3A_730 : i32 to vector<16xi32>
      %mul3A_732 = arith.muli %min3A_709, %mul3A_731 : vector<16xi32>
      %mul3A_733 = arith.constant 3 : i32
      %mul3A_734 = vector.broadcast %mul3A_733 : i32 to vector<16xi32>
      %mul3A_735 = arith.muli %min3A_719, %mul3A_734 : vector<16xi32>
      %add3A_736 = arith.addi %mul3A_732, %mul3A_735 : vector<16xi32>
      %add3A_737 = arith.addi %add3A_736, %min3A_729 : vector<16xi32>
      %swap3A_738 = arith.constant 1 : i32
      %swap3A_739 = arith.index_cast %swap3A_738 : i32 to index
      %swap3A_740 = arith.constant 80 : index
      %swap3A_741 = tpu.vector_load %arg13[%swap3A_739, %swap3A_740] {strides = array<i32>} : memref<3x128xi32, #tpu.memory_space<vmem>>, vector<1x16xi32>,
      %swap3A_742 = vector.shape_cast %swap3A_741 : vector<1x16xi32> to vector<16xi32>
      %swap3A_743 = vector.shape_cast %add3A_737 : vector<16xi32> to vector<1x16xi32>
      tpu.vector_store %arg13[%swap3A_739, %swap3A_740], %swap3A_743 {strides = array<i32>} : memref<3x128xi32, #tpu.memory_space<vmem>>, vector<1x16xi32>,
      %get3A_744 = arith.constant 1 : i32
      %get3A_745 = arith.constant 0 : i32
      %get3A_746 = arith.index_cast %get3A_744 : i32 to index
      %get3A_747 = arith.index_cast %get3A_745 : i32 to index
      %get3A_748 = arith.constant 96 : index
      %get3A_749 = tpu.vector_load %arg12[%get3A_746, %get3A_747, %get3A_748] {strides = array<i32>} : memref<2x3x128xi32, #tpu.memory_space<vmem>>, vector<1x1x16xi32>,
      %get3A_750 = vector.shape_cast %get3A_749 : vector<1x1x16xi32> to vector<16xi32>
      %min3A_751 = arith.constant 5 : i32
      %min3A_752 = vector.broadcast %min3A_751 : i32 to vector<16xi32>
      %min3A_753 = arith.minsi %get3A_750, %min3A_752 : vector<16xi32>
      %get3A_754 = arith.constant 1 : i32
      %get3A_755 = arith.constant 1 : i32
      %get3A_756 = arith.index_cast %get3A_754 : i32 to index
      %get3A_757 = arith.index_cast %get3A_755 : i32 to index
      %get3A_758 = arith.constant 96 : index
      %get3A_759 = tpu.vector_load %arg12[%get3A_756, %get3A_757, %get3A_758] {strides = array<i32>} : memref<2x3x128xi32, #tpu.memory_space<vmem>>, vector<1x1x16xi32>,
      %get3A_760 = vector.shape_cast %get3A_759 : vector<1x1x16xi32> to vector<16xi32>
      %min3A_761 = arith.constant 6 : i32
      %min3A_762 = vector.broadcast %min3A_761 : i32 to vector<16xi32>
      %min3A_763 = arith.minsi %get3A_760, %min3A_762 : vector<16xi32>
      %get3A_764 = arith.constant 1 : i32
      %get3A_765 = arith.constant 2 : i32
      %get3A_766 = arith.index_cast %get3A_764 : i32 to index
      %get3A_767 = arith.index_cast %get3A_765 : i32 to index
      %get3A_768 = arith.constant 96 : index
      %get3A_769 = tpu.vector_load %arg12[%get3A_766, %get3A_767, %get3A_768] {strides = array<i32>} : memref<2x3x128xi32, #tpu.memory_space<vmem>>, vector<1x1x16xi32>,
      %get3A_770 = vector.shape_cast %get3A_769 : vector<1x1x16xi32> to vector<16xi32>
      %min3A_771 = arith.constant 2 : i32
      %min3A_772 = vector.broadcast %min3A_771 : i32 to vector<16xi32>
      %min3A_773 = arith.minsi %get3A_770, %min3A_772 : vector<16xi32>
      %mul3A_774 = arith.constant 21 : i32
      %mul3A_775 = vector.broadcast %mul3A_774 : i32 to vector<16xi32>
      %mul3A_776 = arith.muli %min3A_753, %mul3A_775 : vector<16xi32>
      %mul3A_777 = arith.constant 3 : i32
      %mul3A_778 = vector.broadcast %mul3A_777 : i32 to vector<16xi32>
      %mul3A_779 = arith.muli %min3A_763, %mul3A_778 : vector<16xi32>
      %add3A_780 = arith.addi %mul3A_776, %mul3A_779 : vector<16xi32>
      %add3A_781 = arith.addi %add3A_780, %min3A_773 : vector<16xi32>
      %swap3A_782 = arith.constant 1 : i32
      %swap3A_783 = arith.index_cast %swap3A_782 : i32 to index
      %swap3A_784 = arith.constant 96 : index
      %swap3A_785 = tpu.vector_load %arg13[%swap3A_783, %swap3A_784] {strides = array<i32>} : memref<3x128xi32, #tpu.memory_space<vmem>>, vector<1x16xi32>,
      %swap3A_786 = vector.shape_cast %swap3A_785 : vector<1x16xi32> to vector<16xi32>
      %swap3A_787 = vector.shape_cast %add3A_781 : vector<16xi32> to vector<1x16xi32>
      tpu.vector_store %arg13[%swap3A_783, %swap3A_784], %swap3A_787 {strides = array<i32>} : memref<3x128xi32, #tpu.memory_space<vmem>>, vector<1x16xi32>,
      %get3A_788 = arith.constant 1 : i32
      %get3A_789 = arith.constant 0 : i32
      %get3A_790 = arith.index_cast %get3A_788 : i32 to index
      %get3A_791 = arith.index_cast %get3A_789 : i32 to index
      %get3A_792 = arith.constant 112 : index
      %get3A_793 = tpu.vector_load %arg12[%get3A_790, %get3A_791, %get3A_792] {strides = array<i32>} : memref<2x3x128xi32, #tpu.memory_space<vmem>>, vector<1x1x16xi32>,
      %get3A_794 = vector.shape_cast %get3A_793 : vector<1x1x16xi32> to vector<16xi32>
      %min3A_795 = arith.constant 5 : i32
      %min3A_796 = vector.broadcast %min3A_795 : i32 to vector<16xi32>
      %min3A_797 = arith.minsi %get3A_794, %min3A_796 : vector<16xi32>
      %get3A_798 = arith.constant 1 : i32
      %get3A_799 = arith.constant 1 : i32
      %get3A_800 = arith.index_cast %get3A_798 : i32 to index
      %get3A_801 = arith.index_cast %get3A_799 : i32 to index
      %get3A_802 = arith.constant 112 : index
      %get3A_803 = tpu.vector_load %arg12[%get3A_800, %get3A_801, %get3A_802] {strides = array<i32>} : memref<2x3x128xi32, #tpu.memory_space<vmem>>, vector<1x1x16xi32>,
      %get3A_804 = vector.shape_cast %get3A_803 : vector<1x1x16xi32> to vector<16xi32>
      %min3A_805 = arith.constant 6 : i32
      %min3A_806 = vector.broadcast %min3A_805 : i32 to vector<16xi32>
      %min3A_807 = arith.minsi %get3A_804, %min3A_806 : vector<16xi32>
      %get3A_808 = arith.constant 1 : i32
      %get3A_809 = arith.constant 2 : i32
      %get3A_810 = arith.index_cast %get3A_808 : i32 to index
      %get3A_811 = arith.index_cast %get3A_809 : i32 to index
      %get3A_812 = arith.constant 112 : index
      %get3A_813 = tpu.vector_load %arg12[%get3A_810, %get3A_811, %get3A_812] {strides = array<i32>} : memref<2x3x128xi32, #tpu.memory_space<vmem>>, vector<1x1x16xi32>,
      %get3A_814 = vector.shape_cast %get3A_813 : vector<1x1x16xi32> to vector<16xi32>
      %min3A_815 = arith.constant 2 : i32
      %min3A_816 = vector.broadcast %min3A_815 : i32 to vector<16xi32>
      %min3A_817 = arith.minsi %get3A_814, %min3A_816 : vector<16xi32>
      %mul3A_818 = arith.constant 21 : i32
      %mul3A_819 = vector.broadcast %mul3A_818 : i32 to vector<16xi32>
      %mul3A_820 = arith.muli %min3A_797, %mul3A_819 : vector<16xi32>
      %mul3A_821 = arith.constant 3 : i32
      %mul3A_822 = vector.broadcast %mul3A_821 : i32 to vector<16xi32>
      %mul3A_823 = arith.muli %min3A_807, %mul3A_822 : vector<16xi32>
      %add3A_824 = arith.addi %mul3A_820, %mul3A_823 : vector<16xi32>
      %add3A_825 = arith.addi %add3A_824, %min3A_817 : vector<16xi32>
      %swap3A_826 = arith.constant 1 : i32
      %swap3A_827 = arith.index_cast %swap3A_826 : i32 to index
      %swap3A_828 = arith.constant 112 : index
      %swap3A_829 = tpu.vector_load %arg13[%swap3A_827, %swap3A_828] {strides = array<i32>} : memref<3x128xi32, #tpu.memory_space<vmem>>, vector<1x16xi32>,
      %swap3A_830 = vector.shape_cast %swap3A_829 : vector<1x16xi32> to vector<16xi32>
      %swap3A_831 = vector.shape_cast %add3A_825 : vector<16xi32> to vector<1x16xi32>
      tpu.vector_store %arg13[%swap3A_827, %swap3A_828], %swap3A_831 {strides = array<i32>} : memref<3x128xi32, #tpu.memory_space<vmem>>, vector<1x16xi32>,
      %lt3A_832 = arith.constant 77 : i32
      %lt3A_833 = arith.cmpi slt, %add3A_458, %lt3A_832 : i32
      %convert_element_type3A_834 = arith.extui %lt3A_833 : i1 to i32
      %cond3A_835 = arith.constant 0 : i32
      %cond3A_836 = arith.cmpi ne, %convert_element_type3A_834, %cond3A_835 : i32
      scf.if %cond3A_836 {
        %add3A_2502 = arith.constant 1 : i32
        %add3A_2503 = arith.addi %add3A_458, %add3A_2502 : i32
        %mul3A_2504 = arith.constant 32 : i32
        %mul3A_2505 = arith.muli %add3A_2503, %mul3A_2504 : i32
        %add3A_2506 = arith.addi %mul3A_2505, %add3A : i32
        %dma_start3A_2507 = arith.constant 0 : i32
        %dma_start3A_2508 = arith.constant 0 : i32
        %dma_start3A_2509 = arith.constant 0 : i32
        %dma_start3A_2510 = tpu.memref_slice %arg12[%dma_start3A_2507, %dma_start3A_2508, %dma_start3A_2509] : memref<2x3x128xi32, #tpu.memory_space<vmem>> -> memref<1x3x128xi32, #tpu.memory_space<vmem>>
        %dma_start3A_2511 = tpu.memref_squeeze %dma_start3A_2510 : memref<1x3x128xi32, #tpu.memory_space<vmem>> -> memref<3x128xi32, #tpu.memory_space<vmem>>
        %dma_start3A_2512 = arith.constant 0 : i32
        %dma_start3A_2513 = arith.constant 0 : i32
        %dma_start3A_2514 = tpu.memref_slice %arg2[%add3A_2506, %dma_start3A_2512, %dma_start3A_2513] : memref<2500x3x128xi32, #tpu.memory_space<hbm>> -> memref<1x3x128xi32, #tpu.memory_space<hbm>>
        %dma_start3A_2515 = tpu.memref_squeeze %dma_start3A_2514 : memref<1x3x128xi32, #tpu.memory_space<hbm>> -> memref<3x128xi32, #tpu.memory_space<hbm>>
        %dma_start3A_2516 = arith.constant 0 : i32
        %dma_start3A_2517 = arith.constant 0 : i32
        %dma_start3A_2518 = tpu.memref_slice %arg12[%dma_start3A_2507, %dma_start3A_2516, %dma_start3A_2517] : memref<2x3x128xi32, #tpu.memory_space<vmem>> -> memref<1x3x128xi32, #tpu.memory_space<vmem>>
        %dma_start3A_2519 = tpu.memref_squeeze %dma_start3A_2518 : memref<1x3x128xi32, #tpu.memory_space<vmem>> -> memref<3x128xi32, #tpu.memory_space<vmem>>
        %dma_start3A_2520 = arith.constant 0 : i32
        %dma_start3A_2521 = arith.constant 0 : i32
        %dma_start3A_2522 = tpu.memref_slice %arg2[%add3A_2506, %dma_start3A_2520, %dma_start3A_2521] : memref<2500x3x128xi32, #tpu.memory_space<hbm>> -> memref<1x3x128xi32, #tpu.memory_space<hbm>>
        %dma_start3A_2523 = tpu.memref_squeeze %dma_start3A_2522 : memref<1x3x128xi32, #tpu.memory_space<hbm>> -> memref<3x128xi32, #tpu.memory_space<hbm>>
        tpu.enqueue_dma source(%dma_start3A_2523 : memref<3x128xi32, #tpu.memory_space<hbm>>) target(%dma_start3A_2519 : memref<3x128xi32, #tpu.memory_space<vmem>>) target_semaphore(%arg17 : memref<!tpu.dma_semaphore, #tpu.memory_space<semaphore_mem>>)
      } else {
      }
      %ge3A_837 = arith.constant 1 : i32
      %ge3A_838 = arith.cmpi sge, %scan3A_59, %ge3A_837 : i32
      %convert_element_type3A_839 = arith.extui %ge3A_838 : i1 to i32
      %cond3A_840 = arith.constant 0 : i32
      %cond3A_841 = arith.cmpi ne, %convert_element_type3A_839, %cond3A_840 : i32
      scf.if %cond3A_841 {
        %dma_wait3A_2502 = arith.constant 0 : i32
        %dma_wait3A_2503 = arith.constant 0 : i32
        %dma_wait3A_2504 = tpu.memref_slice %arg6[%dma_wait3A_2502, %dma_wait3A_2503] : memref<320000x128xf32, #tpu.memory_space<hbm>> -> memref<128x128xf32, #tpu.memory_space<hbm>>
        %dma_wait3A_2505 = arith.constant 0 : i32
        %dma_wait3A_2506 = arith.constant 0 : i32
        %dma_wait3A_2507 = tpu.memref_slice %arg6[%dma_wait3A_2505, %dma_wait3A_2506] : memref<320000x128xf32, #tpu.memory_space<hbm>> -> memref<128x128xf32, #tpu.memory_space<hbm>>
        tpu.wait_dma2 semaphore(%arg22 : memref<!tpu.dma_semaphore, #tpu.memory_space<semaphore_mem>>) src(%arg15 : memref<128x128xf32, #tpu.memory_space<vmem>>) dst(%dma_wait3A_2507 : memref<128x128xf32, #tpu.memory_space<hbm>>)
      } else {
      }
      %dma_start3A_842 = arith.constant 1 : i32
      %dma_start3A_843 = arith.constant 0 : i32
      %dma_start3A_844 = tpu.memref_slice %arg13[%dma_start3A_842, %dma_start3A_843] : memref<3x128xi32, #tpu.memory_space<vmem>> -> memref<1x128xi32, #tpu.memory_space<vmem>>
      %dma_start3A_845 = tpu.memref_squeeze %dma_start3A_844 : memref<1x128xi32, #tpu.memory_space<vmem>> -> memref<128xi32, #tpu.memory_space<vmem>>
      %dma_start3A_846 = arith.constant 0 : i32
      %dma_start3A_847 = arith.constant 0 : i32
      %dma_start3A_848 = tpu.memref_slice %arg11[%dma_start3A_846, %dma_start3A_847] : memref<126x128xf32, #tpu.memory_space<vmem_shared>> -> memref<126x128xf32, #tpu.memory_space<vmem_shared>>
      tpu.enqueue_indirect_dma source(%dma_start3A_848 : memref<126x128xf32, #tpu.memory_space<vmem_shared>>) target(%arg15 : memref<128x128xf32, #tpu.memory_space<vmem>>) offsets(%dma_start3A_845 : memref<128xi32, #tpu.memory_space<vmem>>) semaphore(%arg19 : memref<!tpu.dma_semaphore, #tpu.memory_space<semaphore_mem>>)
      %dma_wait3A_849 = arith.constant 0 : i32
      %dma_wait3A_850 = arith.constant 0 : i32
      %dma_wait3A_851 = tpu.memref_slice %arg13[%dma_wait3A_849, %dma_wait3A_850] : memref<3x128xi32, #tpu.memory_space<vmem>> -> memref<1x128xi32, #tpu.memory_space<vmem>>
      %dma_wait3A_852 = tpu.memref_squeeze %dma_wait3A_851 : memref<1x128xi32, #tpu.memory_space<vmem>> -> memref<128xi32, #tpu.memory_space<vmem>>
      %dma_wait3A_853 = arith.constant 0 : i32
      %dma_wait3A_854 = arith.constant 0 : i32
      %dma_wait3A_855 = tpu.memref_slice %arg11[%dma_wait3A_853, %dma_wait3A_854] : memref<126x128xf32, #tpu.memory_space<vmem_shared>> -> memref<126x128xf32, #tpu.memory_space<vmem_shared>>
      tpu.wait_indirect_dma semaphore(%arg18 : memref<!tpu.dma_semaphore, #tpu.memory_space<semaphore_mem>>) src(%dma_wait3A_855 : memref<126x128xf32, #tpu.memory_space<vmem_shared>>) dst(%arg14 : memref<128x128xf32, #tpu.memory_space<vmem>>)
      %sub3A = arith.constant 32 : i32
      %sub3A_856 = arith.subi %add3A_461, %sub3A : i32
      %mul3A_857 = arith.constant 128 : i32
      %mul3A_858 = arith.muli %sub3A_856, %mul3A_857 : i32
      %dma_start3A_859 = arith.constant 0 : i32
      %dma_start3A_860 = tpu.memref_slice %arg6[%mul3A_858, %dma_start3A_859] : memref<320000x128xf32, #tpu.memory_space<hbm>> -> memref<128x128xf32, #tpu.memory_space<hbm>>
      %dma_start3A_861 = arith.constant 0 : i32
      %dma_start3A_862 = tpu.memref_slice %arg6[%mul3A_858, %dma_start3A_861] : memref<320000x128xf32, #tpu.memory_space<hbm>> -> memref<128x128xf32, #tpu.memory_space<hbm>>
      tpu.enqueue_dma source(%arg14 : memref<128x128xf32, #tpu.memory_space<vmem>>) target(%dma_start3A_862 : memref<128x128xf32, #tpu.memory_space<hbm>>) target_semaphore(%arg21 : memref<!tpu.dma_semaphore, #tpu.memory_space<semaphore_mem>>)
      %mul3A_863 = arith.constant 6 : i32
      %mul3A_864 = arith.muli %scan3A_59, %mul3A_863 : i32
      %add3A_865 = arith.constant 2 : i32
      %add3A_866 = arith.addi %mul3A_864, %add3A_865 : i32
      %mul3A_867 = arith.constant 32 : i32
      %mul3A_868 = arith.muli %add3A_866, %mul3A_867 : i32
      %add3A_869 = arith.addi %mul3A_868, %add3A : i32
      %dma_wait3A_870 = arith.constant 0 : i32
      %dma_wait3A_871 = arith.constant 0 : i32
      %dma_wait3A_872 = arith.constant 0 : i32
      %dma_wait3A_873 = arith.constant 0 : i32
      %dma_wait3A_874 = tpu.memref_slice %arg12[%dma_wait3A_871, %dma_wait3A_872, %dma_wait3A_873] : memref<2x3x128xi32, #tpu.memory_space<vmem>> -> memref<1x3x128xi32, #tpu.memory_space<vmem>>
      %dma_wait3A_875 = tpu.memref_squeeze %dma_wait3A_874 : memref<1x3x128xi32, #tpu.memory_space<vmem>> -> memref<3x128xi32, #tpu.memory_space<vmem>>
      %dma_wait3A_876 = arith.constant 0 : i32
      %dma_wait3A_877 = arith.constant 0 : i32
      %dma_wait3A_878 = tpu.memref_slice %arg2[%dma_wait3A_870, %dma_wait3A_876, %dma_wait3A_877] : memref<2500x3x128xi32, #tpu.memory_space<hbm>> -> memref<1x3x128xi32, #tpu.memory_space<hbm>>
      %dma_wait3A_879 = tpu.memref_squeeze %dma_wait3A_878 : memref<1x3x128xi32, #tpu.memory_space<hbm>> -> memref<3x128xi32, #tpu.memory_space<hbm>>
      %dma_wait3A_880 = arith.constant 0 : i32
      %dma_wait3A_881 = arith.constant 0 : i32
      %dma_wait3A_882 = tpu.memref_slice %arg12[%dma_wait3A_871, %dma_wait3A_880, %dma_wait3A_881] : memref<2x3x128xi32, #tpu.memory_space<vmem>> -> memref<1x3x128xi32, #tpu.memory_space<vmem>>
      %dma_wait3A_883 = tpu.memref_squeeze %dma_wait3A_882 : memref<1x3x128xi32, #tpu.memory_space<vmem>> -> memref<3x128xi32, #tpu.memory_space<vmem>>
      %dma_wait3A_884 = arith.constant 0 : i32
      %dma_wait3A_885 = arith.constant 0 : i32
      %dma_wait3A_886 = tpu.memref_slice %arg2[%dma_wait3A_870, %dma_wait3A_884, %dma_wait3A_885] : memref<2500x3x128xi32, #tpu.memory_space<hbm>> -> memref<1x3x128xi32, #tpu.memory_space<hbm>>
      %dma_wait3A_887 = tpu.memref_squeeze %dma_wait3A_886 : memref<1x3x128xi32, #tpu.memory_space<hbm>> -> memref<3x128xi32, #tpu.memory_space<hbm>>
      tpu.wait_dma2 semaphore(%arg17 : memref<!tpu.dma_semaphore, #tpu.memory_space<semaphore_mem>>) src(%dma_wait3A_887 : memref<3x128xi32, #tpu.memory_space<hbm>>) dst(%dma_wait3A_883 : memref<3x128xi32, #tpu.memory_space<vmem>>)
      %get3A_888 = arith.constant 0 : i32
      %get3A_889 = arith.constant 0 : i32
      %get3A_890 = arith.index_cast %get3A_888 : i32 to index
      %get3A_891 = arith.index_cast %get3A_889 : i32 to index
      %get3A_892 = arith.constant 0 : index
      %get3A_893 = tpu.vector_load %arg12[%get3A_890, %get3A_891, %get3A_892] {strides = array<i32>} : memref<2x3x128xi32, #tpu.memory_space<vmem>>, vector<1x1x16xi32>,
      %get3A_894 = vector.shape_cast %get3A_893 : vector<1x1x16xi32> to vector<16xi32>
      %min3A_895 = arith.constant 5 : i32
      %min3A_896 = vector.broadcast %min3A_895 : i32 to vector<16xi32>
      %min3A_897 = arith.minsi %get3A_894, %min3A_896 : vector<16xi32>
      %get3A_898 = arith.constant 0 : i32
      %get3A_899 = arith.constant 1 : i32
      %get3A_900 = arith.index_cast %get3A_898 : i32 to index
      %get3A_901 = arith.index_cast %get3A_899 : i32 to index
      %get3A_902 = arith.constant 0 : index
      %get3A_903 = tpu.vector_load %arg12[%get3A_900, %get3A_901, %get3A_902] {strides = array<i32>} : memref<2x3x128xi32, #tpu.memory_space<vmem>>, vector<1x1x16xi32>,
      %get3A_904 = vector.shape_cast %get3A_903 : vector<1x1x16xi32> to vector<16xi32>
      %min3A_905 = arith.constant 6 : i32
      %min3A_906 = vector.broadcast %min3A_905 : i32 to vector<16xi32>
      %min3A_907 = arith.minsi %get3A_904, %min3A_906 : vector<16xi32>
      %get3A_908 = arith.constant 0 : i32
      %get3A_909 = arith.constant 2 : i32
      %get3A_910 = arith.index_cast %get3A_908 : i32 to index
      %get3A_911 = arith.index_cast %get3A_909 : i32 to index
      %get3A_912 = arith.constant 0 : index
      %get3A_913 = tpu.vector_load %arg12[%get3A_910, %get3A_911, %get3A_912] {strides = array<i32>} : memref<2x3x128xi32, #tpu.memory_space<vmem>>, vector<1x1x16xi32>,
      %get3A_914 = vector.shape_cast %get3A_913 : vector<1x1x16xi32> to vector<16xi32>
      %min3A_915 = arith.constant 2 : i32
      %min3A_916 = vector.broadcast %min3A_915 : i32 to vector<16xi32>
      %min3A_917 = arith.minsi %get3A_914, %min3A_916 : vector<16xi32>
      %mul3A_918 = arith.constant 21 : i32
      %mul3A_919 = vector.broadcast %mul3A_918 : i32 to vector<16xi32>
      %mul3A_920 = arith.muli %min3A_897, %mul3A_919 : vector<16xi32>
      %mul3A_921 = arith.constant 3 : i32
      %mul3A_922 = vector.broadcast %mul3A_921 : i32 to vector<16xi32>
      %mul3A_923 = arith.muli %min3A_907, %mul3A_922 : vector<16xi32>
      %add3A_924 = arith.addi %mul3A_920, %mul3A_923 : vector<16xi32>
      %add3A_925 = arith.addi %add3A_924, %min3A_917 : vector<16xi32>
      %swap3A_926 = arith.constant 2 : i32
      %swap3A_927 = arith.index_cast %swap3A_926 : i32 to index
      %swap3A_928 = arith.constant 0 : index
      %swap3A_929 = tpu.vector_load %arg13[%swap3A_927, %swap3A_928] {strides = array<i32>} : memref<3x128xi32, #tpu.memory_space<vmem>>, vector<1x16xi32>,
      %swap3A_930 = vector.shape_cast %swap3A_929 : vector<1x16xi32> to vector<16xi32>
      %swap3A_931 = vector.shape_cast %add3A_925 : vector<16xi32> to vector<1x16xi32>
      tpu.vector_store %arg13[%swap3A_927, %swap3A_928], %swap3A_931 {strides = array<i32>} : memref<3x128xi32, #tpu.memory_space<vmem>>, vector<1x16xi32>,
      %get3A_932 = arith.constant 0 : i32
      %get3A_933 = arith.constant 0 : i32
      %get3A_934 = arith.index_cast %get3A_932 : i32 to index
      %get3A_935 = arith.index_cast %get3A_933 : i32 to index
      %get3A_936 = arith.constant 16 : index
      %get3A_937 = tpu.vector_load %arg12[%get3A_934, %get3A_935, %get3A_936] {strides = array<i32>} : memref<2x3x128xi32, #tpu.memory_space<vmem>>, vector<1x1x16xi32>,
      %get3A_938 = vector.shape_cast %get3A_937 : vector<1x1x16xi32> to vector<16xi32>
      %min3A_939 = arith.constant 5 : i32
      %min3A_940 = vector.broadcast %min3A_939 : i32 to vector<16xi32>
      %min3A_941 = arith.minsi %get3A_938, %min3A_940 : vector<16xi32>
      %get3A_942 = arith.constant 0 : i32
      %get3A_943 = arith.constant 1 : i32
      %get3A_944 = arith.index_cast %get3A_942 : i32 to index
      %get3A_945 = arith.index_cast %get3A_943 : i32 to index
      %get3A_946 = arith.constant 16 : index
      %get3A_947 = tpu.vector_load %arg12[%get3A_944, %get3A_945, %get3A_946] {strides = array<i32>} : memref<2x3x128xi32, #tpu.memory_space<vmem>>, vector<1x1x16xi32>,
      %get3A_948 = vector.shape_cast %get3A_947 : vector<1x1x16xi32> to vector<16xi32>
      %min3A_949 = arith.constant 6 : i32
      %min3A_950 = vector.broadcast %min3A_949 : i32 to vector<16xi32>
      %min3A_951 = arith.minsi %get3A_948, %min3A_950 : vector<16xi32>
      %get3A_952 = arith.constant 0 : i32
      %get3A_953 = arith.constant 2 : i32
      %get3A_954 = arith.index_cast %get3A_952 : i32 to index
      %get3A_955 = arith.index_cast %get3A_953 : i32 to index
      %get3A_956 = arith.constant 16 : index
      %get3A_957 = tpu.vector_load %arg12[%get3A_954, %get3A_955, %get3A_956] {strides = array<i32>} : memref<2x3x128xi32, #tpu.memory_space<vmem>>, vector<1x1x16xi32>,
      %get3A_958 = vector.shape_cast %get3A_957 : vector<1x1x16xi32> to vector<16xi32>
      %min3A_959 = arith.constant 2 : i32
      %min3A_960 = vector.broadcast %min3A_959 : i32 to vector<16xi32>
      %min3A_961 = arith.minsi %get3A_958, %min3A_960 : vector<16xi32>
      %mul3A_962 = arith.constant 21 : i32
      %mul3A_963 = vector.broadcast %mul3A_962 : i32 to vector<16xi32>
      %mul3A_964 = arith.muli %min3A_941, %mul3A_963 : vector<16xi32>
      %mul3A_965 = arith.constant 3 : i32
      %mul3A_966 = vector.broadcast %mul3A_965 : i32 to vector<16xi32>
      %mul3A_967 = arith.muli %min3A_951, %mul3A_966 : vector<16xi32>
      %add3A_968 = arith.addi %mul3A_964, %mul3A_967 : vector<16xi32>
      %add3A_969 = arith.addi %add3A_968, %min3A_961 : vector<16xi32>
      %swap3A_970 = arith.constant 2 : i32
      %swap3A_971 = arith.index_cast %swap3A_970 : i32 to index
      %swap3A_972 = arith.constant 16 : index
      %swap3A_973 = tpu.vector_load %arg13[%swap3A_971, %swap3A_972] {strides = array<i32>} : memref<3x128xi32, #tpu.memory_space<vmem>>, vector<1x16xi32>,
      %swap3A_974 = vector.shape_cast %swap3A_973 : vector<1x16xi32> to vector<16xi32>
      %swap3A_975 = vector.shape_cast %add3A_969 : vector<16xi32> to vector<1x16xi32>
      tpu.vector_store %arg13[%swap3A_971, %swap3A_972], %swap3A_975 {strides = array<i32>} : memref<3x128xi32, #tpu.memory_space<vmem>>, vector<1x16xi32>,
      %get3A_976 = arith.constant 0 : i32
      %get3A_977 = arith.constant 0 : i32
      %get3A_978 = arith.index_cast %get3A_976 : i32 to index
      %get3A_979 = arith.index_cast %get3A_977 : i32 to index
      %get3A_980 = arith.constant 32 : index
      %get3A_981 = tpu.vector_load %arg12[%get3A_978, %get3A_979, %get3A_980] {strides = array<i32>} : memref<2x3x128xi32, #tpu.memory_space<vmem>>, vector<1x1x16xi32>,
      %get3A_982 = vector.shape_cast %get3A_981 : vector<1x1x16xi32> to vector<16xi32>
      %min3A_983 = arith.constant 5 : i32
      %min3A_984 = vector.broadcast %min3A_983 : i32 to vector<16xi32>
      %min3A_985 = arith.minsi %get3A_982, %min3A_984 : vector<16xi32>
      %get3A_986 = arith.constant 0 : i32
      %get3A_987 = arith.constant 1 : i32
      %get3A_988 = arith.index_cast %get3A_986 : i32 to index
      %get3A_989 = arith.index_cast %get3A_987 : i32 to index
      %get3A_990 = arith.constant 32 : index
      %get3A_991 = tpu.vector_load %arg12[%get3A_988, %get3A_989, %get3A_990] {strides = array<i32>} : memref<2x3x128xi32, #tpu.memory_space<vmem>>, vector<1x1x16xi32>,
      %get3A_992 = vector.shape_cast %get3A_991 : vector<1x1x16xi32> to vector<16xi32>
      %min3A_993 = arith.constant 6 : i32
      %min3A_994 = vector.broadcast %min3A_993 : i32 to vector<16xi32>
      %min3A_995 = arith.minsi %get3A_992, %min3A_994 : vector<16xi32>
      %get3A_996 = arith.constant 0 : i32
      %get3A_997 = arith.constant 2 : i32
      %get3A_998 = arith.index_cast %get3A_996 : i32 to index
      %get3A_999 = arith.index_cast %get3A_997 : i32 to index
      %get3A_1000 = arith.constant 32 : index
      %get3A_1001 = tpu.vector_load %arg12[%get3A_998, %get3A_999, %get3A_1000] {strides = array<i32>} : memref<2x3x128xi32, #tpu.memory_space<vmem>>, vector<1x1x16xi32>,
      %get3A_1002 = vector.shape_cast %get3A_1001 : vector<1x1x16xi32> to vector<16xi32>
      %min3A_1003 = arith.constant 2 : i32
      %min3A_1004 = vector.broadcast %min3A_1003 : i32 to vector<16xi32>
      %min3A_1005 = arith.minsi %get3A_1002, %min3A_1004 : vector<16xi32>
      %mul3A_1006 = arith.constant 21 : i32
      %mul3A_1007 = vector.broadcast %mul3A_1006 : i32 to vector<16xi32>
      %mul3A_1008 = arith.muli %min3A_985, %mul3A_1007 : vector<16xi32>
      %mul3A_1009 = arith.constant 3 : i32
      %mul3A_1010 = vector.broadcast %mul3A_1009 : i32 to vector<16xi32>
      %mul3A_1011 = arith.muli %min3A_995, %mul3A_1010 : vector<16xi32>
      %add3A_1012 = arith.addi %mul3A_1008, %mul3A_1011 : vector<16xi32>
      %add3A_1013 = arith.addi %add3A_1012, %min3A_1005 : vector<16xi32>
      %swap3A_1014 = arith.constant 2 : i32
      %swap3A_1015 = arith.index_cast %swap3A_1014 : i32 to index
      %swap3A_1016 = arith.constant 32 : index
      %swap3A_1017 = tpu.vector_load %arg13[%swap3A_1015, %swap3A_1016] {strides = array<i32>} : memref<3x128xi32, #tpu.memory_space<vmem>>, vector<1x16xi32>,
      %swap3A_1018 = vector.shape_cast %swap3A_1017 : vector<1x16xi32> to vector<16xi32>
      %swap3A_1019 = vector.shape_cast %add3A_1013 : vector<16xi32> to vector<1x16xi32>
      tpu.vector_store %arg13[%swap3A_1015, %swap3A_1016], %swap3A_1019 {strides = array<i32>} : memref<3x128xi32, #tpu.memory_space<vmem>>, vector<1x16xi32>,
      %get3A_1020 = arith.constant 0 : i32
      %get3A_1021 = arith.constant 0 : i32
      %get3A_1022 = arith.index_cast %get3A_1020 : i32 to index
      %get3A_1023 = arith.index_cast %get3A_1021 : i32 to index
      %get3A_1024 = arith.constant 48 : index
      %get3A_1025 = tpu.vector_load %arg12[%get3A_1022, %get3A_1023, %get3A_1024] {strides = array<i32>} : memref<2x3x128xi32, #tpu.memory_space<vmem>>, vector<1x1x16xi32>,
      %get3A_1026 = vector.shape_cast %get3A_1025 : vector<1x1x16xi32> to vector<16xi32>
      %min3A_1027 = arith.constant 5 : i32
      %min3A_1028 = vector.broadcast %min3A_1027 : i32 to vector<16xi32>
      %min3A_1029 = arith.minsi %get3A_1026, %min3A_1028 : vector<16xi32>
      %get3A_1030 = arith.constant 0 : i32
      %get3A_1031 = arith.constant 1 : i32
      %get3A_1032 = arith.index_cast %get3A_1030 : i32 to index
      %get3A_1033 = arith.index_cast %get3A_1031 : i32 to index
      %get3A_1034 = arith.constant 48 : index
      %get3A_1035 = tpu.vector_load %arg12[%get3A_1032, %get3A_1033, %get3A_1034] {strides = array<i32>} : memref<2x3x128xi32, #tpu.memory_space<vmem>>, vector<1x1x16xi32>,
      %get3A_1036 = vector.shape_cast %get3A_1035 : vector<1x1x16xi32> to vector<16xi32>
      %min3A_1037 = arith.constant 6 : i32
      %min3A_1038 = vector.broadcast %min3A_1037 : i32 to vector<16xi32>
      %min3A_1039 = arith.minsi %get3A_1036, %min3A_1038 : vector<16xi32>
      %get3A_1040 = arith.constant 0 : i32
      %get3A_1041 = arith.constant 2 : i32
      %get3A_1042 = arith.index_cast %get3A_1040 : i32 to index
      %get3A_1043 = arith.index_cast %get3A_1041 : i32 to index
      %get3A_1044 = arith.constant 48 : index
      %get3A_1045 = tpu.vector_load %arg12[%get3A_1042, %get3A_1043, %get3A_1044] {strides = array<i32>} : memref<2x3x128xi32, #tpu.memory_space<vmem>>, vector<1x1x16xi32>,
      %get3A_1046 = vector.shape_cast %get3A_1045 : vector<1x1x16xi32> to vector<16xi32>
      %min3A_1047 = arith.constant 2 : i32
      %min3A_1048 = vector.broadcast %min3A_1047 : i32 to vector<16xi32>
      %min3A_1049 = arith.minsi %get3A_1046, %min3A_1048 : vector<16xi32>
      %mul3A_1050 = arith.constant 21 : i32
      %mul3A_1051 = vector.broadcast %mul3A_1050 : i32 to vector<16xi32>
      %mul3A_1052 = arith.muli %min3A_1029, %mul3A_1051 : vector<16xi32>
      %mul3A_1053 = arith.constant 3 : i32
      %mul3A_1054 = vector.broadcast %mul3A_1053 : i32 to vector<16xi32>
      %mul3A_1055 = arith.muli %min3A_1039, %mul3A_1054 : vector<16xi32>
      %add3A_1056 = arith.addi %mul3A_1052, %mul3A_1055 : vector<16xi32>
      %add3A_1057 = arith.addi %add3A_1056, %min3A_1049 : vector<16xi32>
      %swap3A_1058 = arith.constant 2 : i32
      %swap3A_1059 = arith.index_cast %swap3A_1058 : i32 to index
      %swap3A_1060 = arith.constant 48 : index
      %swap3A_1061 = tpu.vector_load %arg13[%swap3A_1059, %swap3A_1060] {strides = array<i32>} : memref<3x128xi32, #tpu.memory_space<vmem>>, vector<1x16xi32>,
      %swap3A_1062 = vector.shape_cast %swap3A_1061 : vector<1x16xi32> to vector<16xi32>
      %swap3A_1063 = vector.shape_cast %add3A_1057 : vector<16xi32> to vector<1x16xi32>
      tpu.vector_store %arg13[%swap3A_1059, %swap3A_1060], %swap3A_1063 {strides = array<i32>} : memref<3x128xi32, #tpu.memory_space<vmem>>, vector<1x16xi32>,
      %get3A_1064 = arith.constant 0 : i32
      %get3A_1065 = arith.constant 0 : i32
      %get3A_1066 = arith.index_cast %get3A_1064 : i32 to index
      %get3A_1067 = arith.index_cast %get3A_1065 : i32 to index
      %get3A_1068 = arith.constant 64 : index
      %get3A_1069 = tpu.vector_load %arg12[%get3A_1066, %get3A_1067, %get3A_1068] {strides = array<i32>} : memref<2x3x128xi32, #tpu.memory_space<vmem>>, vector<1x1x16xi32>,
      %get3A_1070 = vector.shape_cast %get3A_1069 : vector<1x1x16xi32> to vector<16xi32>
      %min3A_1071 = arith.constant 5 : i32
      %min3A_1072 = vector.broadcast %min3A_1071 : i32 to vector<16xi32>
      %min3A_1073 = arith.minsi %get3A_1070, %min3A_1072 : vector<16xi32>
      %get3A_1074 = arith.constant 0 : i32
      %get3A_1075 = arith.constant 1 : i32
      %get3A_1076 = arith.index_cast %get3A_1074 : i32 to index
      %get3A_1077 = arith.index_cast %get3A_1075 : i32 to index
      %get3A_1078 = arith.constant 64 : index
      %get3A_1079 = tpu.vector_load %arg12[%get3A_1076, %get3A_1077, %get3A_1078] {strides = array<i32>} : memref<2x3x128xi32, #tpu.memory_space<vmem>>, vector<1x1x16xi32>,
      %get3A_1080 = vector.shape_cast %get3A_1079 : vector<1x1x16xi32> to vector<16xi32>
      %min3A_1081 = arith.constant 6 : i32
      %min3A_1082 = vector.broadcast %min3A_1081 : i32 to vector<16xi32>
      %min3A_1083 = arith.minsi %get3A_1080, %min3A_1082 : vector<16xi32>
      %get3A_1084 = arith.constant 0 : i32
      %get3A_1085 = arith.constant 2 : i32
      %get3A_1086 = arith.index_cast %get3A_1084 : i32 to index
      %get3A_1087 = arith.index_cast %get3A_1085 : i32 to index
      %get3A_1088 = arith.constant 64 : index
      %get3A_1089 = tpu.vector_load %arg12[%get3A_1086, %get3A_1087, %get3A_1088] {strides = array<i32>} : memref<2x3x128xi32, #tpu.memory_space<vmem>>, vector<1x1x16xi32>,
      %get3A_1090 = vector.shape_cast %get3A_1089 : vector<1x1x16xi32> to vector<16xi32>
      %min3A_1091 = arith.constant 2 : i32
      %min3A_1092 = vector.broadcast %min3A_1091 : i32 to vector<16xi32>
      %min3A_1093 = arith.minsi %get3A_1090, %min3A_1092 : vector<16xi32>
      %mul3A_1094 = arith.constant 21 : i32
      %mul3A_1095 = vector.broadcast %mul3A_1094 : i32 to vector<16xi32>
      %mul3A_1096 = arith.muli %min3A_1073, %mul3A_1095 : vector<16xi32>
      %mul3A_1097 = arith.constant 3 : i32
      %mul3A_1098 = vector.broadcast %mul3A_1097 : i32 to vector<16xi32>
      %mul3A_1099 = arith.muli %min3A_1083, %mul3A_1098 : vector<16xi32>
      %add3A_1100 = arith.addi %mul3A_1096, %mul3A_1099 : vector<16xi32>
      %add3A_1101 = arith.addi %add3A_1100, %min3A_1093 : vector<16xi32>
      %swap3A_1102 = arith.constant 2 : i32
      %swap3A_1103 = arith.index_cast %swap3A_1102 : i32 to index
      %swap3A_1104 = arith.constant 64 : index
      %swap3A_1105 = tpu.vector_load %arg13[%swap3A_1103, %swap3A_1104] {strides = array<i32>} : memref<3x128xi32, #tpu.memory_space<vmem>>, vector<1x16xi32>,
      %swap3A_1106 = vector.shape_cast %swap3A_1105 : vector<1x16xi32> to vector<16xi32>
      %swap3A_1107 = vector.shape_cast %add3A_1101 : vector<16xi32> to vector<1x16xi32>
      tpu.vector_store %arg13[%swap3A_1103, %swap3A_1104], %swap3A_1107 {strides = array<i32>} : memref<3x128xi32, #tpu.memory_space<vmem>>, vector<1x16xi32>,
      %get3A_1108 = arith.constant 0 : i32
      %get3A_1109 = arith.constant 0 : i32
      %get3A_1110 = arith.index_cast %get3A_1108 : i32 to index
      %get3A_1111 = arith.index_cast %get3A_1109 : i32 to index
      %get3A_1112 = arith.constant 80 : index
      %get3A_1113 = tpu.vector_load %arg12[%get3A_1110, %get3A_1111, %get3A_1112] {strides = array<i32>} : memref<2x3x128xi32, #tpu.memory_space<vmem>>, vector<1x1x16xi32>,
      %get3A_1114 = vector.shape_cast %get3A_1113 : vector<1x1x16xi32> to vector<16xi32>
      %min3A_1115 = arith.constant 5 : i32
      %min3A_1116 = vector.broadcast %min3A_1115 : i32 to vector<16xi32>
      %min3A_1117 = arith.minsi %get3A_1114, %min3A_1116 : vector<16xi32>
      %get3A_1118 = arith.constant 0 : i32
      %get3A_1119 = arith.constant 1 : i32
      %get3A_1120 = arith.index_cast %get3A_1118 : i32 to index
      %get3A_1121 = arith.index_cast %get3A_1119 : i32 to index
      %get3A_1122 = arith.constant 80 : index
      %get3A_1123 = tpu.vector_load %arg12[%get3A_1120, %get3A_1121, %get3A_1122] {strides = array<i32>} : memref<2x3x128xi32, #tpu.memory_space<vmem>>, vector<1x1x16xi32>,
      %get3A_1124 = vector.shape_cast %get3A_1123 : vector<1x1x16xi32> to vector<16xi32>
      %min3A_1125 = arith.constant 6 : i32
      %min3A_1126 = vector.broadcast %min3A_1125 : i32 to vector<16xi32>
      %min3A_1127 = arith.minsi %get3A_1124, %min3A_1126 : vector<16xi32>
      %get3A_1128 = arith.constant 0 : i32
      %get3A_1129 = arith.constant 2 : i32
      %get3A_1130 = arith.index_cast %get3A_1128 : i32 to index
      %get3A_1131 = arith.index_cast %get3A_1129 : i32 to index
      %get3A_1132 = arith.constant 80 : index
      %get3A_1133 = tpu.vector_load %arg12[%get3A_1130, %get3A_1131, %get3A_1132] {strides = array<i32>} : memref<2x3x128xi32, #tpu.memory_space<vmem>>, vector<1x1x16xi32>,
      %get3A_1134 = vector.shape_cast %get3A_1133 : vector<1x1x16xi32> to vector<16xi32>
      %min3A_1135 = arith.constant 2 : i32
      %min3A_1136 = vector.broadcast %min3A_1135 : i32 to vector<16xi32>
      %min3A_1137 = arith.minsi %get3A_1134, %min3A_1136 : vector<16xi32>
      %mul3A_1138 = arith.constant 21 : i32
      %mul3A_1139 = vector.broadcast %mul3A_1138 : i32 to vector<16xi32>
      %mul3A_1140 = arith.muli %min3A_1117, %mul3A_1139 : vector<16xi32>
      %mul3A_1141 = arith.constant 3 : i32
      %mul3A_1142 = vector.broadcast %mul3A_1141 : i32 to vector<16xi32>
      %mul3A_1143 = arith.muli %min3A_1127, %mul3A_1142 : vector<16xi32>
      %add3A_1144 = arith.addi %mul3A_1140, %mul3A_1143 : vector<16xi32>
      %add3A_1145 = arith.addi %add3A_1144, %min3A_1137 : vector<16xi32>
      %swap3A_1146 = arith.constant 2 : i32
      %swap3A_1147 = arith.index_cast %swap3A_1146 : i32 to index
      %swap3A_1148 = arith.constant 80 : index
      %swap3A_1149 = tpu.vector_load %arg13[%swap3A_1147, %swap3A_1148] {strides = array<i32>} : memref<3x128xi32, #tpu.memory_space<vmem>>, vector<1x16xi32>,
      %swap3A_1150 = vector.shape_cast %swap3A_1149 : vector<1x16xi32> to vector<16xi32>
      %swap3A_1151 = vector.shape_cast %add3A_1145 : vector<16xi32> to vector<1x16xi32>
      tpu.vector_store %arg13[%swap3A_1147, %swap3A_1148], %swap3A_1151 {strides = array<i32>} : memref<3x128xi32, #tpu.memory_space<vmem>>, vector<1x16xi32>,
      %get3A_1152 = arith.constant 0 : i32
      %get3A_1153 = arith.constant 0 : i32
      %get3A_1154 = arith.index_cast %get3A_1152 : i32 to index
      %get3A_1155 = arith.index_cast %get3A_1153 : i32 to index
      %get3A_1156 = arith.constant 96 : index
      %get3A_1157 = tpu.vector_load %arg12[%get3A_1154, %get3A_1155, %get3A_1156] {strides = array<i32>} : memref<2x3x128xi32, #tpu.memory_space<vmem>>, vector<1x1x16xi32>,
      %get3A_1158 = vector.shape_cast %get3A_1157 : vector<1x1x16xi32> to vector<16xi32>
      %min3A_1159 = arith.constant 5 : i32
      %min3A_1160 = vector.broadcast %min3A_1159 : i32 to vector<16xi32>
      %min3A_1161 = arith.minsi %get3A_1158, %min3A_1160 : vector<16xi32>
      %get3A_1162 = arith.constant 0 : i32
      %get3A_1163 = arith.constant 1 : i32
      %get3A_1164 = arith.index_cast %get3A_1162 : i32 to index
      %get3A_1165 = arith.index_cast %get3A_1163 : i32 to index
      %get3A_1166 = arith.constant 96 : index
      %get3A_1167 = tpu.vector_load %arg12[%get3A_1164, %get3A_1165, %get3A_1166] {strides = array<i32>} : memref<2x3x128xi32, #tpu.memory_space<vmem>>, vector<1x1x16xi32>,
      %get3A_1168 = vector.shape_cast %get3A_1167 : vector<1x1x16xi32> to vector<16xi32>
      %min3A_1169 = arith.constant 6 : i32
      %min3A_1170 = vector.broadcast %min3A_1169 : i32 to vector<16xi32>
      %min3A_1171 = arith.minsi %get3A_1168, %min3A_1170 : vector<16xi32>
      %get3A_1172 = arith.constant 0 : i32
      %get3A_1173 = arith.constant 2 : i32
      %get3A_1174 = arith.index_cast %get3A_1172 : i32 to index
      %get3A_1175 = arith.index_cast %get3A_1173 : i32 to index
      %get3A_1176 = arith.constant 96 : index
      %get3A_1177 = tpu.vector_load %arg12[%get3A_1174, %get3A_1175, %get3A_1176] {strides = array<i32>} : memref<2x3x128xi32, #tpu.memory_space<vmem>>, vector<1x1x16xi32>,
      %get3A_1178 = vector.shape_cast %get3A_1177 : vector<1x1x16xi32> to vector<16xi32>
      %min3A_1179 = arith.constant 2 : i32
      %min3A_1180 = vector.broadcast %min3A_1179 : i32 to vector<16xi32>
      %min3A_1181 = arith.minsi %get3A_1178, %min3A_1180 : vector<16xi32>
      %mul3A_1182 = arith.constant 21 : i32
      %mul3A_1183 = vector.broadcast %mul3A_1182 : i32 to vector<16xi32>
      %mul3A_1184 = arith.muli %min3A_1161, %mul3A_1183 : vector<16xi32>
      %mul3A_1185 = arith.constant 3 : i32
      %mul3A_1186 = vector.broadcast %mul3A_1185 : i32 to vector<16xi32>
      %mul3A_1187 = arith.muli %min3A_1171, %mul3A_1186 : vector<16xi32>
      %add3A_1188 = arith.addi %mul3A_1184, %mul3A_1187 : vector<16xi32>
      %add3A_1189 = arith.addi %add3A_1188, %min3A_1181 : vector<16xi32>
      %swap3A_1190 = arith.constant 2 : i32
      %swap3A_1191 = arith.index_cast %swap3A_1190 : i32 to index
      %swap3A_1192 = arith.constant 96 : index
      %swap3A_1193 = tpu.vector_load %arg13[%swap3A_1191, %swap3A_1192] {strides = array<i32>} : memref<3x128xi32, #tpu.memory_space<vmem>>, vector<1x16xi32>,
      %swap3A_1194 = vector.shape_cast %swap3A_1193 : vector<1x16xi32> to vector<16xi32>
      %swap3A_1195 = vector.shape_cast %add3A_1189 : vector<16xi32> to vector<1x16xi32>
      tpu.vector_store %arg13[%swap3A_1191, %swap3A_1192], %swap3A_1195 {strides = array<i32>} : memref<3x128xi32, #tpu.memory_space<vmem>>, vector<1x16xi32>,
      %get3A_1196 = arith.constant 0 : i32
      %get3A_1197 = arith.constant 0 : i32
      %get3A_1198 = arith.index_cast %get3A_1196 : i32 to index
      %get3A_1199 = arith.index_cast %get3A_1197 : i32 to index
      %get3A_1200 = arith.constant 112 : index
      %get3A_1201 = tpu.vector_load %arg12[%get3A_1198, %get3A_1199, %get3A_1200] {strides = array<i32>} : memref<2x3x128xi32, #tpu.memory_space<vmem>>, vector<1x1x16xi32>,
      %get3A_1202 = vector.shape_cast %get3A_1201 : vector<1x1x16xi32> to vector<16xi32>
      %min3A_1203 = arith.constant 5 : i32
      %min3A_1204 = vector.broadcast %min3A_1203 : i32 to vector<16xi32>
      %min3A_1205 = arith.minsi %get3A_1202, %min3A_1204 : vector<16xi32>
      %get3A_1206 = arith.constant 0 : i32
      %get3A_1207 = arith.constant 1 : i32
      %get3A_1208 = arith.index_cast %get3A_1206 : i32 to index
      %get3A_1209 = arith.index_cast %get3A_1207 : i32 to index
      %get3A_1210 = arith.constant 112 : index
      %get3A_1211 = tpu.vector_load %arg12[%get3A_1208, %get3A_1209, %get3A_1210] {strides = array<i32>} : memref<2x3x128xi32, #tpu.memory_space<vmem>>, vector<1x1x16xi32>,
      %get3A_1212 = vector.shape_cast %get3A_1211 : vector<1x1x16xi32> to vector<16xi32>
      %min3A_1213 = arith.constant 6 : i32
      %min3A_1214 = vector.broadcast %min3A_1213 : i32 to vector<16xi32>
      %min3A_1215 = arith.minsi %get3A_1212, %min3A_1214 : vector<16xi32>
      %get3A_1216 = arith.constant 0 : i32
      %get3A_1217 = arith.constant 2 : i32
      %get3A_1218 = arith.index_cast %get3A_1216 : i32 to index
      %get3A_1219 = arith.index_cast %get3A_1217 : i32 to index
      %get3A_1220 = arith.constant 112 : index
      %get3A_1221 = tpu.vector_load %arg12[%get3A_1218, %get3A_1219, %get3A_1220] {strides = array<i32>} : memref<2x3x128xi32, #tpu.memory_space<vmem>>, vector<1x1x16xi32>,
      %get3A_1222 = vector.shape_cast %get3A_1221 : vector<1x1x16xi32> to vector<16xi32>
      %min3A_1223 = arith.constant 2 : i32
      %min3A_1224 = vector.broadcast %min3A_1223 : i32 to vector<16xi32>
      %min3A_1225 = arith.minsi %get3A_1222, %min3A_1224 : vector<16xi32>
      %mul3A_1226 = arith.constant 21 : i32
      %mul3A_1227 = vector.broadcast %mul3A_1226 : i32 to vector<16xi32>
      %mul3A_1228 = arith.muli %min3A_1205, %mul3A_1227 : vector<16xi32>
      %mul3A_1229 = arith.constant 3 : i32
      %mul3A_1230 = vector.broadcast %mul3A_1229 : i32 to vector<16xi32>
      %mul3A_1231 = arith.muli %min3A_1215, %mul3A_1230 : vector<16xi32>
      %add3A_1232 = arith.addi %mul3A_1228, %mul3A_1231 : vector<16xi32>
      %add3A_1233 = arith.addi %add3A_1232, %min3A_1225 : vector<16xi32>
      %swap3A_1234 = arith.constant 2 : i32
      %swap3A_1235 = arith.index_cast %swap3A_1234 : i32 to index
      %swap3A_1236 = arith.constant 112 : index
      %swap3A_1237 = tpu.vector_load %arg13[%swap3A_1235, %swap3A_1236] {strides = array<i32>} : memref<3x128xi32, #tpu.memory_space<vmem>>, vector<1x16xi32>,
      %swap3A_1238 = vector.shape_cast %swap3A_1237 : vector<1x16xi32> to vector<16xi32>
      %swap3A_1239 = vector.shape_cast %add3A_1233 : vector<16xi32> to vector<1x16xi32>
      tpu.vector_store %arg13[%swap3A_1235, %swap3A_1236], %swap3A_1239 {strides = array<i32>} : memref<3x128xi32, #tpu.memory_space<vmem>>, vector<1x16xi32>,
      %lt3A_1240 = arith.constant 77 : i32
      %lt3A_1241 = arith.cmpi slt, %add3A_866, %lt3A_1240 : i32
      %convert_element_type3A_1242 = arith.extui %lt3A_1241 : i1 to i32
      %cond3A_1243 = arith.constant 0 : i32
      %cond3A_1244 = arith.cmpi ne, %convert_element_type3A_1242, %cond3A_1243 : i32
      scf.if %cond3A_1244 {
        %add3A_2502 = arith.constant 1 : i32
        %add3A_2503 = arith.addi %add3A_866, %add3A_2502 : i32
        %mul3A_2504 = arith.constant 32 : i32
        %mul3A_2505 = arith.muli %add3A_2503, %mul3A_2504 : i32
        %add3A_2506 = arith.addi %mul3A_2505, %add3A : i32
        %dma_start3A_2507 = arith.constant 1 : i32
        %dma_start3A_2508 = arith.constant 0 : i32
        %dma_start3A_2509 = arith.constant 0 : i32
        %dma_start3A_2510 = tpu.memref_slice %arg12[%dma_start3A_2507, %dma_start3A_2508, %dma_start3A_2509] : memref<2x3x128xi32, #tpu.memory_space<vmem>> -> memref<1x3x128xi32, #tpu.memory_space<vmem>>
        %dma_start3A_2511 = tpu.memref_squeeze %dma_start3A_2510 : memref<1x3x128xi32, #tpu.memory_space<vmem>> -> memref<3x128xi32, #tpu.memory_space<vmem>>
        %dma_start3A_2512 = arith.constant 0 : i32
        %dma_start3A_2513 = arith.constant 0 : i32
        %dma_start3A_2514 = tpu.memref_slice %arg2[%add3A_2506, %dma_start3A_2512, %dma_start3A_2513] : memref<2500x3x128xi32, #tpu.memory_space<hbm>> -> memref<1x3x128xi32, #tpu.memory_space<hbm>>
        %dma_start3A_2515 = tpu.memref_squeeze %dma_start3A_2514 : memref<1x3x128xi32, #tpu.memory_space<hbm>> -> memref<3x128xi32, #tpu.memory_space<hbm>>
        %dma_start3A_2516 = arith.constant 0 : i32
        %dma_start3A_2517 = arith.constant 0 : i32
        %dma_start3A_2518 = tpu.memref_slice %arg12[%dma_start3A_2507, %dma_start3A_2516, %dma_start3A_2517] : memref<2x3x128xi32, #tpu.memory_space<vmem>> -> memref<1x3x128xi32, #tpu.memory_space<vmem>>
        %dma_start3A_2519 = tpu.memref_squeeze %dma_start3A_2518 : memref<1x3x128xi32, #tpu.memory_space<vmem>> -> memref<3x128xi32, #tpu.memory_space<vmem>>
        %dma_start3A_2520 = arith.constant 0 : i32
        %dma_start3A_2521 = arith.constant 0 : i32
        %dma_start3A_2522 = tpu.memref_slice %arg2[%add3A_2506, %dma_start3A_2520, %dma_start3A_2521] : memref<2500x3x128xi32, #tpu.memory_space<hbm>> -> memref<1x3x128xi32, #tpu.memory_space<hbm>>
        %dma_start3A_2523 = tpu.memref_squeeze %dma_start3A_2522 : memref<1x3x128xi32, #tpu.memory_space<hbm>> -> memref<3x128xi32, #tpu.memory_space<hbm>>
        tpu.enqueue_dma source(%dma_start3A_2523 : memref<3x128xi32, #tpu.memory_space<hbm>>) target(%dma_start3A_2519 : memref<3x128xi32, #tpu.memory_space<vmem>>) target_semaphore(%arg17 : memref<!tpu.dma_semaphore, #tpu.memory_space<semaphore_mem>>)
      } else {
      }
      %ge3A_1245 = arith.constant 1 : i32
      %ge3A_1246 = arith.cmpi sge, %scan3A_59, %ge3A_1245 : i32
      %convert_element_type3A_1247 = arith.extui %ge3A_1246 : i1 to i32
      %cond3A_1248 = arith.constant 0 : i32
      %cond3A_1249 = arith.cmpi ne, %convert_element_type3A_1247, %cond3A_1248 : i32
      scf.if %cond3A_1249 {
        %dma_wait3A_2502 = arith.constant 0 : i32
        %dma_wait3A_2503 = arith.constant 0 : i32
        %dma_wait3A_2504 = tpu.memref_slice %arg6[%dma_wait3A_2502, %dma_wait3A_2503] : memref<320000x128xf32, #tpu.memory_space<hbm>> -> memref<128x128xf32, #tpu.memory_space<hbm>>
        %dma_wait3A_2505 = arith.constant 0 : i32
        %dma_wait3A_2506 = arith.constant 0 : i32
        %dma_wait3A_2507 = tpu.memref_slice %arg6[%dma_wait3A_2505, %dma_wait3A_2506] : memref<320000x128xf32, #tpu.memory_space<hbm>> -> memref<128x128xf32, #tpu.memory_space<hbm>>
        tpu.wait_dma2 semaphore(%arg23 : memref<!tpu.dma_semaphore, #tpu.memory_space<semaphore_mem>>) src(%arg16 : memref<128x128xf32, #tpu.memory_space<vmem>>) dst(%dma_wait3A_2507 : memref<128x128xf32, #tpu.memory_space<hbm>>)
      } else {
      }
      %dma_start3A_1250 = arith.constant 2 : i32
      %dma_start3A_1251 = arith.constant 0 : i32
      %dma_start3A_1252 = tpu.memref_slice %arg13[%dma_start3A_1250, %dma_start3A_1251] : memref<3x128xi32, #tpu.memory_space<vmem>> -> memref<1x128xi32, #tpu.memory_space<vmem>>
      %dma_start3A_1253 = tpu.memref_squeeze %dma_start3A_1252 : memref<1x128xi32, #tpu.memory_space<vmem>> -> memref<128xi32, #tpu.memory_space<vmem>>
      %dma_start3A_1254 = arith.constant 0 : i32
      %dma_start3A_1255 = arith.constant 0 : i32
      %dma_start3A_1256 = tpu.memref_slice %arg11[%dma_start3A_1254, %dma_start3A_1255] : memref<126x128xf32, #tpu.memory_space<vmem_shared>> -> memref<126x128xf32, #tpu.memory_space<vmem_shared>>
      tpu.enqueue_indirect_dma source(%dma_start3A_1256 : memref<126x128xf32, #tpu.memory_space<vmem_shared>>) target(%arg16 : memref<128x128xf32, #tpu.memory_space<vmem>>) offsets(%dma_start3A_1253 : memref<128xi32, #tpu.memory_space<vmem>>) semaphore(%arg20 : memref<!tpu.dma_semaphore, #tpu.memory_space<semaphore_mem>>)
      %dma_wait3A_1257 = arith.constant 1 : i32
      %dma_wait3A_1258 = arith.constant 0 : i32
      %dma_wait3A_1259 = tpu.memref_slice %arg13[%dma_wait3A_1257, %dma_wait3A_1258] : memref<3x128xi32, #tpu.memory_space<vmem>> -> memref<1x128xi32, #tpu.memory_space<vmem>>
      %dma_wait3A_1260 = tpu.memref_squeeze %dma_wait3A_1259 : memref<1x128xi32, #tpu.memory_space<vmem>> -> memref<128xi32, #tpu.memory_space<vmem>>
      %dma_wait3A_1261 = arith.constant 0 : i32
      %dma_wait3A_1262 = arith.constant 0 : i32
      %dma_wait3A_1263 = tpu.memref_slice %arg11[%dma_wait3A_1261, %dma_wait3A_1262] : memref<126x128xf32, #tpu.memory_space<vmem_shared>> -> memref<126x128xf32, #tpu.memory_space<vmem_shared>>
      tpu.wait_indirect_dma semaphore(%arg19 : memref<!tpu.dma_semaphore, #tpu.memory_space<semaphore_mem>>) src(%dma_wait3A_1263 : memref<126x128xf32, #tpu.memory_space<vmem_shared>>) dst(%arg15 : memref<128x128xf32, #tpu.memory_space<vmem>>)
      %sub3A_1264 = arith.constant 32 : i32
      %sub3A_1265 = arith.subi %add3A_869, %sub3A_1264 : i32
      %mul3A_1266 = arith.constant 128 : i32
      %mul3A_1267 = arith.muli %sub3A_1265, %mul3A_1266 : i32
      %dma_start3A_1268 = arith.constant 0 : i32
      %dma_start3A_1269 = tpu.memref_slice %arg6[%mul3A_1267, %dma_start3A_1268] : memref<320000x128xf32, #tpu.memory_space<hbm>> -> memref<128x128xf32, #tpu.memory_space<hbm>>
      %dma_start3A_1270 = arith.constant 0 : i32
      %dma_start3A_1271 = tpu.memref_slice %arg6[%mul3A_1267, %dma_start3A_1270] : memref<320000x128xf32, #tpu.memory_space<hbm>> -> memref<128x128xf32, #tpu.memory_space<hbm>>
      tpu.enqueue_dma source(%arg15 : memref<128x128xf32, #tpu.memory_space<vmem>>) target(%dma_start3A_1271 : memref<128x128xf32, #tpu.memory_space<hbm>>) target_semaphore(%arg22 : memref<!tpu.dma_semaphore, #tpu.memory_space<semaphore_mem>>)
      %mul3A_1272 = arith.constant 6 : i32
      %mul3A_1273 = arith.muli %scan3A_59, %mul3A_1272 : i32
      %add3A_1274 = arith.constant 3 : i32
      %add3A_1275 = arith.addi %mul3A_1273, %add3A_1274 : i32
      %mul3A_1276 = arith.constant 32 : i32
      %mul3A_1277 = arith.muli %add3A_1275, %mul3A_1276 : i32
      %add3A_1278 = arith.addi %mul3A_1277, %add3A : i32
      %dma_wait3A_1279 = arith.constant 0 : i32
      %dma_wait3A_1280 = arith.constant 1 : i32
      %dma_wait3A_1281 = arith.constant 0 : i32
      %dma_wait3A_1282 = arith.constant 0 : i32
      %dma_wait3A_1283 = tpu.memref_slice %arg12[%dma_wait3A_1280, %dma_wait3A_1281, %dma_wait3A_1282] : memref<2x3x128xi32, #tpu.memory_space<vmem>> -> memref<1x3x128xi32, #tpu.memory_space<vmem>>
      %dma_wait3A_1284 = tpu.memref_squeeze %dma_wait3A_1283 : memref<1x3x128xi32, #tpu.memory_space<vmem>> -> memref<3x128xi32, #tpu.memory_space<vmem>>
      %dma_wait3A_1285 = arith.constant 0 : i32
      %dma_wait3A_1286 = arith.constant 0 : i32
      %dma_wait3A_1287 = tpu.memref_slice %arg2[%dma_wait3A_1279, %dma_wait3A_1285, %dma_wait3A_1286] : memref<2500x3x128xi32, #tpu.memory_space<hbm>> -> memref<1x3x128xi32, #tpu.memory_space<hbm>>
      %dma_wait3A_1288 = tpu.memref_squeeze %dma_wait3A_1287 : memref<1x3x128xi32, #tpu.memory_space<hbm>> -> memref<3x128xi32, #tpu.memory_space<hbm>>
      %dma_wait3A_1289 = arith.constant 0 : i32
      %dma_wait3A_1290 = arith.constant 0 : i32
      %dma_wait3A_1291 = tpu.memref_slice %arg12[%dma_wait3A_1280, %dma_wait3A_1289, %dma_wait3A_1290] : memref<2x3x128xi32, #tpu.memory_space<vmem>> -> memref<1x3x128xi32, #tpu.memory_space<vmem>>
      %dma_wait3A_1292 = tpu.memref_squeeze %dma_wait3A_1291 : memref<1x3x128xi32, #tpu.memory_space<vmem>> -> memref<3x128xi32, #tpu.memory_space<vmem>>
      %dma_wait3A_1293 = arith.constant 0 : i32
      %dma_wait3A_1294 = arith.constant 0 : i32
      %dma_wait3A_1295 = tpu.memref_slice %arg2[%dma_wait3A_1279, %dma_wait3A_1293, %dma_wait3A_1294] : memref<2500x3x128xi32, #tpu.memory_space<hbm>> -> memref<1x3x128xi32, #tpu.memory_space<hbm>>
      %dma_wait3A_1296 = tpu.memref_squeeze %dma_wait3A_1295 : memref<1x3x128xi32, #tpu.memory_space<hbm>> -> memref<3x128xi32, #tpu.memory_space<hbm>>
      tpu.wait_dma2 semaphore(%arg17 : memref<!tpu.dma_semaphore, #tpu.memory_space<semaphore_mem>>) src(%dma_wait3A_1296 : memref<3x128xi32, #tpu.memory_space<hbm>>) dst(%dma_wait3A_1292 : memref<3x128xi32, #tpu.memory_space<vmem>>)
      %get3A_1297 = arith.constant 1 : i32
      %get3A_1298 = arith.constant 0 : i32
      %get3A_1299 = arith.index_cast %get3A_1297 : i32 to index
      %get3A_1300 = arith.index_cast %get3A_1298 : i32 to index
      %get3A_1301 = arith.constant 0 : index
      %get3A_1302 = tpu.vector_load %arg12[%get3A_1299, %get3A_1300, %get3A_1301] {strides = array<i32>} : memref<2x3x128xi32, #tpu.memory_space<vmem>>, vector<1x1x16xi32>,
      %get3A_1303 = vector.shape_cast %get3A_1302 : vector<1x1x16xi32> to vector<16xi32>
      %min3A_1304 = arith.constant 5 : i32
      %min3A_1305 = vector.broadcast %min3A_1304 : i32 to vector<16xi32>
      %min3A_1306 = arith.minsi %get3A_1303, %min3A_1305 : vector<16xi32>
      %get3A_1307 = arith.constant 1 : i32
      %get3A_1308 = arith.constant 1 : i32
      %get3A_1309 = arith.index_cast %get3A_1307 : i32 to index
      %get3A_1310 = arith.index_cast %get3A_1308 : i32 to index
      %get3A_1311 = arith.constant 0 : index
      %get3A_1312 = tpu.vector_load %arg12[%get3A_1309, %get3A_1310, %get3A_1311] {strides = array<i32>} : memref<2x3x128xi32, #tpu.memory_space<vmem>>, vector<1x1x16xi32>,
      %get3A_1313 = vector.shape_cast %get3A_1312 : vector<1x1x16xi32> to vector<16xi32>
      %min3A_1314 = arith.constant 6 : i32
      %min3A_1315 = vector.broadcast %min3A_1314 : i32 to vector<16xi32>
      %min3A_1316 = arith.minsi %get3A_1313, %min3A_1315 : vector<16xi32>
      %get3A_1317 = arith.constant 1 : i32
      %get3A_1318 = arith.constant 2 : i32
      %get3A_1319 = arith.index_cast %get3A_1317 : i32 to index
      %get3A_1320 = arith.index_cast %get3A_1318 : i32 to index
      %get3A_1321 = arith.constant 0 : index
      %get3A_1322 = tpu.vector_load %arg12[%get3A_1319, %get3A_1320, %get3A_1321] {strides = array<i32>} : memref<2x3x128xi32, #tpu.memory_space<vmem>>, vector<1x1x16xi32>,
      %get3A_1323 = vector.shape_cast %get3A_1322 : vector<1x1x16xi32> to vector<16xi32>
      %min3A_1324 = arith.constant 2 : i32
      %min3A_1325 = vector.broadcast %min3A_1324 : i32 to vector<16xi32>
      %min3A_1326 = arith.minsi %get3A_1323, %min3A_1325 : vector<16xi32>
      %mul3A_1327 = arith.constant 21 : i32
      %mul3A_1328 = vector.broadcast %mul3A_1327 : i32 to vector<16xi32>
      %mul3A_1329 = arith.muli %min3A_1306, %mul3A_1328 : vector<16xi32>
      %mul3A_1330 = arith.constant 3 : i32
      %mul3A_1331 = vector.broadcast %mul3A_1330 : i32 to vector<16xi32>
      %mul3A_1332 = arith.muli %min3A_1316, %mul3A_1331 : vector<16xi32>
      %add3A_1333 = arith.addi %mul3A_1329, %mul3A_1332 : vector<16xi32>
      %add3A_1334 = arith.addi %add3A_1333, %min3A_1326 : vector<16xi32>
      %swap3A_1335 = arith.constant 0 : i32
      %swap3A_1336 = arith.index_cast %swap3A_1335 : i32 to index
      %swap3A_1337 = arith.constant 0 : index
      %swap3A_1338 = tpu.vector_load %arg13[%swap3A_1336, %swap3A_1337] {strides = array<i32>} : memref<3x128xi32, #tpu.memory_space<vmem>>, vector<1x16xi32>,
      %swap3A_1339 = vector.shape_cast %swap3A_1338 : vector<1x16xi32> to vector<16xi32>
      %swap3A_1340 = vector.shape_cast %add3A_1334 : vector<16xi32> to vector<1x16xi32>
      tpu.vector_store %arg13[%swap3A_1336, %swap3A_1337], %swap3A_1340 {strides = array<i32>} : memref<3x128xi32, #tpu.memory_space<vmem>>, vector<1x16xi32>,
      %get3A_1341 = arith.constant 1 : i32
      %get3A_1342 = arith.constant 0 : i32
      %get3A_1343 = arith.index_cast %get3A_1341 : i32 to index
      %get3A_1344 = arith.index_cast %get3A_1342 : i32 to index
      %get3A_1345 = arith.constant 16 : index
      %get3A_1346 = tpu.vector_load %arg12[%get3A_1343, %get3A_1344, %get3A_1345] {strides = array<i32>} : memref<2x3x128xi32, #tpu.memory_space<vmem>>, vector<1x1x16xi32>,
      %get3A_1347 = vector.shape_cast %get3A_1346 : vector<1x1x16xi32> to vector<16xi32>
      %min3A_1348 = arith.constant 5 : i32
      %min3A_1349 = vector.broadcast %min3A_1348 : i32 to vector<16xi32>
      %min3A_1350 = arith.minsi %get3A_1347, %min3A_1349 : vector<16xi32>
      %get3A_1351 = arith.constant 1 : i32
      %get3A_1352 = arith.constant 1 : i32
      %get3A_1353 = arith.index_cast %get3A_1351 : i32 to index
      %get3A_1354 = arith.index_cast %get3A_1352 : i32 to index
      %get3A_1355 = arith.constant 16 : index
      %get3A_1356 = tpu.vector_load %arg12[%get3A_1353, %get3A_1354, %get3A_1355] {strides = array<i32>} : memref<2x3x128xi32, #tpu.memory_space<vmem>>, vector<1x1x16xi32>,
      %get3A_1357 = vector.shape_cast %get3A_1356 : vector<1x1x16xi32> to vector<16xi32>
      %min3A_1358 = arith.constant 6 : i32
      %min3A_1359 = vector.broadcast %min3A_1358 : i32 to vector<16xi32>
      %min3A_1360 = arith.minsi %get3A_1357, %min3A_1359 : vector<16xi32>
      %get3A_1361 = arith.constant 1 : i32
      %get3A_1362 = arith.constant 2 : i32
      %get3A_1363 = arith.index_cast %get3A_1361 : i32 to index
      %get3A_1364 = arith.index_cast %get3A_1362 : i32 to index
      %get3A_1365 = arith.constant 16 : index
      %get3A_1366 = tpu.vector_load %arg12[%get3A_1363, %get3A_1364, %get3A_1365] {strides = array<i32>} : memref<2x3x128xi32, #tpu.memory_space<vmem>>, vector<1x1x16xi32>,
      %get3A_1367 = vector.shape_cast %get3A_1366 : vector<1x1x16xi32> to vector<16xi32>
      %min3A_1368 = arith.constant 2 : i32
      %min3A_1369 = vector.broadcast %min3A_1368 : i32 to vector<16xi32>
      %min3A_1370 = arith.minsi %get3A_1367, %min3A_1369 : vector<16xi32>
      %mul3A_1371 = arith.constant 21 : i32
      %mul3A_1372 = vector.broadcast %mul3A_1371 : i32 to vector<16xi32>
      %mul3A_1373 = arith.muli %min3A_1350, %mul3A_1372 : vector<16xi32>
      %mul3A_1374 = arith.constant 3 : i32
      %mul3A_1375 = vector.broadcast %mul3A_1374 : i32 to vector<16xi32>
      %mul3A_1376 = arith.muli %min3A_1360, %mul3A_1375 : vector<16xi32>
      %add3A_1377 = arith.addi %mul3A_1373, %mul3A_1376 : vector<16xi32>
      %add3A_1378 = arith.addi %add3A_1377, %min3A_1370 : vector<16xi32>
      %swap3A_1379 = arith.constant 0 : i32
      %swap3A_1380 = arith.index_cast %swap3A_1379 : i32 to index
      %swap3A_1381 = arith.constant 16 : index
      %swap3A_1382 = tpu.vector_load %arg13[%swap3A_1380, %swap3A_1381] {strides = array<i32>} : memref<3x128xi32, #tpu.memory_space<vmem>>, vector<1x16xi32>,
      %swap3A_1383 = vector.shape_cast %swap3A_1382 : vector<1x16xi32> to vector<16xi32>
      %swap3A_1384 = vector.shape_cast %add3A_1378 : vector<16xi32> to vector<1x16xi32>
      tpu.vector_store %arg13[%swap3A_1380, %swap3A_1381], %swap3A_1384 {strides = array<i32>} : memref<3x128xi32, #tpu.memory_space<vmem>>, vector<1x16xi32>,
      %get3A_1385 = arith.constant 1 : i32
      %get3A_1386 = arith.constant 0 : i32
      %get3A_1387 = arith.index_cast %get3A_1385 : i32 to index
      %get3A_1388 = arith.index_cast %get3A_1386 : i32 to index
      %get3A_1389 = arith.constant 32 : index
      %get3A_1390 = tpu.vector_load %arg12[%get3A_1387, %get3A_1388, %get3A_1389] {strides = array<i32>} : memref<2x3x128xi32, #tpu.memory_space<vmem>>, vector<1x1x16xi32>,
      %get3A_1391 = vector.shape_cast %get3A_1390 : vector<1x1x16xi32> to vector<16xi32>
      %min3A_1392 = arith.constant 5 : i32
      %min3A_1393 = vector.broadcast %min3A_1392 : i32 to vector<16xi32>
      %min3A_1394 = arith.minsi %get3A_1391, %min3A_1393 : vector<16xi32>
      %get3A_1395 = arith.constant 1 : i32
      %get3A_1396 = arith.constant 1 : i32
      %get3A_1397 = arith.index_cast %get3A_1395 : i32 to index
      %get3A_1398 = arith.index_cast %get3A_1396 : i32 to index
      %get3A_1399 = arith.constant 32 : index
      %get3A_1400 = tpu.vector_load %arg12[%get3A_1397, %get3A_1398, %get3A_1399] {strides = array<i32>} : memref<2x3x128xi32, #tpu.memory_space<vmem>>, vector<1x1x16xi32>,
      %get3A_1401 = vector.shape_cast %get3A_1400 : vector<1x1x16xi32> to vector<16xi32>
      %min3A_1402 = arith.constant 6 : i32
      %min3A_1403 = vector.broadcast %min3A_1402 : i32 to vector<16xi32>
      %min3A_1404 = arith.minsi %get3A_1401, %min3A_1403 : vector<16xi32>
      %get3A_1405 = arith.constant 1 : i32
      %get3A_1406 = arith.constant 2 : i32
      %get3A_1407 = arith.index_cast %get3A_1405 : i32 to index
      %get3A_1408 = arith.index_cast %get3A_1406 : i32 to index
      %get3A_1409 = arith.constant 32 : index
      %get3A_1410 = tpu.vector_load %arg12[%get3A_1407, %get3A_1408, %get3A_1409] {strides = array<i32>} : memref<2x3x128xi32, #tpu.memory_space<vmem>>, vector<1x1x16xi32>,
      %get3A_1411 = vector.shape_cast %get3A_1410 : vector<1x1x16xi32> to vector<16xi32>
      %min3A_1412 = arith.constant 2 : i32
      %min3A_1413 = vector.broadcast %min3A_1412 : i32 to vector<16xi32>
      %min3A_1414 = arith.minsi %get3A_1411, %min3A_1413 : vector<16xi32>
      %mul3A_1415 = arith.constant 21 : i32
      %mul3A_1416 = vector.broadcast %mul3A_1415 : i32 to vector<16xi32>
      %mul3A_1417 = arith.muli %min3A_1394, %mul3A_1416 : vector<16xi32>
      %mul3A_1418 = arith.constant 3 : i32
      %mul3A_1419 = vector.broadcast %mul3A_1418 : i32 to vector<16xi32>
      %mul3A_1420 = arith.muli %min3A_1404, %mul3A_1419 : vector<16xi32>
      %add3A_1421 = arith.addi %mul3A_1417, %mul3A_1420 : vector<16xi32>
      %add3A_1422 = arith.addi %add3A_1421, %min3A_1414 : vector<16xi32>
      %swap3A_1423 = arith.constant 0 : i32
      %swap3A_1424 = arith.index_cast %swap3A_1423 : i32 to index
      %swap3A_1425 = arith.constant 32 : index
      %swap3A_1426 = tpu.vector_load %arg13[%swap3A_1424, %swap3A_1425] {strides = array<i32>} : memref<3x128xi32, #tpu.memory_space<vmem>>, vector<1x16xi32>,
      %swap3A_1427 = vector.shape_cast %swap3A_1426 : vector<1x16xi32> to vector<16xi32>
      %swap3A_1428 = vector.shape_cast %add3A_1422 : vector<16xi32> to vector<1x16xi32>
      tpu.vector_store %arg13[%swap3A_1424, %swap3A_1425], %swap3A_1428 {strides = array<i32>} : memref<3x128xi32, #tpu.memory_space<vmem>>, vector<1x16xi32>,
      %get3A_1429 = arith.constant 1 : i32
      %get3A_1430 = arith.constant 0 : i32
      %get3A_1431 = arith.index_cast %get3A_1429 : i32 to index
      %get3A_1432 = arith.index_cast %get3A_1430 : i32 to index
      %get3A_1433 = arith.constant 48 : index
      %get3A_1434 = tpu.vector_load %arg12[%get3A_1431, %get3A_1432, %get3A_1433] {strides = array<i32>} : memref<2x3x128xi32, #tpu.memory_space<vmem>>, vector<1x1x16xi32>,
      %get3A_1435 = vector.shape_cast %get3A_1434 : vector<1x1x16xi32> to vector<16xi32>
      %min3A_1436 = arith.constant 5 : i32
      %min3A_1437 = vector.broadcast %min3A_1436 : i32 to vector<16xi32>
      %min3A_1438 = arith.minsi %get3A_1435, %min3A_1437 : vector<16xi32>
      %get3A_1439 = arith.constant 1 : i32
      %get3A_1440 = arith.constant 1 : i32
      %get3A_1441 = arith.index_cast %get3A_1439 : i32 to index
      %get3A_1442 = arith.index_cast %get3A_1440 : i32 to index
      %get3A_1443 = arith.constant 48 : index
      %get3A_1444 = tpu.vector_load %arg12[%get3A_1441, %get3A_1442, %get3A_1443] {strides = array<i32>} : memref<2x3x128xi32, #tpu.memory_space<vmem>>, vector<1x1x16xi32>,
      %get3A_1445 = vector.shape_cast %get3A_1444 : vector<1x1x16xi32> to vector<16xi32>
      %min3A_1446 = arith.constant 6 : i32
      %min3A_1447 = vector.broadcast %min3A_1446 : i32 to vector<16xi32>
      %min3A_1448 = arith.minsi %get3A_1445, %min3A_1447 : vector<16xi32>
      %get3A_1449 = arith.constant 1 : i32
      %get3A_1450 = arith.constant 2 : i32
      %get3A_1451 = arith.index_cast %get3A_1449 : i32 to index
      %get3A_1452 = arith.index_cast %get3A_1450 : i32 to index
      %get3A_1453 = arith.constant 48 : index
      %get3A_1454 = tpu.vector_load %arg12[%get3A_1451, %get3A_1452, %get3A_1453] {strides = array<i32>} : memref<2x3x128xi32, #tpu.memory_space<vmem>>, vector<1x1x16xi32>,
      %get3A_1455 = vector.shape_cast %get3A_1454 : vector<1x1x16xi32> to vector<16xi32>
      %min3A_1456 = arith.constant 2 : i32
      %min3A_1457 = vector.broadcast %min3A_1456 : i32 to vector<16xi32>
      %min3A_1458 = arith.minsi %get3A_1455, %min3A_1457 : vector<16xi32>
      %mul3A_1459 = arith.constant 21 : i32
      %mul3A_1460 = vector.broadcast %mul3A_1459 : i32 to vector<16xi32>
      %mul3A_1461 = arith.muli %min3A_1438, %mul3A_1460 : vector<16xi32>
      %mul3A_1462 = arith.constant 3 : i32
      %mul3A_1463 = vector.broadcast %mul3A_1462 : i32 to vector<16xi32>
      %mul3A_1464 = arith.muli %min3A_1448, %mul3A_1463 : vector<16xi32>
      %add3A_1465 = arith.addi %mul3A_1461, %mul3A_1464 : vector<16xi32>
      %add3A_1466 = arith.addi %add3A_1465, %min3A_1458 : vector<16xi32>
      %swap3A_1467 = arith.constant 0 : i32
      %swap3A_1468 = arith.index_cast %swap3A_1467 : i32 to index
      %swap3A_1469 = arith.constant 48 : index
      %swap3A_1470 = tpu.vector_load %arg13[%swap3A_1468, %swap3A_1469] {strides = array<i32>} : memref<3x128xi32, #tpu.memory_space<vmem>>, vector<1x16xi32>,
      %swap3A_1471 = vector.shape_cast %swap3A_1470 : vector<1x16xi32> to vector<16xi32>
      %swap3A_1472 = vector.shape_cast %add3A_1466 : vector<16xi32> to vector<1x16xi32>
      tpu.vector_store %arg13[%swap3A_1468, %swap3A_1469], %swap3A_1472 {strides = array<i32>} : memref<3x128xi32, #tpu.memory_space<vmem>>, vector<1x16xi32>,
      %get3A_1473 = arith.constant 1 : i32
      %get3A_1474 = arith.constant 0 : i32
      %get3A_1475 = arith.index_cast %get3A_1473 : i32 to index
      %get3A_1476 = arith.index_cast %get3A_1474 : i32 to index
      %get3A_1477 = arith.constant 64 : index
      %get3A_1478 = tpu.vector_load %arg12[%get3A_1475, %get3A_1476, %get3A_1477] {strides = array<i32>} : memref<2x3x128xi32, #tpu.memory_space<vmem>>, vector<1x1x16xi32>,
      %get3A_1479 = vector.shape_cast %get3A_1478 : vector<1x1x16xi32> to vector<16xi32>
      %min3A_1480 = arith.constant 5 : i32
      %min3A_1481 = vector.broadcast %min3A_1480 : i32 to vector<16xi32>
      %min3A_1482 = arith.minsi %get3A_1479, %min3A_1481 : vector<16xi32>
      %get3A_1483 = arith.constant 1 : i32
      %get3A_1484 = arith.constant 1 : i32
      %get3A_1485 = arith.index_cast %get3A_1483 : i32 to index
      %get3A_1486 = arith.index_cast %get3A_1484 : i32 to index
      %get3A_1487 = arith.constant 64 : index
      %get3A_1488 = tpu.vector_load %arg12[%get3A_1485, %get3A_1486, %get3A_1487] {strides = array<i32>} : memref<2x3x128xi32, #tpu.memory_space<vmem>>, vector<1x1x16xi32>,
      %get3A_1489 = vector.shape_cast %get3A_1488 : vector<1x1x16xi32> to vector<16xi32>
      %min3A_1490 = arith.constant 6 : i32
      %min3A_1491 = vector.broadcast %min3A_1490 : i32 to vector<16xi32>
      %min3A_1492 = arith.minsi %get3A_1489, %min3A_1491 : vector<16xi32>
      %get3A_1493 = arith.constant 1 : i32
      %get3A_1494 = arith.constant 2 : i32
      %get3A_1495 = arith.index_cast %get3A_1493 : i32 to index
      %get3A_1496 = arith.index_cast %get3A_1494 : i32 to index
      %get3A_1497 = arith.constant 64 : index
      %get3A_1498 = tpu.vector_load %arg12[%get3A_1495, %get3A_1496, %get3A_1497] {strides = array<i32>} : memref<2x3x128xi32, #tpu.memory_space<vmem>>, vector<1x1x16xi32>,
      %get3A_1499 = vector.shape_cast %get3A_1498 : vector<1x1x16xi32> to vector<16xi32>
      %min3A_1500 = arith.constant 2 : i32
      %min3A_1501 = vector.broadcast %min3A_1500 : i32 to vector<16xi32>
      %min3A_1502 = arith.minsi %get3A_1499, %min3A_1501 : vector<16xi32>
      %mul3A_1503 = arith.constant 21 : i32
      %mul3A_1504 = vector.broadcast %mul3A_1503 : i32 to vector<16xi32>
      %mul3A_1505 = arith.muli %min3A_1482, %mul3A_1504 : vector<16xi32>
      %mul3A_1506 = arith.constant 3 : i32
      %mul3A_1507 = vector.broadcast %mul3A_1506 : i32 to vector<16xi32>
      %mul3A_1508 = arith.muli %min3A_1492, %mul3A_1507 : vector<16xi32>
      %add3A_1509 = arith.addi %mul3A_1505, %mul3A_1508 : vector<16xi32>
      %add3A_1510 = arith.addi %add3A_1509, %min3A_1502 : vector<16xi32>
      %swap3A_1511 = arith.constant 0 : i32
      %swap3A_1512 = arith.index_cast %swap3A_1511 : i32 to index
      %swap3A_1513 = arith.constant 64 : index
      %swap3A_1514 = tpu.vector_load %arg13[%swap3A_1512, %swap3A_1513] {strides = array<i32>} : memref<3x128xi32, #tpu.memory_space<vmem>>, vector<1x16xi32>,
      %swap3A_1515 = vector.shape_cast %swap3A_1514 : vector<1x16xi32> to vector<16xi32>
      %swap3A_1516 = vector.shape_cast %add3A_1510 : vector<16xi32> to vector<1x16xi32>
      tpu.vector_store %arg13[%swap3A_1512, %swap3A_1513], %swap3A_1516 {strides = array<i32>} : memref<3x128xi32, #tpu.memory_space<vmem>>, vector<1x16xi32>,
      %get3A_1517 = arith.constant 1 : i32
      %get3A_1518 = arith.constant 0 : i32
      %get3A_1519 = arith.index_cast %get3A_1517 : i32 to index
      %get3A_1520 = arith.index_cast %get3A_1518 : i32 to index
      %get3A_1521 = arith.constant 80 : index
      %get3A_1522 = tpu.vector_load %arg12[%get3A_1519, %get3A_1520, %get3A_1521] {strides = array<i32>} : memref<2x3x128xi32, #tpu.memory_space<vmem>>, vector<1x1x16xi32>,
      %get3A_1523 = vector.shape_cast %get3A_1522 : vector<1x1x16xi32> to vector<16xi32>
      %min3A_1524 = arith.constant 5 : i32
      %min3A_1525 = vector.broadcast %min3A_1524 : i32 to vector<16xi32>
      %min3A_1526 = arith.minsi %get3A_1523, %min3A_1525 : vector<16xi32>
      %get3A_1527 = arith.constant 1 : i32
      %get3A_1528 = arith.constant 1 : i32
      %get3A_1529 = arith.index_cast %get3A_1527 : i32 to index
      %get3A_1530 = arith.index_cast %get3A_1528 : i32 to index
      %get3A_1531 = arith.constant 80 : index
      %get3A_1532 = tpu.vector_load %arg12[%get3A_1529, %get3A_1530, %get3A_1531] {strides = array<i32>} : memref<2x3x128xi32, #tpu.memory_space<vmem>>, vector<1x1x16xi32>,
      %get3A_1533 = vector.shape_cast %get3A_1532 : vector<1x1x16xi32> to vector<16xi32>
      %min3A_1534 = arith.constant 6 : i32
      %min3A_1535 = vector.broadcast %min3A_1534 : i32 to vector<16xi32>
      %min3A_1536 = arith.minsi %get3A_1533, %min3A_1535 : vector<16xi32>
      %get3A_1537 = arith.constant 1 : i32
      %get3A_1538 = arith.constant 2 : i32
      %get3A_1539 = arith.index_cast %get3A_1537 : i32 to index
      %get3A_1540 = arith.index_cast %get3A_1538 : i32 to index
      %get3A_1541 = arith.constant 80 : index
      %get3A_1542 = tpu.vector_load %arg12[%get3A_1539, %get3A_1540, %get3A_1541] {strides = array<i32>} : memref<2x3x128xi32, #tpu.memory_space<vmem>>, vector<1x1x16xi32>,
      %get3A_1543 = vector.shape_cast %get3A_1542 : vector<1x1x16xi32> to vector<16xi32>
      %min3A_1544 = arith.constant 2 : i32
      %min3A_1545 = vector.broadcast %min3A_1544 : i32 to vector<16xi32>
      %min3A_1546 = arith.minsi %get3A_1543, %min3A_1545 : vector<16xi32>
      %mul3A_1547 = arith.constant 21 : i32
      %mul3A_1548 = vector.broadcast %mul3A_1547 : i32 to vector<16xi32>
      %mul3A_1549 = arith.muli %min3A_1526, %mul3A_1548 : vector<16xi32>
      %mul3A_1550 = arith.constant 3 : i32
      %mul3A_1551 = vector.broadcast %mul3A_1550 : i32 to vector<16xi32>
      %mul3A_1552 = arith.muli %min3A_1536, %mul3A_1551 : vector<16xi32>
      %add3A_1553 = arith.addi %mul3A_1549, %mul3A_1552 : vector<16xi32>
      %add3A_1554 = arith.addi %add3A_1553, %min3A_1546 : vector<16xi32>
      %swap3A_1555 = arith.constant 0 : i32
      %swap3A_1556 = arith.index_cast %swap3A_1555 : i32 to index
      %swap3A_1557 = arith.constant 80 : index
      %swap3A_1558 = tpu.vector_load %arg13[%swap3A_1556, %swap3A_1557] {strides = array<i32>} : memref<3x128xi32, #tpu.memory_space<vmem>>, vector<1x16xi32>,
      %swap3A_1559 = vector.shape_cast %swap3A_1558 : vector<1x16xi32> to vector<16xi32>
      %swap3A_1560 = vector.shape_cast %add3A_1554 : vector<16xi32> to vector<1x16xi32>
      tpu.vector_store %arg13[%swap3A_1556, %swap3A_1557], %swap3A_1560 {strides = array<i32>} : memref<3x128xi32, #tpu.memory_space<vmem>>, vector<1x16xi32>,
      %get3A_1561 = arith.constant 1 : i32
      %get3A_1562 = arith.constant 0 : i32
      %get3A_1563 = arith.index_cast %get3A_1561 : i32 to index
      %get3A_1564 = arith.index_cast %get3A_1562 : i32 to index
      %get3A_1565 = arith.constant 96 : index
      %get3A_1566 = tpu.vector_load %arg12[%get3A_1563, %get3A_1564, %get3A_1565] {strides = array<i32>} : memref<2x3x128xi32, #tpu.memory_space<vmem>>, vector<1x1x16xi32>,
      %get3A_1567 = vector.shape_cast %get3A_1566 : vector<1x1x16xi32> to vector<16xi32>
      %min3A_1568 = arith.constant 5 : i32
      %min3A_1569 = vector.broadcast %min3A_1568 : i32 to vector<16xi32>
      %min3A_1570 = arith.minsi %get3A_1567, %min3A_1569 : vector<16xi32>
      %get3A_1571 = arith.constant 1 : i32
      %get3A_1572 = arith.constant 1 : i32
      %get3A_1573 = arith.index_cast %get3A_1571 : i32 to index
      %get3A_1574 = arith.index_cast %get3A_1572 : i32 to index
      %get3A_1575 = arith.constant 96 : index
      %get3A_1576 = tpu.vector_load %arg12[%get3A_1573, %get3A_1574, %get3A_1575] {strides = array<i32>} : memref<2x3x128xi32, #tpu.memory_space<vmem>>, vector<1x1x16xi32>,
      %get3A_1577 = vector.shape_cast %get3A_1576 : vector<1x1x16xi32> to vector<16xi32>
      %min3A_1578 = arith.constant 6 : i32
      %min3A_1579 = vector.broadcast %min3A_1578 : i32 to vector<16xi32>
      %min3A_1580 = arith.minsi %get3A_1577, %min3A_1579 : vector<16xi32>
      %get3A_1581 = arith.constant 1 : i32
      %get3A_1582 = arith.constant 2 : i32
      %get3A_1583 = arith.index_cast %get3A_1581 : i32 to index
      %get3A_1584 = arith.index_cast %get3A_1582 : i32 to index
      %get3A_1585 = arith.constant 96 : index
      %get3A_1586 = tpu.vector_load %arg12[%get3A_1583, %get3A_1584, %get3A_1585] {strides = array<i32>} : memref<2x3x128xi32, #tpu.memory_space<vmem>>, vector<1x1x16xi32>,
      %get3A_1587 = vector.shape_cast %get3A_1586 : vector<1x1x16xi32> to vector<16xi32>
      %min3A_1588 = arith.constant 2 : i32
      %min3A_1589 = vector.broadcast %min3A_1588 : i32 to vector<16xi32>
      %min3A_1590 = arith.minsi %get3A_1587, %min3A_1589 : vector<16xi32>
      %mul3A_1591 = arith.constant 21 : i32
      %mul3A_1592 = vector.broadcast %mul3A_1591 : i32 to vector<16xi32>
      %mul3A_1593 = arith.muli %min3A_1570, %mul3A_1592 : vector<16xi32>
      %mul3A_1594 = arith.constant 3 : i32
      %mul3A_1595 = vector.broadcast %mul3A_1594 : i32 to vector<16xi32>
      %mul3A_1596 = arith.muli %min3A_1580, %mul3A_1595 : vector<16xi32>
      %add3A_1597 = arith.addi %mul3A_1593, %mul3A_1596 : vector<16xi32>
      %add3A_1598 = arith.addi %add3A_1597, %min3A_1590 : vector<16xi32>
      %swap3A_1599 = arith.constant 0 : i32
      %swap3A_1600 = arith.index_cast %swap3A_1599 : i32 to index
      %swap3A_1601 = arith.constant 96 : index
      %swap3A_1602 = tpu.vector_load %arg13[%swap3A_1600, %swap3A_1601] {strides = array<i32>} : memref<3x128xi32, #tpu.memory_space<vmem>>, vector<1x16xi32>,
      %swap3A_1603 = vector.shape_cast %swap3A_1602 : vector<1x16xi32> to vector<16xi32>
      %swap3A_1604 = vector.shape_cast %add3A_1598 : vector<16xi32> to vector<1x16xi32>
      tpu.vector_store %arg13[%swap3A_1600, %swap3A_1601], %swap3A_1604 {strides = array<i32>} : memref<3x128xi32, #tpu.memory_space<vmem>>, vector<1x16xi32>,
      %get3A_1605 = arith.constant 1 : i32
      %get3A_1606 = arith.constant 0 : i32
      %get3A_1607 = arith.index_cast %get3A_1605 : i32 to index
      %get3A_1608 = arith.index_cast %get3A_1606 : i32 to index
      %get3A_1609 = arith.constant 112 : index
      %get3A_1610 = tpu.vector_load %arg12[%get3A_1607, %get3A_1608, %get3A_1609] {strides = array<i32>} : memref<2x3x128xi32, #tpu.memory_space<vmem>>, vector<1x1x16xi32>,
      %get3A_1611 = vector.shape_cast %get3A_1610 : vector<1x1x16xi32> to vector<16xi32>
      %min3A_1612 = arith.constant 5 : i32
      %min3A_1613 = vector.broadcast %min3A_1612 : i32 to vector<16xi32>
      %min3A_1614 = arith.minsi %get3A_1611, %min3A_1613 : vector<16xi32>
      %get3A_1615 = arith.constant 1 : i32
      %get3A_1616 = arith.constant 1 : i32
      %get3A_1617 = arith.index_cast %get3A_1615 : i32 to index
      %get3A_1618 = arith.index_cast %get3A_1616 : i32 to index
      %get3A_1619 = arith.constant 112 : index
      %get3A_1620 = tpu.vector_load %arg12[%get3A_1617, %get3A_1618, %get3A_1619] {strides = array<i32>} : memref<2x3x128xi32, #tpu.memory_space<vmem>>, vector<1x1x16xi32>,
      %get3A_1621 = vector.shape_cast %get3A_1620 : vector<1x1x16xi32> to vector<16xi32>
      %min3A_1622 = arith.constant 6 : i32
      %min3A_1623 = vector.broadcast %min3A_1622 : i32 to vector<16xi32>
      %min3A_1624 = arith.minsi %get3A_1621, %min3A_1623 : vector<16xi32>
      %get3A_1625 = arith.constant 1 : i32
      %get3A_1626 = arith.constant 2 : i32
      %get3A_1627 = arith.index_cast %get3A_1625 : i32 to index
      %get3A_1628 = arith.index_cast %get3A_1626 : i32 to index
      %get3A_1629 = arith.constant 112 : index
      %get3A_1630 = tpu.vector_load %arg12[%get3A_1627, %get3A_1628, %get3A_1629] {strides = array<i32>} : memref<2x3x128xi32, #tpu.memory_space<vmem>>, vector<1x1x16xi32>,
      %get3A_1631 = vector.shape_cast %get3A_1630 : vector<1x1x16xi32> to vector<16xi32>
      %min3A_1632 = arith.constant 2 : i32
      %min3A_1633 = vector.broadcast %min3A_1632 : i32 to vector<16xi32>
      %min3A_1634 = arith.minsi %get3A_1631, %min3A_1633 : vector<16xi32>
      %mul3A_1635 = arith.constant 21 : i32
      %mul3A_1636 = vector.broadcast %mul3A_1635 : i32 to vector<16xi32>
      %mul3A_1637 = arith.muli %min3A_1614, %mul3A_1636 : vector<16xi32>
      %mul3A_1638 = arith.constant 3 : i32
      %mul3A_1639 = vector.broadcast %mul3A_1638 : i32 to vector<16xi32>
      %mul3A_1640 = arith.muli %min3A_1624, %mul3A_1639 : vector<16xi32>
      %add3A_1641 = arith.addi %mul3A_1637, %mul3A_1640 : vector<16xi32>
      %add3A_1642 = arith.addi %add3A_1641, %min3A_1634 : vector<16xi32>
      %swap3A_1643 = arith.constant 0 : i32
      %swap3A_1644 = arith.index_cast %swap3A_1643 : i32 to index
      %swap3A_1645 = arith.constant 112 : index
      %swap3A_1646 = tpu.vector_load %arg13[%swap3A_1644, %swap3A_1645] {strides = array<i32>} : memref<3x128xi32, #tpu.memory_space<vmem>>, vector<1x16xi32>,
      %swap3A_1647 = vector.shape_cast %swap3A_1646 : vector<1x16xi32> to vector<16xi32>
      %swap3A_1648 = vector.shape_cast %add3A_1642 : vector<16xi32> to vector<1x16xi32>
      tpu.vector_store %arg13[%swap3A_1644, %swap3A_1645], %swap3A_1648 {strides = array<i32>} : memref<3x128xi32, #tpu.memory_space<vmem>>, vector<1x16xi32>,
      %lt3A_1649 = arith.constant 77 : i32
      %lt3A_1650 = arith.cmpi slt, %add3A_1275, %lt3A_1649 : i32
      %convert_element_type3A_1651 = arith.extui %lt3A_1650 : i1 to i32
      %cond3A_1652 = arith.constant 0 : i32
      %cond3A_1653 = arith.cmpi ne, %convert_element_type3A_1651, %cond3A_1652 : i32
      scf.if %cond3A_1653 {
        %add3A_2502 = arith.constant 1 : i32
        %add3A_2503 = arith.addi %add3A_1275, %add3A_2502 : i32
        %mul3A_2504 = arith.constant 32 : i32
        %mul3A_2505 = arith.muli %add3A_2503, %mul3A_2504 : i32
        %add3A_2506 = arith.addi %mul3A_2505, %add3A : i32
        %dma_start3A_2507 = arith.constant 0 : i32
        %dma_start3A_2508 = arith.constant 0 : i32
        %dma_start3A_2509 = arith.constant 0 : i32
        %dma_start3A_2510 = tpu.memref_slice %arg12[%dma_start3A_2507, %dma_start3A_2508, %dma_start3A_2509] : memref<2x3x128xi32, #tpu.memory_space<vmem>> -> memref<1x3x128xi32, #tpu.memory_space<vmem>>
        %dma_start3A_2511 = tpu.memref_squeeze %dma_start3A_2510 : memref<1x3x128xi32, #tpu.memory_space<vmem>> -> memref<3x128xi32, #tpu.memory_space<vmem>>
        %dma_start3A_2512 = arith.constant 0 : i32
        %dma_start3A_2513 = arith.constant 0 : i32
        %dma_start3A_2514 = tpu.memref_slice %arg2[%add3A_2506, %dma_start3A_2512, %dma_start3A_2513] : memref<2500x3x128xi32, #tpu.memory_space<hbm>> -> memref<1x3x128xi32, #tpu.memory_space<hbm>>
        %dma_start3A_2515 = tpu.memref_squeeze %dma_start3A_2514 : memref<1x3x128xi32, #tpu.memory_space<hbm>> -> memref<3x128xi32, #tpu.memory_space<hbm>>
        %dma_start3A_2516 = arith.constant 0 : i32
        %dma_start3A_2517 = arith.constant 0 : i32
        %dma_start3A_2518 = tpu.memref_slice %arg12[%dma_start3A_2507, %dma_start3A_2516, %dma_start3A_2517] : memref<2x3x128xi32, #tpu.memory_space<vmem>> -> memref<1x3x128xi32, #tpu.memory_space<vmem>>
        %dma_start3A_2519 = tpu.memref_squeeze %dma_start3A_2518 : memref<1x3x128xi32, #tpu.memory_space<vmem>> -> memref<3x128xi32, #tpu.memory_space<vmem>>
        %dma_start3A_2520 = arith.constant 0 : i32
        %dma_start3A_2521 = arith.constant 0 : i32
        %dma_start3A_2522 = tpu.memref_slice %arg2[%add3A_2506, %dma_start3A_2520, %dma_start3A_2521] : memref<2500x3x128xi32, #tpu.memory_space<hbm>> -> memref<1x3x128xi32, #tpu.memory_space<hbm>>
        %dma_start3A_2523 = tpu.memref_squeeze %dma_start3A_2522 : memref<1x3x128xi32, #tpu.memory_space<hbm>> -> memref<3x128xi32, #tpu.memory_space<hbm>>
        tpu.enqueue_dma source(%dma_start3A_2523 : memref<3x128xi32, #tpu.memory_space<hbm>>) target(%dma_start3A_2519 : memref<3x128xi32, #tpu.memory_space<vmem>>) target_semaphore(%arg17 : memref<!tpu.dma_semaphore, #tpu.memory_space<semaphore_mem>>)
      } else {
      }
      %dma_wait3A_1654 = arith.constant 0 : i32
      %dma_wait3A_1655 = arith.constant 0 : i32
      %dma_wait3A_1656 = tpu.memref_slice %arg6[%dma_wait3A_1654, %dma_wait3A_1655] : memref<320000x128xf32, #tpu.memory_space<hbm>> -> memref<128x128xf32, #tpu.memory_space<hbm>>
      %dma_wait3A_1657 = arith.constant 0 : i32
      %dma_wait3A_1658 = arith.constant 0 : i32
      %dma_wait3A_1659 = tpu.memref_slice %arg6[%dma_wait3A_1657, %dma_wait3A_1658] : memref<320000x128xf32, #tpu.memory_space<hbm>> -> memref<128x128xf32, #tpu.memory_space<hbm>>
      tpu.wait_dma2 semaphore(%arg21 : memref<!tpu.dma_semaphore, #tpu.memory_space<semaphore_mem>>) src(%arg14 : memref<128x128xf32, #tpu.memory_space<vmem>>) dst(%dma_wait3A_1659 : memref<128x128xf32, #tpu.memory_space<hbm>>)
      %dma_start3A_1660 = arith.constant 0 : i32
      %dma_start3A_1661 = arith.constant 0 : i32
      %dma_start3A_1662 = tpu.memref_slice %arg13[%dma_start3A_1660, %dma_start3A_1661] : memref<3x128xi32, #tpu.memory_space<vmem>> -> memref<1x128xi32, #tpu.memory_space<vmem>>
      %dma_start3A_1663 = tpu.memref_squeeze %dma_start3A_1662 : memref<1x128xi32, #tpu.memory_space<vmem>> -> memref<128xi32, #tpu.memory_space<vmem>>
      %dma_start3A_1664 = arith.constant 0 : i32
      %dma_start3A_1665 = arith.constant 0 : i32
      %dma_start3A_1666 = tpu.memref_slice %arg11[%dma_start3A_1664, %dma_start3A_1665] : memref<126x128xf32, #tpu.memory_space<vmem_shared>> -> memref<126x128xf32, #tpu.memory_space<vmem_shared>>
      tpu.enqueue_indirect_dma source(%dma_start3A_1666 : memref<126x128xf32, #tpu.memory_space<vmem_shared>>) target(%arg14 : memref<128x128xf32, #tpu.memory_space<vmem>>) offsets(%dma_start3A_1663 : memref<128xi32, #tpu.memory_space<vmem>>) semaphore(%arg18 : memref<!tpu.dma_semaphore, #tpu.memory_space<semaphore_mem>>)
      %dma_wait3A_1667 = arith.constant 2 : i32
      %dma_wait3A_1668 = arith.constant 0 : i32
      %dma_wait3A_1669 = tpu.memref_slice %arg13[%dma_wait3A_1667, %dma_wait3A_1668] : memref<3x128xi32, #tpu.memory_space<vmem>> -> memref<1x128xi32, #tpu.memory_space<vmem>>
      %dma_wait3A_1670 = tpu.memref_squeeze %dma_wait3A_1669 : memref<1x128xi32, #tpu.memory_space<vmem>> -> memref<128xi32, #tpu.memory_space<vmem>>
      %dma_wait3A_1671 = arith.constant 0 : i32
      %dma_wait3A_1672 = arith.constant 0 : i32
      %dma_wait3A_1673 = tpu.memref_slice %arg11[%dma_wait3A_1671, %dma_wait3A_1672] : memref<126x128xf32, #tpu.memory_space<vmem_shared>> -> memref<126x128xf32, #tpu.memory_space<vmem_shared>>
      tpu.wait_indirect_dma semaphore(%arg20 : memref<!tpu.dma_semaphore, #tpu.memory_space<semaphore_mem>>) src(%dma_wait3A_1673 : memref<126x128xf32, #tpu.memory_space<vmem_shared>>) dst(%arg16 : memref<128x128xf32, #tpu.memory_space<vmem>>)
      %sub3A_1674 = arith.constant 32 : i32
      %sub3A_1675 = arith.subi %add3A_1278, %sub3A_1674 : i32
      %mul3A_1676 = arith.constant 128 : i32
      %mul3A_1677 = arith.muli %sub3A_1675, %mul3A_1676 : i32
      %dma_start3A_1678 = arith.constant 0 : i32
      %dma_start3A_1679 = tpu.memref_slice %arg6[%mul3A_1677, %dma_start3A_1678] : memref<320000x128xf32, #tpu.memory_space<hbm>> -> memref<128x128xf32, #tpu.memory_space<hbm>>
      %dma_start3A_1680 = arith.constant 0 : i32
      %dma_start3A_1681 = tpu.memref_slice %arg6[%mul3A_1677, %dma_start3A_1680] : memref<320000x128xf32, #tpu.memory_space<hbm>> -> memref<128x128xf32, #tpu.memory_space<hbm>>
      tpu.enqueue_dma source(%arg16 : memref<128x128xf32, #tpu.memory_space<vmem>>) target(%dma_start3A_1681 : memref<128x128xf32, #tpu.memory_space<hbm>>) target_semaphore(%arg23 : memref<!tpu.dma_semaphore, #tpu.memory_space<semaphore_mem>>)
      %mul3A_1682 = arith.constant 6 : i32
      %mul3A_1683 = arith.muli %scan3A_59, %mul3A_1682 : i32
      %add3A_1684 = arith.constant 4 : i32
      %add3A_1685 = arith.addi %mul3A_1683, %add3A_1684 : i32
      %mul3A_1686 = arith.constant 32 : i32
      %mul3A_1687 = arith.muli %add3A_1685, %mul3A_1686 : i32
      %add3A_1688 = arith.addi %mul3A_1687, %add3A : i32
      %dma_wait3A_1689 = arith.constant 0 : i32
      %dma_wait3A_1690 = arith.constant 0 : i32
      %dma_wait3A_1691 = arith.constant 0 : i32
      %dma_wait3A_1692 = arith.constant 0 : i32
      %dma_wait3A_1693 = tpu.memref_slice %arg12[%dma_wait3A_1690, %dma_wait3A_1691, %dma_wait3A_1692] : memref<2x3x128xi32, #tpu.memory_space<vmem>> -> memref<1x3x128xi32, #tpu.memory_space<vmem>>
      %dma_wait3A_1694 = tpu.memref_squeeze %dma_wait3A_1693 : memref<1x3x128xi32, #tpu.memory_space<vmem>> -> memref<3x128xi32, #tpu.memory_space<vmem>>
      %dma_wait3A_1695 = arith.constant 0 : i32
      %dma_wait3A_1696 = arith.constant 0 : i32
      %dma_wait3A_1697 = tpu.memref_slice %arg2[%dma_wait3A_1689, %dma_wait3A_1695, %dma_wait3A_1696] : memref<2500x3x128xi32, #tpu.memory_space<hbm>> -> memref<1x3x128xi32, #tpu.memory_space<hbm>>
      %dma_wait3A_1698 = tpu.memref_squeeze %dma_wait3A_1697 : memref<1x3x128xi32, #tpu.memory_space<hbm>> -> memref<3x128xi32, #tpu.memory_space<hbm>>
      %dma_wait3A_1699 = arith.constant 0 : i32
      %dma_wait3A_1700 = arith.constant 0 : i32
      %dma_wait3A_1701 = tpu.memref_slice %arg12[%dma_wait3A_1690, %dma_wait3A_1699, %dma_wait3A_1700] : memref<2x3x128xi32, #tpu.memory_space<vmem>> -> memref<1x3x128xi32, #tpu.memory_space<vmem>>
      %dma_wait3A_1702 = tpu.memref_squeeze %dma_wait3A_1701 : memref<1x3x128xi32, #tpu.memory_space<vmem>> -> memref<3x128xi32, #tpu.memory_space<vmem>>
      %dma_wait3A_1703 = arith.constant 0 : i32
      %dma_wait3A_1704 = arith.constant 0 : i32
      %dma_wait3A_1705 = tpu.memref_slice %arg2[%dma_wait3A_1689, %dma_wait3A_1703, %dma_wait3A_1704] : memref<2500x3x128xi32, #tpu.memory_space<hbm>> -> memref<1x3x128xi32, #tpu.memory_space<hbm>>
      %dma_wait3A_1706 = tpu.memref_squeeze %dma_wait3A_1705 : memref<1x3x128xi32, #tpu.memory_space<hbm>> -> memref<3x128xi32, #tpu.memory_space<hbm>>
      tpu.wait_dma2 semaphore(%arg17 : memref<!tpu.dma_semaphore, #tpu.memory_space<semaphore_mem>>) src(%dma_wait3A_1706 : memref<3x128xi32, #tpu.memory_space<hbm>>) dst(%dma_wait3A_1702 : memref<3x128xi32, #tpu.memory_space<vmem>>)
      %get3A_1707 = arith.constant 0 : i32
      %get3A_1708 = arith.constant 0 : i32
      %get3A_1709 = arith.index_cast %get3A_1707 : i32 to index
      %get3A_1710 = arith.index_cast %get3A_1708 : i32 to index
      %get3A_1711 = arith.constant 0 : index
      %get3A_1712 = tpu.vector_load %arg12[%get3A_1709, %get3A_1710, %get3A_1711] {strides = array<i32>} : memref<2x3x128xi32, #tpu.memory_space<vmem>>, vector<1x1x16xi32>,
      %get3A_1713 = vector.shape_cast %get3A_1712 : vector<1x1x16xi32> to vector<16xi32>
      %min3A_1714 = arith.constant 5 : i32
      %min3A_1715 = vector.broadcast %min3A_1714 : i32 to vector<16xi32>
      %min3A_1716 = arith.minsi %get3A_1713, %min3A_1715 : vector<16xi32>
      %get3A_1717 = arith.constant 0 : i32
      %get3A_1718 = arith.constant 1 : i32
      %get3A_1719 = arith.index_cast %get3A_1717 : i32 to index
      %get3A_1720 = arith.index_cast %get3A_1718 : i32 to index
      %get3A_1721 = arith.constant 0 : index
      %get3A_1722 = tpu.vector_load %arg12[%get3A_1719, %get3A_1720, %get3A_1721] {strides = array<i32>} : memref<2x3x128xi32, #tpu.memory_space<vmem>>, vector<1x1x16xi32>,
      %get3A_1723 = vector.shape_cast %get3A_1722 : vector<1x1x16xi32> to vector<16xi32>
      %min3A_1724 = arith.constant 6 : i32
      %min3A_1725 = vector.broadcast %min3A_1724 : i32 to vector<16xi32>
      %min3A_1726 = arith.minsi %get3A_1723, %min3A_1725 : vector<16xi32>
      %get3A_1727 = arith.constant 0 : i32
      %get3A_1728 = arith.constant 2 : i32
      %get3A_1729 = arith.index_cast %get3A_1727 : i32 to index
      %get3A_1730 = arith.index_cast %get3A_1728 : i32 to index
      %get3A_1731 = arith.constant 0 : index
      %get3A_1732 = tpu.vector_load %arg12[%get3A_1729, %get3A_1730, %get3A_1731] {strides = array<i32>} : memref<2x3x128xi32, #tpu.memory_space<vmem>>, vector<1x1x16xi32>,
      %get3A_1733 = vector.shape_cast %get3A_1732 : vector<1x1x16xi32> to vector<16xi32>
      %min3A_1734 = arith.constant 2 : i32
      %min3A_1735 = vector.broadcast %min3A_1734 : i32 to vector<16xi32>
      %min3A_1736 = arith.minsi %get3A_1733, %min3A_1735 : vector<16xi32>
      %mul3A_1737 = arith.constant 21 : i32
      %mul3A_1738 = vector.broadcast %mul3A_1737 : i32 to vector<16xi32>
      %mul3A_1739 = arith.muli %min3A_1716, %mul3A_1738 : vector<16xi32>
      %mul3A_1740 = arith.constant 3 : i32
      %mul3A_1741 = vector.broadcast %mul3A_1740 : i32 to vector<16xi32>
      %mul3A_1742 = arith.muli %min3A_1726, %mul3A_1741 : vector<16xi32>
      %add3A_1743 = arith.addi %mul3A_1739, %mul3A_1742 : vector<16xi32>
      %add3A_1744 = arith.addi %add3A_1743, %min3A_1736 : vector<16xi32>
      %swap3A_1745 = arith.constant 1 : i32
      %swap3A_1746 = arith.index_cast %swap3A_1745 : i32 to index
      %swap3A_1747 = arith.constant 0 : index
      %swap3A_1748 = tpu.vector_load %arg13[%swap3A_1746, %swap3A_1747] {strides = array<i32>} : memref<3x128xi32, #tpu.memory_space<vmem>>, vector<1x16xi32>,
      %swap3A_1749 = vector.shape_cast %swap3A_1748 : vector<1x16xi32> to vector<16xi32>
      %swap3A_1750 = vector.shape_cast %add3A_1744 : vector<16xi32> to vector<1x16xi32>
      tpu.vector_store %arg13[%swap3A_1746, %swap3A_1747], %swap3A_1750 {strides = array<i32>} : memref<3x128xi32, #tpu.memory_space<vmem>>, vector<1x16xi32>,
      %get3A_1751 = arith.constant 0 : i32
      %get3A_1752 = arith.constant 0 : i32
      %get3A_1753 = arith.index_cast %get3A_1751 : i32 to index
      %get3A_1754 = arith.index_cast %get3A_1752 : i32 to index
      %get3A_1755 = arith.constant 16 : index
      %get3A_1756 = tpu.vector_load %arg12[%get3A_1753, %get3A_1754, %get3A_1755] {strides = array<i32>} : memref<2x3x128xi32, #tpu.memory_space<vmem>>, vector<1x1x16xi32>,
      %get3A_1757 = vector.shape_cast %get3A_1756 : vector<1x1x16xi32> to vector<16xi32>
      %min3A_1758 = arith.constant 5 : i32
      %min3A_1759 = vector.broadcast %min3A_1758 : i32 to vector<16xi32>
      %min3A_1760 = arith.minsi %get3A_1757, %min3A_1759 : vector<16xi32>
      %get3A_1761 = arith.constant 0 : i32
      %get3A_1762 = arith.constant 1 : i32
      %get3A_1763 = arith.index_cast %get3A_1761 : i32 to index
      %get3A_1764 = arith.index_cast %get3A_1762 : i32 to index
      %get3A_1765 = arith.constant 16 : index
      %get3A_1766 = tpu.vector_load %arg12[%get3A_1763, %get3A_1764, %get3A_1765] {strides = array<i32>} : memref<2x3x128xi32, #tpu.memory_space<vmem>>, vector<1x1x16xi32>,
      %get3A_1767 = vector.shape_cast %get3A_1766 : vector<1x1x16xi32> to vector<16xi32>
      %min3A_1768 = arith.constant 6 : i32
      %min3A_1769 = vector.broadcast %min3A_1768 : i32 to vector<16xi32>
      %min3A_1770 = arith.minsi %get3A_1767, %min3A_1769 : vector<16xi32>
      %get3A_1771 = arith.constant 0 : i32
      %get3A_1772 = arith.constant 2 : i32
      %get3A_1773 = arith.index_cast %get3A_1771 : i32 to index
      %get3A_1774 = arith.index_cast %get3A_1772 : i32 to index
      %get3A_1775 = arith.constant 16 : index
      %get3A_1776 = tpu.vector_load %arg12[%get3A_1773, %get3A_1774, %get3A_1775] {strides = array<i32>} : memref<2x3x128xi32, #tpu.memory_space<vmem>>, vector<1x1x16xi32>,
      %get3A_1777 = vector.shape_cast %get3A_1776 : vector<1x1x16xi32> to vector<16xi32>
      %min3A_1778 = arith.constant 2 : i32
      %min3A_1779 = vector.broadcast %min3A_1778 : i32 to vector<16xi32>
      %min3A_1780 = arith.minsi %get3A_1777, %min3A_1779 : vector<16xi32>
      %mul3A_1781 = arith.constant 21 : i32
      %mul3A_1782 = vector.broadcast %mul3A_1781 : i32 to vector<16xi32>
      %mul3A_1783 = arith.muli %min3A_1760, %mul3A_1782 : vector<16xi32>
      %mul3A_1784 = arith.constant 3 : i32
      %mul3A_1785 = vector.broadcast %mul3A_1784 : i32 to vector<16xi32>
      %mul3A_1786 = arith.muli %min3A_1770, %mul3A_1785 : vector<16xi32>
      %add3A_1787 = arith.addi %mul3A_1783, %mul3A_1786 : vector<16xi32>
      %add3A_1788 = arith.addi %add3A_1787, %min3A_1780 : vector<16xi32>
      %swap3A_1789 = arith.constant 1 : i32
      %swap3A_1790 = arith.index_cast %swap3A_1789 : i32 to index
      %swap3A_1791 = arith.constant 16 : index
      %swap3A_1792 = tpu.vector_load %arg13[%swap3A_1790, %swap3A_1791] {strides = array<i32>} : memref<3x128xi32, #tpu.memory_space<vmem>>, vector<1x16xi32>,
      %swap3A_1793 = vector.shape_cast %swap3A_1792 : vector<1x16xi32> to vector<16xi32>
      %swap3A_1794 = vector.shape_cast %add3A_1788 : vector<16xi32> to vector<1x16xi32>
      tpu.vector_store %arg13[%swap3A_1790, %swap3A_1791], %swap3A_1794 {strides = array<i32>} : memref<3x128xi32, #tpu.memory_space<vmem>>, vector<1x16xi32>,
      %get3A_1795 = arith.constant 0 : i32
      %get3A_1796 = arith.constant 0 : i32
      %get3A_1797 = arith.index_cast %get3A_1795 : i32 to index
      %get3A_1798 = arith.index_cast %get3A_1796 : i32 to index
      %get3A_1799 = arith.constant 32 : index
      %get3A_1800 = tpu.vector_load %arg12[%get3A_1797, %get3A_1798, %get3A_1799] {strides = array<i32>} : memref<2x3x128xi32, #tpu.memory_space<vmem>>, vector<1x1x16xi32>,
      %get3A_1801 = vector.shape_cast %get3A_1800 : vector<1x1x16xi32> to vector<16xi32>
      %min3A_1802 = arith.constant 5 : i32
      %min3A_1803 = vector.broadcast %min3A_1802 : i32 to vector<16xi32>
      %min3A_1804 = arith.minsi %get3A_1801, %min3A_1803 : vector<16xi32>
      %get3A_1805 = arith.constant 0 : i32
      %get3A_1806 = arith.constant 1 : i32
      %get3A_1807 = arith.index_cast %get3A_1805 : i32 to index
      %get3A_1808 = arith.index_cast %get3A_1806 : i32 to index
      %get3A_1809 = arith.constant 32 : index
      %get3A_1810 = tpu.vector_load %arg12[%get3A_1807, %get3A_1808, %get3A_1809] {strides = array<i32>} : memref<2x3x128xi32, #tpu.memory_space<vmem>>, vector<1x1x16xi32>,
      %get3A_1811 = vector.shape_cast %get3A_1810 : vector<1x1x16xi32> to vector<16xi32>
      %min3A_1812 = arith.constant 6 : i32
      %min3A_1813 = vector.broadcast %min3A_1812 : i32 to vector<16xi32>
      %min3A_1814 = arith.minsi %get3A_1811, %min3A_1813 : vector<16xi32>
      %get3A_1815 = arith.constant 0 : i32
      %get3A_1816 = arith.constant 2 : i32
      %get3A_1817 = arith.index_cast %get3A_1815 : i32 to index
      %get3A_1818 = arith.index_cast %get3A_1816 : i32 to index
      %get3A_1819 = arith.constant 32 : index
      %get3A_1820 = tpu.vector_load %arg12[%get3A_1817, %get3A_1818, %get3A_1819] {strides = array<i32>} : memref<2x3x128xi32, #tpu.memory_space<vmem>>, vector<1x1x16xi32>,
      %get3A_1821 = vector.shape_cast %get3A_1820 : vector<1x1x16xi32> to vector<16xi32>
      %min3A_1822 = arith.constant 2 : i32
      %min3A_1823 = vector.broadcast %min3A_1822 : i32 to vector<16xi32>
      %min3A_1824 = arith.minsi %get3A_1821, %min3A_1823 : vector<16xi32>
      %mul3A_1825 = arith.constant 21 : i32
      %mul3A_1826 = vector.broadcast %mul3A_1825 : i32 to vector<16xi32>
      %mul3A_1827 = arith.muli %min3A_1804, %mul3A_1826 : vector<16xi32>
      %mul3A_1828 = arith.constant 3 : i32
      %mul3A_1829 = vector.broadcast %mul3A_1828 : i32 to vector<16xi32>
      %mul3A_1830 = arith.muli %min3A_1814, %mul3A_1829 : vector<16xi32>
      %add3A_1831 = arith.addi %mul3A_1827, %mul3A_1830 : vector<16xi32>
      %add3A_1832 = arith.addi %add3A_1831, %min3A_1824 : vector<16xi32>
      %swap3A_1833 = arith.constant 1 : i32
      %swap3A_1834 = arith.index_cast %swap3A_1833 : i32 to index
      %swap3A_1835 = arith.constant 32 : index
      %swap3A_1836 = tpu.vector_load %arg13[%swap3A_1834, %swap3A_1835] {strides = array<i32>} : memref<3x128xi32, #tpu.memory_space<vmem>>, vector<1x16xi32>,
      %swap3A_1837 = vector.shape_cast %swap3A_1836 : vector<1x16xi32> to vector<16xi32>
      %swap3A_1838 = vector.shape_cast %add3A_1832 : vector<16xi32> to vector<1x16xi32>
      tpu.vector_store %arg13[%swap3A_1834, %swap3A_1835], %swap3A_1838 {strides = array<i32>} : memref<3x128xi32, #tpu.memory_space<vmem>>, vector<1x16xi32>,
      %get3A_1839 = arith.constant 0 : i32
      %get3A_1840 = arith.constant 0 : i32
      %get3A_1841 = arith.index_cast %get3A_1839 : i32 to index
      %get3A_1842 = arith.index_cast %get3A_1840 : i32 to index
      %get3A_1843 = arith.constant 48 : index
      %get3A_1844 = tpu.vector_load %arg12[%get3A_1841, %get3A_1842, %get3A_1843] {strides = array<i32>} : memref<2x3x128xi32, #tpu.memory_space<vmem>>, vector<1x1x16xi32>,
      %get3A_1845 = vector.shape_cast %get3A_1844 : vector<1x1x16xi32> to vector<16xi32>
      %min3A_1846 = arith.constant 5 : i32
      %min3A_1847 = vector.broadcast %min3A_1846 : i32 to vector<16xi32>
      %min3A_1848 = arith.minsi %get3A_1845, %min3A_1847 : vector<16xi32>
      %get3A_1849 = arith.constant 0 : i32
      %get3A_1850 = arith.constant 1 : i32
      %get3A_1851 = arith.index_cast %get3A_1849 : i32 to index
      %get3A_1852 = arith.index_cast %get3A_1850 : i32 to index
      %get3A_1853 = arith.constant 48 : index
      %get3A_1854 = tpu.vector_load %arg12[%get3A_1851, %get3A_1852, %get3A_1853] {strides = array<i32>} : memref<2x3x128xi32, #tpu.memory_space<vmem>>, vector<1x1x16xi32>,
      %get3A_1855 = vector.shape_cast %get3A_1854 : vector<1x1x16xi32> to vector<16xi32>
      %min3A_1856 = arith.constant 6 : i32
      %min3A_1857 = vector.broadcast %min3A_1856 : i32 to vector<16xi32>
      %min3A_1858 = arith.minsi %get3A_1855, %min3A_1857 : vector<16xi32>
      %get3A_1859 = arith.constant 0 : i32
      %get3A_1860 = arith.constant 2 : i32
      %get3A_1861 = arith.index_cast %get3A_1859 : i32 to index
      %get3A_1862 = arith.index_cast %get3A_1860 : i32 to index
      %get3A_1863 = arith.constant 48 : index
      %get3A_1864 = tpu.vector_load %arg12[%get3A_1861, %get3A_1862, %get3A_1863] {strides = array<i32>} : memref<2x3x128xi32, #tpu.memory_space<vmem>>, vector<1x1x16xi32>,
      %get3A_1865 = vector.shape_cast %get3A_1864 : vector<1x1x16xi32> to vector<16xi32>
      %min3A_1866 = arith.constant 2 : i32
      %min3A_1867 = vector.broadcast %min3A_1866 : i32 to vector<16xi32>
      %min3A_1868 = arith.minsi %get3A_1865, %min3A_1867 : vector<16xi32>
      %mul3A_1869 = arith.constant 21 : i32
      %mul3A_1870 = vector.broadcast %mul3A_1869 : i32 to vector<16xi32>
      %mul3A_1871 = arith.muli %min3A_1848, %mul3A_1870 : vector<16xi32>
      %mul3A_1872 = arith.constant 3 : i32
      %mul3A_1873 = vector.broadcast %mul3A_1872 : i32 to vector<16xi32>
      %mul3A_1874 = arith.muli %min3A_1858, %mul3A_1873 : vector<16xi32>
      %add3A_1875 = arith.addi %mul3A_1871, %mul3A_1874 : vector<16xi32>
      %add3A_1876 = arith.addi %add3A_1875, %min3A_1868 : vector<16xi32>
      %swap3A_1877 = arith.constant 1 : i32
      %swap3A_1878 = arith.index_cast %swap3A_1877 : i32 to index
      %swap3A_1879 = arith.constant 48 : index
      %swap3A_1880 = tpu.vector_load %arg13[%swap3A_1878, %swap3A_1879] {strides = array<i32>} : memref<3x128xi32, #tpu.memory_space<vmem>>, vector<1x16xi32>,
      %swap3A_1881 = vector.shape_cast %swap3A_1880 : vector<1x16xi32> to vector<16xi32>
      %swap3A_1882 = vector.shape_cast %add3A_1876 : vector<16xi32> to vector<1x16xi32>
      tpu.vector_store %arg13[%swap3A_1878, %swap3A_1879], %swap3A_1882 {strides = array<i32>} : memref<3x128xi32, #tpu.memory_space<vmem>>, vector<1x16xi32>,
      %get3A_1883 = arith.constant 0 : i32
      %get3A_1884 = arith.constant 0 : i32
      %get3A_1885 = arith.index_cast %get3A_1883 : i32 to index
      %get3A_1886 = arith.index_cast %get3A_1884 : i32 to index
      %get3A_1887 = arith.constant 64 : index
      %get3A_1888 = tpu.vector_load %arg12[%get3A_1885, %get3A_1886, %get3A_1887] {strides = array<i32>} : memref<2x3x128xi32, #tpu.memory_space<vmem>>, vector<1x1x16xi32>,
      %get3A_1889 = vector.shape_cast %get3A_1888 : vector<1x1x16xi32> to vector<16xi32>
      %min3A_1890 = arith.constant 5 : i32
      %min3A_1891 = vector.broadcast %min3A_1890 : i32 to vector<16xi32>
      %min3A_1892 = arith.minsi %get3A_1889, %min3A_1891 : vector<16xi32>
      %get3A_1893 = arith.constant 0 : i32
      %get3A_1894 = arith.constant 1 : i32
      %get3A_1895 = arith.index_cast %get3A_1893 : i32 to index
      %get3A_1896 = arith.index_cast %get3A_1894 : i32 to index
      %get3A_1897 = arith.constant 64 : index
      %get3A_1898 = tpu.vector_load %arg12[%get3A_1895, %get3A_1896, %get3A_1897] {strides = array<i32>} : memref<2x3x128xi32, #tpu.memory_space<vmem>>, vector<1x1x16xi32>,
      %get3A_1899 = vector.shape_cast %get3A_1898 : vector<1x1x16xi32> to vector<16xi32>
      %min3A_1900 = arith.constant 6 : i32
      %min3A_1901 = vector.broadcast %min3A_1900 : i32 to vector<16xi32>
      %min3A_1902 = arith.minsi %get3A_1899, %min3A_1901 : vector<16xi32>
      %get3A_1903 = arith.constant 0 : i32
      %get3A_1904 = arith.constant 2 : i32
      %get3A_1905 = arith.index_cast %get3A_1903 : i32 to index
      %get3A_1906 = arith.index_cast %get3A_1904 : i32 to index
      %get3A_1907 = arith.constant 64 : index
      %get3A_1908 = tpu.vector_load %arg12[%get3A_1905, %get3A_1906, %get3A_1907] {strides = array<i32>} : memref<2x3x128xi32, #tpu.memory_space<vmem>>, vector<1x1x16xi32>,
      %get3A_1909 = vector.shape_cast %get3A_1908 : vector<1x1x16xi32> to vector<16xi32>
      %min3A_1910 = arith.constant 2 : i32
      %min3A_1911 = vector.broadcast %min3A_1910 : i32 to vector<16xi32>
      %min3A_1912 = arith.minsi %get3A_1909, %min3A_1911 : vector<16xi32>
      %mul3A_1913 = arith.constant 21 : i32
      %mul3A_1914 = vector.broadcast %mul3A_1913 : i32 to vector<16xi32>
      %mul3A_1915 = arith.muli %min3A_1892, %mul3A_1914 : vector<16xi32>
      %mul3A_1916 = arith.constant 3 : i32
      %mul3A_1917 = vector.broadcast %mul3A_1916 : i32 to vector<16xi32>
      %mul3A_1918 = arith.muli %min3A_1902, %mul3A_1917 : vector<16xi32>
      %add3A_1919 = arith.addi %mul3A_1915, %mul3A_1918 : vector<16xi32>
      %add3A_1920 = arith.addi %add3A_1919, %min3A_1912 : vector<16xi32>
      %swap3A_1921 = arith.constant 1 : i32
      %swap3A_1922 = arith.index_cast %swap3A_1921 : i32 to index
      %swap3A_1923 = arith.constant 64 : index
      %swap3A_1924 = tpu.vector_load %arg13[%swap3A_1922, %swap3A_1923] {strides = array<i32>} : memref<3x128xi32, #tpu.memory_space<vmem>>, vector<1x16xi32>,
      %swap3A_1925 = vector.shape_cast %swap3A_1924 : vector<1x16xi32> to vector<16xi32>
      %swap3A_1926 = vector.shape_cast %add3A_1920 : vector<16xi32> to vector<1x16xi32>
      tpu.vector_store %arg13[%swap3A_1922, %swap3A_1923], %swap3A_1926 {strides = array<i32>} : memref<3x128xi32, #tpu.memory_space<vmem>>, vector<1x16xi32>,
      %get3A_1927 = arith.constant 0 : i32
      %get3A_1928 = arith.constant 0 : i32
      %get3A_1929 = arith.index_cast %get3A_1927 : i32 to index
      %get3A_1930 = arith.index_cast %get3A_1928 : i32 to index
      %get3A_1931 = arith.constant 80 : index
      %get3A_1932 = tpu.vector_load %arg12[%get3A_1929, %get3A_1930, %get3A_1931] {strides = array<i32>} : memref<2x3x128xi32, #tpu.memory_space<vmem>>, vector<1x1x16xi32>,
      %get3A_1933 = vector.shape_cast %get3A_1932 : vector<1x1x16xi32> to vector<16xi32>
      %min3A_1934 = arith.constant 5 : i32
      %min3A_1935 = vector.broadcast %min3A_1934 : i32 to vector<16xi32>
      %min3A_1936 = arith.minsi %get3A_1933, %min3A_1935 : vector<16xi32>
      %get3A_1937 = arith.constant 0 : i32
      %get3A_1938 = arith.constant 1 : i32
      %get3A_1939 = arith.index_cast %get3A_1937 : i32 to index
      %get3A_1940 = arith.index_cast %get3A_1938 : i32 to index
      %get3A_1941 = arith.constant 80 : index
      %get3A_1942 = tpu.vector_load %arg12[%get3A_1939, %get3A_1940, %get3A_1941] {strides = array<i32>} : memref<2x3x128xi32, #tpu.memory_space<vmem>>, vector<1x1x16xi32>,
      %get3A_1943 = vector.shape_cast %get3A_1942 : vector<1x1x16xi32> to vector<16xi32>
      %min3A_1944 = arith.constant 6 : i32
      %min3A_1945 = vector.broadcast %min3A_1944 : i32 to vector<16xi32>
      %min3A_1946 = arith.minsi %get3A_1943, %min3A_1945 : vector<16xi32>
      %get3A_1947 = arith.constant 0 : i32
      %get3A_1948 = arith.constant 2 : i32
      %get3A_1949 = arith.index_cast %get3A_1947 : i32 to index
      %get3A_1950 = arith.index_cast %get3A_1948 : i32 to index
      %get3A_1951 = arith.constant 80 : index
      %get3A_1952 = tpu.vector_load %arg12[%get3A_1949, %get3A_1950, %get3A_1951] {strides = array<i32>} : memref<2x3x128xi32, #tpu.memory_space<vmem>>, vector<1x1x16xi32>,
      %get3A_1953 = vector.shape_cast %get3A_1952 : vector<1x1x16xi32> to vector<16xi32>
      %min3A_1954 = arith.constant 2 : i32
      %min3A_1955 = vector.broadcast %min3A_1954 : i32 to vector<16xi32>
      %min3A_1956 = arith.minsi %get3A_1953, %min3A_1955 : vector<16xi32>
      %mul3A_1957 = arith.constant 21 : i32
      %mul3A_1958 = vector.broadcast %mul3A_1957 : i32 to vector<16xi32>
      %mul3A_1959 = arith.muli %min3A_1936, %mul3A_1958 : vector<16xi32>
      %mul3A_1960 = arith.constant 3 : i32
      %mul3A_1961 = vector.broadcast %mul3A_1960 : i32 to vector<16xi32>
      %mul3A_1962 = arith.muli %min3A_1946, %mul3A_1961 : vector<16xi32>
      %add3A_1963 = arith.addi %mul3A_1959, %mul3A_1962 : vector<16xi32>
      %add3A_1964 = arith.addi %add3A_1963, %min3A_1956 : vector<16xi32>
      %swap3A_1965 = arith.constant 1 : i32
      %swap3A_1966 = arith.index_cast %swap3A_1965 : i32 to index
      %swap3A_1967 = arith.constant 80 : index
      %swap3A_1968 = tpu.vector_load %arg13[%swap3A_1966, %swap3A_1967] {strides = array<i32>} : memref<3x128xi32, #tpu.memory_space<vmem>>, vector<1x16xi32>,
      %swap3A_1969 = vector.shape_cast %swap3A_1968 : vector<1x16xi32> to vector<16xi32>
      %swap3A_1970 = vector.shape_cast %add3A_1964 : vector<16xi32> to vector<1x16xi32>
      tpu.vector_store %arg13[%swap3A_1966, %swap3A_1967], %swap3A_1970 {strides = array<i32>} : memref<3x128xi32, #tpu.memory_space<vmem>>, vector<1x16xi32>,
      %get3A_1971 = arith.constant 0 : i32
      %get3A_1972 = arith.constant 0 : i32
      %get3A_1973 = arith.index_cast %get3A_1971 : i32 to index
      %get3A_1974 = arith.index_cast %get3A_1972 : i32 to index
      %get3A_1975 = arith.constant 96 : index
      %get3A_1976 = tpu.vector_load %arg12[%get3A_1973, %get3A_1974, %get3A_1975] {strides = array<i32>} : memref<2x3x128xi32, #tpu.memory_space<vmem>>, vector<1x1x16xi32>,
      %get3A_1977 = vector.shape_cast %get3A_1976 : vector<1x1x16xi32> to vector<16xi32>
      %min3A_1978 = arith.constant 5 : i32
      %min3A_1979 = vector.broadcast %min3A_1978 : i32 to vector<16xi32>
      %min3A_1980 = arith.minsi %get3A_1977, %min3A_1979 : vector<16xi32>
      %get3A_1981 = arith.constant 0 : i32
      %get3A_1982 = arith.constant 1 : i32
      %get3A_1983 = arith.index_cast %get3A_1981 : i32 to index
      %get3A_1984 = arith.index_cast %get3A_1982 : i32 to index
      %get3A_1985 = arith.constant 96 : index
      %get3A_1986 = tpu.vector_load %arg12[%get3A_1983, %get3A_1984, %get3A_1985] {strides = array<i32>} : memref<2x3x128xi32, #tpu.memory_space<vmem>>, vector<1x1x16xi32>,
      %get3A_1987 = vector.shape_cast %get3A_1986 : vector<1x1x16xi32> to vector<16xi32>
      %min3A_1988 = arith.constant 6 : i32
      %min3A_1989 = vector.broadcast %min3A_1988 : i32 to vector<16xi32>
      %min3A_1990 = arith.minsi %get3A_1987, %min3A_1989 : vector<16xi32>
      %get3A_1991 = arith.constant 0 : i32
      %get3A_1992 = arith.constant 2 : i32
      %get3A_1993 = arith.index_cast %get3A_1991 : i32 to index
      %get3A_1994 = arith.index_cast %get3A_1992 : i32 to index
      %get3A_1995 = arith.constant 96 : index
      %get3A_1996 = tpu.vector_load %arg12[%get3A_1993, %get3A_1994, %get3A_1995] {strides = array<i32>} : memref<2x3x128xi32, #tpu.memory_space<vmem>>, vector<1x1x16xi32>,
      %get3A_1997 = vector.shape_cast %get3A_1996 : vector<1x1x16xi32> to vector<16xi32>
      %min3A_1998 = arith.constant 2 : i32
      %min3A_1999 = vector.broadcast %min3A_1998 : i32 to vector<16xi32>
      %min3A_2000 = arith.minsi %get3A_1997, %min3A_1999 : vector<16xi32>
      %mul3A_2001 = arith.constant 21 : i32
      %mul3A_2002 = vector.broadcast %mul3A_2001 : i32 to vector<16xi32>
      %mul3A_2003 = arith.muli %min3A_1980, %mul3A_2002 : vector<16xi32>
      %mul3A_2004 = arith.constant 3 : i32
      %mul3A_2005 = vector.broadcast %mul3A_2004 : i32 to vector<16xi32>
      %mul3A_2006 = arith.muli %min3A_1990, %mul3A_2005 : vector<16xi32>
      %add3A_2007 = arith.addi %mul3A_2003, %mul3A_2006 : vector<16xi32>
      %add3A_2008 = arith.addi %add3A_2007, %min3A_2000 : vector<16xi32>
      %swap3A_2009 = arith.constant 1 : i32
      %swap3A_2010 = arith.index_cast %swap3A_2009 : i32 to index
      %swap3A_2011 = arith.constant 96 : index
      %swap3A_2012 = tpu.vector_load %arg13[%swap3A_2010, %swap3A_2011] {strides = array<i32>} : memref<3x128xi32, #tpu.memory_space<vmem>>, vector<1x16xi32>,
      %swap3A_2013 = vector.shape_cast %swap3A_2012 : vector<1x16xi32> to vector<16xi32>
      %swap3A_2014 = vector.shape_cast %add3A_2008 : vector<16xi32> to vector<1x16xi32>
      tpu.vector_store %arg13[%swap3A_2010, %swap3A_2011], %swap3A_2014 {strides = array<i32>} : memref<3x128xi32, #tpu.memory_space<vmem>>, vector<1x16xi32>,
      %get3A_2015 = arith.constant 0 : i32
      %get3A_2016 = arith.constant 0 : i32
      %get3A_2017 = arith.index_cast %get3A_2015 : i32 to index
      %get3A_2018 = arith.index_cast %get3A_2016 : i32 to index
      %get3A_2019 = arith.constant 112 : index
      %get3A_2020 = tpu.vector_load %arg12[%get3A_2017, %get3A_2018, %get3A_2019] {strides = array<i32>} : memref<2x3x128xi32, #tpu.memory_space<vmem>>, vector<1x1x16xi32>,
      %get3A_2021 = vector.shape_cast %get3A_2020 : vector<1x1x16xi32> to vector<16xi32>
      %min3A_2022 = arith.constant 5 : i32
      %min3A_2023 = vector.broadcast %min3A_2022 : i32 to vector<16xi32>
      %min3A_2024 = arith.minsi %get3A_2021, %min3A_2023 : vector<16xi32>
      %get3A_2025 = arith.constant 0 : i32
      %get3A_2026 = arith.constant 1 : i32
      %get3A_2027 = arith.index_cast %get3A_2025 : i32 to index
      %get3A_2028 = arith.index_cast %get3A_2026 : i32 to index
      %get3A_2029 = arith.constant 112 : index
      %get3A_2030 = tpu.vector_load %arg12[%get3A_2027, %get3A_2028, %get3A_2029] {strides = array<i32>} : memref<2x3x128xi32, #tpu.memory_space<vmem>>, vector<1x1x16xi32>,
      %get3A_2031 = vector.shape_cast %get3A_2030 : vector<1x1x16xi32> to vector<16xi32>
      %min3A_2032 = arith.constant 6 : i32
      %min3A_2033 = vector.broadcast %min3A_2032 : i32 to vector<16xi32>
      %min3A_2034 = arith.minsi %get3A_2031, %min3A_2033 : vector<16xi32>
      %get3A_2035 = arith.constant 0 : i32
      %get3A_2036 = arith.constant 2 : i32
      %get3A_2037 = arith.index_cast %get3A_2035 : i32 to index
      %get3A_2038 = arith.index_cast %get3A_2036 : i32 to index
      %get3A_2039 = arith.constant 112 : index
      %get3A_2040 = tpu.vector_load %arg12[%get3A_2037, %get3A_2038, %get3A_2039] {strides = array<i32>} : memref<2x3x128xi32, #tpu.memory_space<vmem>>, vector<1x1x16xi32>,
      %get3A_2041 = vector.shape_cast %get3A_2040 : vector<1x1x16xi32> to vector<16xi32>
      %min3A_2042 = arith.constant 2 : i32
      %min3A_2043 = vector.broadcast %min3A_2042 : i32 to vector<16xi32>
      %min3A_2044 = arith.minsi %get3A_2041, %min3A_2043 : vector<16xi32>
      %mul3A_2045 = arith.constant 21 : i32
      %mul3A_2046 = vector.broadcast %mul3A_2045 : i32 to vector<16xi32>
      %mul3A_2047 = arith.muli %min3A_2024, %mul3A_2046 : vector<16xi32>
      %mul3A_2048 = arith.constant 3 : i32
      %mul3A_2049 = vector.broadcast %mul3A_2048 : i32 to vector<16xi32>
      %mul3A_2050 = arith.muli %min3A_2034, %mul3A_2049 : vector<16xi32>
      %add3A_2051 = arith.addi %mul3A_2047, %mul3A_2050 : vector<16xi32>
      %add3A_2052 = arith.addi %add3A_2051, %min3A_2044 : vector<16xi32>
      %swap3A_2053 = arith.constant 1 : i32
      %swap3A_2054 = arith.index_cast %swap3A_2053 : i32 to index
      %swap3A_2055 = arith.constant 112 : index
      %swap3A_2056 = tpu.vector_load %arg13[%swap3A_2054, %swap3A_2055] {strides = array<i32>} : memref<3x128xi32, #tpu.memory_space<vmem>>, vector<1x16xi32>,
      %swap3A_2057 = vector.shape_cast %swap3A_2056 : vector<1x16xi32> to vector<16xi32>
      %swap3A_2058 = vector.shape_cast %add3A_2052 : vector<16xi32> to vector<1x16xi32>
      tpu.vector_store %arg13[%swap3A_2054, %swap3A_2055], %swap3A_2058 {strides = array<i32>} : memref<3x128xi32, #tpu.memory_space<vmem>>, vector<1x16xi32>,
      %lt3A_2059 = arith.constant 77 : i32
      %lt3A_2060 = arith.cmpi slt, %add3A_1685, %lt3A_2059 : i32
      %convert_element_type3A_2061 = arith.extui %lt3A_2060 : i1 to i32
      %cond3A_2062 = arith.constant 0 : i32
      %cond3A_2063 = arith.cmpi ne, %convert_element_type3A_2061, %cond3A_2062 : i32
      scf.if %cond3A_2063 {
        %add3A_2502 = arith.constant 1 : i32
        %add3A_2503 = arith.addi %add3A_1685, %add3A_2502 : i32
        %mul3A_2504 = arith.constant 32 : i32
        %mul3A_2505 = arith.muli %add3A_2503, %mul3A_2504 : i32
        %add3A_2506 = arith.addi %mul3A_2505, %add3A : i32
        %dma_start3A_2507 = arith.constant 1 : i32
        %dma_start3A_2508 = arith.constant 0 : i32
        %dma_start3A_2509 = arith.constant 0 : i32
        %dma_start3A_2510 = tpu.memref_slice %arg12[%dma_start3A_2507, %dma_start3A_2508, %dma_start3A_2509] : memref<2x3x128xi32, #tpu.memory_space<vmem>> -> memref<1x3x128xi32, #tpu.memory_space<vmem>>
        %dma_start3A_2511 = tpu.memref_squeeze %dma_start3A_2510 : memref<1x3x128xi32, #tpu.memory_space<vmem>> -> memref<3x128xi32, #tpu.memory_space<vmem>>
        %dma_start3A_2512 = arith.constant 0 : i32
        %dma_start3A_2513 = arith.constant 0 : i32
        %dma_start3A_2514 = tpu.memref_slice %arg2[%add3A_2506, %dma_start3A_2512, %dma_start3A_2513] : memref<2500x3x128xi32, #tpu.memory_space<hbm>> -> memref<1x3x128xi32, #tpu.memory_space<hbm>>
        %dma_start3A_2515 = tpu.memref_squeeze %dma_start3A_2514 : memref<1x3x128xi32, #tpu.memory_space<hbm>> -> memref<3x128xi32, #tpu.memory_space<hbm>>
        %dma_start3A_2516 = arith.constant 0 : i32
        %dma_start3A_2517 = arith.constant 0 : i32
        %dma_start3A_2518 = tpu.memref_slice %arg12[%dma_start3A_2507, %dma_start3A_2516, %dma_start3A_2517] : memref<2x3x128xi32, #tpu.memory_space<vmem>> -> memref<1x3x128xi32, #tpu.memory_space<vmem>>
        %dma_start3A_2519 = tpu.memref_squeeze %dma_start3A_2518 : memref<1x3x128xi32, #tpu.memory_space<vmem>> -> memref<3x128xi32, #tpu.memory_space<vmem>>
        %dma_start3A_2520 = arith.constant 0 : i32
        %dma_start3A_2521 = arith.constant 0 : i32
        %dma_start3A_2522 = tpu.memref_slice %arg2[%add3A_2506, %dma_start3A_2520, %dma_start3A_2521] : memref<2500x3x128xi32, #tpu.memory_space<hbm>> -> memref<1x3x128xi32, #tpu.memory_space<hbm>>
        %dma_start3A_2523 = tpu.memref_squeeze %dma_start3A_2522 : memref<1x3x128xi32, #tpu.memory_space<hbm>> -> memref<3x128xi32, #tpu.memory_space<hbm>>
        tpu.enqueue_dma source(%dma_start3A_2523 : memref<3x128xi32, #tpu.memory_space<hbm>>) target(%dma_start3A_2519 : memref<3x128xi32, #tpu.memory_space<vmem>>) target_semaphore(%arg17 : memref<!tpu.dma_semaphore, #tpu.memory_space<semaphore_mem>>)
      } else {
      }
      %dma_wait3A_2064 = arith.constant 0 : i32
      %dma_wait3A_2065 = arith.constant 0 : i32
      %dma_wait3A_2066 = tpu.memref_slice %arg6[%dma_wait3A_2064, %dma_wait3A_2065] : memref<320000x128xf32, #tpu.memory_space<hbm>> -> memref<128x128xf32, #tpu.memory_space<hbm>>
      %dma_wait3A_2067 = arith.constant 0 : i32
      %dma_wait3A_2068 = arith.constant 0 : i32
      %dma_wait3A_2069 = tpu.memref_slice %arg6[%dma_wait3A_2067, %dma_wait3A_2068] : memref<320000x128xf32, #tpu.memory_space<hbm>> -> memref<128x128xf32, #tpu.memory_space<hbm>>
      tpu.wait_dma2 semaphore(%arg22 : memref<!tpu.dma_semaphore, #tpu.memory_space<semaphore_mem>>) src(%arg15 : memref<128x128xf32, #tpu.memory_space<vmem>>) dst(%dma_wait3A_2069 : memref<128x128xf32, #tpu.memory_space<hbm>>)
      %dma_start3A_2070 = arith.constant 1 : i32
      %dma_start3A_2071 = arith.constant 0 : i32
      %dma_start3A_2072 = tpu.memref_slice %arg13[%dma_start3A_2070, %dma_start3A_2071] : memref<3x128xi32, #tpu.memory_space<vmem>> -> memref<1x128xi32, #tpu.memory_space<vmem>>
      %dma_start3A_2073 = tpu.memref_squeeze %dma_start3A_2072 : memref<1x128xi32, #tpu.memory_space<vmem>> -> memref<128xi32, #tpu.memory_space<vmem>>
      %dma_start3A_2074 = arith.constant 0 : i32
      %dma_start3A_2075 = arith.constant 0 : i32
      %dma_start3A_2076 = tpu.memref_slice %arg11[%dma_start3A_2074, %dma_start3A_2075] : memref<126x128xf32, #tpu.memory_space<vmem_shared>> -> memref<126x128xf32, #tpu.memory_space<vmem_shared>>
      tpu.enqueue_indirect_dma source(%dma_start3A_2076 : memref<126x128xf32, #tpu.memory_space<vmem_shared>>) target(%arg15 : memref<128x128xf32, #tpu.memory_space<vmem>>) offsets(%dma_start3A_2073 : memref<128xi32, #tpu.memory_space<vmem>>) semaphore(%arg19 : memref<!tpu.dma_semaphore, #tpu.memory_space<semaphore_mem>>)
      %dma_wait3A_2077 = arith.constant 0 : i32
      %dma_wait3A_2078 = arith.constant 0 : i32
      %dma_wait3A_2079 = tpu.memref_slice %arg13[%dma_wait3A_2077, %dma_wait3A_2078] : memref<3x128xi32, #tpu.memory_space<vmem>> -> memref<1x128xi32, #tpu.memory_space<vmem>>
      %dma_wait3A_2080 = tpu.memref_squeeze %dma_wait3A_2079 : memref<1x128xi32, #tpu.memory_space<vmem>> -> memref<128xi32, #tpu.memory_space<vmem>>
      %dma_wait3A_2081 = arith.constant 0 : i32
      %dma_wait3A_2082 = arith.constant 0 : i32
      %dma_wait3A_2083 = tpu.memref_slice %arg11[%dma_wait3A_2081, %dma_wait3A_2082] : memref<126x128xf32, #tpu.memory_space<vmem_shared>> -> memref<126x128xf32, #tpu.memory_space<vmem_shared>>
      tpu.wait_indirect_dma semaphore(%arg18 : memref<!tpu.dma_semaphore, #tpu.memory_space<semaphore_mem>>) src(%dma_wait3A_2083 : memref<126x128xf32, #tpu.memory_space<vmem_shared>>) dst(%arg14 : memref<128x128xf32, #tpu.memory_space<vmem>>)
      %sub3A_2084 = arith.constant 32 : i32
      %sub3A_2085 = arith.subi %add3A_1688, %sub3A_2084 : i32
      %mul3A_2086 = arith.constant 128 : i32
      %mul3A_2087 = arith.muli %sub3A_2085, %mul3A_2086 : i32
      %dma_start3A_2088 = arith.constant 0 : i32
      %dma_start3A_2089 = tpu.memref_slice %arg6[%mul3A_2087, %dma_start3A_2088] : memref<320000x128xf32, #tpu.memory_space<hbm>> -> memref<128x128xf32, #tpu.memory_space<hbm>>
      %dma_start3A_2090 = arith.constant 0 : i32
      %dma_start3A_2091 = tpu.memref_slice %arg6[%mul3A_2087, %dma_start3A_2090] : memref<320000x128xf32, #tpu.memory_space<hbm>> -> memref<128x128xf32, #tpu.memory_space<hbm>>
      tpu.enqueue_dma source(%arg14 : memref<128x128xf32, #tpu.memory_space<vmem>>) target(%dma_start3A_2091 : memref<128x128xf32, #tpu.memory_space<hbm>>) target_semaphore(%arg21 : memref<!tpu.dma_semaphore, #tpu.memory_space<semaphore_mem>>)
      %mul3A_2092 = arith.constant 6 : i32
      %mul3A_2093 = arith.muli %scan3A_59, %mul3A_2092 : i32
      %add3A_2094 = arith.constant 5 : i32
      %add3A_2095 = arith.addi %mul3A_2093, %add3A_2094 : i32
      %mul3A_2096 = arith.constant 32 : i32
      %mul3A_2097 = arith.muli %add3A_2095, %mul3A_2096 : i32
      %add3A_2098 = arith.addi %mul3A_2097, %add3A : i32
      %dma_wait3A_2099 = arith.constant 0 : i32
      %dma_wait3A_2100 = arith.constant 1 : i32
      %dma_wait3A_2101 = arith.constant 0 : i32
      %dma_wait3A_2102 = arith.constant 0 : i32
      %dma_wait3A_2103 = tpu.memref_slice %arg12[%dma_wait3A_2100, %dma_wait3A_2101, %dma_wait3A_2102] : memref<2x3x128xi32, #tpu.memory_space<vmem>> -> memref<1x3x128xi32, #tpu.memory_space<vmem>>
      %dma_wait3A_2104 = tpu.memref_squeeze %dma_wait3A_2103 : memref<1x3x128xi32, #tpu.memory_space<vmem>> -> memref<3x128xi32, #tpu.memory_space<vmem>>
      %dma_wait3A_2105 = arith.constant 0 : i32
      %dma_wait3A_2106 = arith.constant 0 : i32
      %dma_wait3A_2107 = tpu.memref_slice %arg2[%dma_wait3A_2099, %dma_wait3A_2105, %dma_wait3A_2106] : memref<2500x3x128xi32, #tpu.memory_space<hbm>> -> memref<1x3x128xi32, #tpu.memory_space<hbm>>
      %dma_wait3A_2108 = tpu.memref_squeeze %dma_wait3A_2107 : memref<1x3x128xi32, #tpu.memory_space<hbm>> -> memref<3x128xi32, #tpu.memory_space<hbm>>
      %dma_wait3A_2109 = arith.constant 0 : i32
      %dma_wait3A_2110 = arith.constant 0 : i32
      %dma_wait3A_2111 = tpu.memref_slice %arg12[%dma_wait3A_2100, %dma_wait3A_2109, %dma_wait3A_2110] : memref<2x3x128xi32, #tpu.memory_space<vmem>> -> memref<1x3x128xi32, #tpu.memory_space<vmem>>
      %dma_wait3A_2112 = tpu.memref_squeeze %dma_wait3A_2111 : memref<1x3x128xi32, #tpu.memory_space<vmem>> -> memref<3x128xi32, #tpu.memory_space<vmem>>
      %dma_wait3A_2113 = arith.constant 0 : i32
      %dma_wait3A_2114 = arith.constant 0 : i32
      %dma_wait3A_2115 = tpu.memref_slice %arg2[%dma_wait3A_2099, %dma_wait3A_2113, %dma_wait3A_2114] : memref<2500x3x128xi32, #tpu.memory_space<hbm>> -> memref<1x3x128xi32, #tpu.memory_space<hbm>>
      %dma_wait3A_2116 = tpu.memref_squeeze %dma_wait3A_2115 : memref<1x3x128xi32, #tpu.memory_space<hbm>> -> memref<3x128xi32, #tpu.memory_space<hbm>>
      tpu.wait_dma2 semaphore(%arg17 : memref<!tpu.dma_semaphore, #tpu.memory_space<semaphore_mem>>) src(%dma_wait3A_2116 : memref<3x128xi32, #tpu.memory_space<hbm>>) dst(%dma_wait3A_2112 : memref<3x128xi32, #tpu.memory_space<vmem>>)
      %get3A_2117 = arith.constant 1 : i32
      %get3A_2118 = arith.constant 0 : i32
      %get3A_2119 = arith.index_cast %get3A_2117 : i32 to index
      %get3A_2120 = arith.index_cast %get3A_2118 : i32 to index
      %get3A_2121 = arith.constant 0 : index
      %get3A_2122 = tpu.vector_load %arg12[%get3A_2119, %get3A_2120, %get3A_2121] {strides = array<i32>} : memref<2x3x128xi32, #tpu.memory_space<vmem>>, vector<1x1x16xi32>,
      %get3A_2123 = vector.shape_cast %get3A_2122 : vector<1x1x16xi32> to vector<16xi32>
      %min3A_2124 = arith.constant 5 : i32
      %min3A_2125 = vector.broadcast %min3A_2124 : i32 to vector<16xi32>
      %min3A_2126 = arith.minsi %get3A_2123, %min3A_2125 : vector<16xi32>
      %get3A_2127 = arith.constant 1 : i32
      %get3A_2128 = arith.constant 1 : i32
      %get3A_2129 = arith.index_cast %get3A_2127 : i32 to index
      %get3A_2130 = arith.index_cast %get3A_2128 : i32 to index
      %get3A_2131 = arith.constant 0 : index
      %get3A_2132 = tpu.vector_load %arg12[%get3A_2129, %get3A_2130, %get3A_2131] {strides = array<i32>} : memref<2x3x128xi32, #tpu.memory_space<vmem>>, vector<1x1x16xi32>,
      %get3A_2133 = vector.shape_cast %get3A_2132 : vector<1x1x16xi32> to vector<16xi32>
      %min3A_2134 = arith.constant 6 : i32
      %min3A_2135 = vector.broadcast %min3A_2134 : i32 to vector<16xi32>
      %min3A_2136 = arith.minsi %get3A_2133, %min3A_2135 : vector<16xi32>
      %get3A_2137 = arith.constant 1 : i32
      %get3A_2138 = arith.constant 2 : i32
      %get3A_2139 = arith.index_cast %get3A_2137 : i32 to index
      %get3A_2140 = arith.index_cast %get3A_2138 : i32 to index
      %get3A_2141 = arith.constant 0 : index
      %get3A_2142 = tpu.vector_load %arg12[%get3A_2139, %get3A_2140, %get3A_2141] {strides = array<i32>} : memref<2x3x128xi32, #tpu.memory_space<vmem>>, vector<1x1x16xi32>,
      %get3A_2143 = vector.shape_cast %get3A_2142 : vector<1x1x16xi32> to vector<16xi32>
      %min3A_2144 = arith.constant 2 : i32
      %min3A_2145 = vector.broadcast %min3A_2144 : i32 to vector<16xi32>
      %min3A_2146 = arith.minsi %get3A_2143, %min3A_2145 : vector<16xi32>
      %mul3A_2147 = arith.constant 21 : i32
      %mul3A_2148 = vector.broadcast %mul3A_2147 : i32 to vector<16xi32>
      %mul3A_2149 = arith.muli %min3A_2126, %mul3A_2148 : vector<16xi32>
      %mul3A_2150 = arith.constant 3 : i32
      %mul3A_2151 = vector.broadcast %mul3A_2150 : i32 to vector<16xi32>
      %mul3A_2152 = arith.muli %min3A_2136, %mul3A_2151 : vector<16xi32>
      %add3A_2153 = arith.addi %mul3A_2149, %mul3A_2152 : vector<16xi32>
      %add3A_2154 = arith.addi %add3A_2153, %min3A_2146 : vector<16xi32>
      %swap3A_2155 = arith.constant 2 : i32
      %swap3A_2156 = arith.index_cast %swap3A_2155 : i32 to index
      %swap3A_2157 = arith.constant 0 : index
      %swap3A_2158 = tpu.vector_load %arg13[%swap3A_2156, %swap3A_2157] {strides = array<i32>} : memref<3x128xi32, #tpu.memory_space<vmem>>, vector<1x16xi32>,
      %swap3A_2159 = vector.shape_cast %swap3A_2158 : vector<1x16xi32> to vector<16xi32>
      %swap3A_2160 = vector.shape_cast %add3A_2154 : vector<16xi32> to vector<1x16xi32>
      tpu.vector_store %arg13[%swap3A_2156, %swap3A_2157], %swap3A_2160 {strides = array<i32>} : memref<3x128xi32, #tpu.memory_space<vmem>>, vector<1x16xi32>,
      %get3A_2161 = arith.constant 1 : i32
      %get3A_2162 = arith.constant 0 : i32
      %get3A_2163 = arith.index_cast %get3A_2161 : i32 to index
      %get3A_2164 = arith.index_cast %get3A_2162 : i32 to index
      %get3A_2165 = arith.constant 16 : index
      %get3A_2166 = tpu.vector_load %arg12[%get3A_2163, %get3A_2164, %get3A_2165] {strides = array<i32>} : memref<2x3x128xi32, #tpu.memory_space<vmem>>, vector<1x1x16xi32>,
      %get3A_2167 = vector.shape_cast %get3A_2166 : vector<1x1x16xi32> to vector<16xi32>
      %min3A_2168 = arith.constant 5 : i32
      %min3A_2169 = vector.broadcast %min3A_2168 : i32 to vector<16xi32>
      %min3A_2170 = arith.minsi %get3A_2167, %min3A_2169 : vector<16xi32>
      %get3A_2171 = arith.constant 1 : i32
      %get3A_2172 = arith.constant 1 : i32
      %get3A_2173 = arith.index_cast %get3A_2171 : i32 to index
      %get3A_2174 = arith.index_cast %get3A_2172 : i32 to index
      %get3A_2175 = arith.constant 16 : index
      %get3A_2176 = tpu.vector_load %arg12[%get3A_2173, %get3A_2174, %get3A_2175] {strides = array<i32>} : memref<2x3x128xi32, #tpu.memory_space<vmem>>, vector<1x1x16xi32>,
      %get3A_2177 = vector.shape_cast %get3A_2176 : vector<1x1x16xi32> to vector<16xi32>
      %min3A_2178 = arith.constant 6 : i32
      %min3A_2179 = vector.broadcast %min3A_2178 : i32 to vector<16xi32>
      %min3A_2180 = arith.minsi %get3A_2177, %min3A_2179 : vector<16xi32>
      %get3A_2181 = arith.constant 1 : i32
      %get3A_2182 = arith.constant 2 : i32
      %get3A_2183 = arith.index_cast %get3A_2181 : i32 to index
      %get3A_2184 = arith.index_cast %get3A_2182 : i32 to index
      %get3A_2185 = arith.constant 16 : index
      %get3A_2186 = tpu.vector_load %arg12[%get3A_2183, %get3A_2184, %get3A_2185] {strides = array<i32>} : memref<2x3x128xi32, #tpu.memory_space<vmem>>, vector<1x1x16xi32>,
      %get3A_2187 = vector.shape_cast %get3A_2186 : vector<1x1x16xi32> to vector<16xi32>
      %min3A_2188 = arith.constant 2 : i32
      %min3A_2189 = vector.broadcast %min3A_2188 : i32 to vector<16xi32>
      %min3A_2190 = arith.minsi %get3A_2187, %min3A_2189 : vector<16xi32>
      %mul3A_2191 = arith.constant 21 : i32
      %mul3A_2192 = vector.broadcast %mul3A_2191 : i32 to vector<16xi32>
      %mul3A_2193 = arith.muli %min3A_2170, %mul3A_2192 : vector<16xi32>
      %mul3A_2194 = arith.constant 3 : i32
      %mul3A_2195 = vector.broadcast %mul3A_2194 : i32 to vector<16xi32>
      %mul3A_2196 = arith.muli %min3A_2180, %mul3A_2195 : vector<16xi32>
      %add3A_2197 = arith.addi %mul3A_2193, %mul3A_2196 : vector<16xi32>
      %add3A_2198 = arith.addi %add3A_2197, %min3A_2190 : vector<16xi32>
      %swap3A_2199 = arith.constant 2 : i32
      %swap3A_2200 = arith.index_cast %swap3A_2199 : i32 to index
      %swap3A_2201 = arith.constant 16 : index
      %swap3A_2202 = tpu.vector_load %arg13[%swap3A_2200, %swap3A_2201] {strides = array<i32>} : memref<3x128xi32, #tpu.memory_space<vmem>>, vector<1x16xi32>,
      %swap3A_2203 = vector.shape_cast %swap3A_2202 : vector<1x16xi32> to vector<16xi32>
      %swap3A_2204 = vector.shape_cast %add3A_2198 : vector<16xi32> to vector<1x16xi32>
      tpu.vector_store %arg13[%swap3A_2200, %swap3A_2201], %swap3A_2204 {strides = array<i32>} : memref<3x128xi32, #tpu.memory_space<vmem>>, vector<1x16xi32>,
      %get3A_2205 = arith.constant 1 : i32
      %get3A_2206 = arith.constant 0 : i32
      %get3A_2207 = arith.index_cast %get3A_2205 : i32 to index
      %get3A_2208 = arith.index_cast %get3A_2206 : i32 to index
      %get3A_2209 = arith.constant 32 : index
      %get3A_2210 = tpu.vector_load %arg12[%get3A_2207, %get3A_2208, %get3A_2209] {strides = array<i32>} : memref<2x3x128xi32, #tpu.memory_space<vmem>>, vector<1x1x16xi32>,
      %get3A_2211 = vector.shape_cast %get3A_2210 : vector<1x1x16xi32> to vector<16xi32>
      %min3A_2212 = arith.constant 5 : i32
      %min3A_2213 = vector.broadcast %min3A_2212 : i32 to vector<16xi32>
      %min3A_2214 = arith.minsi %get3A_2211, %min3A_2213 : vector<16xi32>
      %get3A_2215 = arith.constant 1 : i32
      %get3A_2216 = arith.constant 1 : i32
      %get3A_2217 = arith.index_cast %get3A_2215 : i32 to index
      %get3A_2218 = arith.index_cast %get3A_2216 : i32 to index
      %get3A_2219 = arith.constant 32 : index
      %get3A_2220 = tpu.vector_load %arg12[%get3A_2217, %get3A_2218, %get3A_2219] {strides = array<i32>} : memref<2x3x128xi32, #tpu.memory_space<vmem>>, vector<1x1x16xi32>,
      %get3A_2221 = vector.shape_cast %get3A_2220 : vector<1x1x16xi32> to vector<16xi32>
      %min3A_2222 = arith.constant 6 : i32
      %min3A_2223 = vector.broadcast %min3A_2222 : i32 to vector<16xi32>
      %min3A_2224 = arith.minsi %get3A_2221, %min3A_2223 : vector<16xi32>
      %get3A_2225 = arith.constant 1 : i32
      %get3A_2226 = arith.constant 2 : i32
      %get3A_2227 = arith.index_cast %get3A_2225 : i32 to index
      %get3A_2228 = arith.index_cast %get3A_2226 : i32 to index
      %get3A_2229 = arith.constant 32 : index
      %get3A_2230 = tpu.vector_load %arg12[%get3A_2227, %get3A_2228, %get3A_2229] {strides = array<i32>} : memref<2x3x128xi32, #tpu.memory_space<vmem>>, vector<1x1x16xi32>,
      %get3A_2231 = vector.shape_cast %get3A_2230 : vector<1x1x16xi32> to vector<16xi32>
      %min3A_2232 = arith.constant 2 : i32
      %min3A_2233 = vector.broadcast %min3A_2232 : i32 to vector<16xi32>
      %min3A_2234 = arith.minsi %get3A_2231, %min3A_2233 : vector<16xi32>
      %mul3A_2235 = arith.constant 21 : i32
      %mul3A_2236 = vector.broadcast %mul3A_2235 : i32 to vector<16xi32>
      %mul3A_2237 = arith.muli %min3A_2214, %mul3A_2236 : vector<16xi32>
      %mul3A_2238 = arith.constant 3 : i32
      %mul3A_2239 = vector.broadcast %mul3A_2238 : i32 to vector<16xi32>
      %mul3A_2240 = arith.muli %min3A_2224, %mul3A_2239 : vector<16xi32>
      %add3A_2241 = arith.addi %mul3A_2237, %mul3A_2240 : vector<16xi32>
      %add3A_2242 = arith.addi %add3A_2241, %min3A_2234 : vector<16xi32>
      %swap3A_2243 = arith.constant 2 : i32
      %swap3A_2244 = arith.index_cast %swap3A_2243 : i32 to index
      %swap3A_2245 = arith.constant 32 : index
      %swap3A_2246 = tpu.vector_load %arg13[%swap3A_2244, %swap3A_2245] {strides = array<i32>} : memref<3x128xi32, #tpu.memory_space<vmem>>, vector<1x16xi32>,
      %swap3A_2247 = vector.shape_cast %swap3A_2246 : vector<1x16xi32> to vector<16xi32>
      %swap3A_2248 = vector.shape_cast %add3A_2242 : vector<16xi32> to vector<1x16xi32>
      tpu.vector_store %arg13[%swap3A_2244, %swap3A_2245], %swap3A_2248 {strides = array<i32>} : memref<3x128xi32, #tpu.memory_space<vmem>>, vector<1x16xi32>,
      %get3A_2249 = arith.constant 1 : i32
      %get3A_2250 = arith.constant 0 : i32
      %get3A_2251 = arith.index_cast %get3A_2249 : i32 to index
      %get3A_2252 = arith.index_cast %get3A_2250 : i32 to index
      %get3A_2253 = arith.constant 48 : index
      %get3A_2254 = tpu.vector_load %arg12[%get3A_2251, %get3A_2252, %get3A_2253] {strides = array<i32>} : memref<2x3x128xi32, #tpu.memory_space<vmem>>, vector<1x1x16xi32>,
      %get3A_2255 = vector.shape_cast %get3A_2254 : vector<1x1x16xi32> to vector<16xi32>
      %min3A_2256 = arith.constant 5 : i32
      %min3A_2257 = vector.broadcast %min3A_2256 : i32 to vector<16xi32>
      %min3A_2258 = arith.minsi %get3A_2255, %min3A_2257 : vector<16xi32>
      %get3A_2259 = arith.constant 1 : i32
      %get3A_2260 = arith.constant 1 : i32
      %get3A_2261 = arith.index_cast %get3A_2259 : i32 to index
      %get3A_2262 = arith.index_cast %get3A_2260 : i32 to index
      %get3A_2263 = arith.constant 48 : index
      %get3A_2264 = tpu.vector_load %arg12[%get3A_2261, %get3A_2262, %get3A_2263] {strides = array<i32>} : memref<2x3x128xi32, #tpu.memory_space<vmem>>, vector<1x1x16xi32>,
      %get3A_2265 = vector.shape_cast %get3A_2264 : vector<1x1x16xi32> to vector<16xi32>
      %min3A_2266 = arith.constant 6 : i32
      %min3A_2267 = vector.broadcast %min3A_2266 : i32 to vector<16xi32>
      %min3A_2268 = arith.minsi %get3A_2265, %min3A_2267 : vector<16xi32>
      %get3A_2269 = arith.constant 1 : i32
      %get3A_2270 = arith.constant 2 : i32
      %get3A_2271 = arith.index_cast %get3A_2269 : i32 to index
      %get3A_2272 = arith.index_cast %get3A_2270 : i32 to index
      %get3A_2273 = arith.constant 48 : index
      %get3A_2274 = tpu.vector_load %arg12[%get3A_2271, %get3A_2272, %get3A_2273] {strides = array<i32>} : memref<2x3x128xi32, #tpu.memory_space<vmem>>, vector<1x1x16xi32>,
      %get3A_2275 = vector.shape_cast %get3A_2274 : vector<1x1x16xi32> to vector<16xi32>
      %min3A_2276 = arith.constant 2 : i32
      %min3A_2277 = vector.broadcast %min3A_2276 : i32 to vector<16xi32>
      %min3A_2278 = arith.minsi %get3A_2275, %min3A_2277 : vector<16xi32>
      %mul3A_2279 = arith.constant 21 : i32
      %mul3A_2280 = vector.broadcast %mul3A_2279 : i32 to vector<16xi32>
      %mul3A_2281 = arith.muli %min3A_2258, %mul3A_2280 : vector<16xi32>
      %mul3A_2282 = arith.constant 3 : i32
      %mul3A_2283 = vector.broadcast %mul3A_2282 : i32 to vector<16xi32>
      %mul3A_2284 = arith.muli %min3A_2268, %mul3A_2283 : vector<16xi32>
      %add3A_2285 = arith.addi %mul3A_2281, %mul3A_2284 : vector<16xi32>
      %add3A_2286 = arith.addi %add3A_2285, %min3A_2278 : vector<16xi32>
      %swap3A_2287 = arith.constant 2 : i32
      %swap3A_2288 = arith.index_cast %swap3A_2287 : i32 to index
      %swap3A_2289 = arith.constant 48 : index
      %swap3A_2290 = tpu.vector_load %arg13[%swap3A_2288, %swap3A_2289] {strides = array<i32>} : memref<3x128xi32, #tpu.memory_space<vmem>>, vector<1x16xi32>,
      %swap3A_2291 = vector.shape_cast %swap3A_2290 : vector<1x16xi32> to vector<16xi32>
      %swap3A_2292 = vector.shape_cast %add3A_2286 : vector<16xi32> to vector<1x16xi32>
      tpu.vector_store %arg13[%swap3A_2288, %swap3A_2289], %swap3A_2292 {strides = array<i32>} : memref<3x128xi32, #tpu.memory_space<vmem>>, vector<1x16xi32>,
      %get3A_2293 = arith.constant 1 : i32
      %get3A_2294 = arith.constant 0 : i32
      %get3A_2295 = arith.index_cast %get3A_2293 : i32 to index
      %get3A_2296 = arith.index_cast %get3A_2294 : i32 to index
      %get3A_2297 = arith.constant 64 : index
      %get3A_2298 = tpu.vector_load %arg12[%get3A_2295, %get3A_2296, %get3A_2297] {strides = array<i32>} : memref<2x3x128xi32, #tpu.memory_space<vmem>>, vector<1x1x16xi32>,
      %get3A_2299 = vector.shape_cast %get3A_2298 : vector<1x1x16xi32> to vector<16xi32>
      %min3A_2300 = arith.constant 5 : i32
      %min3A_2301 = vector.broadcast %min3A_2300 : i32 to vector<16xi32>
      %min3A_2302 = arith.minsi %get3A_2299, %min3A_2301 : vector<16xi32>
      %get3A_2303 = arith.constant 1 : i32
      %get3A_2304 = arith.constant 1 : i32
      %get3A_2305 = arith.index_cast %get3A_2303 : i32 to index
      %get3A_2306 = arith.index_cast %get3A_2304 : i32 to index
      %get3A_2307 = arith.constant 64 : index
      %get3A_2308 = tpu.vector_load %arg12[%get3A_2305, %get3A_2306, %get3A_2307] {strides = array<i32>} : memref<2x3x128xi32, #tpu.memory_space<vmem>>, vector<1x1x16xi32>,
      %get3A_2309 = vector.shape_cast %get3A_2308 : vector<1x1x16xi32> to vector<16xi32>
      %min3A_2310 = arith.constant 6 : i32
      %min3A_2311 = vector.broadcast %min3A_2310 : i32 to vector<16xi32>
      %min3A_2312 = arith.minsi %get3A_2309, %min3A_2311 : vector<16xi32>
      %get3A_2313 = arith.constant 1 : i32
      %get3A_2314 = arith.constant 2 : i32
      %get3A_2315 = arith.index_cast %get3A_2313 : i32 to index
      %get3A_2316 = arith.index_cast %get3A_2314 : i32 to index
      %get3A_2317 = arith.constant 64 : index
      %get3A_2318 = tpu.vector_load %arg12[%get3A_2315, %get3A_2316, %get3A_2317] {strides = array<i32>} : memref<2x3x128xi32, #tpu.memory_space<vmem>>, vector<1x1x16xi32>,
      %get3A_2319 = vector.shape_cast %get3A_2318 : vector<1x1x16xi32> to vector<16xi32>
      %min3A_2320 = arith.constant 2 : i32
      %min3A_2321 = vector.broadcast %min3A_2320 : i32 to vector<16xi32>
      %min3A_2322 = arith.minsi %get3A_2319, %min3A_2321 : vector<16xi32>
      %mul3A_2323 = arith.constant 21 : i32
      %mul3A_2324 = vector.broadcast %mul3A_2323 : i32 to vector<16xi32>
      %mul3A_2325 = arith.muli %min3A_2302, %mul3A_2324 : vector<16xi32>
      %mul3A_2326 = arith.constant 3 : i32
      %mul3A_2327 = vector.broadcast %mul3A_2326 : i32 to vector<16xi32>
      %mul3A_2328 = arith.muli %min3A_2312, %mul3A_2327 : vector<16xi32>
      %add3A_2329 = arith.addi %mul3A_2325, %mul3A_2328 : vector<16xi32>
      %add3A_2330 = arith.addi %add3A_2329, %min3A_2322 : vector<16xi32>
      %swap3A_2331 = arith.constant 2 : i32
      %swap3A_2332 = arith.index_cast %swap3A_2331 : i32 to index
      %swap3A_2333 = arith.constant 64 : index
      %swap3A_2334 = tpu.vector_load %arg13[%swap3A_2332, %swap3A_2333] {strides = array<i32>} : memref<3x128xi32, #tpu.memory_space<vmem>>, vector<1x16xi32>,
      %swap3A_2335 = vector.shape_cast %swap3A_2334 : vector<1x16xi32> to vector<16xi32>
      %swap3A_2336 = vector.shape_cast %add3A_2330 : vector<16xi32> to vector<1x16xi32>
      tpu.vector_store %arg13[%swap3A_2332, %swap3A_2333], %swap3A_2336 {strides = array<i32>} : memref<3x128xi32, #tpu.memory_space<vmem>>, vector<1x16xi32>,
      %get3A_2337 = arith.constant 1 : i32
      %get3A_2338 = arith.constant 0 : i32
      %get3A_2339 = arith.index_cast %get3A_2337 : i32 to index
      %get3A_2340 = arith.index_cast %get3A_2338 : i32 to index
      %get3A_2341 = arith.constant 80 : index
      %get3A_2342 = tpu.vector_load %arg12[%get3A_2339, %get3A_2340, %get3A_2341] {strides = array<i32>} : memref<2x3x128xi32, #tpu.memory_space<vmem>>, vector<1x1x16xi32>,
      %get3A_2343 = vector.shape_cast %get3A_2342 : vector<1x1x16xi32> to vector<16xi32>
      %min3A_2344 = arith.constant 5 : i32
      %min3A_2345 = vector.broadcast %min3A_2344 : i32 to vector<16xi32>
      %min3A_2346 = arith.minsi %get3A_2343, %min3A_2345 : vector<16xi32>
      %get3A_2347 = arith.constant 1 : i32
      %get3A_2348 = arith.constant 1 : i32
      %get3A_2349 = arith.index_cast %get3A_2347 : i32 to index
      %get3A_2350 = arith.index_cast %get3A_2348 : i32 to index
      %get3A_2351 = arith.constant 80 : index
      %get3A_2352 = tpu.vector_load %arg12[%get3A_2349, %get3A_2350, %get3A_2351] {strides = array<i32>} : memref<2x3x128xi32, #tpu.memory_space<vmem>>, vector<1x1x16xi32>,
      %get3A_2353 = vector.shape_cast %get3A_2352 : vector<1x1x16xi32> to vector<16xi32>
      %min3A_2354 = arith.constant 6 : i32
      %min3A_2355 = vector.broadcast %min3A_2354 : i32 to vector<16xi32>
      %min3A_2356 = arith.minsi %get3A_2353, %min3A_2355 : vector<16xi32>
      %get3A_2357 = arith.constant 1 : i32
      %get3A_2358 = arith.constant 2 : i32
      %get3A_2359 = arith.index_cast %get3A_2357 : i32 to index
      %get3A_2360 = arith.index_cast %get3A_2358 : i32 to index
      %get3A_2361 = arith.constant 80 : index
      %get3A_2362 = tpu.vector_load %arg12[%get3A_2359, %get3A_2360, %get3A_2361] {strides = array<i32>} : memref<2x3x128xi32, #tpu.memory_space<vmem>>, vector<1x1x16xi32>,
      %get3A_2363 = vector.shape_cast %get3A_2362 : vector<1x1x16xi32> to vector<16xi32>
      %min3A_2364 = arith.constant 2 : i32
      %min3A_2365 = vector.broadcast %min3A_2364 : i32 to vector<16xi32>
      %min3A_2366 = arith.minsi %get3A_2363, %min3A_2365 : vector<16xi32>
      %mul3A_2367 = arith.constant 21 : i32
      %mul3A_2368 = vector.broadcast %mul3A_2367 : i32 to vector<16xi32>
      %mul3A_2369 = arith.muli %min3A_2346, %mul3A_2368 : vector<16xi32>
      %mul3A_2370 = arith.constant 3 : i32
      %mul3A_2371 = vector.broadcast %mul3A_2370 : i32 to vector<16xi32>
      %mul3A_2372 = arith.muli %min3A_2356, %mul3A_2371 : vector<16xi32>
      %add3A_2373 = arith.addi %mul3A_2369, %mul3A_2372 : vector<16xi32>
      %add3A_2374 = arith.addi %add3A_2373, %min3A_2366 : vector<16xi32>
      %swap3A_2375 = arith.constant 2 : i32
      %swap3A_2376 = arith.index_cast %swap3A_2375 : i32 to index
      %swap3A_2377 = arith.constant 80 : index
      %swap3A_2378 = tpu.vector_load %arg13[%swap3A_2376, %swap3A_2377] {strides = array<i32>} : memref<3x128xi32, #tpu.memory_space<vmem>>, vector<1x16xi32>,
      %swap3A_2379 = vector.shape_cast %swap3A_2378 : vector<1x16xi32> to vector<16xi32>
      %swap3A_2380 = vector.shape_cast %add3A_2374 : vector<16xi32> to vector<1x16xi32>
      tpu.vector_store %arg13[%swap3A_2376, %swap3A_2377], %swap3A_2380 {strides = array<i32>} : memref<3x128xi32, #tpu.memory_space<vmem>>, vector<1x16xi32>,
      %get3A_2381 = arith.constant 1 : i32
      %get3A_2382 = arith.constant 0 : i32
      %get3A_2383 = arith.index_cast %get3A_2381 : i32 to index
      %get3A_2384 = arith.index_cast %get3A_2382 : i32 to index
      %get3A_2385 = arith.constant 96 : index
      %get3A_2386 = tpu.vector_load %arg12[%get3A_2383, %get3A_2384, %get3A_2385] {strides = array<i32>} : memref<2x3x128xi32, #tpu.memory_space<vmem>>, vector<1x1x16xi32>,
      %get3A_2387 = vector.shape_cast %get3A_2386 : vector<1x1x16xi32> to vector<16xi32>
      %min3A_2388 = arith.constant 5 : i32
      %min3A_2389 = vector.broadcast %min3A_2388 : i32 to vector<16xi32>
      %min3A_2390 = arith.minsi %get3A_2387, %min3A_2389 : vector<16xi32>
      %get3A_2391 = arith.constant 1 : i32
      %get3A_2392 = arith.constant 1 : i32
      %get3A_2393 = arith.index_cast %get3A_2391 : i32 to index
      %get3A_2394 = arith.index_cast %get3A_2392 : i32 to index
      %get3A_2395 = arith.constant 96 : index
      %get3A_2396 = tpu.vector_load %arg12[%get3A_2393, %get3A_2394, %get3A_2395] {strides = array<i32>} : memref<2x3x128xi32, #tpu.memory_space<vmem>>, vector<1x1x16xi32>,
      %get3A_2397 = vector.shape_cast %get3A_2396 : vector<1x1x16xi32> to vector<16xi32>
      %min3A_2398 = arith.constant 6 : i32
      %min3A_2399 = vector.broadcast %min3A_2398 : i32 to vector<16xi32>
      %min3A_2400 = arith.minsi %get3A_2397, %min3A_2399 : vector<16xi32>
      %get3A_2401 = arith.constant 1 : i32
      %get3A_2402 = arith.constant 2 : i32
      %get3A_2403 = arith.index_cast %get3A_2401 : i32 to index
      %get3A_2404 = arith.index_cast %get3A_2402 : i32 to index
      %get3A_2405 = arith.constant 96 : index
      %get3A_2406 = tpu.vector_load %arg12[%get3A_2403, %get3A_2404, %get3A_2405] {strides = array<i32>} : memref<2x3x128xi32, #tpu.memory_space<vmem>>, vector<1x1x16xi32>,
      %get3A_2407 = vector.shape_cast %get3A_2406 : vector<1x1x16xi32> to vector<16xi32>
      %min3A_2408 = arith.constant 2 : i32
      %min3A_2409 = vector.broadcast %min3A_2408 : i32 to vector<16xi32>
      %min3A_2410 = arith.minsi %get3A_2407, %min3A_2409 : vector<16xi32>
      %mul3A_2411 = arith.constant 21 : i32
      %mul3A_2412 = vector.broadcast %mul3A_2411 : i32 to vector<16xi32>
      %mul3A_2413 = arith.muli %min3A_2390, %mul3A_2412 : vector<16xi32>
      %mul3A_2414 = arith.constant 3 : i32
      %mul3A_2415 = vector.broadcast %mul3A_2414 : i32 to vector<16xi32>
      %mul3A_2416 = arith.muli %min3A_2400, %mul3A_2415 : vector<16xi32>
      %add3A_2417 = arith.addi %mul3A_2413, %mul3A_2416 : vector<16xi32>
      %add3A_2418 = arith.addi %add3A_2417, %min3A_2410 : vector<16xi32>
      %swap3A_2419 = arith.constant 2 : i32
      %swap3A_2420 = arith.index_cast %swap3A_2419 : i32 to index
      %swap3A_2421 = arith.constant 96 : index
      %swap3A_2422 = tpu.vector_load %arg13[%swap3A_2420, %swap3A_2421] {strides = array<i32>} : memref<3x128xi32, #tpu.memory_space<vmem>>, vector<1x16xi32>,
      %swap3A_2423 = vector.shape_cast %swap3A_2422 : vector<1x16xi32> to vector<16xi32>
      %swap3A_2424 = vector.shape_cast %add3A_2418 : vector<16xi32> to vector<1x16xi32>
      tpu.vector_store %arg13[%swap3A_2420, %swap3A_2421], %swap3A_2424 {strides = array<i32>} : memref<3x128xi32, #tpu.memory_space<vmem>>, vector<1x16xi32>,
      %get3A_2425 = arith.constant 1 : i32
      %get3A_2426 = arith.constant 0 : i32
      %get3A_2427 = arith.index_cast %get3A_2425 : i32 to index
      %get3A_2428 = arith.index_cast %get3A_2426 : i32 to index
      %get3A_2429 = arith.constant 112 : index
      %get3A_2430 = tpu.vector_load %arg12[%get3A_2427, %get3A_2428, %get3A_2429] {strides = array<i32>} : memref<2x3x128xi32, #tpu.memory_space<vmem>>, vector<1x1x16xi32>,
      %get3A_2431 = vector.shape_cast %get3A_2430 : vector<1x1x16xi32> to vector<16xi32>
      %min3A_2432 = arith.constant 5 : i32
      %min3A_2433 = vector.broadcast %min3A_2432 : i32 to vector<16xi32>
      %min3A_2434 = arith.minsi %get3A_2431, %min3A_2433 : vector<16xi32>
      %get3A_2435 = arith.constant 1 : i32
      %get3A_2436 = arith.constant 1 : i32
      %get3A_2437 = arith.index_cast %get3A_2435 : i32 to index
      %get3A_2438 = arith.index_cast %get3A_2436 : i32 to index
      %get3A_2439 = arith.constant 112 : index
      %get3A_2440 = tpu.vector_load %arg12[%get3A_2437, %get3A_2438, %get3A_2439] {strides = array<i32>} : memref<2x3x128xi32, #tpu.memory_space<vmem>>, vector<1x1x16xi32>,
      %get3A_2441 = vector.shape_cast %get3A_2440 : vector<1x1x16xi32> to vector<16xi32>
      %min3A_2442 = arith.constant 6 : i32
      %min3A_2443 = vector.broadcast %min3A_2442 : i32 to vector<16xi32>
      %min3A_2444 = arith.minsi %get3A_2441, %min3A_2443 : vector<16xi32>
      %get3A_2445 = arith.constant 1 : i32
      %get3A_2446 = arith.constant 2 : i32
      %get3A_2447 = arith.index_cast %get3A_2445 : i32 to index
      %get3A_2448 = arith.index_cast %get3A_2446 : i32 to index
      %get3A_2449 = arith.constant 112 : index
      %get3A_2450 = tpu.vector_load %arg12[%get3A_2447, %get3A_2448, %get3A_2449] {strides = array<i32>} : memref<2x3x128xi32, #tpu.memory_space<vmem>>, vector<1x1x16xi32>,
      %get3A_2451 = vector.shape_cast %get3A_2450 : vector<1x1x16xi32> to vector<16xi32>
      %min3A_2452 = arith.constant 2 : i32
      %min3A_2453 = vector.broadcast %min3A_2452 : i32 to vector<16xi32>
      %min3A_2454 = arith.minsi %get3A_2451, %min3A_2453 : vector<16xi32>
      %mul3A_2455 = arith.constant 21 : i32
      %mul3A_2456 = vector.broadcast %mul3A_2455 : i32 to vector<16xi32>
      %mul3A_2457 = arith.muli %min3A_2434, %mul3A_2456 : vector<16xi32>
      %mul3A_2458 = arith.constant 3 : i32
      %mul3A_2459 = vector.broadcast %mul3A_2458 : i32 to vector<16xi32>
      %mul3A_2460 = arith.muli %min3A_2444, %mul3A_2459 : vector<16xi32>
      %add3A_2461 = arith.addi %mul3A_2457, %mul3A_2460 : vector<16xi32>
      %add3A_2462 = arith.addi %add3A_2461, %min3A_2454 : vector<16xi32>
      %swap3A_2463 = arith.constant 2 : i32
      %swap3A_2464 = arith.index_cast %swap3A_2463 : i32 to index
      %swap3A_2465 = arith.constant 112 : index
      %swap3A_2466 = tpu.vector_load %arg13[%swap3A_2464, %swap3A_2465] {strides = array<i32>} : memref<3x128xi32, #tpu.memory_space<vmem>>, vector<1x16xi32>,
      %swap3A_2467 = vector.shape_cast %swap3A_2466 : vector<1x16xi32> to vector<16xi32>
      %swap3A_2468 = vector.shape_cast %add3A_2462 : vector<16xi32> to vector<1x16xi32>
      tpu.vector_store %arg13[%swap3A_2464, %swap3A_2465], %swap3A_2468 {strides = array<i32>} : memref<3x128xi32, #tpu.memory_space<vmem>>, vector<1x16xi32>,
      %lt3A_2469 = arith.constant 77 : i32
      %lt3A_2470 = arith.cmpi slt, %add3A_2095, %lt3A_2469 : i32
      %convert_element_type3A_2471 = arith.extui %lt3A_2470 : i1 to i32
      %cond3A_2472 = arith.constant 0 : i32
      %cond3A_2473 = arith.cmpi ne, %convert_element_type3A_2471, %cond3A_2472 : i32
      scf.if %cond3A_2473 {
        %add3A_2502 = arith.constant 1 : i32
        %add3A_2503 = arith.addi %add3A_2095, %add3A_2502 : i32
        %mul3A_2504 = arith.constant 32 : i32
        %mul3A_2505 = arith.muli %add3A_2503, %mul3A_2504 : i32
        %add3A_2506 = arith.addi %mul3A_2505, %add3A : i32
        %dma_start3A_2507 = arith.constant 0 : i32
        %dma_start3A_2508 = arith.constant 0 : i32
        %dma_start3A_2509 = arith.constant 0 : i32
        %dma_start3A_2510 = tpu.memref_slice %arg12[%dma_start3A_2507, %dma_start3A_2508, %dma_start3A_2509] : memref<2x3x128xi32, #tpu.memory_space<vmem>> -> memref<1x3x128xi32, #tpu.memory_space<vmem>>
        %dma_start3A_2511 = tpu.memref_squeeze %dma_start3A_2510 : memref<1x3x128xi32, #tpu.memory_space<vmem>> -> memref<3x128xi32, #tpu.memory_space<vmem>>
        %dma_start3A_2512 = arith.constant 0 : i32
        %dma_start3A_2513 = arith.constant 0 : i32
        %dma_start3A_2514 = tpu.memref_slice %arg2[%add3A_2506, %dma_start3A_2512, %dma_start3A_2513] : memref<2500x3x128xi32, #tpu.memory_space<hbm>> -> memref<1x3x128xi32, #tpu.memory_space<hbm>>
        %dma_start3A_2515 = tpu.memref_squeeze %dma_start3A_2514 : memref<1x3x128xi32, #tpu.memory_space<hbm>> -> memref<3x128xi32, #tpu.memory_space<hbm>>
        %dma_start3A_2516 = arith.constant 0 : i32
        %dma_start3A_2517 = arith.constant 0 : i32
        %dma_start3A_2518 = tpu.memref_slice %arg12[%dma_start3A_2507, %dma_start3A_2516, %dma_start3A_2517] : memref<2x3x128xi32, #tpu.memory_space<vmem>> -> memref<1x3x128xi32, #tpu.memory_space<vmem>>
        %dma_start3A_2519 = tpu.memref_squeeze %dma_start3A_2518 : memref<1x3x128xi32, #tpu.memory_space<vmem>> -> memref<3x128xi32, #tpu.memory_space<vmem>>
        %dma_start3A_2520 = arith.constant 0 : i32
        %dma_start3A_2521 = arith.constant 0 : i32
        %dma_start3A_2522 = tpu.memref_slice %arg2[%add3A_2506, %dma_start3A_2520, %dma_start3A_2521] : memref<2500x3x128xi32, #tpu.memory_space<hbm>> -> memref<1x3x128xi32, #tpu.memory_space<hbm>>
        %dma_start3A_2523 = tpu.memref_squeeze %dma_start3A_2522 : memref<1x3x128xi32, #tpu.memory_space<hbm>> -> memref<3x128xi32, #tpu.memory_space<hbm>>
        tpu.enqueue_dma source(%dma_start3A_2523 : memref<3x128xi32, #tpu.memory_space<hbm>>) target(%dma_start3A_2519 : memref<3x128xi32, #tpu.memory_space<vmem>>) target_semaphore(%arg17 : memref<!tpu.dma_semaphore, #tpu.memory_space<semaphore_mem>>)
      } else {
      }
      %dma_wait3A_2474 = arith.constant 0 : i32
      %dma_wait3A_2475 = arith.constant 0 : i32
      %dma_wait3A_2476 = tpu.memref_slice %arg6[%dma_wait3A_2474, %dma_wait3A_2475] : memref<320000x128xf32, #tpu.memory_space<hbm>> -> memref<128x128xf32, #tpu.memory_space<hbm>>
      %dma_wait3A_2477 = arith.constant 0 : i32
      %dma_wait3A_2478 = arith.constant 0 : i32
      %dma_wait3A_2479 = tpu.memref_slice %arg6[%dma_wait3A_2477, %dma_wait3A_2478] : memref<320000x128xf32, #tpu.memory_space<hbm>> -> memref<128x128xf32, #tpu.memory_space<hbm>>
      tpu.wait_dma2 semaphore(%arg23 : memref<!tpu.dma_semaphore, #tpu.memory_space<semaphore_mem>>) src(%arg16 : memref<128x128xf32, #tpu.memory_space<vmem>>) dst(%dma_wait3A_2479 : memref<128x128xf32, #tpu.memory_space<hbm>>)
      %dma_start3A_2480 = arith.constant 2 : i32
      %dma_start3A_2481 = arith.constant 0 : i32
      %dma_start3A_2482 = tpu.memref_slice %arg13[%dma_start3A_2480, %dma_start3A_2481] : memref<3x128xi32, #tpu.memory_space<vmem>> -> memref<1x128xi32, #tpu.memory_space<vmem>>
      %dma_start3A_2483 = tpu.memref_squeeze %dma_start3A_2482 : memref<1x128xi32, #tpu.memory_space<vmem>> -> memref<128xi32, #tpu.memory_space<vmem>>
      %dma_start3A_2484 = arith.constant 0 : i32
      %dma_start3A_2485 = arith.constant 0 : i32
      %dma_start3A_2486 = tpu.memref_slice %arg11[%dma_start3A_2484, %dma_start3A_2485] : memref<126x128xf32, #tpu.memory_space<vmem_shared>> -> memref<126x128xf32, #tpu.memory_space<vmem_shared>>
      tpu.enqueue_indirect_dma source(%dma_start3A_2486 : memref<126x128xf32, #tpu.memory_space<vmem_shared>>) target(%arg16 : memref<128x128xf32, #tpu.memory_space<vmem>>) offsets(%dma_start3A_2483 : memref<128xi32, #tpu.memory_space<vmem>>) semaphore(%arg20 : memref<!tpu.dma_semaphore, #tpu.memory_space<semaphore_mem>>)
      %dma_wait3A_2487 = arith.constant 1 : i32
      %dma_wait3A_2488 = arith.constant 0 : i32
      %dma_wait3A_2489 = tpu.memref_slice %arg13[%dma_wait3A_2487, %dma_wait3A_2488] : memref<3x128xi32, #tpu.memory_space<vmem>> -> memref<1x128xi32, #tpu.memory_space<vmem>>
      %dma_wait3A_2490 = tpu.memref_squeeze %dma_wait3A_2489 : memref<1x128xi32, #tpu.memory_space<vmem>> -> memref<128xi32, #tpu.memory_space<vmem>>
      %dma_wait3A_2491 = arith.constant 0 : i32
      %dma_wait3A_2492 = arith.constant 0 : i32
      %dma_wait3A_2493 = tpu.memref_slice %arg11[%dma_wait3A_2491, %dma_wait3A_2492] : memref<126x128xf32, #tpu.memory_space<vmem_shared>> -> memref<126x128xf32, #tpu.memory_space<vmem_shared>>
      tpu.wait_indirect_dma semaphore(%arg19 : memref<!tpu.dma_semaphore, #tpu.memory_space<semaphore_mem>>) src(%dma_wait3A_2493 : memref<126x128xf32, #tpu.memory_space<vmem_shared>>) dst(%arg15 : memref<128x128xf32, #tpu.memory_space<vmem>>)
      %sub3A_2494 = arith.constant 32 : i32
      %sub3A_2495 = arith.subi %add3A_2098, %sub3A_2494 : i32
      %mul3A_2496 = arith.constant 128 : i32
      %mul3A_2497 = arith.muli %sub3A_2495, %mul3A_2496 : i32
      %dma_start3A_2498 = arith.constant 0 : i32
      %dma_start3A_2499 = tpu.memref_slice %arg6[%mul3A_2497, %dma_start3A_2498] : memref<320000x128xf32, #tpu.memory_space<hbm>> -> memref<128x128xf32, #tpu.memory_space<hbm>>
      %dma_start3A_2500 = arith.constant 0 : i32
      %dma_start3A_2501 = tpu.memref_slice %arg6[%mul3A_2497, %dma_start3A_2500] : memref<320000x128xf32, #tpu.memory_space<hbm>> -> memref<128x128xf32, #tpu.memory_space<hbm>>
      tpu.enqueue_dma source(%arg15 : memref<128x128xf32, #tpu.memory_space<vmem>>) target(%dma_start3A_2501 : memref<128x128xf32, #tpu.memory_space<hbm>>) target_semaphore(%arg22 : memref<!tpu.dma_semaphore, #tpu.memory_space<semaphore_mem>>)
    }
    %scan3A_22 = arith.constant 13 : i32
    %dma_wait3A = arith.constant 2 : i32
    %dma_wait3A_23 = arith.constant 0 : i32
    %dma_wait3A_24 = tpu.memref_slice %arg13[%dma_wait3A, %dma_wait3A_23] : memref<3x128xi32, #tpu.memory_space<vmem>> -> memref<1x128xi32, #tpu.memory_space<vmem>>
    %dma_wait3A_25 = tpu.memref_squeeze %dma_wait3A_24 : memref<1x128xi32, #tpu.memory_space<vmem>> -> memref<128xi32, #tpu.memory_space<vmem>>
    %dma_wait3A_26 = arith.constant 0 : i32
    %dma_wait3A_27 = arith.constant 0 : i32
    %dma_wait3A_28 = tpu.memref_slice %arg11[%dma_wait3A_26, %dma_wait3A_27] : memref<126x128xf32, #tpu.memory_space<vmem_shared>> -> memref<126x128xf32, #tpu.memory_space<vmem_shared>>
    tpu.wait_indirect_dma semaphore(%arg20 : memref<!tpu.dma_semaphore, #tpu.memory_space<semaphore_mem>>) src(%dma_wait3A_28 : memref<126x128xf32, #tpu.memory_space<vmem_shared>>) dst(%arg16 : memref<128x128xf32, #tpu.memory_space<vmem>>)
    %add3A_29 = arith.constant 2464 : i32
    %add3A_30 = arith.addi %add3A_29, %add3A : i32
    %mul3A_31 = arith.constant 128 : i32
    %mul3A_32 = arith.muli %add3A_30, %mul3A_31 : i32
    %dma_start3A_33 = arith.constant 0 : i32
    %dma_start3A_34 = tpu.memref_slice %arg6[%mul3A_32, %dma_start3A_33] : memref<320000x128xf32, #tpu.memory_space<hbm>> -> memref<128x128xf32, #tpu.memory_space<hbm>>
    %dma_start3A_35 = arith.constant 0 : i32
    %dma_start3A_36 = tpu.memref_slice %arg6[%mul3A_32, %dma_start3A_35] : memref<320000x128xf32, #tpu.memory_space<hbm>> -> memref<128x128xf32, #tpu.memory_space<hbm>>
    tpu.enqueue_dma source(%arg16 : memref<128x128xf32, #tpu.memory_space<vmem>>) target(%dma_start3A_36 : memref<128x128xf32, #tpu.memory_space<hbm>>) target_semaphore(%arg23 : memref<!tpu.dma_semaphore, #tpu.memory_space<semaphore_mem>>)
    %dma_wait3A_37 = arith.constant 0 : i32
    %dma_wait3A_38 = arith.constant 0 : i32
    %dma_wait3A_39 = tpu.memref_slice %arg6[%dma_wait3A_37, %dma_wait3A_38] : memref<320000x128xf32, #tpu.memory_space<hbm>> -> memref<128x128xf32, #tpu.memory_space<hbm>>
    %dma_wait3A_40 = arith.constant 0 : i32
    %dma_wait3A_41 = arith.constant 0 : i32
    %dma_wait3A_42 = tpu.memref_slice %arg6[%dma_wait3A_40, %dma_wait3A_41] : memref<320000x128xf32, #tpu.memory_space<hbm>> -> memref<128x128xf32, #tpu.memory_space<hbm>>
    tpu.wait_dma2 semaphore(%arg21 : memref<!tpu.dma_semaphore, #tpu.memory_space<semaphore_mem>>) src(%arg14 : memref<128x128xf32, #tpu.memory_space<vmem>>) dst(%dma_wait3A_42 : memref<128x128xf32, #tpu.memory_space<hbm>>)
    %dma_wait3A_43 = arith.constant 0 : i32
    %dma_wait3A_44 = arith.constant 0 : i32
    %dma_wait3A_45 = tpu.memref_slice %arg6[%dma_wait3A_43, %dma_wait3A_44] : memref<320000x128xf32, #tpu.memory_space<hbm>> -> memref<128x128xf32, #tpu.memory_space<hbm>>
    %dma_wait3A_46 = arith.constant 0 : i32
    %dma_wait3A_47 = arith.constant 0 : i32
    %dma_wait3A_48 = tpu.memref_slice %arg6[%dma_wait3A_46, %dma_wait3A_47] : memref<320000x128xf32, #tpu.memory_space<hbm>> -> memref<128x128xf32, #tpu.memory_space<hbm>>
    tpu.wait_dma2 semaphore(%arg22 : memref<!tpu.dma_semaphore, #tpu.memory_space<semaphore_mem>>) src(%arg15 : memref<128x128xf32, #tpu.memory_space<vmem>>) dst(%dma_wait3A_48 : memref<128x128xf32, #tpu.memory_space<hbm>>)
    %dma_wait3A_49 = arith.constant 0 : i32
    %dma_wait3A_50 = arith.constant 0 : i32
    %dma_wait3A_51 = tpu.memref_slice %arg6[%dma_wait3A_49, %dma_wait3A_50] : memref<320000x128xf32, #tpu.memory_space<hbm>> -> memref<128x128xf32, #tpu.memory_space<hbm>>
    %dma_wait3A_52 = arith.constant 0 : i32
    %dma_wait3A_53 = arith.constant 0 : i32
    %dma_wait3A_54 = tpu.memref_slice %arg6[%dma_wait3A_52, %dma_wait3A_53] : memref<320000x128xf32, #tpu.memory_space<hbm>> -> memref<128x128xf32, #tpu.memory_space<hbm>>
    tpu.wait_dma2 semaphore(%arg23 : memref<!tpu.dma_semaphore, #tpu.memory_space<semaphore_mem>>) src(%arg16 : memref<128x128xf32, #tpu.memory_space<vmem>>) dst(%dma_wait3A_54 : memref<128x128xf32, #tpu.memory_space<hbm>>)
    %lt3A = arith.constant 4 : i32
    %lt3A_55 = arith.cmpi slt, %add3A, %lt3A : i32
    %convert_element_type3A_56 = arith.extui %lt3A_55 : i1 to i32
    %cond3A_57 = arith.constant 0 : i32
    %cond3A_58 = arith.cmpi ne, %convert_element_type3A_56, %cond3A_57 : i32
    scf.if %cond3A_58 {
      %add3A_59 = arith.constant 2496 : i32
      %add3A_60 = arith.addi %add3A_59, %add3A : i32
      %dma_start3A_61 = arith.constant 0 : i32
      %dma_start3A_62 = arith.constant 0 : i32
      %dma_start3A_63 = arith.constant 0 : i32
      %dma_start3A_64 = tpu.memref_slice %arg12[%dma_start3A_61, %dma_start3A_62, %dma_start3A_63] : memref<2x3x128xi32, #tpu.memory_space<vmem>> -> memref<1x3x128xi32, #tpu.memory_space<vmem>>
      %dma_start3A_65 = tpu.memref_squeeze %dma_start3A_64 : memref<1x3x128xi32, #tpu.memory_space<vmem>> -> memref<3x128xi32, #tpu.memory_space<vmem>>
      %dma_start3A_66 = arith.constant 0 : i32
      %dma_start3A_67 = arith.constant 0 : i32
      %dma_start3A_68 = tpu.memref_slice %arg2[%add3A_60, %dma_start3A_66, %dma_start3A_67] : memref<2500x3x128xi32, #tpu.memory_space<hbm>> -> memref<1x3x128xi32, #tpu.memory_space<hbm>>
      %dma_start3A_69 = tpu.memref_squeeze %dma_start3A_68 : memref<1x3x128xi32, #tpu.memory_space<hbm>> -> memref<3x128xi32, #tpu.memory_space<hbm>>
      %dma_start3A_70 = arith.constant 0 : i32
      %dma_start3A_71 = arith.constant 0 : i32
      %dma_start3A_72 = tpu.memref_slice %arg12[%dma_start3A_61, %dma_start3A_70, %dma_start3A_71] : memref<2x3x128xi32, #tpu.memory_space<vmem>> -> memref<1x3x128xi32, #tpu.memory_space<vmem>>
      %dma_start3A_73 = tpu.memref_squeeze %dma_start3A_72 : memref<1x3x128xi32, #tpu.memory_space<vmem>> -> memref<3x128xi32, #tpu.memory_space<vmem>>
      %dma_start3A_74 = arith.constant 0 : i32
      %dma_start3A_75 = arith.constant 0 : i32
      %dma_start3A_76 = tpu.memref_slice %arg2[%add3A_60, %dma_start3A_74, %dma_start3A_75] : memref<2500x3x128xi32, #tpu.memory_space<hbm>> -> memref<1x3x128xi32, #tpu.memory_space<hbm>>
      %dma_start3A_77 = tpu.memref_squeeze %dma_start3A_76 : memref<1x3x128xi32, #tpu.memory_space<hbm>> -> memref<3x128xi32, #tpu.memory_space<hbm>>
      tpu.enqueue_dma source(%dma_start3A_77 : memref<3x128xi32, #tpu.memory_space<hbm>>) target(%dma_start3A_73 : memref<3x128xi32, #tpu.memory_space<vmem>>) target_semaphore(%arg17 : memref<!tpu.dma_semaphore, #tpu.memory_space<semaphore_mem>>)
      %dma_wait3A_78 = arith.constant 0 : i32
      %dma_wait3A_79 = arith.constant 0 : i32
      %dma_wait3A_80 = arith.constant 0 : i32
      %dma_wait3A_81 = arith.constant 0 : i32
      %dma_wait3A_82 = tpu.memref_slice %arg12[%dma_wait3A_79, %dma_wait3A_80, %dma_wait3A_81] : memref<2x3x128xi32, #tpu.memory_space<vmem>> -> memref<1x3x128xi32, #tpu.memory_space<vmem>>
      %dma_wait3A_83 = tpu.memref_squeeze %dma_wait3A_82 : memref<1x3x128xi32, #tpu.memory_space<vmem>> -> memref<3x128xi32, #tpu.memory_space<vmem>>
      %dma_wait3A_84 = arith.constant 0 : i32
      %dma_wait3A_85 = arith.constant 0 : i32
      %dma_wait3A_86 = tpu.memref_slice %arg2[%dma_wait3A_78, %dma_wait3A_84, %dma_wait3A_85] : memref<2500x3x128xi32, #tpu.memory_space<hbm>> -> memref<1x3x128xi32, #tpu.memory_space<hbm>>
      %dma_wait3A_87 = tpu.memref_squeeze %dma_wait3A_86 : memref<1x3x128xi32, #tpu.memory_space<hbm>> -> memref<3x128xi32, #tpu.memory_space<hbm>>
      %dma_wait3A_88 = arith.constant 0 : i32
      %dma_wait3A_89 = arith.constant 0 : i32
      %dma_wait3A_90 = tpu.memref_slice %arg12[%dma_wait3A_79, %dma_wait3A_88, %dma_wait3A_89] : memref<2x3x128xi32, #tpu.memory_space<vmem>> -> memref<1x3x128xi32, #tpu.memory_space<vmem>>
      %dma_wait3A_91 = tpu.memref_squeeze %dma_wait3A_90 : memref<1x3x128xi32, #tpu.memory_space<vmem>> -> memref<3x128xi32, #tpu.memory_space<vmem>>
      %dma_wait3A_92 = arith.constant 0 : i32
      %dma_wait3A_93 = arith.constant 0 : i32
      %dma_wait3A_94 = tpu.memref_slice %arg2[%dma_wait3A_78, %dma_wait3A_92, %dma_wait3A_93] : memref<2500x3x128xi32, #tpu.memory_space<hbm>> -> memref<1x3x128xi32, #tpu.memory_space<hbm>>
      %dma_wait3A_95 = tpu.memref_squeeze %dma_wait3A_94 : memref<1x3x128xi32, #tpu.memory_space<hbm>> -> memref<3x128xi32, #tpu.memory_space<hbm>>
      tpu.wait_dma2 semaphore(%arg17 : memref<!tpu.dma_semaphore, #tpu.memory_space<semaphore_mem>>) src(%dma_wait3A_95 : memref<3x128xi32, #tpu.memory_space<hbm>>) dst(%dma_wait3A_91 : memref<3x128xi32, #tpu.memory_space<vmem>>)
      %get3A = arith.constant 0 : i32
      %get3A_96 = arith.constant 0 : i32
      %get3A_97 = arith.index_cast %get3A : i32 to index
      %get3A_98 = arith.index_cast %get3A_96 : i32 to index
      %get3A_99 = arith.constant 0 : index
      %get3A_100 = tpu.vector_load %arg12[%get3A_97, %get3A_98, %get3A_99] {strides = array<i32>} : memref<2x3x128xi32, #tpu.memory_space<vmem>>, vector<1x1x16xi32>,
      %get3A_101 = vector.shape_cast %get3A_100 : vector<1x1x16xi32> to vector<16xi32>
      %min3A = arith.constant 5 : i32
      %min3A_102 = vector.broadcast %min3A : i32 to vector<16xi32>
      %min3A_103 = arith.minsi %get3A_101, %min3A_102 : vector<16xi32>
      %get3A_104 = arith.constant 0 : i32
      %get3A_105 = arith.constant 1 : i32
      %get3A_106 = arith.index_cast %get3A_104 : i32 to index
      %get3A_107 = arith.index_cast %get3A_105 : i32 to index
      %get3A_108 = arith.constant 0 : index
      %get3A_109 = tpu.vector_load %arg12[%get3A_106, %get3A_107, %get3A_108] {strides = array<i32>} : memref<2x3x128xi32, #tpu.memory_space<vmem>>, vector<1x1x16xi32>,
      %get3A_110 = vector.shape_cast %get3A_109 : vector<1x1x16xi32> to vector<16xi32>
      %min3A_111 = arith.constant 6 : i32
      %min3A_112 = vector.broadcast %min3A_111 : i32 to vector<16xi32>
      %min3A_113 = arith.minsi %get3A_110, %min3A_112 : vector<16xi32>
      %get3A_114 = arith.constant 0 : i32
      %get3A_115 = arith.constant 2 : i32
      %get3A_116 = arith.index_cast %get3A_114 : i32 to index
      %get3A_117 = arith.index_cast %get3A_115 : i32 to index
      %get3A_118 = arith.constant 0 : index
      %get3A_119 = tpu.vector_load %arg12[%get3A_116, %get3A_117, %get3A_118] {strides = array<i32>} : memref<2x3x128xi32, #tpu.memory_space<vmem>>, vector<1x1x16xi32>,
      %get3A_120 = vector.shape_cast %get3A_119 : vector<1x1x16xi32> to vector<16xi32>
      %min3A_121 = arith.constant 2 : i32
      %min3A_122 = vector.broadcast %min3A_121 : i32 to vector<16xi32>
      %min3A_123 = arith.minsi %get3A_120, %min3A_122 : vector<16xi32>
      %mul3A_124 = arith.constant 21 : i32
      %mul3A_125 = vector.broadcast %mul3A_124 : i32 to vector<16xi32>
      %mul3A_126 = arith.muli %min3A_103, %mul3A_125 : vector<16xi32>
      %mul3A_127 = arith.constant 3 : i32
      %mul3A_128 = vector.broadcast %mul3A_127 : i32 to vector<16xi32>
      %mul3A_129 = arith.muli %min3A_113, %mul3A_128 : vector<16xi32>
      %add3A_130 = arith.addi %mul3A_126, %mul3A_129 : vector<16xi32>
      %add3A_131 = arith.addi %add3A_130, %min3A_123 : vector<16xi32>
      %swap3A = arith.constant 0 : i32
      %swap3A_132 = arith.index_cast %swap3A : i32 to index
      %swap3A_133 = arith.constant 0 : index
      %swap3A_134 = tpu.vector_load %arg13[%swap3A_132, %swap3A_133] {strides = array<i32>} : memref<3x128xi32, #tpu.memory_space<vmem>>, vector<1x16xi32>,
      %swap3A_135 = vector.shape_cast %swap3A_134 : vector<1x16xi32> to vector<16xi32>
      %swap3A_136 = vector.shape_cast %add3A_131 : vector<16xi32> to vector<1x16xi32>
      tpu.vector_store %arg13[%swap3A_132, %swap3A_133], %swap3A_136 {strides = array<i32>} : memref<3x128xi32, #tpu.memory_space<vmem>>, vector<1x16xi32>,
      %get3A_137 = arith.constant 0 : i32
      %get3A_138 = arith.constant 0 : i32
      %get3A_139 = arith.index_cast %get3A_137 : i32 to index
      %get3A_140 = arith.index_cast %get3A_138 : i32 to index
      %get3A_141 = arith.constant 16 : index
      %get3A_142 = tpu.vector_load %arg12[%get3A_139, %get3A_140, %get3A_141] {strides = array<i32>} : memref<2x3x128xi32, #tpu.memory_space<vmem>>, vector<1x1x16xi32>,
      %get3A_143 = vector.shape_cast %get3A_142 : vector<1x1x16xi32> to vector<16xi32>
      %min3A_144 = arith.constant 5 : i32
      %min3A_145 = vector.broadcast %min3A_144 : i32 to vector<16xi32>
      %min3A_146 = arith.minsi %get3A_143, %min3A_145 : vector<16xi32>
      %get3A_147 = arith.constant 0 : i32
      %get3A_148 = arith.constant 1 : i32
      %get3A_149 = arith.index_cast %get3A_147 : i32 to index
      %get3A_150 = arith.index_cast %get3A_148 : i32 to index
      %get3A_151 = arith.constant 16 : index
      %get3A_152 = tpu.vector_load %arg12[%get3A_149, %get3A_150, %get3A_151] {strides = array<i32>} : memref<2x3x128xi32, #tpu.memory_space<vmem>>, vector<1x1x16xi32>,
      %get3A_153 = vector.shape_cast %get3A_152 : vector<1x1x16xi32> to vector<16xi32>
      %min3A_154 = arith.constant 6 : i32
      %min3A_155 = vector.broadcast %min3A_154 : i32 to vector<16xi32>
      %min3A_156 = arith.minsi %get3A_153, %min3A_155 : vector<16xi32>
      %get3A_157 = arith.constant 0 : i32
      %get3A_158 = arith.constant 2 : i32
      %get3A_159 = arith.index_cast %get3A_157 : i32 to index
      %get3A_160 = arith.index_cast %get3A_158 : i32 to index
      %get3A_161 = arith.constant 16 : index
      %get3A_162 = tpu.vector_load %arg12[%get3A_159, %get3A_160, %get3A_161] {strides = array<i32>} : memref<2x3x128xi32, #tpu.memory_space<vmem>>, vector<1x1x16xi32>,
      %get3A_163 = vector.shape_cast %get3A_162 : vector<1x1x16xi32> to vector<16xi32>
      %min3A_164 = arith.constant 2 : i32
      %min3A_165 = vector.broadcast %min3A_164 : i32 to vector<16xi32>
      %min3A_166 = arith.minsi %get3A_163, %min3A_165 : vector<16xi32>
      %mul3A_167 = arith.constant 21 : i32
      %mul3A_168 = vector.broadcast %mul3A_167 : i32 to vector<16xi32>
      %mul3A_169 = arith.muli %min3A_146, %mul3A_168 : vector<16xi32>
      %mul3A_170 = arith.constant 3 : i32
      %mul3A_171 = vector.broadcast %mul3A_170 : i32 to vector<16xi32>
      %mul3A_172 = arith.muli %min3A_156, %mul3A_171 : vector<16xi32>
      %add3A_173 = arith.addi %mul3A_169, %mul3A_172 : vector<16xi32>
      %add3A_174 = arith.addi %add3A_173, %min3A_166 : vector<16xi32>
      %swap3A_175 = arith.constant 0 : i32
      %swap3A_176 = arith.index_cast %swap3A_175 : i32 to index
      %swap3A_177 = arith.constant 16 : index
      %swap3A_178 = tpu.vector_load %arg13[%swap3A_176, %swap3A_177] {strides = array<i32>} : memref<3x128xi32, #tpu.memory_space<vmem>>, vector<1x16xi32>,
      %swap3A_179 = vector.shape_cast %swap3A_178 : vector<1x16xi32> to vector<16xi32>
      %swap3A_180 = vector.shape_cast %add3A_174 : vector<16xi32> to vector<1x16xi32>
      tpu.vector_store %arg13[%swap3A_176, %swap3A_177], %swap3A_180 {strides = array<i32>} : memref<3x128xi32, #tpu.memory_space<vmem>>, vector<1x16xi32>,
      %get3A_181 = arith.constant 0 : i32
      %get3A_182 = arith.constant 0 : i32
      %get3A_183 = arith.index_cast %get3A_181 : i32 to index
      %get3A_184 = arith.index_cast %get3A_182 : i32 to index
      %get3A_185 = arith.constant 32 : index
      %get3A_186 = tpu.vector_load %arg12[%get3A_183, %get3A_184, %get3A_185] {strides = array<i32>} : memref<2x3x128xi32, #tpu.memory_space<vmem>>, vector<1x1x16xi32>,
      %get3A_187 = vector.shape_cast %get3A_186 : vector<1x1x16xi32> to vector<16xi32>
      %min3A_188 = arith.constant 5 : i32
      %min3A_189 = vector.broadcast %min3A_188 : i32 to vector<16xi32>
      %min3A_190 = arith.minsi %get3A_187, %min3A_189 : vector<16xi32>
      %get3A_191 = arith.constant 0 : i32
      %get3A_192 = arith.constant 1 : i32
      %get3A_193 = arith.index_cast %get3A_191 : i32 to index
      %get3A_194 = arith.index_cast %get3A_192 : i32 to index
      %get3A_195 = arith.constant 32 : index
      %get3A_196 = tpu.vector_load %arg12[%get3A_193, %get3A_194, %get3A_195] {strides = array<i32>} : memref<2x3x128xi32, #tpu.memory_space<vmem>>, vector<1x1x16xi32>,
      %get3A_197 = vector.shape_cast %get3A_196 : vector<1x1x16xi32> to vector<16xi32>
      %min3A_198 = arith.constant 6 : i32
      %min3A_199 = vector.broadcast %min3A_198 : i32 to vector<16xi32>
      %min3A_200 = arith.minsi %get3A_197, %min3A_199 : vector<16xi32>
      %get3A_201 = arith.constant 0 : i32
      %get3A_202 = arith.constant 2 : i32
      %get3A_203 = arith.index_cast %get3A_201 : i32 to index
      %get3A_204 = arith.index_cast %get3A_202 : i32 to index
      %get3A_205 = arith.constant 32 : index
      %get3A_206 = tpu.vector_load %arg12[%get3A_203, %get3A_204, %get3A_205] {strides = array<i32>} : memref<2x3x128xi32, #tpu.memory_space<vmem>>, vector<1x1x16xi32>,
      %get3A_207 = vector.shape_cast %get3A_206 : vector<1x1x16xi32> to vector<16xi32>
      %min3A_208 = arith.constant 2 : i32
      %min3A_209 = vector.broadcast %min3A_208 : i32 to vector<16xi32>
      %min3A_210 = arith.minsi %get3A_207, %min3A_209 : vector<16xi32>
      %mul3A_211 = arith.constant 21 : i32
      %mul3A_212 = vector.broadcast %mul3A_211 : i32 to vector<16xi32>
      %mul3A_213 = arith.muli %min3A_190, %mul3A_212 : vector<16xi32>
      %mul3A_214 = arith.constant 3 : i32
      %mul3A_215 = vector.broadcast %mul3A_214 : i32 to vector<16xi32>
      %mul3A_216 = arith.muli %min3A_200, %mul3A_215 : vector<16xi32>
      %add3A_217 = arith.addi %mul3A_213, %mul3A_216 : vector<16xi32>
      %add3A_218 = arith.addi %add3A_217, %min3A_210 : vector<16xi32>
      %swap3A_219 = arith.constant 0 : i32
      %swap3A_220 = arith.index_cast %swap3A_219 : i32 to index
      %swap3A_221 = arith.constant 32 : index
      %swap3A_222 = tpu.vector_load %arg13[%swap3A_220, %swap3A_221] {strides = array<i32>} : memref<3x128xi32, #tpu.memory_space<vmem>>, vector<1x16xi32>,
      %swap3A_223 = vector.shape_cast %swap3A_222 : vector<1x16xi32> to vector<16xi32>
      %swap3A_224 = vector.shape_cast %add3A_218 : vector<16xi32> to vector<1x16xi32>
      tpu.vector_store %arg13[%swap3A_220, %swap3A_221], %swap3A_224 {strides = array<i32>} : memref<3x128xi32, #tpu.memory_space<vmem>>, vector<1x16xi32>,
      %get3A_225 = arith.constant 0 : i32
      %get3A_226 = arith.constant 0 : i32
      %get3A_227 = arith.index_cast %get3A_225 : i32 to index
      %get3A_228 = arith.index_cast %get3A_226 : i32 to index
      %get3A_229 = arith.constant 48 : index
      %get3A_230 = tpu.vector_load %arg12[%get3A_227, %get3A_228, %get3A_229] {strides = array<i32>} : memref<2x3x128xi32, #tpu.memory_space<vmem>>, vector<1x1x16xi32>,
      %get3A_231 = vector.shape_cast %get3A_230 : vector<1x1x16xi32> to vector<16xi32>
      %min3A_232 = arith.constant 5 : i32
      %min3A_233 = vector.broadcast %min3A_232 : i32 to vector<16xi32>
      %min3A_234 = arith.minsi %get3A_231, %min3A_233 : vector<16xi32>
      %get3A_235 = arith.constant 0 : i32
      %get3A_236 = arith.constant 1 : i32
      %get3A_237 = arith.index_cast %get3A_235 : i32 to index
      %get3A_238 = arith.index_cast %get3A_236 : i32 to index
      %get3A_239 = arith.constant 48 : index
      %get3A_240 = tpu.vector_load %arg12[%get3A_237, %get3A_238, %get3A_239] {strides = array<i32>} : memref<2x3x128xi32, #tpu.memory_space<vmem>>, vector<1x1x16xi32>,
      %get3A_241 = vector.shape_cast %get3A_240 : vector<1x1x16xi32> to vector<16xi32>
      %min3A_242 = arith.constant 6 : i32
      %min3A_243 = vector.broadcast %min3A_242 : i32 to vector<16xi32>
      %min3A_244 = arith.minsi %get3A_241, %min3A_243 : vector<16xi32>
      %get3A_245 = arith.constant 0 : i32
      %get3A_246 = arith.constant 2 : i32
      %get3A_247 = arith.index_cast %get3A_245 : i32 to index
      %get3A_248 = arith.index_cast %get3A_246 : i32 to index
      %get3A_249 = arith.constant 48 : index
      %get3A_250 = tpu.vector_load %arg12[%get3A_247, %get3A_248, %get3A_249] {strides = array<i32>} : memref<2x3x128xi32, #tpu.memory_space<vmem>>, vector<1x1x16xi32>,
      %get3A_251 = vector.shape_cast %get3A_250 : vector<1x1x16xi32> to vector<16xi32>
      %min3A_252 = arith.constant 2 : i32
      %min3A_253 = vector.broadcast %min3A_252 : i32 to vector<16xi32>
      %min3A_254 = arith.minsi %get3A_251, %min3A_253 : vector<16xi32>
      %mul3A_255 = arith.constant 21 : i32
      %mul3A_256 = vector.broadcast %mul3A_255 : i32 to vector<16xi32>
      %mul3A_257 = arith.muli %min3A_234, %mul3A_256 : vector<16xi32>
      %mul3A_258 = arith.constant 3 : i32
      %mul3A_259 = vector.broadcast %mul3A_258 : i32 to vector<16xi32>
      %mul3A_260 = arith.muli %min3A_244, %mul3A_259 : vector<16xi32>
      %add3A_261 = arith.addi %mul3A_257, %mul3A_260 : vector<16xi32>
      %add3A_262 = arith.addi %add3A_261, %min3A_254 : vector<16xi32>
      %swap3A_263 = arith.constant 0 : i32
      %swap3A_264 = arith.index_cast %swap3A_263 : i32 to index
      %swap3A_265 = arith.constant 48 : index
      %swap3A_266 = tpu.vector_load %arg13[%swap3A_264, %swap3A_265] {strides = array<i32>} : memref<3x128xi32, #tpu.memory_space<vmem>>, vector<1x16xi32>,
      %swap3A_267 = vector.shape_cast %swap3A_266 : vector<1x16xi32> to vector<16xi32>
      %swap3A_268 = vector.shape_cast %add3A_262 : vector<16xi32> to vector<1x16xi32>
      tpu.vector_store %arg13[%swap3A_264, %swap3A_265], %swap3A_268 {strides = array<i32>} : memref<3x128xi32, #tpu.memory_space<vmem>>, vector<1x16xi32>,
      %get3A_269 = arith.constant 0 : i32
      %get3A_270 = arith.constant 0 : i32
      %get3A_271 = arith.index_cast %get3A_269 : i32 to index
      %get3A_272 = arith.index_cast %get3A_270 : i32 to index
      %get3A_273 = arith.constant 64 : index
      %get3A_274 = tpu.vector_load %arg12[%get3A_271, %get3A_272, %get3A_273] {strides = array<i32>} : memref<2x3x128xi32, #tpu.memory_space<vmem>>, vector<1x1x16xi32>,
      %get3A_275 = vector.shape_cast %get3A_274 : vector<1x1x16xi32> to vector<16xi32>
      %min3A_276 = arith.constant 5 : i32
      %min3A_277 = vector.broadcast %min3A_276 : i32 to vector<16xi32>
      %min3A_278 = arith.minsi %get3A_275, %min3A_277 : vector<16xi32>
      %get3A_279 = arith.constant 0 : i32
      %get3A_280 = arith.constant 1 : i32
      %get3A_281 = arith.index_cast %get3A_279 : i32 to index
      %get3A_282 = arith.index_cast %get3A_280 : i32 to index
      %get3A_283 = arith.constant 64 : index
      %get3A_284 = tpu.vector_load %arg12[%get3A_281, %get3A_282, %get3A_283] {strides = array<i32>} : memref<2x3x128xi32, #tpu.memory_space<vmem>>, vector<1x1x16xi32>,
      %get3A_285 = vector.shape_cast %get3A_284 : vector<1x1x16xi32> to vector<16xi32>
      %min3A_286 = arith.constant 6 : i32
      %min3A_287 = vector.broadcast %min3A_286 : i32 to vector<16xi32>
      %min3A_288 = arith.minsi %get3A_285, %min3A_287 : vector<16xi32>
      %get3A_289 = arith.constant 0 : i32
      %get3A_290 = arith.constant 2 : i32
      %get3A_291 = arith.index_cast %get3A_289 : i32 to index
      %get3A_292 = arith.index_cast %get3A_290 : i32 to index
      %get3A_293 = arith.constant 64 : index
      %get3A_294 = tpu.vector_load %arg12[%get3A_291, %get3A_292, %get3A_293] {strides = array<i32>} : memref<2x3x128xi32, #tpu.memory_space<vmem>>, vector<1x1x16xi32>,
      %get3A_295 = vector.shape_cast %get3A_294 : vector<1x1x16xi32> to vector<16xi32>
      %min3A_296 = arith.constant 2 : i32
      %min3A_297 = vector.broadcast %min3A_296 : i32 to vector<16xi32>
      %min3A_298 = arith.minsi %get3A_295, %min3A_297 : vector<16xi32>
      %mul3A_299 = arith.constant 21 : i32
      %mul3A_300 = vector.broadcast %mul3A_299 : i32 to vector<16xi32>
      %mul3A_301 = arith.muli %min3A_278, %mul3A_300 : vector<16xi32>
      %mul3A_302 = arith.constant 3 : i32
      %mul3A_303 = vector.broadcast %mul3A_302 : i32 to vector<16xi32>
      %mul3A_304 = arith.muli %min3A_288, %mul3A_303 : vector<16xi32>
      %add3A_305 = arith.addi %mul3A_301, %mul3A_304 : vector<16xi32>
      %add3A_306 = arith.addi %add3A_305, %min3A_298 : vector<16xi32>
      %swap3A_307 = arith.constant 0 : i32
      %swap3A_308 = arith.index_cast %swap3A_307 : i32 to index
      %swap3A_309 = arith.constant 64 : index
      %swap3A_310 = tpu.vector_load %arg13[%swap3A_308, %swap3A_309] {strides = array<i32>} : memref<3x128xi32, #tpu.memory_space<vmem>>, vector<1x16xi32>,
      %swap3A_311 = vector.shape_cast %swap3A_310 : vector<1x16xi32> to vector<16xi32>
      %swap3A_312 = vector.shape_cast %add3A_306 : vector<16xi32> to vector<1x16xi32>
      tpu.vector_store %arg13[%swap3A_308, %swap3A_309], %swap3A_312 {strides = array<i32>} : memref<3x128xi32, #tpu.memory_space<vmem>>, vector<1x16xi32>,
      %get3A_313 = arith.constant 0 : i32
      %get3A_314 = arith.constant 0 : i32
      %get3A_315 = arith.index_cast %get3A_313 : i32 to index
      %get3A_316 = arith.index_cast %get3A_314 : i32 to index
      %get3A_317 = arith.constant 80 : index
      %get3A_318 = tpu.vector_load %arg12[%get3A_315, %get3A_316, %get3A_317] {strides = array<i32>} : memref<2x3x128xi32, #tpu.memory_space<vmem>>, vector<1x1x16xi32>,
      %get3A_319 = vector.shape_cast %get3A_318 : vector<1x1x16xi32> to vector<16xi32>
      %min3A_320 = arith.constant 5 : i32
      %min3A_321 = vector.broadcast %min3A_320 : i32 to vector<16xi32>
      %min3A_322 = arith.minsi %get3A_319, %min3A_321 : vector<16xi32>
      %get3A_323 = arith.constant 0 : i32
      %get3A_324 = arith.constant 1 : i32
      %get3A_325 = arith.index_cast %get3A_323 : i32 to index
      %get3A_326 = arith.index_cast %get3A_324 : i32 to index
      %get3A_327 = arith.constant 80 : index
      %get3A_328 = tpu.vector_load %arg12[%get3A_325, %get3A_326, %get3A_327] {strides = array<i32>} : memref<2x3x128xi32, #tpu.memory_space<vmem>>, vector<1x1x16xi32>,
      %get3A_329 = vector.shape_cast %get3A_328 : vector<1x1x16xi32> to vector<16xi32>
      %min3A_330 = arith.constant 6 : i32
      %min3A_331 = vector.broadcast %min3A_330 : i32 to vector<16xi32>
      %min3A_332 = arith.minsi %get3A_329, %min3A_331 : vector<16xi32>
      %get3A_333 = arith.constant 0 : i32
      %get3A_334 = arith.constant 2 : i32
      %get3A_335 = arith.index_cast %get3A_333 : i32 to index
      %get3A_336 = arith.index_cast %get3A_334 : i32 to index
      %get3A_337 = arith.constant 80 : index
      %get3A_338 = tpu.vector_load %arg12[%get3A_335, %get3A_336, %get3A_337] {strides = array<i32>} : memref<2x3x128xi32, #tpu.memory_space<vmem>>, vector<1x1x16xi32>,
      %get3A_339 = vector.shape_cast %get3A_338 : vector<1x1x16xi32> to vector<16xi32>
      %min3A_340 = arith.constant 2 : i32
      %min3A_341 = vector.broadcast %min3A_340 : i32 to vector<16xi32>
      %min3A_342 = arith.minsi %get3A_339, %min3A_341 : vector<16xi32>
      %mul3A_343 = arith.constant 21 : i32
      %mul3A_344 = vector.broadcast %mul3A_343 : i32 to vector<16xi32>
      %mul3A_345 = arith.muli %min3A_322, %mul3A_344 : vector<16xi32>
      %mul3A_346 = arith.constant 3 : i32
      %mul3A_347 = vector.broadcast %mul3A_346 : i32 to vector<16xi32>
      %mul3A_348 = arith.muli %min3A_332, %mul3A_347 : vector<16xi32>
      %add3A_349 = arith.addi %mul3A_345, %mul3A_348 : vector<16xi32>
      %add3A_350 = arith.addi %add3A_349, %min3A_342 : vector<16xi32>
      %swap3A_351 = arith.constant 0 : i32
      %swap3A_352 = arith.index_cast %swap3A_351 : i32 to index
      %swap3A_353 = arith.constant 80 : index
      %swap3A_354 = tpu.vector_load %arg13[%swap3A_352, %swap3A_353] {strides = array<i32>} : memref<3x128xi32, #tpu.memory_space<vmem>>, vector<1x16xi32>,
      %swap3A_355 = vector.shape_cast %swap3A_354 : vector<1x16xi32> to vector<16xi32>
      %swap3A_356 = vector.shape_cast %add3A_350 : vector<16xi32> to vector<1x16xi32>
      tpu.vector_store %arg13[%swap3A_352, %swap3A_353], %swap3A_356 {strides = array<i32>} : memref<3x128xi32, #tpu.memory_space<vmem>>, vector<1x16xi32>,
      %get3A_357 = arith.constant 0 : i32
      %get3A_358 = arith.constant 0 : i32
      %get3A_359 = arith.index_cast %get3A_357 : i32 to index
      %get3A_360 = arith.index_cast %get3A_358 : i32 to index
      %get3A_361 = arith.constant 96 : index
      %get3A_362 = tpu.vector_load %arg12[%get3A_359, %get3A_360, %get3A_361] {strides = array<i32>} : memref<2x3x128xi32, #tpu.memory_space<vmem>>, vector<1x1x16xi32>,
      %get3A_363 = vector.shape_cast %get3A_362 : vector<1x1x16xi32> to vector<16xi32>
      %min3A_364 = arith.constant 5 : i32
      %min3A_365 = vector.broadcast %min3A_364 : i32 to vector<16xi32>
      %min3A_366 = arith.minsi %get3A_363, %min3A_365 : vector<16xi32>
      %get3A_367 = arith.constant 0 : i32
      %get3A_368 = arith.constant 1 : i32
      %get3A_369 = arith.index_cast %get3A_367 : i32 to index
      %get3A_370 = arith.index_cast %get3A_368 : i32 to index
      %get3A_371 = arith.constant 96 : index
      %get3A_372 = tpu.vector_load %arg12[%get3A_369, %get3A_370, %get3A_371] {strides = array<i32>} : memref<2x3x128xi32, #tpu.memory_space<vmem>>, vector<1x1x16xi32>,
      %get3A_373 = vector.shape_cast %get3A_372 : vector<1x1x16xi32> to vector<16xi32>
      %min3A_374 = arith.constant 6 : i32
      %min3A_375 = vector.broadcast %min3A_374 : i32 to vector<16xi32>
      %min3A_376 = arith.minsi %get3A_373, %min3A_375 : vector<16xi32>
      %get3A_377 = arith.constant 0 : i32
      %get3A_378 = arith.constant 2 : i32
      %get3A_379 = arith.index_cast %get3A_377 : i32 to index
      %get3A_380 = arith.index_cast %get3A_378 : i32 to index
      %get3A_381 = arith.constant 96 : index
      %get3A_382 = tpu.vector_load %arg12[%get3A_379, %get3A_380, %get3A_381] {strides = array<i32>} : memref<2x3x128xi32, #tpu.memory_space<vmem>>, vector<1x1x16xi32>,
      %get3A_383 = vector.shape_cast %get3A_382 : vector<1x1x16xi32> to vector<16xi32>
      %min3A_384 = arith.constant 2 : i32
      %min3A_385 = vector.broadcast %min3A_384 : i32 to vector<16xi32>
      %min3A_386 = arith.minsi %get3A_383, %min3A_385 : vector<16xi32>
      %mul3A_387 = arith.constant 21 : i32
      %mul3A_388 = vector.broadcast %mul3A_387 : i32 to vector<16xi32>
      %mul3A_389 = arith.muli %min3A_366, %mul3A_388 : vector<16xi32>
      %mul3A_390 = arith.constant 3 : i32
      %mul3A_391 = vector.broadcast %mul3A_390 : i32 to vector<16xi32>
      %mul3A_392 = arith.muli %min3A_376, %mul3A_391 : vector<16xi32>
      %add3A_393 = arith.addi %mul3A_389, %mul3A_392 : vector<16xi32>
      %add3A_394 = arith.addi %add3A_393, %min3A_386 : vector<16xi32>
      %swap3A_395 = arith.constant 0 : i32
      %swap3A_396 = arith.index_cast %swap3A_395 : i32 to index
      %swap3A_397 = arith.constant 96 : index
      %swap3A_398 = tpu.vector_load %arg13[%swap3A_396, %swap3A_397] {strides = array<i32>} : memref<3x128xi32, #tpu.memory_space<vmem>>, vector<1x16xi32>,
      %swap3A_399 = vector.shape_cast %swap3A_398 : vector<1x16xi32> to vector<16xi32>
      %swap3A_400 = vector.shape_cast %add3A_394 : vector<16xi32> to vector<1x16xi32>
      tpu.vector_store %arg13[%swap3A_396, %swap3A_397], %swap3A_400 {strides = array<i32>} : memref<3x128xi32, #tpu.memory_space<vmem>>, vector<1x16xi32>,
      %get3A_401 = arith.constant 0 : i32
      %get3A_402 = arith.constant 0 : i32
      %get3A_403 = arith.index_cast %get3A_401 : i32 to index
      %get3A_404 = arith.index_cast %get3A_402 : i32 to index
      %get3A_405 = arith.constant 112 : index
      %get3A_406 = tpu.vector_load %arg12[%get3A_403, %get3A_404, %get3A_405] {strides = array<i32>} : memref<2x3x128xi32, #tpu.memory_space<vmem>>, vector<1x1x16xi32>,
      %get3A_407 = vector.shape_cast %get3A_406 : vector<1x1x16xi32> to vector<16xi32>
      %min3A_408 = arith.constant 5 : i32
      %min3A_409 = vector.broadcast %min3A_408 : i32 to vector<16xi32>
      %min3A_410 = arith.minsi %get3A_407, %min3A_409 : vector<16xi32>
      %get3A_411 = arith.constant 0 : i32
      %get3A_412 = arith.constant 1 : i32
      %get3A_413 = arith.index_cast %get3A_411 : i32 to index
      %get3A_414 = arith.index_cast %get3A_412 : i32 to index
      %get3A_415 = arith.constant 112 : index
      %get3A_416 = tpu.vector_load %arg12[%get3A_413, %get3A_414, %get3A_415] {strides = array<i32>} : memref<2x3x128xi32, #tpu.memory_space<vmem>>, vector<1x1x16xi32>,
      %get3A_417 = vector.shape_cast %get3A_416 : vector<1x1x16xi32> to vector<16xi32>
      %min3A_418 = arith.constant 6 : i32
      %min3A_419 = vector.broadcast %min3A_418 : i32 to vector<16xi32>
      %min3A_420 = arith.minsi %get3A_417, %min3A_419 : vector<16xi32>
      %get3A_421 = arith.constant 0 : i32
      %get3A_422 = arith.constant 2 : i32
      %get3A_423 = arith.index_cast %get3A_421 : i32 to index
      %get3A_424 = arith.index_cast %get3A_422 : i32 to index
      %get3A_425 = arith.constant 112 : index
      %get3A_426 = tpu.vector_load %arg12[%get3A_423, %get3A_424, %get3A_425] {strides = array<i32>} : memref<2x3x128xi32, #tpu.memory_space<vmem>>, vector<1x1x16xi32>,
      %get3A_427 = vector.shape_cast %get3A_426 : vector<1x1x16xi32> to vector<16xi32>
      %min3A_428 = arith.constant 2 : i32
      %min3A_429 = vector.broadcast %min3A_428 : i32 to vector<16xi32>
      %min3A_430 = arith.minsi %get3A_427, %min3A_429 : vector<16xi32>
      %mul3A_431 = arith.constant 21 : i32
      %mul3A_432 = vector.broadcast %mul3A_431 : i32 to vector<16xi32>
      %mul3A_433 = arith.muli %min3A_410, %mul3A_432 : vector<16xi32>
      %mul3A_434 = arith.constant 3 : i32
      %mul3A_435 = vector.broadcast %mul3A_434 : i32 to vector<16xi32>
      %mul3A_436 = arith.muli %min3A_420, %mul3A_435 : vector<16xi32>
      %add3A_437 = arith.addi %mul3A_433, %mul3A_436 : vector<16xi32>
      %add3A_438 = arith.addi %add3A_437, %min3A_430 : vector<16xi32>
      %swap3A_439 = arith.constant 0 : i32
      %swap3A_440 = arith.index_cast %swap3A_439 : i32 to index
      %swap3A_441 = arith.constant 112 : index
      %swap3A_442 = tpu.vector_load %arg13[%swap3A_440, %swap3A_441] {strides = array<i32>} : memref<3x128xi32, #tpu.memory_space<vmem>>, vector<1x16xi32>,
      %swap3A_443 = vector.shape_cast %swap3A_442 : vector<1x16xi32> to vector<16xi32>
      %swap3A_444 = vector.shape_cast %add3A_438 : vector<16xi32> to vector<1x16xi32>
      tpu.vector_store %arg13[%swap3A_440, %swap3A_441], %swap3A_444 {strides = array<i32>} : memref<3x128xi32, #tpu.memory_space<vmem>>, vector<1x16xi32>,
      %dma_start3A_445 = arith.constant 0 : i32
      %dma_start3A_446 = arith.constant 0 : i32
      %dma_start3A_447 = tpu.memref_slice %arg13[%dma_start3A_445, %dma_start3A_446] : memref<3x128xi32, #tpu.memory_space<vmem>> -> memref<1x128xi32, #tpu.memory_space<vmem>>
      %dma_start3A_448 = tpu.memref_squeeze %dma_start3A_447 : memref<1x128xi32, #tpu.memory_space<vmem>> -> memref<128xi32, #tpu.memory_space<vmem>>
      %dma_start3A_449 = arith.constant 0 : i32
      %dma_start3A_450 = arith.constant 0 : i32
      %dma_start3A_451 = tpu.memref_slice %arg11[%dma_start3A_449, %dma_start3A_450] : memref<126x128xf32, #tpu.memory_space<vmem_shared>> -> memref<126x128xf32, #tpu.memory_space<vmem_shared>>
      tpu.enqueue_indirect_dma source(%dma_start3A_451 : memref<126x128xf32, #tpu.memory_space<vmem_shared>>) target(%arg14 : memref<128x128xf32, #tpu.memory_space<vmem>>) offsets(%dma_start3A_448 : memref<128xi32, #tpu.memory_space<vmem>>) semaphore(%arg18 : memref<!tpu.dma_semaphore, #tpu.memory_space<semaphore_mem>>)
      %dma_wait3A_452 = arith.constant 0 : i32
      %dma_wait3A_453 = arith.constant 0 : i32
      %dma_wait3A_454 = tpu.memref_slice %arg13[%dma_wait3A_452, %dma_wait3A_453] : memref<3x128xi32, #tpu.memory_space<vmem>> -> memref<1x128xi32, #tpu.memory_space<vmem>>
      %dma_wait3A_455 = tpu.memref_squeeze %dma_wait3A_454 : memref<1x128xi32, #tpu.memory_space<vmem>> -> memref<128xi32, #tpu.memory_space<vmem>>
      %dma_wait3A_456 = arith.constant 0 : i32
      %dma_wait3A_457 = arith.constant 0 : i32
      %dma_wait3A_458 = tpu.memref_slice %arg11[%dma_wait3A_456, %dma_wait3A_457] : memref<126x128xf32, #tpu.memory_space<vmem_shared>> -> memref<126x128xf32, #tpu.memory_space<vmem_shared>>
      tpu.wait_indirect_dma semaphore(%arg18 : memref<!tpu.dma_semaphore, #tpu.memory_space<semaphore_mem>>) src(%dma_wait3A_458 : memref<126x128xf32, #tpu.memory_space<vmem_shared>>) dst(%arg14 : memref<128x128xf32, #tpu.memory_space<vmem>>)
      %mul3A_459 = arith.constant 128 : i32
      %mul3A_460 = arith.muli %add3A_60, %mul3A_459 : i32
      %dma_start3A_461 = arith.constant 0 : i32
      %dma_start3A_462 = tpu.memref_slice %arg6[%mul3A_460, %dma_start3A_461] : memref<320000x128xf32, #tpu.memory_space<hbm>> -> memref<128x128xf32, #tpu.memory_space<hbm>>
      %dma_start3A_463 = arith.constant 0 : i32
      %dma_start3A_464 = tpu.memref_slice %arg6[%mul3A_460, %dma_start3A_463] : memref<320000x128xf32, #tpu.memory_space<hbm>> -> memref<128x128xf32, #tpu.memory_space<hbm>>
      tpu.enqueue_dma source(%arg14 : memref<128x128xf32, #tpu.memory_space<vmem>>) target(%dma_start3A_464 : memref<128x128xf32, #tpu.memory_space<hbm>>) target_semaphore(%arg21 : memref<!tpu.dma_semaphore, #tpu.memory_space<semaphore_mem>>)
      %dma_wait3A_465 = arith.constant 0 : i32
      %dma_wait3A_466 = arith.constant 0 : i32
      %dma_wait3A_467 = tpu.memref_slice %arg6[%dma_wait3A_465, %dma_wait3A_466] : memref<320000x128xf32, #tpu.memory_space<hbm>> -> memref<128x128xf32, #tpu.memory_space<hbm>>
      %dma_wait3A_468 = arith.constant 0 : i32
      %dma_wait3A_469 = arith.constant 0 : i32
      %dma_wait3A_470 = tpu.memref_slice %arg6[%dma_wait3A_468, %dma_wait3A_469] : memref<320000x128xf32, #tpu.memory_space<hbm>> -> memref<128x128xf32, #tpu.memory_space<hbm>>
      tpu.wait_dma2 semaphore(%arg21 : memref<!tpu.dma_semaphore, #tpu.memory_space<semaphore_mem>>) src(%arg14 : memref<128x128xf32, #tpu.memory_space<vmem>>) dst(%dma_wait3A_470 : memref<128x128xf32, #tpu.memory_space<hbm>>)
    } else {
    }
    return
  }
}

</mosaic_0001>

<sc_bundles>
// kernel: kernel.3.cloned.1.call-start
scs
__scs_entry_jumppad:
0x0: {  	(pc) =	sbr.rel $0x88, $3  }
0x1: {  	(tag) =	ssettag $0x0;
	lr =	simm.s32 $0x1  }
0x2: {  	[smem:$0x3F9D] =	sst lr;
	_ =	strace $0xD0000000  }
0x3: {  	_ = 	snop  }
0x4: {  	_ = 	snop  }
0x5: {  	_ = 	snop  }
0x6: {  	_ = 	snop  }
0x7: {  	_ = 	snop  }
__scs_overlays_trampoline_lowered:
0x8: {  	[smem:$0x3FAC] =	sst s0  }
0x9: {  	[smem:$0x3FAD] =	sst s1  }
0xa: {  	[smem:$0x3FAE] =	sst s2  }
0xb: {  	[smem:$0x3FAF] =	sst s3  }
0xc: {  	[smem:$0x3FB0] =	sst s4  }
0xd: {  	[smem:$0x3FB1] =	sst s5  }
0xe: {  	[smem:$0x3FB2] =	sst s6  }
0xf: {  	[smem:$0x3FB3] =	sst s7  }
0x10: {  	[smem:$0x3FB4] =	sst s8  }
0x11: {  	[smem:$0x3FB5] =	sst s9;
	s0 =	simm.s32 @!p0 $0x0  }
0x12: {  	s1 =	sld [smem:$0x3F9B];
	s0 =	simm.s32 @p0 $0x1  }
0x13: {  	[smem:$0x3FB6] =	sst s0;
	s0 =	simm.s32 @!p1 $0x0  }
0x14: {  	s2 =	sld [smem:$0x3F9A];
	s0 =	simm.s32 @p1 $0x1  }
0x15: {  	[smem:$0x3FB7] =	sst s0;
	s0 =	simm.s32 @!p2 $0x0  }
0x16: {  	s3 =	sld [smem:$0x3FDB];
	s0 =	simm.s32 @p2 $0x1  }
0x17: {  	s4 =	simm.s32 $0x1BF5;
	[smem:$0x3FB9] =	sst s0  }
0x18: {  	s0 =	sld [smem:$0x3F9C];
	_ =	swait.ge [sflag:s4], $0x0  }
0x19: {  	s7 =	sld [smem:$0x3F9D]  }
0x1a: {  	s8 =	sadd.s32 $0xFFFFE003, lr  }
0x1b: {  	s9 =	sadd.s32 $0xFFFFFEF7, lr;
	s5 =	simm.s32 $0xFFFFFFFF;
	p2 =	slt.u32 s8, $0xFFFFF086  }
0x1c: {  	p1 =	slt.u32 s9, $0xF7A;
	s5 =	simm.s32 @!p2 $0x0  }
0x1d: {  	s5 =	simm.s32 @p1 $0x1;
	p0 =	seq.s32 s7, s2  }
0x1e: {  	s7 =	smul.u32 @!p0 $0xF7A, s2;
	p2 =	seq.s32 @!p0 s5, $0x0  }
0x1f: {  	s9 =	smul.u32 $0xF7A, s1;
	s8 =	simm.s32 @!p0 $0x1BF5;
	p2 =	por !p2, p0  }
0x20: {  	[sflag:s8] =	ssyncset.s32 @!p0 $0xFFFFF086;
	s6 =	sadd.s32 @!p0 s3, s7;
	s7 =	simm.s32 @!p0 $0x108  }
0x21: {  	s3 =	sadd.s32 s3, s9;
	s6 =	sadd.s32 @!p0 $0x88, s6;
	s7 =	simm.s32 @p2 $0x1082  }
0x22: {  	[simem:s7], [sflag:s8] =	dma.local @!p0 [hbm:s6], $0xF7A  }
0x23: {  	s9 =	sor.u32 $0xD0000000, s2;
	s6 =	simm.s32 $0x108;
	_ =	swait.ge @!p0 [sflag:s8], $0x0  }
0x24: {  	s3 =	sadd.s32 $0x88, s3;
	s6 =	simm.s32 @!p1 $0x1082;
	[sflag:s4] =	ssyncset.s32 $0xFFFFF086  }
0x25: {  	[simem:s6], [sflag:s4] =	dma.local [hbm:s3], $0xF7A  }
0x26: {  	[smem:$0x3F9D] =	sst s1;
	(tag) =	ssettag s2;
	_ =	strace s9  }
0x27: {  	s1 =	sld [smem:$0x3FAD]  }
0x28: {  	s2 =	sld [smem:$0x3FAE]  }
0x29: {  	s4 =	sld [smem:$0x3FB0]  }
0x2a: {  	p0 =	seq.s32 s5, $0x0;
	s5 =	sld [smem:$0x3FB1]  }
0x2b: {  	s6 =	sld [smem:$0x3FB2]  }
0x2c: {  	s7 =	sld [smem:$0x3FB3]  }
0x2d: {  	s3 =	simm.s32 $0x108;
	s8 =	sld [smem:$0x3FB4]  }
0x2e: {  	s3 =	simm.s32 @!p0 $0x1082;
	s9 =	sld [smem:$0x3FB5]  }
0x2f: {  	lr =	sadd.s32 s0, s3;
	s0 =	sld [smem:$0x3FAC]  }
0x30: {  	s3 =	sld [smem:$0x3FAF]  }
0x31: {  	[smem:$0x3FB8] =	sst s10  }
0x32: {  	s10 =	sld [smem:$0x3FB6];
	_ =	sdelay $0x3  }
0x33: {  	p0 =	seq.s32 s10, $0x1;
	s10 =	sld [smem:$0x3FB8];
	_ =	sdelay $0x3  }
0x34: {  	[smem:$0x3FB8] =	sst s10  }
0x35: {  	s10 =	sld [smem:$0x3FB7];
	_ =	sdelay $0x3  }
0x36: {  	p1 =	seq.s32 s10, $0x1;
	s10 =	sld [smem:$0x3FB8];
	_ =	sdelay $0x3  }
0x37: {  	[smem:$0x3FB8] =	sst s10  }
0x38: {  	s10 =	sld [smem:$0x3FB9]  }
0x39: {  	_ = 	snop;
	(pc) =	sbr.ind lr, $3  }
0x3a: {  	_ = 	snop  }
0x3b: {  	_ = 	snop  }
0x3c: {  	p2 =	seq.s32 s10, $0x1;
	s10 =	sld [smem:$0x3FB8]  }
0x3d: {  	_ =	shalt  }
0x3e: {  	_ =	shalt  }
0x3f: {  	_ =	shalt  }
0x40: {  	_ =	shalt  }
0x41: {  	_ =	shalt  }
0x42: {  	_ =	shalt  }
0x43: {  	_ =	shalt  }
0x44: {  	_ =	shalt  }
0x45: {  	_ =	shalt  }
0x46: {  	_ =	shalt  }
0x47: {  	_ =	shalt  }
0x48: {  	_ =	shalt  }
0x49: {  	_ =	shalt  }
0x4a: {  	_ =	shalt  }
0x4b: {  	_ =	shalt  }
0x4c: {  	_ =	shalt  }
0x4d: {  	_ =	shalt  }
0x4e: {  	_ =	shalt  }
0x4f: {  	_ =	shalt  }
0x50: {  	_ =	shalt  }
0x51: {  	_ =	shalt  }
0x52: {  	_ =	shalt  }
0x53: {  	_ =	shalt  }
0x54: {  	_ =	shalt  }
0x55: {  	_ =	shalt  }
0x56: {  	_ =	shalt  }
0x57: {  	_ =	shalt  }
0x58: {  	_ =	shalt  }
0x59: {  	_ =	shalt  }
0x5a: {  	_ =	shalt  }
0x5b: {  	_ =	shalt  }
0x5c: {  	_ =	shalt  }
0x5d: {  	_ =	shalt  }
0x5e: {  	_ =	shalt  }
0x5f: {  	_ =	shalt  }
0x60: {  	_ =	shalt  }
0x61: {  	_ =	shalt  }
0x62: {  	_ =	shalt  }
0x63: {  	_ =	shalt  }
0x64: {  	_ =	shalt  }
0x65: {  	_ =	shalt  }
0x66: {  	_ =	shalt  }
0x67: {  	_ =	shalt  }
0x68: {  	_ =	shalt  }
0x69: {  	_ =	shalt  }
0x6a: {  	_ =	shalt  }
0x6b: {  	_ =	shalt  }
0x6c: {  	_ =	shalt  }
0x6d: {  	_ =	shalt  }
0x6e: {  	_ =	shalt  }
0x6f: {  	_ =	shalt  }
0x70: {  	_ =	shalt  }
0x71: {  	_ =	shalt  }
0x72: {  	_ =	shalt  }
0x73: {  	_ =	shalt  }
0x74: {  	_ =	shalt  }
0x75: {  	_ =	shalt  }
0x76: {  	_ =	shalt  }
0x77: {  	_ =	shalt  }
0x78: {  	_ =	shalt  }
0x79: {  	_ =	shalt  }
0x7a: {  	_ =	shalt  }
0x7b: {  	_ =	shalt  }
0x7c: {  	_ =	shalt  }
0x7d: {  	_ =	shalt  }
0x7e: {  	_ =	shalt  }
0x7f: {  	_ =	shalt  }
0x80: {  	_ =	shalt  }
0x81: {  	_ =	shalt  }
0x82: {  	_ =	shalt  }
0x83: {  	_ =	shalt  }
0x84: {  	_ =	shalt  }
0x85: {  	_ =	shalt  }
0x86: {  	_ =	shalt  }
0x87: {  	_ =	shalt  }
.Lfunc_end0:
.L_simem_size_0:
called_computation_lowered:
.L_overlay_start_0:
0x88: {  	s2 =	sld [smem:$0x3FD9]  }
0x89: {  	s3 =	sld [smem:$0x3FFE];
	_ =	sdelay $0x1  }
0x8a: {  	s1 =	srdreg.scid  }
0x8b: {  	s0 =	sand.u32 $0x1, s1  }
0x8c: {  	s18 =	sshll.u32 s0, $0xA;
	s2 =	sadd.s32 s3, s2  }
0x8d: {  	s2 =	sadd.s32 s2, s18  }
0x8e: {  	[smem:$0x3FC4] =	sst s2  }
0x8f: {  	_ = 	snop  }
0x90: {  	s2 =	sld [smem:$0x3FC9]  }
0x91: {  	s19 =	sld [smem:$0x3FC8]  }
0x92: {  	s4 =	sld [smem:$0x3FC7]  }
0x93: {  	s5 =	sld [smem:$0x3FC6]  }
0x94: {  	s6 =	sld [smem:$0x3FD0];
	(tm) =	ssettm $0x1  }
0x95: {  	s7 =	sld [smem:$0x3FFB];
	_ =	sdelay $0x3  }
0x96: {  	_ =	strace s7  }
0x97: {  	s7 =	sld [smem:$0x3FFC];
	_ =	sdelay $0x3  }
0x98: {  	_ =	strace s7  }
0x99: {  	s7 =	sld [smem:$0x3FFD];
	_ =	sdelay $0x3  }
0x9a: {  	_ =	strace s7  }
0x9b: {  	_ =	strace $0x8FFFFFFF  }
0x9c: {  	s20 =	sld [smem:$0x3FDB];
	_ =	sdelay $0x1  }
0x9d: {  	s8 =	simm.s32 $_scs_section_size  }
0x9e: {  	s9 =	simm.s32 $_size__tile_overlayer_lowered;
	s10 =	simm.s32 $_tile_overlayer_lowered  }
0x9f: {  	s23 =	simm.s32 $0x1BFF;
	s22 =	sshll.u32 s10, $0x1;
	s7 =	sadd.s32 s8, s20  }
0xa0: {  	s11 =	simm.s32 $0x0;
	s21 =	sshll.u32 s9, $0x1;
	s9 =	sadd.s32 s22, s7  }
0xa1: {  	[timem:s11], [sflag:s23] =	dma.local [hbm:s9], s21  }
0xa2: {  	_ =	swait.ge [sflag:s23], s21  }
0xa3: {  	s8 =	ssub.s32 $0x0, s21;
	[sflag:s23] =	ssyncset.done $0x0  }
0xa4: {  	[sflag:s23] =	ssyncadd.s32 s8;
	_ =	sdelay $0x1  }
0xa5: {  	s24 =	simm.s32 $0x1B8B  }
0xa6: {  	_ =	swait.ge [sflag:s24], $0x1  }
0xa7: {  	[sflag:s24] =	ssyncset.done $0x0  }
0xa8: {  	s25 =	simm.s32 $0x1B8E;
	[sflag:s24] =	ssyncadd.s32 $0xFFFFFFFF  }
0xa9: {  	s26 =	simm.s32 $execute0_lowered;
	[smem:$0x3FD2] =	sst s25  }
0xaa: {  	s8 =	sshll.u32 s26, $0x1;
	_ =	strace $0x80000046;
	[dreg:$0x1] =	wrdreg $0xFFFFFFFF  }
0xab: {  	s28 =	simm.s32 $_size_execute0_lowered;
	s7 =	sadd.s32 s7, s8;
	[dreg:$0x0] =	wrdreg $0x0  }
0xac: {  	s8 =	sshll.u32 s28, $0x1;
	[dreg:$0x2] =	wrdreg s7  }
0xad: {  	[dreg:$0x3] =	wrdreg s8  }
0xae: {  	[dreg:$0x4] =	wrdreg $0xC0  }
0xaf: {  	_ =	task [dreg:s11], $0x5FFFF  }
0xb0: {  	[dreg:$0x1] =	wrdreg $0xFFFFFFFF  }
0xb1: {  	[dreg:$0x0] =	wrdreg $0x60  }
0xb2: {  	[dreg:$0x2] =	wrdreg s2  }
0xb3: {  	[dreg:$0x3] =	wrdreg s19  }
0xb4: {  	[dreg:$0x4] =	wrdreg s4  }
0xb5: {  	[dreg:$0x5] =	wrdreg s5  }
0xb6: {  	[dreg:$0x6] =	wrdreg s6  }
0xb7: {  	[dreg:$0x7] =	wrdreg $0x4A000  }
0xb8: {  	[dreg:$0x8] =	wrdreg $0x9  }
0xb9: {  	_ =	task.clear_ibuf [dreg:s11], $0x9FFFF;
	_ =	strace $0x90000046  }
0xba: {  	s29 =	simm.s32 $0x9;
	_ =	strace $0x80000048  }
0xbb: {  	_ =	swait.ge [sflag:s29], $0x1  }
0xbc: {  	[sflag:s29] =	ssyncadd.s32 $0xFFFFFFFF  }
0xbd: {  	_ =	strace $0x90000048  }
0xbe: {  	_ =	sfence  }
0xbf: {  	s30 =	sld [smem:$0x0];
	_ =	sdelay $0x2  }
0xc0: {  	s31 =	sshll.u32 s1, $0xD;
	s1 =	sshrl.u32 s1, $0x2  }
0xc1: {  	s3 =	sand.u32 $0x4000, s31;
	s1 =	sadd.s32 s1, s30  }
0xc2: {  	s0 =	sor.u32 s3, s0;
	s1 =	sshll.u32 s1, $0x11  }
0xc3: {  	s0 =	sor.u32 s1, s0  }
0xc4: {  	s0 =	sadd.s32 $0x8F2B, s0  }
0xc5: {  	[sflag:s0] =	ssyncadd.remote.s32 $0x1  }
0xc6: {  	_ =	sfence.sel $0xFFFF  }
0xc7: {  	[dreg:$0x0] =	wrdreg $0xFFFFFFFF;
	(pc) =	sbr.abs _section_cstart, $3  }
0xc8: {  	[dreg:$0x1] =	wrdreg $0xFFFFFFFF  }
0xc9: {  	_ =	task.clear_ibuf [dreg:s11], $0x2FFFF;
	_ =	strace $0x9FFFFFFF  }
0xca: {  	(tm) =	ssettm $0x7FFFFFFF  }
0xcb: {  	_ =	shalt  }
tec
execute0_lowered:
.L_overlay_start_1:
0x0: {  	(tag) =	ssettag $0x1  }
0x1: {  	s0 =	rddreg [dreg:$0x0]  }
0x2: {  	s4 =	rddreg [dreg:$0x4]  }
0x3: {  	s5 =	rddreg [dreg:$0x5];
	s1 =	srdreg.scid  }
0x4: {  	s2 =	stileid.u32;
	s6 =	simm.s32 $0x0;
	s28 =	simm.s32 $0x93F0  }
0x5: {  	s29 =	simm.s32 $0x2;
	s30 =	simm.s32 $0x53F0;
	s31 =	simm.s32 $0x52F0  }
0x6: {  	s1 =	sand.u32 $0x1, s1;
	s7 =	sshll.u32 s2, $0x1;
	[smem:$0x7FF] =	sst s6  }
0x7: {  	s16 =	sshll.u32 s2, $0x7;
	s17 =	sshll.u32 s2, $0xF;
	p0 =	sne.s32 s2, $0x0  }
0x8: {  	p1 =	sgt.u32 s2, $0x1;
	s2 =	simm.s32 $0x5;
	s3 =	ssub.s32 $0x2, s1  }
0x9: {  	s7 =	sor.u32 s1, s7;
	_ =	strace $0x80000047;
	s18 =	sshll.u32 s1, $0xE  }
0xa: {  	s1 =	sshll.u32 s1, $0x6;
	s8 =	sshrl.u32 s3, $0x1;
	s13 =	sshll.u32 s7, $0x6  }
0xb: {  	s14 =	sshll.u32 s7, $0xB;
	s7 =	sor.u32 $0x9C0, s7;
	s19 =	sor.u32 s18, s17  }
0xc: {  	s18 =	simm.s32 $0x4DF0;
	s3 =	ssub.s32 s3, s8;
	s8 =	sadd.s32 s0, s13  }
0xd: {  	s9 =	sshll.u32 s7, $0x6;
	s7 =	sshll.u32 s7, $0xB;
	s20 =	sor.u32 $0xFFF80000, s19  }
0xe: {  	s21 =	sor.u32 $0x100000, s19;
	s22 =	sor.u32 $0x180000, s19;
	s23 =	sor.u32 $0x200000, s19  }
0xf: {  	s26 =	sshrl.u32 s19, $0x3;
	[dreg:$0x7] =	wrdreg s8;
	s8 =	sadd.s32 s14, s4  }
0x10: {  	s15 =	sadd.s32 s0, s9;
	s7 =	sadd.s32 s4, s7;
	[dreg:$0xc] =	wrdreg s20  }
0x11: {  	s0 =	sadd.s32 s16, s0;
	s3 =	smax.u32 s3, $0x1;
	[dreg:$0x10] =	wrdreg s26  }
0x12: {  	s26 =	simm.s32 $0x5270;
	s20 =	simm.s32 $0x4;
	[dreg:$0x9] =	wrdreg s15  }
0x13: {  	s9 =	simm.s32 $0x0;
	s8 =	sadd.s32 $0x4D0000, s8;
	[dreg:$0xa] =	wrdreg s7  }
0x14: {  	[dreg:$0xb] =	wrdreg s3;
	s12 =	sadd.s32 s1, s0;
	s0 =	sshrl.u32 s21, $0x3  }
0x15: {  	s1 =	sshrl.u32 s22, $0x3;
	s3 =	sshrl.u32 s23, $0x3;
	s23 =	simm.s32 $0x1  }
.Ltmp0:
0x16: {  	[dreg:$0x8] =	wrdreg s8;
	s0 =	sadd.s32 s0, s4;
	(pc) =	sbr.rel .LBB2_1-.Ltmp0, $4  }
0x17: {  	s21 =	simm.s32 $0x6;
	s24 =	sadd.s32 s1, s4;
	[dreg:$0xd] =	wrdreg s0  }
0x18: {  	s22 =	simm.s32 $0x7;
	s25 =	sadd.s32 s3, s4;
	[dreg:$0xe] =	wrdreg s24  }
0x19: {  	s1 =	simm.s32 $0xD3F0;
	s3 =	simm.s32 $0x51F0;
	[dreg:$0xf] =	wrdreg s25  }
0x1a: {  	s24 =	simm.s32 $0x4FF0;
	s25 =	simm.s32 $0x80;
	s0 =	simm.s32 $0x3  }
.LBB2_9:
0x1b: {  	s9 =	sadd.s32 $0x1, s9;
	s7 =	rddreg [dreg:$0xb]  }
0x1c: {  	p2 =	sne.s32 s9, s7  }
.Ltmp1:
0x1d: {  	_ = 	snop;
	(pc) =	sbr.rel @!p2 .LBB2_10-.Ltmp1, $1  }
0x1e: {  	_ =	sdelay $0x3  }
.LBB2_1:
.Ltmp2:
0x1f: {  	(pc) =	sbr.rel @p0 .LBB2_5-.Ltmp2, $3  }
0x20: {  	_ =	sdelay $0x1  }
0x21: {  	s7 =	rddreg [dreg:$0x7]  }
0x22: {  	[tilespmem:s18], [sflag:$0x1] =	stream.linear.gather [hbm4b:s7+s6], $0x180, $0x38;
	[tilespmem:$0x113F0] =	vst v63  }
0x23: {  	s7 =	simm.s32 $0x0  }
0x24: {  	s10 =	rddreg [dreg:$0x1];
	s14 =	simm.s32 $0x8;
	s8 =	smul.u32 $0x87, s7  }
0x25: {  	[tilespmem:s7], [sflag:$0x8] =	stream.linear.gather [hbm4b:s10+s7], $0x300, $0x38;
	[tilespmem:$0x113F0] =	vst v63  }
0x26: {  	_ =	swait.ge [sflag:s14], $0x300;
	s8 =	sshrl.u32 s8, $0x8  }
0x27: {  	[sflag:s14] =	ssyncset.done $0x0;
	s15 =	ssub.s32 $0x0, s8  }
0x28: {  	[sflag:s14] =	ssyncadd.s32 $0xFFFFFD00;
	s10 =	sand.u32 $0xFE, s15  }
0x29: {  	s13 =	simm.s32 $0x400;
	s11 =	rddreg [dreg:$0x2];
	s10 =	sshrl.u32 s10, $0x1  }
0x2a: {  	[tilespmem:s13], [sflag:$0x8] =	stream.linear.gather [hbm4b:s11+s7], $0x380, $0x38;
	[tilespmem:$0x113F0] =	vst v63  }
0x2b: {  	s8 =	sadd.s32 s8, s10  }
0x2c: {  	s8 =	sand.u32 $0xF0, s8  }
0x2d: {  	s8 =	sshrl.u32 s8, $0x4  }
0x2e: {  	s16 =	smul.u32 $0x15, s8  }
0x2f: {  	_ =	swait.ge [sflag:s14], $0x380  }
0x30: {  	[sflag:s14] =	ssyncset.done $0x0;
	s10 =	ssub.s32 $0x0, s16  }
0x31: {  	[sflag:s14] =	ssyncadd.s32 $0xFFFFFC80;
	s17 =	sand.u32 $0xFF, s10  }
0x32: {  	s15 =	simm.s32 $0x800;
	s19 =	rddreg [dreg:$0x3];
	s11 =	smul.u32 $0x56, s17  }
0x33: {  	[tilespmem:s15], [sflag:$0x8] =	stream.linear.gather [hbm4b:s19+s7], $0x180, $0x38;
	[tilespmem:$0x113F0] =	vst v63  }
0x34: {  	s13 =	sshrl.u32 s11, $0x8  }
0x35: {  	_ =	swait.ge [sflag:s14], $0x180;
	s11 =	smul.u32 $0x3, s13  }
0x36: {  	[sflag:s14] =	ssyncset.done $0x0  }
0x37: {  	[sflag:s14] =	ssyncadd.s32 $0xFFFFFE80;
	s14 =	sshll.u32 s8, $0x7;
	s10 =	ssub.s32 s10, s11  }
0x38: {  	v0 =	vld [tilespmem:s14+$0x0];
	s13 =	sshll.u32 s13, $0x7;
	s15 =	sand.u32 $0xFF, s10  }
0x39: {  	v1 =	vld [tilespmem:s13+$0x400];
	s15 =	sshll.u32 s15, $0x7  }
0x3a: {  	s7 =	sor.u32 $0x800, s15  }
0x3b: {  	v2 =	vld [tilespmem:s7+$0x0];
	_ =	sdelay $0x2  }
0x3c: {  	v0 =	vadd.f32 v1, v0;
	_ =	sdelay $0x1  }
0x3d: {  	v0 =	vadd.f32 v2, v0  }
0x3e: {  	s10 =	simm.s32 $0xA40  }
0x3f: {  	[tilespmem:s10+$0xFFFFFFC0] =	vst v0  }
0x40: {  	v0 =	vld [tilespmem:s14+$0x10]  }
0x41: {  	v1 =	vld [tilespmem:s13+$0x410]  }
0x42: {  	s16 =	sor.u32 $0x810, s15  }
0x43: {  	v2 =	vld [tilespmem:s16+$0x0];
	_ =	sdelay $0x2  }
0x44: {  	v0 =	vadd.f32 v1, v0;
	_ =	sdelay $0x1  }
0x45: {  	v0 =	vadd.f32 v2, v0;
	_ =	sdelay $0x1  }
0x46: {  	[tilespmem:s10+$0xFFFFFFD0] =	vst v0  }
0x47: {  	v0 =	vld [tilespmem:s14+$0x20]  }
0x48: {  	v1 =	vld [tilespmem:s13+$0x420]  }
0x49: {  	s17 =	sor.u32 $0x820, s15  }
0x4a: {  	v2 =	vld [tilespmem:s17+$0x0];
	_ =	sdelay $0x2  }
0x4b: {  	v0 =	vadd.f32 v1, v0;
	_ =	sdelay $0x1  }
0x4c: {  	v0 =	vadd.f32 v2, v0;
	_ =	sdelay $0x1  }
0x4d: {  	[tilespmem:s10+$0xFFFFFFE0] =	vst v0  }
0x4e: {  	v0 =	vld [tilespmem:s14+$0x30]  }
0x4f: {  	v1 =	vld [tilespmem:s13+$0x430]  }
0x50: {  	s19 =	sor.u32 $0x830, s15  }
0x51: {  	v2 =	vld [tilespmem:s19+$0x0];
	_ =	sdelay $0x2  }
0x52: {  	v0 =	vadd.f32 v1, v0;
	_ =	sdelay $0x1  }
0x53: {  	v0 =	vadd.f32 v2, v0;
	_ =	sdelay $0x1  }
0x54: {  	[tilespmem:s10+$0xFFFFFFF0] =	vst v0  }
0x55: {  	v0 =	vld [tilespmem:s14+$0x40]  }
0x56: {  	v1 =	vld [tilespmem:s13+$0x440]  }
0x57: {  	s8 =	sor.u32 $0x840, s15  }
0x58: {  	v2 =	vld [tilespmem:s8+$0x0];
	_ =	sdelay $0x2  }
0x59: {  	v0 =	vadd.f32 v1, v0;
	_ =	sdelay $0x1  }
0x5a: {  	v0 =	vadd.f32 v2, v0;
	_ =	sdelay $0x1  }
0x5b: {  	[tilespmem:s10+$0x0] =	vst v0  }
0x5c: {  	v0 =	vld [tilespmem:s14+$0x50]  }
0x5d: {  	v1 =	vld [tilespmem:s13+$0x450]  }
0x5e: {  	s11 =	sor.u32 $0x850, s15  }
0x5f: {  	v2 =	vld [tilespmem:s11+$0x0];
	_ =	sdelay $0x2  }
0x60: {  	v0 =	vadd.f32 v1, v0;
	_ =	sdelay $0x1  }
0x61: {  	v0 =	vadd.f32 v2, v0;
	_ =	sdelay $0x1  }
0x62: {  	[tilespmem:s10+$0x10] =	vst v0  }
0x63: {  	v0 =	vld [tilespmem:s14+$0x60]  }
0x64: {  	s11 =	simm.s32 $0x1;
	v1 =	vld [tilespmem:s13+$0x460]  }
0x65: {  	s16 =	sor.u32 $0x860, s15;
	s17 =	smul.u32 $0x87, s11  }
0x66: {  	v2 =	vld [tilespmem:s16+$0x0]  }
0x67: {  	s19 =	sshrl.u32 s17, $0x8  }
0x68: {  	s8 =	ssub.s32 $0x1, s19  }
0x69: {  	s8 =	sand.u32 $0xFE, s8;
	v0 =	vadd.f32 v1, v0  }
0x6a: {  	s8 =	sshrl.u32 s8, $0x1  }
0x6b: {  	s7 =	sadd.s32 s19, s8;
	v0 =	vadd.f32 v2, v0  }
0x6c: {  	s7 =	sand.u32 $0xF0, s7  }
0x6d: {  	s8 =	sshrl.u32 s7, $0x4;
	[tilespmem:s10+$0x20] =	vst v0  }
0x6e: {  	s7 =	smul.u32 $0x15, s8;
	v0 =	vld [tilespmem:s14+$0x70]  }
0x6f: {  	s15 =	sor.u32 $0x870, s15;
	s16 =	simm.s32 $0x2;
	v1 =	vld [tilespmem:s13+$0x470];
	s13 =	simm.s32 $0xA40  }
.LBB2_3:
0x70: {  	s7 =	ssub.s32 s11, s7  }
0x71: {  	v2 =	vld [tilespmem:s15+$0x0];
	s10 =	sadd.s32 $0x80, s10;
	s11 =	smov.u32 s16;
	s14 =	sadd.s32 $0x1, s16  }
0x72: {  	p2 =	sne.s32 s16, $0x7D;
	s15 =	sand.u32 $0xFF, s7  }
0x73: {  	s15 =	smul.u32 $0x56, s15;
	_ =	sdelay $0x1  }
0x74: {  	s15 =	sshrl.u32 s15, $0x8;
	v0 =	vadd.f32 v1, v0  }
0x75: {  	s16 =	smul.u32 $0x3, s15  }
0x76: {  	v0 =	vadd.f32 v2, v0  }
0x77: {  	s15 =	sshll.u32 s15, $0x7;
	s7 =	ssub.s32 s7, s16  }
0x78: {  	s16 =	sshll.u32 s8, $0x7;
	s7 =	sand.u32 $0xFF, s7;
	[tilespmem:s13+$0x30] =	vst v0;
	s13 =	smov.u32 s10  }
0x79: {  	s17 =	sshll.u32 s7, $0x7;
	v0 =	vld [tilespmem:s16+$0x0]  }
0x7a: {  	s7 =	sor.u32 $0x800, s17;
	v1 =	vld [tilespmem:s15+$0x400]  }
0x7b: {  	v2 =	vld [tilespmem:s7+$0x0];
	_ =	sdelay $0x3  }
0x7c: {  	v0 =	vadd.f32 v1, v0;
	_ =	sdelay $0x1  }
0x7d: {  	v0 =	vadd.f32 v2, v0;
	_ =	sdelay $0x1  }
0x7e: {  	[tilespmem:s10+$0xFFFFFFC0] =	vst v0  }
0x7f: {  	v0 =	vld [tilespmem:s16+$0x10]  }
0x80: {  	v1 =	vld [tilespmem:s15+$0x410]  }
0x81: {  	s7 =	sor.u32 $0x810, s17  }
0x82: {  	v2 =	vld [tilespmem:s7+$0x0];
	_ =	sdelay $0x2  }
0x83: {  	v0 =	vadd.f32 v1, v0;
	_ =	sdelay $0x1  }
0x84: {  	v0 =	vadd.f32 v2, v0;
	_ =	sdelay $0x1  }
0x85: {  	[tilespmem:s10+$0xFFFFFFD0] =	vst v0  }
0x86: {  	v0 =	vld [tilespmem:s16+$0x20]  }
0x87: {  	v1 =	vld [tilespmem:s15+$0x420]  }
0x88: {  	s7 =	sor.u32 $0x820, s17  }
0x89: {  	v2 =	vld [tilespmem:s7+$0x0];
	_ =	sdelay $0x2  }
0x8a: {  	v0 =	vadd.f32 v1, v0;
	_ =	sdelay $0x1  }
0x8b: {  	v0 =	vadd.f32 v2, v0;
	_ =	sdelay $0x1  }
0x8c: {  	[tilespmem:s10+$0xFFFFFFE0] =	vst v0  }
0x8d: {  	v0 =	vld [tilespmem:s16+$0x30]  }
0x8e: {  	s7 =	sor.u32 $0x830, s17;
	v1 =	vld [tilespmem:s15+$0x430]  }
0x8f: {  	v2 =	vld [tilespmem:s7+$0x0];
	_ =	sdelay $0x3  }
0x90: {  	v0 =	vadd.f32 v1, v0;
	_ =	sdelay $0x1  }
0x91: {  	v0 =	vadd.f32 v2, v0;
	_ =	sdelay $0x1  }
0x92: {  	[tilespmem:s10+$0xFFFFFFF0] =	vst v0  }
0x93: {  	v0 =	vld [tilespmem:s16+$0x40]  }
0x94: {  	v1 =	vld [tilespmem:s15+$0x440]  }
0x95: {  	s7 =	sor.u32 $0x840, s17  }
0x96: {  	v2 =	vld [tilespmem:s7+$0x0];
	_ =	sdelay $0x2  }
0x97: {  	v0 =	vadd.f32 v1, v0;
	_ =	sdelay $0x1  }
0x98: {  	v0 =	vadd.f32 v2, v0;
	_ =	sdelay $0x1  }
0x99: {  	[tilespmem:s10+$0x0] =	vst v0  }
0x9a: {  	v0 =	vld [tilespmem:s16+$0x50]  }
0x9b: {  	s7 =	sor.u32 $0x850, s17;
	v1 =	vld [tilespmem:s15+$0x450]  }
0x9c: {  	v2 =	vld [tilespmem:s7+$0x0];
	_ =	sdelay $0x3  }
0x9d: {  	v0 =	vadd.f32 v1, v0;
	_ =	sdelay $0x1  }
0x9e: {  	v0 =	vadd.f32 v2, v0;
	_ =	sdelay $0x1  }
0x9f: {  	[tilespmem:s10+$0x10] =	vst v0  }
0xa0: {  	v0 =	vld [tilespmem:s16+$0x60]  }
0xa1: {  	s7 =	sor.u32 $0x860, s17;
	v1 =	vld [tilespmem:s15+$0x460]  }
0xa2: {  	s8 =	smul.u32 $0x87, s11;
	v2 =	vld [tilespmem:s7+$0x0];
	_ =	sdelay $0x1  }
0xa3: {  	s7 =	sshrl.u32 s8, $0x8  }
0xa4: {  	s8 =	ssub.s32 s11, s7  }
0xa5: {  	s8 =	sand.u32 $0xFE, s8;
	v0 =	vadd.f32 v1, v0  }
0xa6: {  	s8 =	sshrl.u32 s8, $0x1  }
.Ltmp3:
0xa7: {  	s7 =	sadd.s32 s7, s8;
	v0 =	vadd.f32 v2, v0;
	(pc) =	sbr.rel @p2 .LBB2_3-.Ltmp3, $4  }
0xa8: {  	s7 =	sand.u32 $0xF0, s7  }
0xa9: {  	s8 =	sshrl.u32 s7, $0x4;
	[tilespmem:s10+$0x20] =	vst v0  }
0xaa: {  	s7 =	smul.u32 $0x15, s8;
	v0 =	vld [tilespmem:s16+$0x70]  }
0xab: {  	s16 =	smov.u32 s14;
	v1 =	vld [tilespmem:s15+$0x470];
	s15 =	sor.u32 $0x870, s17  }
0xac: {  	_ = 	snop  }
0xad: {  	s7 =	ssub.s32 s11, s7;
	v2 =	vld [tilespmem:s15+$0x0]  }
0xae: {  	s11 =	sand.u32 $0xFF, s7  }
0xaf: {  	s11 =	smul.u32 $0x56, s11  }
0xb0: {  	v0 =	vadd.f32 v1, v0  }
0xb1: {  	s11 =	sshrl.u32 s11, $0x8  }
0xb2: {  	s14 =	smul.u32 $0x3, s11;
	v0 =	vadd.f32 v2, v0;
	_ =	sdelay $0x1  }
0xb3: {  	s8 =	sshll.u32 s8, $0x7;
	s7 =	ssub.s32 s7, s14;
	[tilespmem:s13+$0x30] =	vst v0  }
0xb4: {  	s11 =	sshll.u32 s11, $0x7;
	s7 =	sand.u32 $0xFF, s7;
	v0 =	vld [tilespmem:s8+$0x0]  }
0xb5: {  	s7 =	sshll.u32 s7, $0x7;
	v48 =	vld [tilespmem:s11+$0x400]  }
0xb6: {  	s15 =	sor.u32 $0x800, s7  }
0xb7: {  	v49 =	vld [tilespmem:s15+$0x0];
	_ =	sdelay $0x2  }
0xb8: {  	v0 =	vadd.f32 v48, v0;
	_ =	sdelay $0x1  }
0xb9: {  	v0 =	vadd.f32 v49, v0  }
0xba: {  	s10 =	sadd.s32 $0x80, s10  }
0xbb: {  	[tilespmem:s10+$0xFFFFFFC0] =	vst v0  }
0xbc: {  	v0 =	vld [tilespmem:s8+$0x10]  }
0xbd: {  	v50 =	vld [tilespmem:s11+$0x410]  }
0xbe: {  	s16 =	sor.u32 $0x810, s7  }
0xbf: {  	v51 =	vld [tilespmem:s16+$0x0];
	_ =	sdelay $0x2  }
0xc0: {  	v0 =	vadd.f32 v50, v0;
	_ =	sdelay $0x1  }
0xc1: {  	v0 =	vadd.f32 v51, v0;
	_ =	sdelay $0x1  }
0xc2: {  	[tilespmem:s10+$0xFFFFFFD0] =	vst v0  }
0xc3: {  	v0 =	vld [tilespmem:s8+$0x20]  }
0xc4: {  	v52 =	vld [tilespmem:s11+$0x420]  }
0xc5: {  	s17 =	sor.u32 $0x820, s7  }
0xc6: {  	v53 =	vld [tilespmem:s17+$0x0];
	_ =	sdelay $0x2  }
0xc7: {  	v0 =	vadd.f32 v52, v0;
	_ =	sdelay $0x1  }
0xc8: {  	v0 =	vadd.f32 v53, v0;
	_ =	sdelay $0x1  }
0xc9: {  	[tilespmem:s10+$0xFFFFFFE0] =	vst v0  }
0xca: {  	v0 =	vld [tilespmem:s8+$0x30]  }
0xcb: {  	v54 =	vld [tilespmem:s11+$0x430]  }
0xcc: {  	s19 =	sor.u32 $0x830, s7  }
0xcd: {  	v55 =	vld [tilespmem:s19+$0x0];
	_ =	sdelay $0x2  }
0xce: {  	v0 =	vadd.f32 v54, v0;
	_ =	sdelay $0x1  }
0xcf: {  	v0 =	vadd.f32 v55, v0;
	_ =	sdelay $0x1  }
0xd0: {  	[tilespmem:s10+$0xFFFFFFF0] =	vst v0  }
0xd1: {  	v0 =	vld [tilespmem:s8+$0x40]  }
0xd2: {  	v56 =	vld [tilespmem:s11+$0x440]  }
0xd3: {  	s14 =	sor.u32 $0x840, s7  }
0xd4: {  	v57 =	vld [tilespmem:s14+$0x0];
	_ =	sdelay $0x2  }
0xd5: {  	v0 =	vadd.f32 v56, v0;
	_ =	sdelay $0x1  }
0xd6: {  	v0 =	vadd.f32 v57, v0;
	_ =	sdelay $0x1  }
0xd7: {  	[tilespmem:s10+$0x0] =	vst v0  }
0xd8: {  	v0 =	vld [tilespmem:s8+$0x50]  }
0xd9: {  	v58 =	vld [tilespmem:s11+$0x450]  }
0xda: {  	s15 =	sor.u32 $0x850, s7  }
0xdb: {  	v59 =	vld [tilespmem:s15+$0x0];
	_ =	sdelay $0x2  }
0xdc: {  	v0 =	vadd.f32 v58, v0;
	_ =	sdelay $0x1  }
0xdd: {  	v0 =	vadd.f32 v59, v0;
	_ =	sdelay $0x1  }
0xde: {  	[tilespmem:s10+$0x10] =	vst v0  }
0xdf: {  	v0 =	vld [tilespmem:s8+$0x60]  }
0xe0: {  	v60 =	vld [tilespmem:s11+$0x460]  }
0xe1: {  	s16 =	sor.u32 $0x860, s7  }
0xe2: {  	v61 =	vld [tilespmem:s16+$0x0];
	_ =	sdelay $0x2  }
0xe3: {  	v0 =	vadd.f32 v60, v0;
	_ =	sdelay $0x1  }
0xe4: {  	v0 =	vadd.f32 v61, v0;
	_ =	sdelay $0x1  }
0xe5: {  	[tilespmem:s10+$0x20] =	vst v0  }
0xe6: {  	v0 =	vld [tilespmem:s8+$0x70]  }
0xe7: {  	v62 =	vld [tilespmem:s11+$0x470]  }
0xe8: {  	s7 =	sor.u32 $0x870, s7  }
0xe9: {  	v63 =	vld [tilespmem:s7+$0x0];
	_ =	sdelay $0x2  }
0xea: {  	v0 =	vadd.f32 v62, v0;
	_ =	sdelay $0x1  }
0xeb: {  	v0 =	vadd.f32 v63, v0;
	_ =	sdelay $0x1  }
0xec: {  	s17 =	simm.s32 $0xA00;
	s19 =	simm.s32 $0x8;
	[tilespmem:s10+$0x30] =	vst v0  }
0xed: {  	[spmem:s5] =	stream.linear.scatter [tilespmem:s17], [sflag:$0x8], $0x3F00, $0x38;
	[tilespmem:$0x113F0] =	vst v63  }
0xee: {  	_ =	swait.ge [sflag:s19], $0x3F00  }
0xef: {  	[sflag:s19] =	ssyncset.done $0x0  }
0xf0: {  	[sflag:s19] =	ssyncadd.s32 $0xFFFFC100  }
.LBB2_5:
0xf1: {  	[bflag:$0x0] =	sbarrier.arrive $0xFFFF  }
0xf2: {  	s17 =	rddreg [dreg:$0x10]  }
0xf3: {  	s16 =	rddreg [dreg:$0xf]  }
0xf4: {  	s15 =	rddreg [dreg:$0xe]  }
0xf5: {  	s14 =	rddreg [dreg:$0xd]  }
0xf6: {  	s10 =	simm.s32 $0x0;
	s13 =	rddreg [dreg:$0xc]  }
.LBB2_6:
0xf7: {  	_ =	swait.ge [sflag:s23], $0x180  }
0xf8: {  	[sflag:s23] =	ssyncset.done $0x0  }
0xf9: {  	[sflag:s23] =	ssyncadd.s32 $0xFFFFFE80  }
0xfa: {  	v0 =	vld [tilespmem:$0x4DF0]  }
0xfb: {  	v1 =	vld [tilespmem:$0x4E70]  }
0xfc: {  	v2 =	vld [tilespmem:$0x4EF0]  }
0xfd: {  	v3 =	vld [tilespmem:$0x4E00]  }
0xfe: {  	v4 =	vld [tilespmem:$0x4E80]  }
0xff: {  	v5 =	vld [tilespmem:$0x4F00]  }
0x100: {  	v6 =	vld [tilespmem:$0x4E10]  }
0x101: {  	v7 =	vld [tilespmem:$0x4E90]  }
0x102: {  	v8 =	vld [tilespmem:$0x4F10]  }
0x103: {  	v45 =	vld [tilespmem:$0x4E20]  }
0x104: {  	v9 =	vld [tilespmem:$0x4EA0]  }
0x105: {  	v10 =	vld [tilespmem:$0x4F20]  }
0x106: {  	v48 =	vld [tilespmem:$0x4E30]  }
0x107: {  	v11 =	vld [tilespmem:$0x4EB0]  }
0x108: {  	v50 =	vld [tilespmem:$0x4F30]  }
0x109: {  	v51 =	vld [tilespmem:$0x4E40];
	vm0 =	vlt.s32 v0, $0x5  }
0x10a: {  	v54 =	vld [tilespmem:$0x4EC0];
	vm1 =	vlt.s32 v1, $0x6;
	vm6 =	vlt.s32 v2, $0x2;
	vm7 =	vlt.s32 v3, $0x5  }
0x10b: {  	v59 =	vld [tilespmem:$0x4E50];
	vm8 =	vlt.s32 v4, $0x6;
	vm9 =	vlt.s32 v5, $0x2;
	vm10 =	vlt.s32 v6, $0x5  }
0x10c: {  	v12 =	vld [tilespmem:$0x4ED0];
	vm11 =	vlt.s32 v7, $0x6;
	vm12 =	vlt.s32 v8, $0x2;
	vm13 =	vlt.s32 v45, $0x5  }
0x10d: {  	v13 =	vld [tilespmem:$0x4E60];
	vm14 =	vlt.s32 v9, $0x6;
	vm15 =	vlt.s32 v10, $0x2;
	vm4 =	vlt.s32 v48, $0x5  }
0x10e: {  	v61 =	vld [tilespmem:$0x4EE0];
	vm5 =	vlt.s32 v11, $0x6;
	v0 =	vnsel vm0, $0x5, v0;
	v1 =	vnsel vm1, $0x6, v1  }
0x10f: {  	v63 =	vld [tilespmem:$0x4F50];
	v2 =	vnsel vm6, $0x2, v2;
	v43 =	vnsel vm7, $0x5, v3;
	v44 =	vnsel vm8, $0x6, v4  }
0x110: {  	v14 =	vld [tilespmem:$0x4F60];
	v5 =	vnsel vm9, $0x2, v5;
	v46 =	vnsel vm10, $0x5, v6;
	v47 =	vnsel vm11, $0x6, v7  }
0x111: {  	v49 =	vnsel vm12, $0x2, v8;
	v52 =	vnsel vm13, $0x5, v45;
	v53 =	vnsel vm14, $0x6, v9  }
0x112: {  	v55 =	vnsel vm15, $0x2, v10;
	v57 =	vnsel vm4, $0x5, v48;
	v58 =	vnsel vm5, $0x6, v11  }
0x113: {  	vm6 =	vlt.s32 v50, $0x2;
	vm7 =	vlt.s32 v51, $0x5;
	vm8 =	vlt.s32 v54, $0x6  }
0x114: {  	vm10 =	vlt.s32 v59, $0x5;
	vm11 =	vlt.s32 v12, $0x6;
	vm12 =	vlt.s32 v13, $0x5  }
0x115: {  	vm13 =	vlt.s32 v61, $0x6;
	vm14 =	vlt.s32 v63, $0x2;
	vm15 =	vlt.s32 v14, $0x2  }
0x116: {  	v0 =	vmul.u32 $0x15, v0;
	v1 =	vmul.u32 $0x3, v1;
	v3 =	vmul.u32 $0x3, v44  }
0x117: {  	v6 =	vmul.u32 $0x3, v47;
	v4 =	vmul.u32 $0x3, v53;
	v7 =	vmul.u32 $0x3, v58  }
0x118: {  	v60 =	vnsel vm8, $0x6, v54;
	v0 =	vadd.s32 v0, v1;
	v1 =	vmul.u32 $0x15, v43  }
0x119: {  	v16 =	vnsel vm10, $0x5, v59;
	v17 =	vnsel vm11, $0x6, v12;
	v20 =	vnsel vm12, $0x5, v13  }
0x11a: {  	v21 =	vnsel vm13, $0x6, v61;
	v1 =	vadd.s32 v1, v3;
	v3 =	vmul.u32 $0x15, v46  }
0x11b: {  	v26 =	vnsel vm15, $0x2, v14;
	v22 =	vmul.u32 $0x15, v20;
	v23 =	vmul.u32 $0x3, v21  }
0x11c: {  	v18 =	vmul.u32 $0x15, v16;
	v0 =	vadd.s32 v2, v0;
	v3 =	vadd.s32 v3, v6  }
0x11d: {  	v56 =	vld [tilespmem:$0x4F40];
	v27 =	vadd.s32 v22, v23;
	v2 =	vadd.s32 v49, v3;
	v3 =	vmul.u32 $0x15, v52  }
0x11e: {  	v19 =	vmul.u32 $0x3, v17;
	[tilespmem:$0x51F0] =	vst v0;
	v28 =	vadd.s32 v26, v27;
	v1 =	vadd.s32 v5, v1  }
0x11f: {  	[tilespmem:$0x5260] =	vst v28;
	v6 =	vnsel vm7, $0x5, v51;
	v3 =	vadd.s32 v3, v4;
	v4 =	vmul.u32 $0x15, v57  }
0x120: {  	v24 =	vnsel vm14, $0x2, v63;
	[tilespmem:$0x5200] =	vst v1;
	v1 =	vadd.s32 v18, v19;
	v6 =	vmul.u32 $0x15, v6  }
0x121: {  	v25 =	vadd.s32 v24, v1;
	[tilespmem:$0x5210] =	vst v2;
	v4 =	vadd.s32 v4, v7;
	v7 =	vmul.u32 $0x3, v60  }
0x122: {  	vm9 =	vlt.s32 v56, $0x2;
	v5 =	vnsel vm6, $0x2, v50;
	[tilespmem:$0x5250] =	vst v25;
	v3 =	vadd.s32 v55, v3  }
0x123: {  	v62 =	vnsel vm9, $0x2, v56;
	[tilespmem:$0x5220] =	vst v3;
	v4 =	vadd.s32 v5, v4;
	v6 =	vadd.s32 v6, v7  }
0x124: {  	s11 =	sadd.s32 s10, s12;
	[tilespmem:$0x5230] =	vst v4;
	v15 =	vadd.s32 v62, v6  }
0x125: {  	p2 =	seq.s32 s10, $0x0;
	s7 =	sadd.s32 $0x800, s11;
	[tilespmem:$0x5240] =	vst v15  }
0x126: {  	[tilespmem:s24], [sflag:$0x1] =	stream.linear.gather [hbm4b:s7+s6], $0x180, $0x38;
	[tilespmem:$0x113F0] =	vst v63  }
0x127: {  	s8 =	simm.s32 @p2 $0x51F0;
	s19 =	simm.s32 @p2 $0x53F0;
	s7 =	simm.s32 @p2 $0x80  }
0x128: {  	[tilespmem:s19], [sflag:$0x2] =	stream.indirect.gather @p2 [spmem:s5], $0x80, s8, s7, $0xb8;
	[tilespmem:$0x113F0] =	vst v63  }
0x129: {  	s7 =	simm.s32 @!p2 $0x5  }
0x12a: {  	_ =	swait.ge @!p2 [sflag:s7], $0x4000  }
0x12b: {  	s8 =	simm.s32 @!p2 $0x51F0;
	[sflag:s7] =	ssyncset.done @!p2 $0x0  }
0x12c: {  	s19 =	simm.s32 @!p2 $0x53F0;
	[sflag:s7] =	ssyncadd.s32 @!p2 $0xFFFFC000;
	s7 =	simm.s32 @!p2 $0x80  }
0x12d: {  	[tilespmem:s19], [sflag:$0x2] =	stream.indirect.gather @!p2 [spmem:s5], $0x80, s8, s7, $0xb8;
	[tilespmem:$0x113F0] =	vst v63  }
0x12e: {  	s7 =	simm.s32 @!p2 $0x4  }
0x12f: {  	_ =	swait.ge @!p2 [sflag:s7], $0x4000  }
0x130: {  	[sflag:s7] =	ssyncset.done @!p2 $0x0  }
0x131: {  	[sflag:s7] =	ssyncadd.s32 @!p2 $0xFFFFC000;
	s7 =	sshrl.u32 @!p2 s13, $0x3  }
0x132: {  	s8 =	simm.s32 @!p2 $0x0;
	s19 =	simm.s32 @!p2 $0xD3F0;
	s7 =	sadd.s32 @!p2 s4, s7  }
0x133: {  	[hbm4b:s7+s8] =	stream.linear.scatter @!p2 [tilespmem:s19], [sflag:$0x7], $0x4000, $0x38;
	[tilespmem:$0x113F0] =	vst v63  }
0x134: {  	_ =	swait.ge [sflag:s23], $0x180  }
0x135: {  	[sflag:s23] =	ssyncset.done $0x0  }
0x136: {  	[sflag:s23] =	ssyncadd.s32 $0xFFFFFE80  }
0x137: {  	v29 =	vld [tilespmem:$0x4FF0]  }
0x138: {  	v30 =	vld [tilespmem:$0x5070]  }
0x139: {  	v31 =	vld [tilespmem:$0x50F0]  }
0x13a: {  	v32 =	vld [tilespmem:$0x5000]  }
0x13b: {  	v33 =	vld [tilespmem:$0x5080]  }
0x13c: {  	v34 =	vld [tilespmem:$0x5100]  }
0x13d: {  	v35 =	vld [tilespmem:$0x5010]  }
0x13e: {  	v36 =	vld [tilespmem:$0x5090]  }
0x13f: {  	v37 =	vld [tilespmem:$0x5110]  }
0x140: {  	v40 =	vld [tilespmem:$0x5020]  }
0x141: {  	v41 =	vld [tilespmem:$0x50A0]  }
0x142: {  	v42 =	vld [tilespmem:$0x5120]  }
0x143: {  	v45 =	vld [tilespmem:$0x5030]  }
0x144: {  	v46 =	vld [tilespmem:$0x50B0]  }
0x145: {  	v48 =	vld [tilespmem:$0x5130]  }
0x146: {  	v49 =	vld [tilespmem:$0x5040];
	vm4 =	vlt.s32 v29, $0x5  }
0x147: {  	v52 =	vld [tilespmem:$0x50C0];
	vm5 =	vlt.s32 v30, $0x6;
	vm6 =	vlt.s32 v31, $0x2;
	vm7 =	vlt.s32 v32, $0x5  }
0x148: {  	v57 =	vld [tilespmem:$0x5050];
	vm8 =	vlt.s32 v33, $0x6;
	vm9 =	vlt.s32 v34, $0x2;
	vm10 =	vlt.s32 v35, $0x5  }
0x149: {  	v58 =	vld [tilespmem:$0x50D0];
	vm11 =	vlt.s32 v36, $0x6;
	vm12 =	vlt.s32 v37, $0x2;
	vm13 =	vlt.s32 v40, $0x5  }
0x14a: {  	v59 =	vld [tilespmem:$0x5060];
	vm14 =	vlt.s32 v41, $0x6;
	vm15 =	vlt.s32 v42, $0x2;
	v0 =	vnsel vm4, $0x5, v29  }
0x14b: {  	v61 =	vld [tilespmem:$0x50E0];
	v1 =	vnsel vm5, $0x6, v30;
	v2 =	vnsel vm6, $0x2, v31;
	v38 =	vnsel vm7, $0x5, v32  }
0x14c: {  	v63 =	vld [tilespmem:$0x5150];
	v39 =	vnsel vm8, $0x6, v33;
	v5 =	vnsel vm9, $0x2, v34;
	v43 =	vnsel vm10, $0x5, v35  }
0x14d: {  	v14 =	vld [tilespmem:$0x5160];
	v44 =	vnsel vm11, $0x6, v36;
	v47 =	vnsel vm12, $0x2, v37;
	v50 =	vnsel vm13, $0x5, v40  }
0x14e: {  	v51 =	vnsel vm14, $0x6, v41;
	v53 =	vnsel vm15, $0x2, v42;
	vm4 =	vlt.s32 v45, $0x5  }
0x14f: {  	vm5 =	vlt.s32 v46, $0x6;
	vm6 =	vlt.s32 v48, $0x2;
	vm7 =	vlt.s32 v49, $0x5  }
0x150: {  	vm8 =	vlt.s32 v52, $0x6;
	vm10 =	vlt.s32 v57, $0x5;
	vm11 =	vlt.s32 v58, $0x6  }
0x151: {  	vm12 =	vlt.s32 v59, $0x5;
	vm13 =	vlt.s32 v61, $0x6;
	vm14 =	vlt.s32 v63, $0x2  }
0x152: {  	vm15 =	vlt.s32 v14, $0x2;
	v0 =	vmul.u32 $0x15, v0;
	v1 =	vmul.u32 $0x3, v1  }
0x153: {  	v3 =	vmul.u32 $0x3, v39;
	v6 =	vmul.u32 $0x3, v44;
	v4 =	vmul.u32 $0x3, v51  }
0x154: {  	v55 =	vnsel vm4, $0x5, v45;
	v56 =	vnsel vm5, $0x6, v46;
	v60 =	vnsel vm8, $0x6, v52  }
0x155: {  	v16 =	vnsel vm10, $0x5, v57;
	v0 =	vadd.s32 v0, v1;
	v1 =	vmul.u32 $0x15, v38  }
0x156: {  	v17 =	vnsel vm11, $0x6, v58;
	v20 =	vnsel vm12, $0x5, v59;
	v21 =	vnsel vm13, $0x6, v61  }
0x157: {  	v26 =	vnsel vm15, $0x2, v14;
	v1 =	vadd.s32 v1, v3;
	v3 =	vmul.u32 $0x15, v43  }
0x158: {  	v7 =	vmul.u32 $0x3, v56;
	v22 =	vmul.u32 $0x15, v20;
	v23 =	vmul.u32 $0x3, v21  }
0x159: {  	v18 =	vmul.u32 $0x15, v16;
	v0 =	vadd.s32 v2, v0;
	v3 =	vadd.s32 v3, v6  }
0x15a: {  	v54 =	vld [tilespmem:$0x5140];
	v27 =	vadd.s32 v22, v23;
	v2 =	vadd.s32 v47, v3;
	v3 =	vmul.u32 $0x15, v50  }
0x15b: {  	v19 =	vmul.u32 $0x3, v17;
	[tilespmem:$0x5270] =	vst v0;
	v28 =	vadd.s32 v26, v27;
	v1 =	vadd.s32 v5, v1  }
0x15c: {  	[tilespmem:$0x52E0] =	vst v28;
	v6 =	vnsel vm7, $0x5, v49;
	v3 =	vadd.s32 v3, v4;
	v4 =	vmul.u32 $0x15, v55  }
0x15d: {  	v24 =	vnsel vm14, $0x2, v63;
	[tilespmem:$0x5280] =	vst v1;
	v1 =	vadd.s32 v18, v19;
	v6 =	vmul.u32 $0x15, v6  }
0x15e: {  	v25 =	vadd.s32 v24, v1;
	[tilespmem:$0x5290] =	vst v2;
	v4 =	vadd.s32 v4, v7;
	v7 =	vmul.u32 $0x3, v60  }
0x15f: {  	vm9 =	vlt.s32 v54, $0x2;
	v5 =	vnsel vm6, $0x2, v48;
	[tilespmem:$0x52D0] =	vst v25;
	v3 =	vadd.s32 v53, v3  }
0x160: {  	v62 =	vnsel vm9, $0x2, v54;
	[tilespmem:$0x52A0] =	vst v3;
	v4 =	vadd.s32 v5, v4;
	v6 =	vadd.s32 v6, v7  }
0x161: {  	[tilespmem:$0x52B0] =	vst v4;
	v15 =	vadd.s32 v62, v6  }
0x162: {  	s8 =	sadd.s32 $0x1000, s11;
	s7 =	simm.s32 @!p2 $0x6;
	[tilespmem:$0x52C0] =	vst v15  }
0x163: {  	[tilespmem:s18], [sflag:$0x1] =	stream.linear.gather [hbm4b:s8+s6], $0x180, $0x38;
	[tilespmem:$0x113F0] =	vst v63  }
0x164: {  	_ =	swait.ge @!p2 [sflag:s7], $0x4000  }
0x165: {  	[sflag:s7] =	ssyncset.done @!p2 $0x0  }
0x166: {  	[sflag:s7] =	ssyncadd.s32 @!p2 $0xFFFFC000  }
0x167: {  	[tilespmem:s28], [sflag:$0x3] =	stream.indirect.gather [spmem:s5], $0x80, s26, s25, $0xb8;
	[tilespmem:$0x113F0] =	vst v63  }
0x168: {  	_ =	swait.ge [sflag:s29], $0x4000  }
0x169: {  	[sflag:s29] =	ssyncset.done $0x0  }
0x16a: {  	s19 =	sadd.s32 s17, s4;
	[sflag:s29] =	ssyncadd.s32 $0xFFFFC000  }
0x16b: {  	[hbm4b:s19+s6] =	stream.linear.scatter [tilespmem:s30], [sflag:$0x5], $0x4000, $0x38;
	[tilespmem:$0x113F0] =	vst v63  }
0x16c: {  	_ =	swait.ge [sflag:s23], $0x180  }
0x16d: {  	[sflag:s23] =	ssyncset.done $0x0  }
0x16e: {  	[sflag:s23] =	ssyncadd.s32 $0xFFFFFE80  }
0x16f: {  	v29 =	vld [tilespmem:$0x4DF0]  }
0x170: {  	v30 =	vld [tilespmem:$0x4E70]  }
0x171: {  	v31 =	vld [tilespmem:$0x4EF0]  }
0x172: {  	v32 =	vld [tilespmem:$0x4E00]  }
0x173: {  	v33 =	vld [tilespmem:$0x4E80]  }
0x174: {  	v34 =	vld [tilespmem:$0x4F00]  }
0x175: {  	v35 =	vld [tilespmem:$0x4E10]  }
0x176: {  	v36 =	vld [tilespmem:$0x4E90]  }
0x177: {  	v37 =	vld [tilespmem:$0x4F10]  }
0x178: {  	v40 =	vld [tilespmem:$0x4E20]  }
0x179: {  	v41 =	vld [tilespmem:$0x4EA0]  }
0x17a: {  	v42 =	vld [tilespmem:$0x4F20]  }
0x17b: {  	v45 =	vld [tilespmem:$0x4E30]  }
0x17c: {  	v46 =	vld [tilespmem:$0x4EB0]  }
0x17d: {  	v48 =	vld [tilespmem:$0x4F30]  }
0x17e: {  	v49 =	vld [tilespmem:$0x4E40];
	vm4 =	vlt.s32 v29, $0x5  }
0x17f: {  	v52 =	vld [tilespmem:$0x4EC0];
	vm5 =	vlt.s32 v30, $0x6;
	vm6 =	vlt.s32 v31, $0x2;
	vm7 =	vlt.s32 v32, $0x5  }
0x180: {  	v57 =	vld [tilespmem:$0x4E50];
	vm8 =	vlt.s32 v33, $0x6;
	vm9 =	vlt.s32 v34, $0x2;
	vm10 =	vlt.s32 v35, $0x5  }
0x181: {  	v58 =	vld [tilespmem:$0x4ED0];
	vm11 =	vlt.s32 v36, $0x6;
	vm12 =	vlt.s32 v37, $0x2;
	vm13 =	vlt.s32 v40, $0x5  }
0x182: {  	v59 =	vld [tilespmem:$0x4E60];
	vm14 =	vlt.s32 v41, $0x6;
	vm15 =	vlt.s32 v42, $0x2;
	v0 =	vnsel vm4, $0x5, v29  }
0x183: {  	v61 =	vld [tilespmem:$0x4EE0];
	v1 =	vnsel vm5, $0x6, v30;
	v2 =	vnsel vm6, $0x2, v31;
	v38 =	vnsel vm7, $0x5, v32  }
0x184: {  	v63 =	vld [tilespmem:$0x4F50];
	v39 =	vnsel vm8, $0x6, v33;
	v5 =	vnsel vm9, $0x2, v34;
	v43 =	vnsel vm10, $0x5, v35  }
0x185: {  	v10 =	vld [tilespmem:$0x4F60];
	v44 =	vnsel vm11, $0x6, v36;
	v47 =	vnsel vm12, $0x2, v37;
	v50 =	vnsel vm13, $0x5, v40  }
0x186: {  	v51 =	vnsel vm14, $0x6, v41;
	v53 =	vnsel vm15, $0x2, v42;
	vm4 =	vlt.s32 v45, $0x5  }
0x187: {  	vm5 =	vlt.s32 v46, $0x6;
	vm6 =	vlt.s32 v48, $0x2;
	vm7 =	vlt.s32 v49, $0x5  }
0x188: {  	vm8 =	vlt.s32 v52, $0x6;
	vm10 =	vlt.s32 v57, $0x5;
	vm11 =	vlt.s32 v58, $0x6  }
0x189: {  	vm12 =	vlt.s32 v59, $0x5;
	vm13 =	vlt.s32 v61, $0x6;
	vm14 =	vlt.s32 v63, $0x2  }
0x18a: {  	vm15 =	vlt.s32 v10, $0x2;
	v0 =	vmul.u32 $0x15, v0;
	v1 =	vmul.u32 $0x3, v1  }
0x18b: {  	v3 =	vmul.u32 $0x3, v39;
	v6 =	vmul.u32 $0x3, v44;
	v4 =	vmul.u32 $0x3, v51  }
0x18c: {  	v55 =	vnsel vm4, $0x5, v45;
	v56 =	vnsel vm5, $0x6, v46;
	v60 =	vnsel vm8, $0x6, v52  }
0x18d: {  	v15 =	vnsel vm10, $0x5, v57;
	v0 =	vadd.s32 v0, v1;
	v1 =	vmul.u32 $0x15, v38  }
0x18e: {  	v16 =	vnsel vm11, $0x6, v58;
	v19 =	vnsel vm12, $0x5, v59;
	v20 =	vnsel vm13, $0x6, v61  }
0x18f: {  	v25 =	vnsel vm15, $0x2, v10;
	v1 =	vadd.s32 v1, v3;
	v3 =	vmul.u32 $0x15, v43  }
0x190: {  	v7 =	vmul.u32 $0x3, v56;
	v21 =	vmul.u32 $0x15, v19;
	v22 =	vmul.u32 $0x3, v20  }
0x191: {  	v17 =	vmul.u32 $0x15, v15;
	v0 =	vadd.s32 v2, v0;
	v3 =	vadd.s32 v3, v6  }
0x192: {  	v54 =	vld [tilespmem:$0x4F40];
	v26 =	vadd.s32 v21, v22;
	v2 =	vadd.s32 v47, v3;
	v3 =	vmul.u32 $0x15, v50  }
0x193: {  	v18 =	vmul.u32 $0x3, v16;
	[tilespmem:$0x52F0] =	vst v0;
	v27 =	vadd.s32 v25, v26;
	v1 =	vadd.s32 v5, v1  }
0x194: {  	[tilespmem:$0x5360] =	vst v27;
	v6 =	vnsel vm7, $0x5, v49;
	v3 =	vadd.s32 v3, v4;
	v4 =	vmul.u32 $0x15, v55  }
0x195: {  	v23 =	vnsel vm14, $0x2, v63;
	[tilespmem:$0x5300] =	vst v1;
	v1 =	vadd.s32 v17, v18;
	v6 =	vmul.u32 $0x15, v6  }
0x196: {  	v24 =	vadd.s32 v23, v1;
	[tilespmem:$0x5310] =	vst v2;
	v4 =	vadd.s32 v4, v7;
	v7 =	vmul.u32 $0x3, v60  }
0x197: {  	vm9 =	vlt.s32 v54, $0x2;
	v5 =	vnsel vm6, $0x2, v48;
	[tilespmem:$0x5350] =	vst v24;
	v3 =	vadd.s32 v53, v3  }
0x198: {  	v62 =	vnsel vm9, $0x2, v54;
	[tilespmem:$0x5320] =	vst v3;
	v4 =	vadd.s32 v5, v4;
	v6 =	vadd.s32 v6, v7  }
0x199: {  	[tilespmem:$0x5330] =	vst v4;
	v14 =	vadd.s32 v62, v6  }
0x19a: {  	s8 =	sadd.s32 $0x1800, s11;
	s7 =	simm.s32 @!p2 $0x7;
	[tilespmem:$0x5340] =	vst v14  }
0x19b: {  	[tilespmem:s24], [sflag:$0x1] =	stream.linear.gather [hbm4b:s8+s6], $0x180, $0x38;
	[tilespmem:$0x113F0] =	vst v63  }
0x19c: {  	_ =	swait.ge @!p2 [sflag:s7], $0x4000  }
0x19d: {  	[sflag:s7] =	ssyncset.done @!p2 $0x0  }
0x19e: {  	[sflag:s7] =	ssyncadd.s32 @!p2 $0xFFFFC000  }
0x19f: {  	[tilespmem:s1], [sflag:$0x4] =	stream.indirect.gather [spmem:s5], $0x80, s31, s25, $0xb8;
	[tilespmem:$0x113F0] =	vst v63  }
0x1a0: {  	_ =	swait.ge [sflag:s0], $0x4000  }
0x1a1: {  	s19 =	sor.u32 $0x10000, s17;
	[sflag:s0] =	ssyncset.done $0x0  }
0x1a2: {  	s7 =	sadd.s32 s4, s19;
	[sflag:s0] =	ssyncadd.s32 $0xFFFFC000  }
0x1a3: {  	[hbm4b:s7+s6] =	stream.linear.scatter [tilespmem:s28], [sflag:$0x6], $0x4000, $0x38;
	[tilespmem:$0x113F0] =	vst v63  }
0x1a4: {  	_ =	swait.ge [sflag:s23], $0x180  }
0x1a5: {  	[sflag:s23] =	ssyncset.done $0x0  }
0x1a6: {  	[sflag:s23] =	ssyncadd.s32 $0xFFFFFE80  }
0x1a7: {  	v28 =	vld [tilespmem:$0x4FF0]  }
0x1a8: {  	v29 =	vld [tilespmem:$0x5070]  }
0x1a9: {  	v30 =	vld [tilespmem:$0x50F0]  }
0x1aa: {  	v31 =	vld [tilespmem:$0x5000]  }
0x1ab: {  	v32 =	vld [tilespmem:$0x5080]  }
0x1ac: {  	v33 =	vld [tilespmem:$0x5100]  }
0x1ad: {  	v34 =	vld [tilespmem:$0x5010]  }
0x1ae: {  	v35 =	vld [tilespmem:$0x5090]  }
0x1af: {  	v36 =	vld [tilespmem:$0x5110]  }
0x1b0: {  	v39 =	vld [tilespmem:$0x5020]  }
0x1b1: {  	v40 =	vld [tilespmem:$0x50A0]  }
0x1b2: {  	v41 =	vld [tilespmem:$0x5120]  }
0x1b3: {  	v44 =	vld [tilespmem:$0x5030]  }
0x1b4: {  	v45 =	vld [tilespmem:$0x50B0]  }
0x1b5: {  	v47 =	vld [tilespmem:$0x5130]  }
0x1b6: {  	v48 =	vld [tilespmem:$0x5040];
	vm4 =	vlt.s32 v28, $0x5  }
0x1b7: {  	v51 =	vld [tilespmem:$0x50C0];
	vm5 =	vlt.s32 v29, $0x6;
	vm6 =	vlt.s32 v30, $0x2;
	vm7 =	vlt.s32 v31, $0x5  }
0x1b8: {  	v56 =	vld [tilespmem:$0x5050];
	vm8 =	vlt.s32 v32, $0x6;
	vm9 =	vlt.s32 v33, $0x2;
	vm10 =	vlt.s32 v34, $0x5  }
0x1b9: {  	v57 =	vld [tilespmem:$0x50D0];
	vm11 =	vlt.s32 v35, $0x6;
	vm12 =	vlt.s32 v36, $0x2;
	vm13 =	vlt.s32 v39, $0x5  }
0x1ba: {  	v58 =	vld [tilespmem:$0x5060];
	vm14 =	vlt.s32 v40, $0x6;
	vm15 =	vlt.s32 v41, $0x2;
	v0 =	vnsel vm4, $0x5, v28  }
0x1bb: {  	v60 =	vld [tilespmem:$0x50E0];
	v1 =	vnsel vm5, $0x6, v29;
	v2 =	vnsel vm6, $0x2, v30;
	v37 =	vnsel vm7, $0x5, v31  }
0x1bc: {  	v62 =	vld [tilespmem:$0x5150];
	v38 =	vnsel vm8, $0x6, v32;
	v5 =	vnsel vm9, $0x2, v33;
	v42 =	vnsel vm10, $0x5, v34  }
0x1bd: {  	v63 =	vld [tilespmem:$0x5160];
	v43 =	vnsel vm11, $0x6, v35;
	v46 =	vnsel vm12, $0x2, v36;
	v49 =	vnsel vm13, $0x5, v39  }
0x1be: {  	v50 =	vnsel vm14, $0x6, v40;
	v52 =	vnsel vm15, $0x2, v41;
	vm4 =	vlt.s32 v44, $0x5  }
0x1bf: {  	vm5 =	vlt.s32 v45, $0x6;
	vm6 =	vlt.s32 v47, $0x2;
	vm7 =	vlt.s32 v48, $0x5  }
0x1c0: {  	vm8 =	vlt.s32 v51, $0x6;
	vm10 =	vlt.s32 v56, $0x5;
	vm11 =	vlt.s32 v57, $0x6  }
0x1c1: {  	vm12 =	vlt.s32 v58, $0x5;
	vm13 =	vlt.s32 v60, $0x6;
	vm14 =	vlt.s32 v62, $0x2  }
0x1c2: {  	vm15 =	vlt.s32 v63, $0x2;
	v0 =	vmul.u32 $0x15, v0;
	v1 =	vmul.u32 $0x3, v1  }
0x1c3: {  	v3 =	vmul.u32 $0x3, v38;
	v6 =	vmul.u32 $0x3, v43;
	v4 =	vmul.u32 $0x3, v50  }
0x1c4: {  	v54 =	vnsel vm4, $0x5, v44;
	v55 =	vnsel vm5, $0x6, v45;
	v59 =	vnsel vm8, $0x6, v51  }
0x1c5: {  	v11 =	vnsel vm10, $0x5, v56;
	v0 =	vadd.s32 v0, v1;
	v1 =	vmul.u32 $0x15, v37  }
0x1c6: {  	v12 =	vnsel vm11, $0x6, v57;
	v16 =	vnsel vm12, $0x5, v58;
	v17 =	vnsel vm13, $0x6, v60  }
0x1c7: {  	v22 =	vnsel vm15, $0x2, v63;
	v1 =	vadd.s32 v1, v3;
	v3 =	vmul.u32 $0x15, v42  }
0x1c8: {  	v7 =	vmul.u32 $0x3, v55;
	v18 =	vmul.u32 $0x15, v16;
	v19 =	vmul.u32 $0x3, v17  }
0x1c9: {  	v14 =	vmul.u32 $0x15, v11;
	v0 =	vadd.s32 v2, v0;
	v3 =	vadd.s32 v3, v6  }
0x1ca: {  	v53 =	vld [tilespmem:$0x5140];
	v23 =	vadd.s32 v18, v19;
	v2 =	vadd.s32 v46, v3;
	v3 =	vmul.u32 $0x15, v49  }
0x1cb: {  	v15 =	vmul.u32 $0x3, v12;
	[tilespmem:$0x51F0] =	vst v0;
	v24 =	vadd.s32 v22, v23;
	v1 =	vadd.s32 v5, v1  }
0x1cc: {  	[tilespmem:$0x5260] =	vst v24;
	v6 =	vnsel vm7, $0x5, v48;
	v3 =	vadd.s32 v3, v4;
	v4 =	vmul.u32 $0x15, v54  }
0x1cd: {  	v20 =	vnsel vm14, $0x2, v62;
	[tilespmem:$0x5200] =	vst v1;
	v1 =	vadd.s32 v14, v15;
	v6 =	vmul.u32 $0x15, v6  }
0x1ce: {  	v21 =	vadd.s32 v20, v1;
	[tilespmem:$0x5210] =	vst v2;
	v4 =	vadd.s32 v4, v7;
	v7 =	vmul.u32 $0x3, v59  }
0x1cf: {  	vm9 =	vlt.s32 v53, $0x2;
	v5 =	vnsel vm6, $0x2, v47;
	[tilespmem:$0x5250] =	vst v21;
	v3 =	vadd.s32 v52, v3  }
0x1d0: {  	v61 =	vnsel vm9, $0x2, v53;
	[tilespmem:$0x5220] =	vst v3;
	v4 =	vadd.s32 v5, v4;
	v6 =	vadd.s32 v6, v7  }
0x1d1: {  	[tilespmem:$0x5230] =	vst v4;
	v10 =	vadd.s32 v61, v6  }
0x1d2: {  	s8 =	sadd.s32 $0x2000, s11;
	[tilespmem:$0x5240] =	vst v10  }
0x1d3: {  	[tilespmem:s18], [sflag:$0x1] =	stream.linear.gather [hbm4b:s8+s6], $0x180, $0x38;
	[tilespmem:$0x113F0] =	vst v63  }
0x1d4: {  	_ =	swait.ge [sflag:s2], $0x4000  }
0x1d5: {  	[sflag:s2] =	ssyncset.done $0x0  }
0x1d6: {  	[sflag:s2] =	ssyncadd.s32 $0xFFFFC000  }
0x1d7: {  	[tilespmem:s30], [sflag:$0x2] =	stream.indirect.gather [spmem:s5], $0x80, s3, s25, $0xb8;
	[tilespmem:$0x113F0] =	vst v63  }
0x1d8: {  	_ =	swait.ge [sflag:s20], $0x4000  }
0x1d9: {  	[sflag:s20] =	ssyncset.done $0x0  }
0x1da: {  	[sflag:s20] =	ssyncadd.s32 $0xFFFFC000  }
0x1db: {  	[hbm4b:s14+s6] =	stream.linear.scatter [tilespmem:s1], [sflag:$0x7], $0x4000, $0x38;
	[tilespmem:$0x113F0] =	vst v63  }
0x1dc: {  	_ =	swait.ge [sflag:s23], $0x180  }
0x1dd: {  	[sflag:s23] =	ssyncset.done $0x0  }
0x1de: {  	[sflag:s23] =	ssyncadd.s32 $0xFFFFFE80  }
0x1df: {  	v25 =	vld [tilespmem:$0x4DF0]  }
0x1e0: {  	v26 =	vld [tilespmem:$0x4E70]  }
0x1e1: {  	v27 =	vld [tilespmem:$0x4EF0]  }
0x1e2: {  	v28 =	vld [tilespmem:$0x4E00]  }
0x1e3: {  	v29 =	vld [tilespmem:$0x4E80]  }
0x1e4: {  	v30 =	vld [tilespmem:$0x4F00]  }
0x1e5: {  	v31 =	vld [tilespmem:$0x4E10]  }
0x1e6: {  	v32 =	vld [tilespmem:$0x4E90]  }
0x1e7: {  	v33 =	vld [tilespmem:$0x4F10]  }
0x1e8: {  	v36 =	vld [tilespmem:$0x4E20]  }
0x1e9: {  	v37 =	vld [tilespmem:$0x4EA0]  }
0x1ea: {  	v38 =	vld [tilespmem:$0x4F20]  }
0x1eb: {  	v41 =	vld [tilespmem:$0x4E30]  }
0x1ec: {  	v42 =	vld [tilespmem:$0x4EB0]  }
0x1ed: {  	v44 =	vld [tilespmem:$0x4F30]  }
0x1ee: {  	v45 =	vld [tilespmem:$0x4E40];
	vm4 =	vlt.s32 v25, $0x5  }
0x1ef: {  	v48 =	vld [tilespmem:$0x4EC0];
	vm5 =	vlt.s32 v26, $0x6;
	vm6 =	vlt.s32 v27, $0x2;
	vm7 =	vlt.s32 v28, $0x5  }
0x1f0: {  	v53 =	vld [tilespmem:$0x4E50];
	vm8 =	vlt.s32 v29, $0x6;
	vm9 =	vlt.s32 v30, $0x2;
	vm10 =	vlt.s32 v31, $0x5  }
0x1f1: {  	v54 =	vld [tilespmem:$0x4ED0];
	vm11 =	vlt.s32 v32, $0x6;
	vm12 =	vlt.s32 v33, $0x2;
	vm13 =	vlt.s32 v36, $0x5  }
0x1f2: {  	v55 =	vld [tilespmem:$0x4E60];
	vm14 =	vlt.s32 v37, $0x6;
	vm15 =	vlt.s32 v38, $0x2;
	v0 =	vnsel vm4, $0x5, v25  }
0x1f3: {  	v57 =	vld [tilespmem:$0x4EE0];
	v1 =	vnsel vm5, $0x6, v26;
	v2 =	vnsel vm6, $0x2, v27;
	v34 =	vnsel vm7, $0x5, v28  }
0x1f4: {  	v59 =	vld [tilespmem:$0x4F50];
	v35 =	vnsel vm8, $0x6, v29;
	v5 =	vnsel vm9, $0x2, v30;
	v39 =	vnsel vm10, $0x5, v31  }
0x1f5: {  	v60 =	vld [tilespmem:$0x4F60];
	v40 =	vnsel vm11, $0x6, v32;
	v43 =	vnsel vm12, $0x2, v33;
	v46 =	vnsel vm13, $0x5, v36  }
0x1f6: {  	v47 =	vnsel vm14, $0x6, v37;
	v49 =	vnsel vm15, $0x2, v38;
	vm4 =	vlt.s32 v41, $0x5  }
0x1f7: {  	vm5 =	vlt.s32 v42, $0x6;
	vm6 =	vlt.s32 v44, $0x2;
	vm7 =	vlt.s32 v45, $0x5  }
0x1f8: {  	vm8 =	vlt.s32 v48, $0x6;
	vm10 =	vlt.s32 v53, $0x5;
	vm11 =	vlt.s32 v54, $0x6  }
0x1f9: {  	vm12 =	vlt.s32 v55, $0x5;
	vm13 =	vlt.s32 v57, $0x6;
	vm14 =	vlt.s32 v59, $0x2  }
0x1fa: {  	vm15 =	vlt.s32 v60, $0x2;
	v0 =	vmul.u32 $0x15, v0;
	v1 =	vmul.u32 $0x3, v1  }
0x1fb: {  	v3 =	vmul.u32 $0x3, v35;
	v6 =	vmul.u32 $0x3, v40;
	v4 =	vmul.u32 $0x3, v47  }
0x1fc: {  	v51 =	vnsel vm4, $0x5, v41;
	v52 =	vnsel vm5, $0x6, v42;
	v56 =	vnsel vm8, $0x6, v48  }
0x1fd: {  	v62 =	vnsel vm10, $0x5, v53;
	v0 =	vadd.s32 v0, v1;
	v1 =	vmul.u32 $0x15, v34  }
0x1fe: {  	v63 =	vnsel vm11, $0x6, v54;
	v12 =	vnsel vm12, $0x5, v55;
	v13 =	vnsel vm13, $0x6, v57  }
0x1ff: {  	v18 =	vnsel vm15, $0x2, v60;
	v1 =	vadd.s32 v1, v3;
	v3 =	vmul.u32 $0x15, v39  }
0x200: {  	v7 =	vmul.u32 $0x3, v52;
	v14 =	vmul.u32 $0x15, v12;
	v15 =	vmul.u32 $0x3, v13  }
0x201: {  	v10 =	vmul.u32 $0x15, v62;
	v0 =	vadd.s32 v2, v0;
	v3 =	vadd.s32 v3, v6  }
0x202: {  	v50 =	vld [tilespmem:$0x4F40];
	v19 =	vadd.s32 v14, v15;
	v2 =	vadd.s32 v43, v3;
	v3 =	vmul.u32 $0x15, v46  }
0x203: {  	v11 =	vmul.u32 $0x3, v63;
	[tilespmem:$0x5270] =	vst v0;
	v20 =	vadd.s32 v18, v19;
	v1 =	vadd.s32 v5, v1  }
0x204: {  	[tilespmem:$0x52E0] =	vst v20;
	v6 =	vnsel vm7, $0x5, v45;
	v3 =	vadd.s32 v3, v4;
	v4 =	vmul.u32 $0x15, v51  }
0x205: {  	v16 =	vnsel vm14, $0x2, v59;
	[tilespmem:$0x5280] =	vst v1;
	v1 =	vadd.s32 v10, v11;
	v6 =	vmul.u32 $0x15, v6  }
0x206: {  	v17 =	vadd.s32 v16, v1;
	[tilespmem:$0x5290] =	vst v2;
	v4 =	vadd.s32 v4, v7;
	v7 =	vmul.u32 $0x3, v56  }
0x207: {  	vm9 =	vlt.s32 v50, $0x2;
	v5 =	vnsel vm6, $0x2, v44;
	[tilespmem:$0x52D0] =	vst v17;
	v3 =	vadd.s32 v49, v3  }
0x208: {  	v58 =	vnsel vm9, $0x2, v50;
	[tilespmem:$0x52A0] =	vst v3;
	v4 =	vadd.s32 v5, v4;
	v6 =	vadd.s32 v6, v7  }
0x209: {  	[tilespmem:$0x52B0] =	vst v4;
	v61 =	vadd.s32 v58, v6  }
0x20a: {  	s19 =	sadd.s32 $0x2800, s11;
	[tilespmem:$0x52C0] =	vst v61  }
0x20b: {  	[tilespmem:s24], [sflag:$0x1] =	stream.linear.gather [hbm4b:s19+s6], $0x180, $0x38;
	[tilespmem:$0x113F0] =	vst v63  }
0x20c: {  	_ =	swait.ge [sflag:s21], $0x4000  }
0x20d: {  	[sflag:s21] =	ssyncset.done $0x0  }
0x20e: {  	[sflag:s21] =	ssyncadd.s32 $0xFFFFC000  }
0x20f: {  	[tilespmem:s28], [sflag:$0x3] =	stream.indirect.gather [spmem:s5], $0x80, s26, s25, $0xb8;
	[tilespmem:$0x113F0] =	vst v63  }
0x210: {  	_ =	swait.ge [sflag:s29], $0x4000  }
0x211: {  	[sflag:s29] =	ssyncset.done $0x0  }
0x212: {  	[sflag:s29] =	ssyncadd.s32 $0xFFFFC000  }
0x213: {  	[hbm4b:s15+s6] =	stream.linear.scatter [tilespmem:s30], [sflag:$0x5], $0x4000, $0x38;
	[tilespmem:$0x113F0] =	vst v63  }
0x214: {  	_ =	swait.ge [sflag:s23], $0x180  }
0x215: {  	[sflag:s23] =	ssyncset.done $0x0  }
0x216: {  	[sflag:s23] =	ssyncadd.s32 $0xFFFFFE80  }
0x217: {  	v21 =	vld [tilespmem:$0x4FF0]  }
0x218: {  	v22 =	vld [tilespmem:$0x5070]  }
0x219: {  	v23 =	vld [tilespmem:$0x50F0]  }
0x21a: {  	v24 =	vld [tilespmem:$0x5000]  }
0x21b: {  	v25 =	vld [tilespmem:$0x5080]  }
0x21c: {  	v26 =	vld [tilespmem:$0x5100]  }
0x21d: {  	v27 =	vld [tilespmem:$0x5010]  }
0x21e: {  	v28 =	vld [tilespmem:$0x5090]  }
0x21f: {  	v29 =	vld [tilespmem:$0x5110]  }
0x220: {  	v30 =	vld [tilespmem:$0x5020]  }
0x221: {  	v31 =	vld [tilespmem:$0x50A0]  }
0x222: {  	v32 =	vld [tilespmem:$0x5120]  }
0x223: {  	v34 =	vld [tilespmem:$0x5030]  }
0x224: {  	v37 =	vld [tilespmem:$0x50B0]  }
0x225: {  	v38 =	vld [tilespmem:$0x5130]  }
0x226: {  	v40 =	vld [tilespmem:$0x5040]  }
0x227: {  	v42 =	vld [tilespmem:$0x50C0];
	vm4 =	vlt.s32 v21, $0x5  }
0x228: {  	v44 =	vld [tilespmem:$0x5140];
	vm5 =	vlt.s32 v22, $0x6;
	vm6 =	vlt.s32 v23, $0x2;
	vm7 =	vlt.s32 v24, $0x5  }
0x229: {  	v45 =	vld [tilespmem:$0x5050];
	vm8 =	vlt.s32 v25, $0x6;
	vm9 =	vlt.s32 v26, $0x2;
	vm10 =	vlt.s32 v27, $0x5  }
0x22a: {  	v46 =	vld [tilespmem:$0x50D0];
	vm11 =	vlt.s32 v28, $0x6;
	vm12 =	vlt.s32 v29, $0x2;
	vm13 =	vlt.s32 v30, $0x5  }
0x22b: {  	v14 =	vld [tilespmem:$0x5060];
	vm14 =	vlt.s32 v31, $0x6;
	vm15 =	vlt.s32 v32, $0x2;
	v0 =	vnsel vm4, $0x5, v21  }
0x22c: {  	v48 =	vld [tilespmem:$0x50E0];
	v1 =	vnsel vm5, $0x6, v22;
	v2 =	vnsel vm6, $0x2, v23;
	v3 =	vnsel vm7, $0x5, v24  }
0x22d: {  	v51 =	vld [tilespmem:$0x5150];
	v4 =	vnsel vm8, $0x6, v25;
	v5 =	vnsel vm9, $0x2, v26;
	v6 =	vnsel vm10, $0x5, v27  }
0x22e: {  	v53 =	vld [tilespmem:$0x5160];
	v33 =	vnsel vm11, $0x6, v28;
	v36 =	vnsel vm12, $0x2, v29;
	v39 =	vnsel vm13, $0x5, v30  }
0x22f: {  	v41 =	vnsel vm14, $0x6, v31;
	v43 =	vnsel vm15, $0x2, v32;
	vm4 =	vlt.s32 v34, $0x5  }
0x230: {  	vm5 =	vlt.s32 v37, $0x6;
	vm6 =	vlt.s32 v38, $0x2;
	vm7 =	vlt.s32 v40, $0x5  }
0x231: {  	vm8 =	vlt.s32 v42, $0x6;
	vm9 =	vlt.s32 v44, $0x2;
	vm10 =	vlt.s32 v45, $0x5  }
0x232: {  	vm11 =	vlt.s32 v46, $0x6;
	vm12 =	vlt.s32 v14, $0x5;
	vm13 =	vlt.s32 v48, $0x6  }
0x233: {  	vm14 =	vlt.s32 v51, $0x2;
	vm15 =	vlt.s32 v53, $0x2;
	v0 =	vmul.u32 $0x15, v0  }
0x234: {  	v1 =	vmul.u32 $0x3, v1;
	v3 =	vmul.u32 $0x15, v3;
	v4 =	vmul.u32 $0x3, v4  }
0x235: {  	v6 =	vmul.u32 $0x15, v6;
	v7 =	vnsel vm4, $0x5, v34;
	v8 =	vnsel vm6, $0x2, v38  }
0x236: {  	v9 =	vnsel vm7, $0x5, v40;
	v47 =	vnsel vm8, $0x6, v42;
	v49 =	vnsel vm9, $0x2, v44  }
0x237: {  	v52 =	vnsel vm10, $0x5, v45;
	v55 =	vnsel vm11, $0x6, v46;
	v56 =	vnsel vm12, $0x5, v14  }
0x238: {  	v57 =	vnsel vm13, $0x6, v48;
	v7 =	vmul.u32 $0x15, v7;
	v0 =	vadd.s32 v0, v1  }
0x239: {  	v35 =	vadd.s32 v3, v4;
	v1 =	vmul.u32 $0x3, v33;
	v4 =	vnsel vm5, $0x6, v37  }
0x23a: {  	v0 =	vadd.s32 v2, v0;
	v2 =	vadd.s32 v5, v35;
	v5 =	vmul.u32 $0x15, v39  }
0x23b: {  	v4 =	vmul.u32 $0x3, v4;
	v1 =	vadd.s32 v6, v1;
	v6 =	vmul.u32 $0x3, v41  }
0x23c: {  	v50 =	vmul.u32 $0x15, v9;
	v58 =	vmul.u32 $0x15, v52;
	[tilespmem:$0x52F0] =	vst v0;
	v1 =	vadd.s32 v36, v1  }
0x23d: {  	[tilespmem:$0x5300] =	vst v2;
	v4 =	vadd.s32 v7, v4;
	v5 =	vadd.s32 v5, v6;
	v6 =	vmul.u32 $0x3, v47  }
0x23e: {  	v2 =	vmul.u32 $0x15, v56;
	v4 =	vadd.s32 v8, v4;
	[tilespmem:$0x5310] =	vst v1;
	v1 =	vmul.u32 $0x3, v57  }
0x23f: {  	v3 =	vadd.s32 v43, v5;
	[tilespmem:$0x5330] =	vst v4;
	v54 =	vadd.s32 v50, v6;
	v6 =	vmul.u32 $0x3, v55  }
0x240: {  	v62 =	vnsel vm15, $0x2, v53;
	[tilespmem:$0x5320] =	vst v3;
	v1 =	vadd.s32 v2, v1;
	v0 =	vadd.s32 v49, v54  }
0x241: {  	p2 =	seq.s32 s10, $0x24000;
	v60 =	vnsel vm14, $0x2, v51;
	v63 =	vadd.s32 v62, v1;
	v59 =	vadd.s32 v58, v6;
	[tilespmem:$0x5340] =	vst v0  }
0x242: {  	s7 =	sadd.s32 @!p2 s10, s12;
	[tilespmem:$0x5360] =	vst v63;
	v61 =	vadd.s32 v60, v59  }
0x243: {  	s11 =	simm.s32 @!p2 $0x4DF0;
	s7 =	sadd.s32 @!p2 $0x3000, s7;
	s8 =	simm.s32 @!p2 $0x0;
	[tilespmem:$0x5350] =	vst v61  }
0x244: {  	[tilespmem:s11], [sflag:$0x1] =	stream.linear.gather @!p2 [hbm4b:s7+s8], $0x180, $0x38;
	[tilespmem:$0x113F0] =	vst v63  }
0x245: {  	_ =	swait.ge [sflag:s22], $0x4000  }
0x246: {  	s10 =	sadd.s32 $0x3000, s10;
	[sflag:s22] =	ssyncset.done $0x0  }
0x247: {  	p2 =	sne.s32 s10, $0x27000;
	[sflag:s22] =	ssyncadd.s32 $0xFFFFC000  }
0x248: {  	[tilespmem:s1], [sflag:$0x4] =	stream.indirect.gather [spmem:s5], $0x80, s31, s25, $0xb8;
	[tilespmem:$0x113F0] =	vst v63  }
.Ltmp4:
0x249: {  	_ =	swait.ge [sflag:s0], $0x4000;
	(pc) =	sbr.rel @p2 .LBB2_6-.Ltmp4, $4  }
0x24a: {  	[sflag:s0] =	ssyncset.done $0x0  }
0x24b: {  	s13 =	sadd.s32 $0x300000, s13;
	s17 =	sadd.s32 $0x60000, s17;
	[sflag:s0] =	ssyncadd.s32 $0xFFFFC000  }
0x24c: {  	[hbm4b:s16+s6] =	stream.linear.scatter [tilespmem:s28], [sflag:$0x6], $0x4000, $0x38;
	[tilespmem:$0x113F0] =	vst v63  }
0x24d: {  	s14 =	sadd.s32 $0x60000, s14;
	s15 =	sadd.s32 $0x60000, s15;
	s16 =	sadd.s32 $0x60000, s16  }
0x24e: {  	_ =	swait.ge [sflag:s20], $0x4000  }
0x24f: {  	[sflag:s20] =	ssyncset.done $0x0  }
0x250: {  	s7 =	rddreg [dreg:$0x8];
	[sflag:s20] =	ssyncadd.s32 $0xFFFFC000  }
0x251: {  	[hbm4b:s7+s6] =	stream.linear.scatter [tilespmem:s1], [sflag:$0x7], $0x4000, $0x38;
	[tilespmem:$0x113F0] =	vst v63  }
0x252: {  	_ =	swait.ge [sflag:s2], $0x4000  }
0x253: {  	[sflag:s2] =	ssyncset.done $0x0  }
0x254: {  	[sflag:s2] =	ssyncadd.s32 $0xFFFFC000  }
0x255: {  	_ =	swait.ge [sflag:s21], $0x4000  }
.Ltmp5:
0x256: {  	[sflag:s21] =	ssyncset.done $0x0;
	(pc) =	sbr.rel @p1 .LBB2_9-.Ltmp5, $4  }
0x257: {  	[sflag:s21] =	ssyncadd.s32 $0xFFFFC000  }
0x258: {  	_ =	swait.ge [sflag:s22], $0x4000  }
0x259: {  	[sflag:s22] =	ssyncset.done $0x0  }
0x25a: {  	[sflag:s22] =	ssyncadd.s32 $0xFFFFC000  }
0x25b: {  	s7 =	rddreg [dreg:$0x9]  }
0x25c: {  	[tilespmem:s18], [sflag:$0x1] =	stream.linear.gather [hbm4b:s7+s6], $0x180, $0x38;
	[tilespmem:$0x113F0] =	vst v63  }
0x25d: {  	_ =	swait.ge [sflag:s23], $0x180  }
0x25e: {  	[sflag:s23] =	ssyncset.done $0x0  }
0x25f: {  	[sflag:s23] =	ssyncadd.s32 $0xFFFFFE80  }
0x260: {  	v0 =	vld [tilespmem:$0x4DF0]  }
0x261: {  	v1 =	vld [tilespmem:$0x4E70]  }
0x262: {  	v2 =	vld [tilespmem:$0x4EF0]  }
0x263: {  	v3 =	vld [tilespmem:$0x4E00]  }
0x264: {  	v4 =	vld [tilespmem:$0x4E80]  }
0x265: {  	v5 =	vld [tilespmem:$0x4F00]  }
0x266: {  	v6 =	vld [tilespmem:$0x4E10]  }
0x267: {  	v7 =	vld [tilespmem:$0x4E90]  }
0x268: {  	v8 =	vld [tilespmem:$0x4F10]  }
0x269: {  	v9 =	vld [tilespmem:$0x4E20]  }
0x26a: {  	v10 =	vld [tilespmem:$0x4EA0]  }
0x26b: {  	v11 =	vld [tilespmem:$0x4F20]  }
0x26c: {  	v36 =	vld [tilespmem:$0x4E30]  }
0x26d: {  	v39 =	vld [tilespmem:$0x4EB0]  }
0x26e: {  	v40 =	vld [tilespmem:$0x4F30]  }
0x26f: {  	v42 =	vld [tilespmem:$0x4E40]  }
0x270: {  	v44 =	vld [tilespmem:$0x4EC0];
	vm0 =	vlt.s32 v0, $0x5  }
0x271: {  	v46 =	vld [tilespmem:$0x4F40];
	vm6 =	vlt.s32 v1, $0x6;
	vm1 =	vlt.s32 v2, $0x2;
	vm7 =	vlt.s32 v3, $0x5  }
0x272: {  	v12 =	vld [tilespmem:$0x4E50];
	vm8 =	vlt.s32 v4, $0x6;
	vm9 =	vlt.s32 v5, $0x2;
	vm10 =	vlt.s32 v6, $0x5  }
0x273: {  	v13 =	vld [tilespmem:$0x4ED0];
	vm11 =	vlt.s32 v7, $0x6;
	vm12 =	vlt.s32 v8, $0x2;
	vm13 =	vlt.s32 v9, $0x5  }
0x274: {  	v14 =	vld [tilespmem:$0x4E60];
	vm14 =	vlt.s32 v10, $0x6;
	vm15 =	vlt.s32 v11, $0x2;
	vm4 =	vlt.s32 v36, $0x5  }
0x275: {  	v48 =	vld [tilespmem:$0x4EE0];
	vm5 =	vlt.s32 v39, $0x6;
	v0 =	vnsel vm0, $0x5, v0;
	v1 =	vnsel vm6, $0x6, v1  }
0x276: {  	v51 =	vld [tilespmem:$0x4F50];
	v2 =	vnsel vm1, $0x2, v2;
	v3 =	vnsel vm7, $0x5, v3;
	v4 =	vnsel vm8, $0x6, v4  }
0x277: {  	v53 =	vld [tilespmem:$0x4F60];
	v5 =	vnsel vm9, $0x2, v5;
	v6 =	vnsel vm10, $0x5, v6;
	v35 =	vnsel vm11, $0x6, v7  }
0x278: {  	v38 =	vnsel vm12, $0x2, v8;
	v41 =	vnsel vm13, $0x5, v9;
	v43 =	vnsel vm14, $0x6, v10  }
0x279: {  	v45 =	vnsel vm15, $0x2, v11;
	v7 =	vnsel vm4, $0x5, v36;
	vm6 =	vlt.s32 v40, $0x2  }
0x27a: {  	vm7 =	vlt.s32 v42, $0x5;
	vm8 =	vlt.s32 v44, $0x6;
	vm9 =	vlt.s32 v46, $0x2  }
0x27b: {  	vm10 =	vlt.s32 v12, $0x5;
	vm11 =	vlt.s32 v13, $0x6;
	vm12 =	vlt.s32 v14, $0x5  }
0x27c: {  	vm13 =	vlt.s32 v48, $0x6;
	vm14 =	vlt.s32 v51, $0x2;
	vm15 =	vlt.s32 v53, $0x2  }
0x27d: {  	v0 =	vmul.u32 $0x15, v0;
	v1 =	vmul.u32 $0x3, v1;
	v3 =	vmul.u32 $0x15, v3  }
0x27e: {  	v4 =	vmul.u32 $0x3, v4;
	v6 =	vmul.u32 $0x15, v6;
	v8 =	vnsel vm6, $0x2, v40  }
0x27f: {  	v7 =	vmul.u32 $0x15, v7;
	v9 =	vnsel vm7, $0x5, v42;
	v47 =	vnsel vm8, $0x6, v44  }
0x280: {  	v49 =	vnsel vm9, $0x2, v46;
	v52 =	vnsel vm10, $0x5, v12;
	v55 =	vnsel vm11, $0x6, v13  }
0x281: {  	v56 =	vnsel vm12, $0x5, v14;
	v57 =	vnsel vm13, $0x6, v48;
	v0 =	vadd.s32 v0, v1  }
0x282: {  	v37 =	vadd.s32 v3, v4;
	v1 =	vmul.u32 $0x3, v35;
	v4 =	vnsel vm5, $0x6, v39  }
0x283: {  	v0 =	vadd.s32 v2, v0;
	v2 =	vadd.s32 v5, v37;
	v5 =	vmul.u32 $0x15, v41  }
0x284: {  	v4 =	vmul.u32 $0x3, v4;
	v1 =	vadd.s32 v6, v1;
	v6 =	vmul.u32 $0x3, v43  }
0x285: {  	v50 =	vmul.u32 $0x15, v9;
	v58 =	vmul.u32 $0x15, v52;
	[tilespmem:$0x51F0] =	vst v0;
	v1 =	vadd.s32 v38, v1  }
0x286: {  	[tilespmem:$0x5200] =	vst v2;
	v4 =	vadd.s32 v7, v4;
	v5 =	vadd.s32 v5, v6;
	v6 =	vmul.u32 $0x3, v47  }
0x287: {  	v2 =	vmul.u32 $0x15, v56;
	v4 =	vadd.s32 v8, v4;
	[tilespmem:$0x5210] =	vst v1;
	v1 =	vmul.u32 $0x3, v57  }
0x288: {  	v3 =	vadd.s32 v45, v5;
	[tilespmem:$0x5230] =	vst v4;
	v54 =	vadd.s32 v50, v6;
	v6 =	vmul.u32 $0x3, v55  }
0x289: {  	v62 =	vnsel vm15, $0x2, v53;
	[tilespmem:$0x5220] =	vst v3;
	v1 =	vadd.s32 v2, v1;
	v0 =	vadd.s32 v49, v54  }
0x28a: {  	v60 =	vnsel vm14, $0x2, v51;
	v63 =	vadd.s32 v62, v1;
	v59 =	vadd.s32 v58, v6;
	[tilespmem:$0x5240] =	vst v0  }
0x28b: {  	[tilespmem:$0x5260] =	vst v63;
	v61 =	vadd.s32 v60, v59  }
0x28c: {  	[tilespmem:$0x5250] =	vst v61  }
0x28d: {  	[tilespmem:s30], [sflag:$0x2] =	stream.indirect.gather [spmem:s5], $0x80, s3, s25, $0xb8;
	[tilespmem:$0x113F0] =	vst v63  }
0x28e: {  	_ =	swait.ge [sflag:s29], $0x4000  }
0x28f: {  	[sflag:s29] =	ssyncset.done $0x0  }
.Ltmp6:
0x290: {  	s19 =	rddreg [dreg:$0xa];
	[sflag:s29] =	ssyncadd.s32 $0xFFFFC000;
	(pc) =	sbr.rel .LBB2_9-.Ltmp6, $4  }
0x291: {  	[hbm4b:s19+s6] =	stream.linear.scatter [tilespmem:s30], [sflag:$0x5], $0x4000, $0x38;
	[tilespmem:$0x113F0] =	vst v63  }
0x292: {  	_ =	swait.ge [sflag:s2], $0x4000  }
0x293: {  	[sflag:s2] =	ssyncset.done $0x0  }
0x294: {  	[sflag:s2] =	ssyncadd.s32 $0xFFFFC000  }
.LBB2_10:
0x295: {  	_ =	sfence.sel $0x180000  }
0x296: {  	[bflag:$0x0] =	sbarrier.arrive $0xFFFF  }
0x297: {  	_ =	strace $0x90000047  }
0x298: {  	[bflag:$0x2] =	sbarrier.arrive $0xFFFF  }
0x299: {  	s0 =	rddreg [dreg:$0x6]  }
0x29a: {  	s0 =	sadd.s32 @!p0 $0x100000, s0  }
0x29b: {  	[sflag:s0] =	ssyncadd.tile.s32 @!p0 $0x1;
	_ =	shalt  }
.Lfunc_end2:
_tile_overlayer_lowered:
.L_overlay_start_2:
0x29c: {  	(tag) =	ssettag $0x2  }
0x29d: {  	s0 =	rddreg [dreg:$0x0];
	s2 =	stileid.u32  }
0x29e: {  	s1 =	rddreg [dreg:$0x1];
	p0 =	sne.s32 s2, $0x0  }
0x29f: {  	s3 =	rddreg [dreg:$0x2];
	[bflag:$0x3] =	sbarrier.arrive $0xFFFF;
	s2 =	simm.s32 @!p0 $0x1C08  }
0x2a0: {  	[timem:s3], [sflag:s2] =	dma.local @!p0 [hbm:s0], s1  }
0x2a1: {  	s0 =	simm.s32 @!p0 $0x8  }
0x2a2: {  	_ =	swait.ge @!p0 [sflag:s0], s1  }
0x2a3: {  	s1 =	ssub.s32 @!p0 $0x0, s1;
	[sflag:s0] =	ssyncset.done @!p0 $0x0  }
0x2a4: {  	[sflag:s0] =	ssyncadd.s32 @!p0 s1  }
0x2a5: {  	[bflag:$0x3] =	sbarrier.arrive $0xFFFF  }
0x2a6: {  	_ =	shalt  }

</sc_bundles>
